<compile_context>
chip_gen: v7x
topology: tpu7x:2x2x1
jax: 0.10.2.dev20260603
libtpu: 0.0.44.dev20260713+nightly
codegen_flags: <defaults>
</compile_context>

<pallas_src>
import functools
import math

import jax
import jax.numpy as jnp
from jax import lax
from jax.experimental import pallas as pl
from jax.experimental.pallas import tpu as pltpu
from jax.experimental.pallas import tpu_sc as plsc

EPS = 1e-07
NCE_T = 0.07
NCE_M = 0.5
N_DATA = 100000
FEAT_DIM = 128
NCE_K = 1024
BATCH = 1024

NW = 32
L = 16
NE = BATCH * (NCE_K + 1)
EPW = NE // NW
SUB = 2048
NSUB = EPW // SUB
TAIL = EPW - NSUB * SUB
ROWS_T = 1024
GRID_M = (N_DATA + ROWS_T - 1) // ROWS_T

_SC_MESH = dict(core_axis_name="c", subcore_axis_name="s", num_cores=2,
                num_subcores=16)


def _wid():
    return lax.axis_index("s") * 2 + lax.axis_index("c")


_BB = BATCH // FEAT_DIM


def _mm_body(m1_ref, m2_ref, ft_ref, fs_ref, st_ref, cp1_ref, cp2_ref):
    dn = (((1,), (1,)), ((), ()))
    m1 = m1_ref[...]
    m2 = m2_ref[...]
    acc_t = lax.dot_general(
        m1.astype(jnp.bfloat16), ft_ref[...].astype(jnp.bfloat16), dn,
        preferred_element_type=jnp.float32)
    acc_s = lax.dot_general(
        m2.astype(jnp.bfloat16), fs_ref[...].astype(jnp.bfloat16), dn,
        preferred_element_type=jnp.float32)
    bits_t = lax.bitcast_convert_type(acc_t, jnp.int32)
    bits_s = lax.bitcast_convert_type(acc_s, jnp.int32)
    packed = (((bits_t >> 16) & jnp.int32(0xFFFF))
              | (bits_s & jnp.int32(-65536)))
    st_ref[...] = packed.reshape(ROWS_T, _BB, FEAT_DIM)
    cp1_ref[...] = m1
    cp2_ref[...] = m2


def _scores(mem1, mem2, f_t, f_s):
    return pl.pallas_call(
        _mm_body,
        grid=(GRID_M,),
        in_specs=[
            pl.BlockSpec((ROWS_T, FEAT_DIM), lambda i: (i, 0)),
            pl.BlockSpec((ROWS_T, FEAT_DIM), lambda i: (i, 0)),
            pl.BlockSpec((BATCH, FEAT_DIM), lambda i: (0, 0)),
            pl.BlockSpec((BATCH, FEAT_DIM), lambda i: (0, 0)),
        ],
        out_specs=[
            pl.BlockSpec((ROWS_T, _BB, FEAT_DIM), lambda i: (i, 0, 0)),
            pl.BlockSpec((ROWS_T, FEAT_DIM), lambda i: (i, 0)),
            pl.BlockSpec((ROWS_T, FEAT_DIM), lambda i: (i, 0)),
        ],
        out_shape=[
            jax.ShapeDtypeStruct((N_DATA, _BB, FEAT_DIM), jnp.int32),
            jax.ShapeDtypeStruct((N_DATA, FEAT_DIM), jnp.float32),
            jax.ShapeDtypeStruct((N_DATA, FEAT_DIM), jnp.float32),
        ],
    )(mem1, mem2, f_t, f_s)


CH = 128


def _ext_index_groups(cidx_v, ridx_v, lane_v, j0, ngroups):
    iota = lax.iota(jnp.int32, L)

    def body(g, _):
        j = j0 + g * L + iota
        c = cidx_v[pl.ds(g * L, L)]
        q = j >> 10
        b = q - (q * 1025 > j).astype(jnp.int32)
        b = b - (b * 1025 > j).astype(jnp.int32)
        ridx_v[pl.ds(g * L, L)] = c * _BB + (b >> 7)
        lane_v[pl.ds(g * L, L)] = b & 127
        return 0

    lax.fori_loop(0, ngroups, body, 0)


def _ext_extract(buf_v, lane_v, outv_t, outv_s, lbase, obase, ngroups):
    iota = lax.iota(jnp.int32, L)
    inv_t = jnp.float32(1.0 / NCE_T)

    def body(g, _):
        rows = g * L + iota
        lanes = lane_v[pl.ds(lbase + g * L, L)]
        w = plsc.load_gather(buf_v, [rows, lanes])
        val_t = plsc.bitcast(w << 16, jnp.float32)
        val_s = plsc.bitcast(w, jnp.float32)
        outv_t[pl.ds(obase + g * L, L)] = jnp.exp(val_t * inv_t)
        outv_s[pl.ds(obase + g * L, L)] = jnp.exp(val_s * inv_t)
        return 0

    lax.fori_loop(0, ngroups, body, 0)


NCH = SUB // CH


def _ext_body(cidx_hbm, s128_hbm, outt_hbm, outs_hbm,
              cidx_v, ridx_v, lane_v, buf0, buf1, outv_t, outv_s,
              sem0, sem1):
    base = _wid() * EPW
    bufs = (buf0, buf1)
    sems = (sem0, sem1)

    def fire(cc, k):
        return pltpu.async_copy(
            s128_hbm.at[ridx_v.at[pl.ds(cc * CH, CH)]], bufs[k], sems[k])

    def subtile(st, _):
        j0 = pl.multiple_of(base + st * SUB, 8)
        pltpu.sync_copy(cidx_hbm.at[pl.ds(j0, SUB)], cidx_v)
        _ext_index_groups(cidx_v, ridx_v, lane_v, j0, SUB // L)
        cps = [fire(0, 0), fire(1, 1)]
        for cc in range(NCH):
            k = cc & 1
            cps[k].wait()
            _ext_extract(bufs[k], lane_v, outv_t, outv_s,
                         cc * CH, cc * CH, CH // L)
            if cc + 2 < NCH:
                cps[k] = fire(cc + 2, k)
        pltpu.sync_copy(outv_t, outt_hbm.at[pl.ds(j0, SUB)])
        pltpu.sync_copy(outv_s, outs_hbm.at[pl.ds(j0, SUB)])
        return 0

    lax.fori_loop(0, NSUB, subtile, 0)

    j0 = pl.multiple_of(base + NSUB * SUB, 8)
    pltpu.sync_copy(cidx_hbm.at[pl.ds(j0, TAIL)], cidx_v.at[pl.ds(0, TAIL)])
    _ext_index_groups(cidx_v, ridx_v, lane_v, j0, TAIL // L)
    pltpu.async_copy(s128_hbm.at[ridx_v.at[pl.ds(0, TAIL)]],
                     buf0.at[pl.ds(0, TAIL)], sem0).wait()
    _ext_extract(buf0, lane_v, outv_t, outv_s, 0, 0, TAIL // L)
    pltpu.sync_copy(outv_t.at[pl.ds(0, TAIL)], outt_hbm.at[pl.ds(j0, TAIL)])
    pltpu.sync_copy(outv_s.at[pl.ds(0, TAIL)], outs_hbm.at[pl.ds(j0, TAIL)])


def _extract(flat_idx, s128):
    fn = pl.kernel(
        _ext_body,
        out_type=[
            jax.ShapeDtypeStruct((NE,), jnp.float32),
            jax.ShapeDtypeStruct((NE,), jnp.float32),
        ],
        mesh=plsc.VectorSubcoreMesh(**_SC_MESH),
        compiler_params=pltpu.CompilerParams(needs_layout_passes=False),
        scratch_types=[
            pltpu.VMEM((SUB,), jnp.int32),
            pltpu.VMEM((SUB,), jnp.int32),
            pltpu.VMEM((SUB,), jnp.int32),
            pltpu.VMEM((CH, FEAT_DIM), jnp.int32),
            pltpu.VMEM((CH, FEAT_DIM), jnp.int32),
            pltpu.VMEM((SUB,), jnp.float32),
            pltpu.VMEM((SUB,), jnp.float32),
            pltpu.SemaphoreType.DMA,
            pltpu.SemaphoreType.DMA,
        ],
    )
    return fn(flat_idx, s128)


_LB = 128
_NLB = BATCH // _LB


def _loss_body(outt_ref, outs_ref, loss_ref, acc_ref):
    p = pl.program_id(0)
    i = pl.program_id(1)

    @pl.when(jnp.logical_and(p == 0, i == 0))
    def _():
        acc_ref[0] = 0.0
        acc_ref[1] = 0.0
        acc_ref[2] = 0.0
        acc_ref[3] = 0.0

    @pl.when(p == 0)
    def _():
        acc_ref[0] = acc_ref[0] + jnp.sum(outt_ref[...])
        acc_ref[1] = acc_ref[1] + jnp.sum(outs_ref[...])

    @pl.when(p == 1)
    def _():
        n_all = jnp.float32(BATCH * (NCE_K + 1))
        z_t = acc_ref[0] / n_all * jnp.float32(N_DATA)
        z_s = acc_ref[1] / n_all * jnp.float32(N_DATA)
        c0 = jnp.float32(NCE_K * (1.0 / N_DATA))
        kiota = lax.broadcasted_iota(jnp.int32, (_LB, NCE_K + 1), 1)
        for ref, z, slot in ((outs_ref, z_s, 2), (outt_ref, z_t, 3)):
            x = ref[...] / z
            den = (x + c0) + jnp.float32(EPS)
            d1 = jnp.log(x / den)
            d0 = jnp.log(c0 / den)
            terms = jnp.where(kiota == 0, d1, d0)
            acc_ref[slot] = acc_ref[slot] + jnp.sum(terms)

        @pl.when(i == _NLB - 1)
        def _():
            loss_ref[...] = jnp.full(
                (1, 1), -(acc_ref[2] + acc_ref[3]) / jnp.float32(BATCH),
                jnp.float32)


def _loss(out_t2d, out_s2d):
    return pl.pallas_call(
        _loss_body,
        grid=(2, _NLB),
        in_specs=[
            pl.BlockSpec((_LB, NCE_K + 1), lambda p, i: (i, 0)),
            pl.BlockSpec((_LB, NCE_K + 1), lambda p, i: (i, 0)),
        ],
        out_specs=pl.BlockSpec((1, 1), lambda p, i: (0, 0)),
        out_shape=jax.ShapeDtypeStruct((1, 1), jnp.float32),
        scratch_shapes=[pltpu.SMEM((4,), jnp.float32)],
    )(out_t2d, out_s2d)


RPW = BATCH // NW


def _upd_one(rows_v, f_v, upd_v):
    def body(i, _):
        acc = jnp.zeros((L,), jnp.float32)
        for p_ in range(FEAT_DIM // L):
            sl = pl.ds(p_ * L, L)
            v = rows_v[i, sl] * jnp.float32(NCE_M) + \
                f_v[i, sl] * jnp.float32(1.0 - NCE_M)
            upd_v[i, sl] = v
            acc = acc + v * v
        s = jnp.sum(acc)
        sv = jnp.full((L,), s, jnp.float32)
        iv = plsc.bitcast(sv, jnp.int32)
        y = plsc.bitcast(jnp.int32(0x5F3759DF) - (iv >> 1), jnp.float32)
        for _n in range(4):
            y = y * (jnp.float32(1.5) - jnp.float32(0.5) * sv * y * y)
        for p_ in range(FEAT_DIM // L):
            sl = pl.ds(p_ * L, L)
            upd_v[i, sl] = upd_v[i, sl] * y
        return 0

    lax.fori_loop(0, RPW, body, 0)


def _upd_body(idx_hbm, win_hbm, fs_hbm, ft_hbm, m1_hbm, m2_hbm,
              new1_ref, new2_ref, idx_v, win_v, rows_v, f_v, upd_v, sem):
    base = _wid() * RPW
    pltpu.sync_copy(idx_hbm.at[pl.ds(base, RPW)], idx_v)
    pltpu.sync_copy(win_hbm.at[pl.ds(base, RPW)], win_v)
    for mem_hbm, f_hbm, new_ref in ((m1_hbm, fs_hbm, new1_ref),
                                    (m2_hbm, ft_hbm, new2_ref)):
        pltpu.async_copy(mem_hbm.at[idx_v], rows_v, sem).wait()
        pltpu.async_copy(f_hbm.at[win_v], f_v, sem).wait()
        _upd_one(rows_v, f_v, upd_v)
        pltpu.sync_copy(upd_v, new_ref.at[idx_v])


def _update(idx, winner, f_s, f_t, mem1, mem2, new1_ref, new2_ref):
    fn = pl.kernel(
        _upd_body,
        out_type=(),
        mesh=plsc.VectorSubcoreMesh(**_SC_MESH),
        compiler_params=pltpu.CompilerParams(needs_layout_passes=False),
        scratch_types=[
            pltpu.VMEM((RPW,), jnp.int32),
            pltpu.VMEM((RPW,), jnp.int32),
            pltpu.VMEM((RPW, FEAT_DIM), jnp.float32),
            pltpu.VMEM((RPW, FEAT_DIM), jnp.float32),
            pltpu.VMEM((RPW, FEAT_DIM), jnp.float32),
            pltpu.SemaphoreType.DMA,
        ],
    )
    fn(idx, winner, f_s, f_t, mem1, mem2, new1_ref, new2_ref)


def kernel(f_s, f_t, idx, contrast_idx, memory_v1, memory_v2):
    idx = idx.astype(jnp.int32)
    flat_idx = contrast_idx.reshape(-1).astype(jnp.int32)

    ar = jnp.arange(BATCH, dtype=jnp.int32)
    eq = idx[:, None] == idx[None, :]
    winner = jnp.max(jnp.where(eq, ar[None, :], -1), axis=1).astype(jnp.int32)

    st, cp1, cp2 = _scores(memory_v1, memory_v2, f_t, f_s)
    out_t_flat, out_s_flat = _extract(
        flat_idx, st.reshape(N_DATA * _BB, FEAT_DIM))
    loss = _loss(out_t_flat.reshape(BATCH, NCE_K + 1),
                 out_s_flat.reshape(BATCH, NCE_K + 1)).reshape((1,))

    new1_ref = jax.new_ref(cp1)
    new2_ref = jax.new_ref(cp2)
    _update(idx, winner, f_s, f_t, memory_v1, memory_v2, new1_ref, new2_ref)
    return loss, new1_ref[...], new2_ref[...]

# --- scband reference (transcript-rebuilt; emitter-appended) ---
"""Pipeline reference for scband-crdloss-63136019251442 (READ-ONLY COPY).

The authoritative reference and input builder live on the scoring server;
editing this copy changes nothing except your own understanding.
"""

import jax, jax.numpy as jnp
import numpy as np
import math

EPS = 1e-07
NCE_T = 0.07
NCE_M = 0.5
N_DATA = 100000
FEAT_DIM = 128
NCE_K = 1024
BATCH = 1024


def setup_inputs(seed: int = 0):
    key = jax.random.key(seed)
    ks = jax.random.split(key, 6)
    f_s = jax.random.normal(ks[0], (BATCH, FEAT_DIM), dtype=jnp.float32)
    f_t = jax.random.normal(ks[1], (BATCH, FEAT_DIM), dtype=jnp.float32)
    idx = jax.random.randint(ks[2], (BATCH,), 0, N_DATA)
    contrast_idx = jax.random.randint(ks[3], (BATCH, NCE_K + 1), 0, N_DATA)
    # column 0 holds the positive sample index, as in the CRD dataset sampler
    contrast_idx = contrast_idx.at[:, 0].set(idx)
    stdv = 1.0 / math.sqrt(FEAT_DIM / 3.0)
    memory_v1 = jax.random.uniform(ks[4], (N_DATA, FEAT_DIM), dtype=jnp.float32) * (2.0 * stdv) - stdv
    memory_v2 = jax.random.uniform(ks[5], (N_DATA, FEAT_DIM), dtype=jnp.float32) * (2.0 * stdv) - stdv
    return {"f_s": f_s, "f_t": f_t, "idx": idx, "contrast_idx": contrast_idx,
            "memory_v1": memory_v1, "memory_v2": memory_v2}


def _contrast_loss(x, n_data):
    # faithful jax translation of ContrastLoss (Eq 18)
    bsz = x.shape[0]
    m = x.shape[1] - 1
    Pn = 1.0 / float(n_data)
    P_pos = x[:, 0]
    log_D1 = jnp.log(P_pos / (P_pos + m * Pn + EPS))
    P_neg = x[:, 1:]
    log_D0 = jnp.log((m * Pn) / (P_neg + m * Pn + EPS))
    loss = -(jnp.sum(log_D1, axis=0) + jnp.sum(log_D0.reshape(-1, 1), axis=0)) / bsz
    return loss  # shape (1,)


def reference(f_s, f_t, idx, contrast_idx, memory_v1, memory_v2):
    bsz = f_s.shape[0]
    n_data, d = memory_v1.shape
    flat_idx = contrast_idx.reshape(-1)
    # ContrastMemory: gather (K+1) memory rows per anchor (detached in torch)
    w1 = jnp.take(jax.lax.stop_gradient(memory_v1), flat_idx, axis=0).reshape(bsz, -1, d)
    out_t = jnp.exp(jnp.einsum('bkd,bd->bk', w1, f_t) / NCE_T)  # out_v2
    w2 = jnp.take(jax.lax.stop_gradient(memory_v2), flat_idx, axis=0).reshape(bsz, -1, d)
    out_s = jnp.exp(jnp.einsum('bkd,bd->bk', w2, f_s) / NCE_T)  # out_v1
    # Z set on first call from batch statistics (treated as constants, .item() in torch)
    Z_s = jax.lax.stop_gradient(jnp.mean(out_s)) * n_data
    Z_t = jax.lax.stop_gradient(jnp.mean(out_t)) * n_data
    out_s = out_s / Z_s
    out_t = out_t / Z_t
    s_loss = _contrast_loss(out_s, n_data)
    t_loss = _contrast_loss(out_t, n_data)
    loss = s_loss + t_loss
    # memory update under no_grad: momentum blend + L2 renorm + index_copy_ (scatter overwrite)
    l_pos = jnp.take(memory_v1, idx, axis=0) * NCE_M + f_s * (1.0 - NCE_M)
    l_norm = jnp.sqrt(jnp.sum(l_pos ** 2, axis=1, keepdims=True))
    new_memory_v1 = memory_v1.at[idx].set(l_pos / l_norm)
    ab_pos = jnp.take(memory_v2, idx, axis=0) * NCE_M + f_t * (1.0 - NCE_M)
    ab_norm = jnp.sqrt(jnp.sum(ab_pos ** 2, axis=1, keepdims=True))
    new_memory_v2 = memory_v2.at[idx].set(ab_pos / ab_norm)
    return loss, new_memory_v1, new_memory_v2

if __name__ == "__main__":
    import jax
    _d = setup_inputs()
    print(jax.jit(kernel)(*tuple(_d.values())))

</pallas_src>

<mosaic_0001>
#map = affine_map<(d0, d1) -> (0)>
#map1 = affine_map<(d0, d1) -> (0, 0)>
module attributes {stable_mosaic.version = 14 : i64} {
  func.func @_ext_body(%arg0: i32, %arg1: i32, %arg2: memref<1049600xi32, #tpu.memory_space<hbm>>, %arg3: memref<800000x128xi32, #tpu.memory_space<hbm>>, %arg4: memref<1049600xf32, #tpu.memory_space<hbm>>, %arg5: memref<1049600xf32, #tpu.memory_space<hbm>>, %arg6: memref<2048xi32, #tpu.memory_space<vmem>>, %arg7: memref<2048xi32, #tpu.memory_space<vmem>>, %arg8: memref<2048xi32, #tpu.memory_space<vmem>>, %arg9: memref<128x128xi32, #tpu.memory_space<vmem>>, %arg10: memref<128x128xi32, #tpu.memory_space<vmem>>, %arg11: memref<2048xf32, #tpu.memory_space<vmem>>, %arg12: memref<2048xf32, #tpu.memory_space<vmem>>, %arg13: memref<!tpu.dma_semaphore, #tpu.memory_space<semaphore_mem>>, %arg14: memref<!tpu.dma_semaphore, #tpu.memory_space<semaphore_mem>>) attributes {dimension_semantics = [#tpu.dimension_semantics<core_parallel>, #tpu.dimension_semantics<subcore_parallel>], iteration_bounds = array<i64: 2, 16>, scalar_prefetch = 0 : i64, scratch_operands = 9 : i64, tpu.core_type = #tpu.core_type<sc_vector_subcore>, window_params = [{transform_indices = #map}, {transform_indices = #map1}, {transform_indices = #map}, {transform_indices = #map}]} {
    %mul3A = arith.constant 2 : i32
    %mul3A_0 = arith.muli %arg1, %mul3A : i32
    %add3A = arith.addi %mul3A_0, %arg0 : i32
    %mul3A_1 = arith.constant 32800 : i32
    %mul3A_2 = arith.muli %add3A, %mul3A_1 : i32
    %scan3A = arith.constant 0 : i32
    %scan3A_3 = arith.constant 0 : i32
    %scan3A_4 = arith.constant 16 : i32
    %scan3A_5 = arith.addi %scan3A_3, %scan3A_4 : i32
    %scan3A_6 = arith.constant 1 : i32
    %scan3A_7 = scf.for %scan3A_41 = %scan3A_3 to %scan3A_5 step %scan3A_6 iter_args(%scan3A_42 = %scan3A) -> (i32)  : i32 {
      %mul3A_43 = arith.constant 2048 : i32
      %mul3A_44 = arith.muli %scan3A_41, %mul3A_43 : i32
      %add3A_45 = arith.addi %mul3A_2, %mul3A_44 : i32
      %multiple_of3A_46 = tpu.assume_multiple %add3A_45, 8 : i32
      "tpu.region"() ({
        %run_scoped3A = tpu.sem_alloc : memref<!tpu.dma_semaphore, #tpu.memory_space<semaphore_mem>>
        %dma_start3A_360 = tpu.memref_slice %arg2[%multiple_of3A_46] : memref<1049600xi32, #tpu.memory_space<hbm>> -> memref<2048xi32, #tpu.memory_space<hbm>>
        %dma_start3A_361 = tpu.memref_slice %arg2[%multiple_of3A_46] : memref<1049600xi32, #tpu.memory_space<hbm>> -> memref<2048xi32, #tpu.memory_space<hbm>>
        tpu.enqueue_dma source(%dma_start3A_361 : memref<2048xi32, #tpu.memory_space<hbm>>) target(%arg6 : memref<2048xi32, #tpu.memory_space<vmem>>) target_semaphore(%run_scoped3A : memref<!tpu.dma_semaphore, #tpu.memory_space<semaphore_mem>>)
        %dma_wait3A_362 = tpu.memref_slice %arg2[%multiple_of3A_46] : memref<1049600xi32, #tpu.memory_space<hbm>> -> memref<2048xi32, #tpu.memory_space<hbm>>
        %dma_wait3A_363 = tpu.memref_slice %arg2[%multiple_of3A_46] : memref<1049600xi32, #tpu.memory_space<hbm>> -> memref<2048xi32, #tpu.memory_space<hbm>>
        tpu.wait_dma2 semaphore(%run_scoped3A : memref<!tpu.dma_semaphore, #tpu.memory_space<semaphore_mem>>) src(%dma_wait3A_363 : memref<2048xi32, #tpu.memory_space<hbm>>) dst(%arg6 : memref<2048xi32, #tpu.memory_space<vmem>>)
        tpu.yield
      }) : () -> ()
      %iota3A_47 = tpu.iota {dimensions = array<i32: 0>} : vector<16xi32>
      %scan3A_48 = arith.constant 0 : i32
      %scan3A_49 = arith.constant 0 : i32
      %scan3A_50 = arith.constant 128 : i32
      %scan3A_51 = arith.addi %scan3A_49, %scan3A_50 : i32
      %scan3A_52 = arith.constant 1 : i32
      %scan3A_53 = scf.for %scan3A_360 = %scan3A_49 to %scan3A_51 step %scan3A_52 iter_args(%scan3A_361 = %scan3A_48) -> (i32)  : i32 {
        %mul3A_362 = arith.constant 16 : i32
        %mul3A_363 = arith.muli %scan3A_360, %mul3A_362 : i32
        %add3A_364 = arith.addi %multiple_of3A_46, %mul3A_363 : i32
        %add3A_365 = vector.broadcast %add3A_364 : i32 to vector<16xi32>
        %add3A_366 = arith.addi %add3A_365, %iota3A_47 : vector<16xi32>
        %mul3A_367 = arith.constant 16 : i32
        %mul3A_368 = arith.muli %scan3A_360, %mul3A_367 : i32
        %get3A = arith.index_cast %mul3A_368 : i32 to index
        %get3A_369 = tpu.vector_load %arg6[%get3A] {strides = array<i32>} : memref<2048xi32, #tpu.memory_space<vmem>>, vector<16xi32>,
        %shift_right_arithmetic3A = arith.constant 10 : i32
        %shift_right_arithmetic3A_370 = vector.broadcast %shift_right_arithmetic3A : i32 to vector<16xi32>
        %shift_right_arithmetic3A_371 = arith.shrsi %add3A_366, %shift_right_arithmetic3A_370 : vector<16xi32>
        %mul3A_372 = arith.constant 1025 : i32
        %mul3A_373 = vector.broadcast %mul3A_372 : i32 to vector<16xi32>
        %mul3A_374 = arith.muli %shift_right_arithmetic3A_371, %mul3A_373 : vector<16xi32>
        %gt3A = arith.cmpi sgt, %mul3A_374, %add3A_366 : vector<16xi32>
        %convert_element_type3A = arith.extui %gt3A : vector<16xi1> to vector<16xi32>
        %sub3A = arith.subi %shift_right_arithmetic3A_371, %convert_element_type3A : vector<16xi32>
        %mul3A_375 = arith.constant 1025 : i32
        %mul3A_376 = vector.broadcast %mul3A_375 : i32 to vector<16xi32>
        %mul3A_377 = arith.muli %sub3A, %mul3A_376 : vector<16xi32>
        %gt3A_378 = arith.cmpi sgt, %mul3A_377, %add3A_366 : vector<16xi32>
        %convert_element_type3A_379 = arith.extui %gt3A_378 : vector<16xi1> to vector<16xi32>
        %sub3A_380 = arith.subi %sub3A, %convert_element_type3A_379 : vector<16xi32>
        %mul3A_381 = arith.constant 8 : i32
        %mul3A_382 = vector.broadcast %mul3A_381 : i32 to vector<16xi32>
        %mul3A_383 = arith.muli %get3A_369, %mul3A_382 : vector<16xi32>
        %shift_right_arithmetic3A_384 = arith.constant 7 : i32
        %shift_right_arithmetic3A_385 = vector.broadcast %shift_right_arithmetic3A_384 : i32 to vector<16xi32>
        %shift_right_arithmetic3A_386 = arith.shrsi %sub3A_380, %shift_right_arithmetic3A_385 : vector<16xi32>
        %add3A_387 = arith.addi %mul3A_383, %shift_right_arithmetic3A_386 : vector<16xi32>
        %mul3A_388 = arith.constant 16 : i32
        %mul3A_389 = arith.muli %scan3A_360, %mul3A_388 : i32
        %swap3A = arith.index_cast %mul3A_389 : i32 to index
        %swap3A_390 = tpu.vector_load %arg7[%swap3A] {strides = array<i32>} : memref<2048xi32, #tpu.memory_space<vmem>>, vector<16xi32>,
        tpu.vector_store %arg7[%swap3A], %add3A_387 {strides = array<i32>} : memref<2048xi32, #tpu.memory_space<vmem>>, vector<16xi32>,
        %and3A = arith.constant 127 : i32
        %and3A_391 = vector.broadcast %and3A : i32 to vector<16xi32>
        %and3A_392 = arith.andi %sub3A_380, %and3A_391 : vector<16xi32>
        %mul3A_393 = arith.constant 16 : i32
        %mul3A_394 = arith.muli %scan3A_360, %mul3A_393 : i32
        %swap3A_395 = arith.index_cast %mul3A_394 : i32 to index
        %swap3A_396 = tpu.vector_load %arg8[%swap3A_395] {strides = array<i32>} : memref<2048xi32, #tpu.memory_space<vmem>>, vector<16xi32>,
        tpu.vector_store %arg8[%swap3A_395], %and3A_392 {strides = array<i32>} : memref<2048xi32, #tpu.memory_space<vmem>>, vector<16xi32>,
        %scan3A_397 = arith.constant 0 : i32
        scf.yield %scan3A_397 : i32
      }
      %scan3A_54 = arith.constant 128 : i32
      %dma_start3A_55 = arith.constant 0 : i32
      %dma_start3A_56 = tpu.memref_slice %arg7[%dma_start3A_55] : memref<2048xi32, #tpu.memory_space<vmem>> -> memref<128xi32, #tpu.memory_space<vmem>>
      %dma_start3A_57 = arith.constant 0 : i32
      %dma_start3A_58 = arith.constant 0 : i32
      %dma_start3A_59 = tpu.memref_slice %arg3[%dma_start3A_57, %dma_start3A_58] : memref<800000x128xi32, #tpu.memory_space<hbm>> -> memref<800000x128xi32, #tpu.memory_space<hbm>>
      tpu.enqueue_indirect_dma source(%dma_start3A_59 : memref<800000x128xi32, #tpu.memory_space<hbm>>) target(%arg9 : memref<128x128xi32, #tpu.memory_space<vmem>>) offsets(%dma_start3A_56 : memref<128xi32, #tpu.memory_space<vmem>>) semaphore(%arg13 : memref<!tpu.dma_semaphore, #tpu.memory_space<semaphore_mem>>)
      %dma_start3A_60 = arith.constant 128 : i32
      %dma_start3A_61 = tpu.memref_slice %arg7[%dma_start3A_60] : memref<2048xi32, #tpu.memory_space<vmem>> -> memref<128xi32, #tpu.memory_space<vmem>>
      %dma_start3A_62 = arith.constant 0 : i32
      %dma_start3A_63 = arith.constant 0 : i32
      %dma_start3A_64 = tpu.memref_slice %arg3[%dma_start3A_62, %dma_start3A_63] : memref<800000x128xi32, #tpu.memory_space<hbm>> -> memref<800000x128xi32, #tpu.memory_space<hbm>>
      tpu.enqueue_indirect_dma source(%dma_start3A_64 : memref<800000x128xi32, #tpu.memory_space<hbm>>) target(%arg10 : memref<128x128xi32, #tpu.memory_space<vmem>>) offsets(%dma_start3A_61 : memref<128xi32, #tpu.memory_space<vmem>>) semaphore(%arg14 : memref<!tpu.dma_semaphore, #tpu.memory_space<semaphore_mem>>)
      %dma_wait3A_65 = arith.constant 0 : i32
      %dma_wait3A_66 = tpu.memref_slice %arg7[%dma_wait3A_65] : memref<2048xi32, #tpu.memory_space<vmem>> -> memref<128xi32, #tpu.memory_space<vmem>>
      %dma_wait3A_67 = arith.constant 0 : i32
      %dma_wait3A_68 = arith.constant 0 : i32
      %dma_wait3A_69 = tpu.memref_slice %arg3[%dma_wait3A_67, %dma_wait3A_68] : memref<800000x128xi32, #tpu.memory_space<hbm>> -> memref<800000x128xi32, #tpu.memory_space<hbm>>
      tpu.wait_indirect_dma semaphore(%arg13 : memref<!tpu.dma_semaphore, #tpu.memory_space<semaphore_mem>>) src(%dma_wait3A_69 : memref<800000x128xi32, #tpu.memory_space<hbm>>) dst(%arg9 : memref<128x128xi32, #tpu.memory_space<vmem>>)
      %iota3A_70 = tpu.iota {dimensions = array<i32: 0>} : vector<16xi32>
      %scan3A_71 = arith.constant 14.2857141 : f32
      %scan3A_72 = arith.constant 0 : i32
      %scan3A_73 = arith.constant 0 : i32
      %scan3A_74 = arith.constant 8 : i32
      %scan3A_75 = arith.addi %scan3A_73, %scan3A_74 : i32
      %scan3A_76 = arith.constant 1 : i32
      %scan3A_77 = scf.for %scan3A_360 = %scan3A_73 to %scan3A_75 step %scan3A_76 iter_args(%scan3A_361 = %scan3A_72) -> (i32)  : i32 {
        %mul3A_362 = arith.constant 16 : i32
        %mul3A_363 = arith.muli %scan3A_360, %mul3A_362 : i32
        %add3A_364 = vector.broadcast %mul3A_363 : i32 to vector<16xi32>
        %add3A_365 = arith.addi %add3A_364, %iota3A_70 : vector<16xi32>
        %mul3A_366 = arith.constant 16 : i32
        %mul3A_367 = arith.muli %scan3A_360, %mul3A_366 : i32
        %add3A_368 = arith.constant 0 : i32
        %add3A_369 = arith.addi %add3A_368, %mul3A_367 : i32
        %get3A = arith.index_cast %add3A_369 : i32 to index
        %get3A_370 = tpu.vector_load %arg8[%get3A] {strides = array<i32>} : memref<2048xi32, #tpu.memory_space<vmem>>, vector<16xi32>,
        %gather3A = tpu.vector_load_idx %arg9[%add3A_365, %get3A_370] : memref<128x128xi32, #tpu.memory_space<vmem>>[vector<16xi32>, vector<16xi32>], vector<16xi32>,
        %shift_left3A = arith.constant 16 : i32
        %shift_left3A_371 = vector.broadcast %shift_left3A : i32 to vector<16xi32>
        %shift_left3A_372 = arith.shli %gather3A, %shift_left3A_371 : vector<16xi32>
        %bitcast3A = vector.bitcast %shift_left3A_372 : vector<16xi32> to vector<16xf32>
        %bitcast3A_373 = vector.bitcast %gather3A : vector<16xi32> to vector<16xf32>
        %mul3A_374 = vector.broadcast %scan3A_71 : f32 to vector<16xf32>
        %mul3A_375 = arith.mulf %bitcast3A, %mul3A_374 : vector<16xf32>
        %exp3A = math.exp %mul3A_375 : vector<16xf32>
        %mul3A_376 = arith.constant 16 : i32
        %mul3A_377 = arith.muli %scan3A_360, %mul3A_376 : i32
        %add3A_378 = arith.constant 0 : i32
        %add3A_379 = arith.addi %add3A_378, %mul3A_377 : i32
        %swap3A = arith.index_cast %add3A_379 : i32 to index
        %swap3A_380 = tpu.vector_load %arg11[%swap3A] {strides = array<i32>} : memref<2048xf32, #tpu.memory_space<vmem>>, vector<16xf32>,
        tpu.vector_store %arg11[%swap3A], %exp3A {strides = array<i32>} : memref<2048xf32, #tpu.memory_space<vmem>>, vector<16xf32>,
        %mul3A_381 = vector.broadcast %scan3A_71 : f32 to vector<16xf32>
        %mul3A_382 = arith.mulf %bitcast3A_373, %mul3A_381 : vector<16xf32>
        %exp3A_383 = math.exp %mul3A_382 : vector<16xf32>
        %mul3A_384 = arith.constant 16 : i32
        %mul3A_385 = arith.muli %scan3A_360, %mul3A_384 : i32
        %add3A_386 = arith.constant 0 : i32
        %add3A_387 = arith.addi %add3A_386, %mul3A_385 : i32
        %swap3A_388 = arith.index_cast %add3A_387 : i32 to index
        %swap3A_389 = tpu.vector_load %arg12[%swap3A_388] {strides = array<i32>} : memref<2048xf32, #tpu.memory_space<vmem>>, vector<16xf32>,
        tpu.vector_store %arg12[%swap3A_388], %exp3A_383 {strides = array<i32>} : memref<2048xf32, #tpu.memory_space<vmem>>, vector<16xf32>,
        %scan3A_390 = arith.constant 0 : i32
        scf.yield %scan3A_390 : i32
      }
      %scan3A_78 = arith.constant 8 : i32
      %dma_start3A_79 = arith.constant 256 : i32
      %dma_start3A_80 = tpu.memref_slice %arg7[%dma_start3A_79] : memref<2048xi32, #tpu.memory_space<vmem>> -> memref<128xi32, #tpu.memory_space<vmem>>
      %dma_start3A_81 = arith.constant 0 : i32
      %dma_start3A_82 = arith.constant 0 : i32
      %dma_start3A_83 = tpu.memref_slice %arg3[%dma_start3A_81, %dma_start3A_82] : memref<800000x128xi32, #tpu.memory_space<hbm>> -> memref<800000x128xi32, #tpu.memory_space<hbm>>
      tpu.enqueue_indirect_dma source(%dma_start3A_83 : memref<800000x128xi32, #tpu.memory_space<hbm>>) target(%arg9 : memref<128x128xi32, #tpu.memory_space<vmem>>) offsets(%dma_start3A_80 : memref<128xi32, #tpu.memory_space<vmem>>) semaphore(%arg13 : memref<!tpu.dma_semaphore, #tpu.memory_space<semaphore_mem>>)
      %dma_wait3A_84 = arith.constant 128 : i32
      %dma_wait3A_85 = tpu.memref_slice %arg7[%dma_wait3A_84] : memref<2048xi32, #tpu.memory_space<vmem>> -> memref<128xi32, #tpu.memory_space<vmem>>
      %dma_wait3A_86 = arith.constant 0 : i32
      %dma_wait3A_87 = arith.constant 0 : i32
      %dma_wait3A_88 = tpu.memref_slice %arg3[%dma_wait3A_86, %dma_wait3A_87] : memref<800000x128xi32, #tpu.memory_space<hbm>> -> memref<800000x128xi32, #tpu.memory_space<hbm>>
      tpu.wait_indirect_dma semaphore(%arg14 : memref<!tpu.dma_semaphore, #tpu.memory_space<semaphore_mem>>) src(%dma_wait3A_88 : memref<800000x128xi32, #tpu.memory_space<hbm>>) dst(%arg10 : memref<128x128xi32, #tpu.memory_space<vmem>>)
      %iota3A_89 = tpu.iota {dimensions = array<i32: 0>} : vector<16xi32>
      %scan3A_90 = arith.constant 14.2857141 : f32
      %scan3A_91 = arith.constant 0 : i32
      %scan3A_92 = arith.constant 0 : i32
      %scan3A_93 = arith.constant 8 : i32
      %scan3A_94 = arith.addi %scan3A_92, %scan3A_93 : i32
      %scan3A_95 = arith.constant 1 : i32
      %scan3A_96 = scf.for %scan3A_360 = %scan3A_92 to %scan3A_94 step %scan3A_95 iter_args(%scan3A_361 = %scan3A_91) -> (i32)  : i32 {
        %mul3A_362 = arith.constant 16 : i32
        %mul3A_363 = arith.muli %scan3A_360, %mul3A_362 : i32
        %add3A_364 = vector.broadcast %mul3A_363 : i32 to vector<16xi32>
        %add3A_365 = arith.addi %add3A_364, %iota3A_89 : vector<16xi32>
        %mul3A_366 = arith.constant 16 : i32
        %mul3A_367 = arith.muli %scan3A_360, %mul3A_366 : i32
        %add3A_368 = arith.constant 128 : i32
        %add3A_369 = arith.addi %add3A_368, %mul3A_367 : i32
        %get3A = arith.index_cast %add3A_369 : i32 to index
        %get3A_370 = tpu.vector_load %arg8[%get3A] {strides = array<i32>} : memref<2048xi32, #tpu.memory_space<vmem>>, vector<16xi32>,
        %gather3A = tpu.vector_load_idx %arg10[%add3A_365, %get3A_370] : memref<128x128xi32, #tpu.memory_space<vmem>>[vector<16xi32>, vector<16xi32>], vector<16xi32>,
        %shift_left3A = arith.constant 16 : i32
        %shift_left3A_371 = vector.broadcast %shift_left3A : i32 to vector<16xi32>
        %shift_left3A_372 = arith.shli %gather3A, %shift_left3A_371 : vector<16xi32>
        %bitcast3A = vector.bitcast %shift_left3A_372 : vector<16xi32> to vector<16xf32>
        %bitcast3A_373 = vector.bitcast %gather3A : vector<16xi32> to vector<16xf32>
        %mul3A_374 = vector.broadcast %scan3A_90 : f32 to vector<16xf32>
        %mul3A_375 = arith.mulf %bitcast3A, %mul3A_374 : vector<16xf32>
        %exp3A = math.exp %mul3A_375 : vector<16xf32>
        %mul3A_376 = arith.constant 16 : i32
        %mul3A_377 = arith.muli %scan3A_360, %mul3A_376 : i32
        %add3A_378 = arith.constant 128 : i32
        %add3A_379 = arith.addi %add3A_378, %mul3A_377 : i32
        %swap3A = arith.index_cast %add3A_379 : i32 to index
        %swap3A_380 = tpu.vector_load %arg11[%swap3A] {strides = array<i32>} : memref<2048xf32, #tpu.memory_space<vmem>>, vector<16xf32>,
        tpu.vector_store %arg11[%swap3A], %exp3A {strides = array<i32>} : memref<2048xf32, #tpu.memory_space<vmem>>, vector<16xf32>,
        %mul3A_381 = vector.broadcast %scan3A_90 : f32 to vector<16xf32>
        %mul3A_382 = arith.mulf %bitcast3A_373, %mul3A_381 : vector<16xf32>
        %exp3A_383 = math.exp %mul3A_382 : vector<16xf32>
        %mul3A_384 = arith.constant 16 : i32
        %mul3A_385 = arith.muli %scan3A_360, %mul3A_384 : i32
        %add3A_386 = arith.constant 128 : i32
        %add3A_387 = arith.addi %add3A_386, %mul3A_385 : i32
        %swap3A_388 = arith.index_cast %add3A_387 : i32 to index
        %swap3A_389 = tpu.vector_load %arg12[%swap3A_388] {strides = array<i32>} : memref<2048xf32, #tpu.memory_space<vmem>>, vector<16xf32>,
        tpu.vector_store %arg12[%swap3A_388], %exp3A_383 {strides = array<i32>} : memref<2048xf32, #tpu.memory_space<vmem>>, vector<16xf32>,
        %scan3A_390 = arith.constant 0 : i32
        scf.yield %scan3A_390 : i32
      }
      %scan3A_97 = arith.constant 8 : i32
      %dma_start3A_98 = arith.constant 384 : i32
      %dma_start3A_99 = tpu.memref_slice %arg7[%dma_start3A_98] : memref<2048xi32, #tpu.memory_space<vmem>> -> memref<128xi32, #tpu.memory_space<vmem>>
      %dma_start3A_100 = arith.constant 0 : i32
      %dma_start3A_101 = arith.constant 0 : i32
      %dma_start3A_102 = tpu.memref_slice %arg3[%dma_start3A_100, %dma_start3A_101] : memref<800000x128xi32, #tpu.memory_space<hbm>> -> memref<800000x128xi32, #tpu.memory_space<hbm>>
      tpu.enqueue_indirect_dma source(%dma_start3A_102 : memref<800000x128xi32, #tpu.memory_space<hbm>>) target(%arg10 : memref<128x128xi32, #tpu.memory_space<vmem>>) offsets(%dma_start3A_99 : memref<128xi32, #tpu.memory_space<vmem>>) semaphore(%arg14 : memref<!tpu.dma_semaphore, #tpu.memory_space<semaphore_mem>>)
      %dma_wait3A_103 = arith.constant 256 : i32
      %dma_wait3A_104 = tpu.memref_slice %arg7[%dma_wait3A_103] : memref<2048xi32, #tpu.memory_space<vmem>> -> memref<128xi32, #tpu.memory_space<vmem>>
      %dma_wait3A_105 = arith.constant 0 : i32
      %dma_wait3A_106 = arith.constant 0 : i32
      %dma_wait3A_107 = tpu.memref_slice %arg3[%dma_wait3A_105, %dma_wait3A_106] : memref<800000x128xi32, #tpu.memory_space<hbm>> -> memref<800000x128xi32, #tpu.memory_space<hbm>>
      tpu.wait_indirect_dma semaphore(%arg13 : memref<!tpu.dma_semaphore, #tpu.memory_space<semaphore_mem>>) src(%dma_wait3A_107 : memref<800000x128xi32, #tpu.memory_space<hbm>>) dst(%arg9 : memref<128x128xi32, #tpu.memory_space<vmem>>)
      %iota3A_108 = tpu.iota {dimensions = array<i32: 0>} : vector<16xi32>
      %scan3A_109 = arith.constant 14.2857141 : f32
      %scan3A_110 = arith.constant 0 : i32
      %scan3A_111 = arith.constant 0 : i32
      %scan3A_112 = arith.constant 8 : i32
      %scan3A_113 = arith.addi %scan3A_111, %scan3A_112 : i32
      %scan3A_114 = arith.constant 1 : i32
      %scan3A_115 = scf.for %scan3A_360 = %scan3A_111 to %scan3A_113 step %scan3A_114 iter_args(%scan3A_361 = %scan3A_110) -> (i32)  : i32 {
        %mul3A_362 = arith.constant 16 : i32
        %mul3A_363 = arith.muli %scan3A_360, %mul3A_362 : i32
        %add3A_364 = vector.broadcast %mul3A_363 : i32 to vector<16xi32>
        %add3A_365 = arith.addi %add3A_364, %iota3A_108 : vector<16xi32>
        %mul3A_366 = arith.constant 16 : i32
        %mul3A_367 = arith.muli %scan3A_360, %mul3A_366 : i32
        %add3A_368 = arith.constant 256 : i32
        %add3A_369 = arith.addi %add3A_368, %mul3A_367 : i32
        %get3A = arith.index_cast %add3A_369 : i32 to index
        %get3A_370 = tpu.vector_load %arg8[%get3A] {strides = array<i32>} : memref<2048xi32, #tpu.memory_space<vmem>>, vector<16xi32>,
        %gather3A = tpu.vector_load_idx %arg9[%add3A_365, %get3A_370] : memref<128x128xi32, #tpu.memory_space<vmem>>[vector<16xi32>, vector<16xi32>], vector<16xi32>,
        %shift_left3A = arith.constant 16 : i32
        %shift_left3A_371 = vector.broadcast %shift_left3A : i32 to vector<16xi32>
        %shift_left3A_372 = arith.shli %gather3A, %shift_left3A_371 : vector<16xi32>
        %bitcast3A = vector.bitcast %shift_left3A_372 : vector<16xi32> to vector<16xf32>
        %bitcast3A_373 = vector.bitcast %gather3A : vector<16xi32> to vector<16xf32>
        %mul3A_374 = vector.broadcast %scan3A_109 : f32 to vector<16xf32>
        %mul3A_375 = arith.mulf %bitcast3A, %mul3A_374 : vector<16xf32>
        %exp3A = math.exp %mul3A_375 : vector<16xf32>
        %mul3A_376 = arith.constant 16 : i32
        %mul3A_377 = arith.muli %scan3A_360, %mul3A_376 : i32
        %add3A_378 = arith.constant 256 : i32
        %add3A_379 = arith.addi %add3A_378, %mul3A_377 : i32
        %swap3A = arith.index_cast %add3A_379 : i32 to index
        %swap3A_380 = tpu.vector_load %arg11[%swap3A] {strides = array<i32>} : memref<2048xf32, #tpu.memory_space<vmem>>, vector<16xf32>,
        tpu.vector_store %arg11[%swap3A], %exp3A {strides = array<i32>} : memref<2048xf32, #tpu.memory_space<vmem>>, vector<16xf32>,
        %mul3A_381 = vector.broadcast %scan3A_109 : f32 to vector<16xf32>
        %mul3A_382 = arith.mulf %bitcast3A_373, %mul3A_381 : vector<16xf32>
        %exp3A_383 = math.exp %mul3A_382 : vector<16xf32>
        %mul3A_384 = arith.constant 16 : i32
        %mul3A_385 = arith.muli %scan3A_360, %mul3A_384 : i32
        %add3A_386 = arith.constant 256 : i32
        %add3A_387 = arith.addi %add3A_386, %mul3A_385 : i32
        %swap3A_388 = arith.index_cast %add3A_387 : i32 to index
        %swap3A_389 = tpu.vector_load %arg12[%swap3A_388] {strides = array<i32>} : memref<2048xf32, #tpu.memory_space<vmem>>, vector<16xf32>,
        tpu.vector_store %arg12[%swap3A_388], %exp3A_383 {strides = array<i32>} : memref<2048xf32, #tpu.memory_space<vmem>>, vector<16xf32>,
        %scan3A_390 = arith.constant 0 : i32
        scf.yield %scan3A_390 : i32
      }
      %scan3A_116 = arith.constant 8 : i32
      %dma_start3A_117 = arith.constant 512 : i32
      %dma_start3A_118 = tpu.memref_slice %arg7[%dma_start3A_117] : memref<2048xi32, #tpu.memory_space<vmem>> -> memref<128xi32, #tpu.memory_space<vmem>>
      %dma_start3A_119 = arith.constant 0 : i32
      %dma_start3A_120 = arith.constant 0 : i32
      %dma_start3A_121 = tpu.memref_slice %arg3[%dma_start3A_119, %dma_start3A_120] : memref<800000x128xi32, #tpu.memory_space<hbm>> -> memref<800000x128xi32, #tpu.memory_space<hbm>>
      tpu.enqueue_indirect_dma source(%dma_start3A_121 : memref<800000x128xi32, #tpu.memory_space<hbm>>) target(%arg9 : memref<128x128xi32, #tpu.memory_space<vmem>>) offsets(%dma_start3A_118 : memref<128xi32, #tpu.memory_space<vmem>>) semaphore(%arg13 : memref<!tpu.dma_semaphore, #tpu.memory_space<semaphore_mem>>)
      %dma_wait3A_122 = arith.constant 384 : i32
      %dma_wait3A_123 = tpu.memref_slice %arg7[%dma_wait3A_122] : memref<2048xi32, #tpu.memory_space<vmem>> -> memref<128xi32, #tpu.memory_space<vmem>>
      %dma_wait3A_124 = arith.constant 0 : i32
      %dma_wait3A_125 = arith.constant 0 : i32
      %dma_wait3A_126 = tpu.memref_slice %arg3[%dma_wait3A_124, %dma_wait3A_125] : memref<800000x128xi32, #tpu.memory_space<hbm>> -> memref<800000x128xi32, #tpu.memory_space<hbm>>
      tpu.wait_indirect_dma semaphore(%arg14 : memref<!tpu.dma_semaphore, #tpu.memory_space<semaphore_mem>>) src(%dma_wait3A_126 : memref<800000x128xi32, #tpu.memory_space<hbm>>) dst(%arg10 : memref<128x128xi32, #tpu.memory_space<vmem>>)
      %iota3A_127 = tpu.iota {dimensions = array<i32: 0>} : vector<16xi32>
      %scan3A_128 = arith.constant 14.2857141 : f32
      %scan3A_129 = arith.constant 0 : i32
      %scan3A_130 = arith.constant 0 : i32
      %scan3A_131 = arith.constant 8 : i32
      %scan3A_132 = arith.addi %scan3A_130, %scan3A_131 : i32
      %scan3A_133 = arith.constant 1 : i32
      %scan3A_134 = scf.for %scan3A_360 = %scan3A_130 to %scan3A_132 step %scan3A_133 iter_args(%scan3A_361 = %scan3A_129) -> (i32)  : i32 {
        %mul3A_362 = arith.constant 16 : i32
        %mul3A_363 = arith.muli %scan3A_360, %mul3A_362 : i32
        %add3A_364 = vector.broadcast %mul3A_363 : i32 to vector<16xi32>
        %add3A_365 = arith.addi %add3A_364, %iota3A_127 : vector<16xi32>
        %mul3A_366 = arith.constant 16 : i32
        %mul3A_367 = arith.muli %scan3A_360, %mul3A_366 : i32
        %add3A_368 = arith.constant 384 : i32
        %add3A_369 = arith.addi %add3A_368, %mul3A_367 : i32
        %get3A = arith.index_cast %add3A_369 : i32 to index
        %get3A_370 = tpu.vector_load %arg8[%get3A] {strides = array<i32>} : memref<2048xi32, #tpu.memory_space<vmem>>, vector<16xi32>,
        %gather3A = tpu.vector_load_idx %arg10[%add3A_365, %get3A_370] : memref<128x128xi32, #tpu.memory_space<vmem>>[vector<16xi32>, vector<16xi32>], vector<16xi32>,
        %shift_left3A = arith.constant 16 : i32
        %shift_left3A_371 = vector.broadcast %shift_left3A : i32 to vector<16xi32>
        %shift_left3A_372 = arith.shli %gather3A, %shift_left3A_371 : vector<16xi32>
        %bitcast3A = vector.bitcast %shift_left3A_372 : vector<16xi32> to vector<16xf32>
        %bitcast3A_373 = vector.bitcast %gather3A : vector<16xi32> to vector<16xf32>
        %mul3A_374 = vector.broadcast %scan3A_128 : f32 to vector<16xf32>
        %mul3A_375 = arith.mulf %bitcast3A, %mul3A_374 : vector<16xf32>
        %exp3A = math.exp %mul3A_375 : vector<16xf32>
        %mul3A_376 = arith.constant 16 : i32
        %mul3A_377 = arith.muli %scan3A_360, %mul3A_376 : i32
        %add3A_378 = arith.constant 384 : i32
        %add3A_379 = arith.addi %add3A_378, %mul3A_377 : i32
        %swap3A = arith.index_cast %add3A_379 : i32 to index
        %swap3A_380 = tpu.vector_load %arg11[%swap3A] {strides = array<i32>} : memref<2048xf32, #tpu.memory_space<vmem>>, vector<16xf32>,
        tpu.vector_store %arg11[%swap3A], %exp3A {strides = array<i32>} : memref<2048xf32, #tpu.memory_space<vmem>>, vector<16xf32>,
        %mul3A_381 = vector.broadcast %scan3A_128 : f32 to vector<16xf32>
        %mul3A_382 = arith.mulf %bitcast3A_373, %mul3A_381 : vector<16xf32>
        %exp3A_383 = math.exp %mul3A_382 : vector<16xf32>
        %mul3A_384 = arith.constant 16 : i32
        %mul3A_385 = arith.muli %scan3A_360, %mul3A_384 : i32
        %add3A_386 = arith.constant 384 : i32
        %add3A_387 = arith.addi %add3A_386, %mul3A_385 : i32
        %swap3A_388 = arith.index_cast %add3A_387 : i32 to index
        %swap3A_389 = tpu.vector_load %arg12[%swap3A_388] {strides = array<i32>} : memref<2048xf32, #tpu.memory_space<vmem>>, vector<16xf32>,
        tpu.vector_store %arg12[%swap3A_388], %exp3A_383 {strides = array<i32>} : memref<2048xf32, #tpu.memory_space<vmem>>, vector<16xf32>,
        %scan3A_390 = arith.constant 0 : i32
        scf.yield %scan3A_390 : i32
      }
      %scan3A_135 = arith.constant 8 : i32
      %dma_start3A_136 = arith.constant 640 : i32
      %dma_start3A_137 = tpu.memref_slice %arg7[%dma_start3A_136] : memref<2048xi32, #tpu.memory_space<vmem>> -> memref<128xi32, #tpu.memory_space<vmem>>
      %dma_start3A_138 = arith.constant 0 : i32
      %dma_start3A_139 = arith.constant 0 : i32
      %dma_start3A_140 = tpu.memref_slice %arg3[%dma_start3A_138, %dma_start3A_139] : memref<800000x128xi32, #tpu.memory_space<hbm>> -> memref<800000x128xi32, #tpu.memory_space<hbm>>
      tpu.enqueue_indirect_dma source(%dma_start3A_140 : memref<800000x128xi32, #tpu.memory_space<hbm>>) target(%arg10 : memref<128x128xi32, #tpu.memory_space<vmem>>) offsets(%dma_start3A_137 : memref<128xi32, #tpu.memory_space<vmem>>) semaphore(%arg14 : memref<!tpu.dma_semaphore, #tpu.memory_space<semaphore_mem>>)
      %dma_wait3A_141 = arith.constant 512 : i32
      %dma_wait3A_142 = tpu.memref_slice %arg7[%dma_wait3A_141] : memref<2048xi32, #tpu.memory_space<vmem>> -> memref<128xi32, #tpu.memory_space<vmem>>
      %dma_wait3A_143 = arith.constant 0 : i32
      %dma_wait3A_144 = arith.constant 0 : i32
      %dma_wait3A_145 = tpu.memref_slice %arg3[%dma_wait3A_143, %dma_wait3A_144] : memref<800000x128xi32, #tpu.memory_space<hbm>> -> memref<800000x128xi32, #tpu.memory_space<hbm>>
      tpu.wait_indirect_dma semaphore(%arg13 : memref<!tpu.dma_semaphore, #tpu.memory_space<semaphore_mem>>) src(%dma_wait3A_145 : memref<800000x128xi32, #tpu.memory_space<hbm>>) dst(%arg9 : memref<128x128xi32, #tpu.memory_space<vmem>>)
      %iota3A_146 = tpu.iota {dimensions = array<i32: 0>} : vector<16xi32>
      %scan3A_147 = arith.constant 14.2857141 : f32
      %scan3A_148 = arith.constant 0 : i32
      %scan3A_149 = arith.constant 0 : i32
      %scan3A_150 = arith.constant 8 : i32
      %scan3A_151 = arith.addi %scan3A_149, %scan3A_150 : i32
      %scan3A_152 = arith.constant 1 : i32
      %scan3A_153 = scf.for %scan3A_360 = %scan3A_149 to %scan3A_151 step %scan3A_152 iter_args(%scan3A_361 = %scan3A_148) -> (i32)  : i32 {
        %mul3A_362 = arith.constant 16 : i32
        %mul3A_363 = arith.muli %scan3A_360, %mul3A_362 : i32
        %add3A_364 = vector.broadcast %mul3A_363 : i32 to vector<16xi32>
        %add3A_365 = arith.addi %add3A_364, %iota3A_146 : vector<16xi32>
        %mul3A_366 = arith.constant 16 : i32
        %mul3A_367 = arith.muli %scan3A_360, %mul3A_366 : i32
        %add3A_368 = arith.constant 512 : i32
        %add3A_369 = arith.addi %add3A_368, %mul3A_367 : i32
        %get3A = arith.index_cast %add3A_369 : i32 to index
        %get3A_370 = tpu.vector_load %arg8[%get3A] {strides = array<i32>} : memref<2048xi32, #tpu.memory_space<vmem>>, vector<16xi32>,
        %gather3A = tpu.vector_load_idx %arg9[%add3A_365, %get3A_370] : memref<128x128xi32, #tpu.memory_space<vmem>>[vector<16xi32>, vector<16xi32>], vector<16xi32>,
        %shift_left3A = arith.constant 16 : i32
        %shift_left3A_371 = vector.broadcast %shift_left3A : i32 to vector<16xi32>
        %shift_left3A_372 = arith.shli %gather3A, %shift_left3A_371 : vector<16xi32>
        %bitcast3A = vector.bitcast %shift_left3A_372 : vector<16xi32> to vector<16xf32>
        %bitcast3A_373 = vector.bitcast %gather3A : vector<16xi32> to vector<16xf32>
        %mul3A_374 = vector.broadcast %scan3A_147 : f32 to vector<16xf32>
        %mul3A_375 = arith.mulf %bitcast3A, %mul3A_374 : vector<16xf32>
        %exp3A = math.exp %mul3A_375 : vector<16xf32>
        %mul3A_376 = arith.constant 16 : i32
        %mul3A_377 = arith.muli %scan3A_360, %mul3A_376 : i32
        %add3A_378 = arith.constant 512 : i32
        %add3A_379 = arith.addi %add3A_378, %mul3A_377 : i32
        %swap3A = arith.index_cast %add3A_379 : i32 to index
        %swap3A_380 = tpu.vector_load %arg11[%swap3A] {strides = array<i32>} : memref<2048xf32, #tpu.memory_space<vmem>>, vector<16xf32>,
        tpu.vector_store %arg11[%swap3A], %exp3A {strides = array<i32>} : memref<2048xf32, #tpu.memory_space<vmem>>, vector<16xf32>,
        %mul3A_381 = vector.broadcast %scan3A_147 : f32 to vector<16xf32>
        %mul3A_382 = arith.mulf %bitcast3A_373, %mul3A_381 : vector<16xf32>
        %exp3A_383 = math.exp %mul3A_382 : vector<16xf32>
        %mul3A_384 = arith.constant 16 : i32
        %mul3A_385 = arith.muli %scan3A_360, %mul3A_384 : i32
        %add3A_386 = arith.constant 512 : i32
        %add3A_387 = arith.addi %add3A_386, %mul3A_385 : i32
        %swap3A_388 = arith.index_cast %add3A_387 : i32 to index
        %swap3A_389 = tpu.vector_load %arg12[%swap3A_388] {strides = array<i32>} : memref<2048xf32, #tpu.memory_space<vmem>>, vector<16xf32>,
        tpu.vector_store %arg12[%swap3A_388], %exp3A_383 {strides = array<i32>} : memref<2048xf32, #tpu.memory_space<vmem>>, vector<16xf32>,
        %scan3A_390 = arith.constant 0 : i32
        scf.yield %scan3A_390 : i32
      }
      %scan3A_154 = arith.constant 8 : i32
      %dma_start3A_155 = arith.constant 768 : i32
      %dma_start3A_156 = tpu.memref_slice %arg7[%dma_start3A_155] : memref<2048xi32, #tpu.memory_space<vmem>> -> memref<128xi32, #tpu.memory_space<vmem>>
      %dma_start3A_157 = arith.constant 0 : i32
      %dma_start3A_158 = arith.constant 0 : i32
      %dma_start3A_159 = tpu.memref_slice %arg3[%dma_start3A_157, %dma_start3A_158] : memref<800000x128xi32, #tpu.memory_space<hbm>> -> memref<800000x128xi32, #tpu.memory_space<hbm>>
      tpu.enqueue_indirect_dma source(%dma_start3A_159 : memref<800000x128xi32, #tpu.memory_space<hbm>>) target(%arg9 : memref<128x128xi32, #tpu.memory_space<vmem>>) offsets(%dma_start3A_156 : memref<128xi32, #tpu.memory_space<vmem>>) semaphore(%arg13 : memref<!tpu.dma_semaphore, #tpu.memory_space<semaphore_mem>>)
      %dma_wait3A_160 = arith.constant 640 : i32
      %dma_wait3A_161 = tpu.memref_slice %arg7[%dma_wait3A_160] : memref<2048xi32, #tpu.memory_space<vmem>> -> memref<128xi32, #tpu.memory_space<vmem>>
      %dma_wait3A_162 = arith.constant 0 : i32
      %dma_wait3A_163 = arith.constant 0 : i32
      %dma_wait3A_164 = tpu.memref_slice %arg3[%dma_wait3A_162, %dma_wait3A_163] : memref<800000x128xi32, #tpu.memory_space<hbm>> -> memref<800000x128xi32, #tpu.memory_space<hbm>>
      tpu.wait_indirect_dma semaphore(%arg14 : memref<!tpu.dma_semaphore, #tpu.memory_space<semaphore_mem>>) src(%dma_wait3A_164 : memref<800000x128xi32, #tpu.memory_space<hbm>>) dst(%arg10 : memref<128x128xi32, #tpu.memory_space<vmem>>)
      %iota3A_165 = tpu.iota {dimensions = array<i32: 0>} : vector<16xi32>
      %scan3A_166 = arith.constant 14.2857141 : f32
      %scan3A_167 = arith.constant 0 : i32
      %scan3A_168 = arith.constant 0 : i32
      %scan3A_169 = arith.constant 8 : i32
      %scan3A_170 = arith.addi %scan3A_168, %scan3A_169 : i32
      %scan3A_171 = arith.constant 1 : i32
      %scan3A_172 = scf.for %scan3A_360 = %scan3A_168 to %scan3A_170 step %scan3A_171 iter_args(%scan3A_361 = %scan3A_167) -> (i32)  : i32 {
        %mul3A_362 = arith.constant 16 : i32
        %mul3A_363 = arith.muli %scan3A_360, %mul3A_362 : i32
        %add3A_364 = vector.broadcast %mul3A_363 : i32 to vector<16xi32>
        %add3A_365 = arith.addi %add3A_364, %iota3A_165 : vector<16xi32>
        %mul3A_366 = arith.constant 16 : i32
        %mul3A_367 = arith.muli %scan3A_360, %mul3A_366 : i32
        %add3A_368 = arith.constant 640 : i32
        %add3A_369 = arith.addi %add3A_368, %mul3A_367 : i32
        %get3A = arith.index_cast %add3A_369 : i32 to index
        %get3A_370 = tpu.vector_load %arg8[%get3A] {strides = array<i32>} : memref<2048xi32, #tpu.memory_space<vmem>>, vector<16xi32>,
        %gather3A = tpu.vector_load_idx %arg10[%add3A_365, %get3A_370] : memref<128x128xi32, #tpu.memory_space<vmem>>[vector<16xi32>, vector<16xi32>], vector<16xi32>,
        %shift_left3A = arith.constant 16 : i32
        %shift_left3A_371 = vector.broadcast %shift_left3A : i32 to vector<16xi32>
        %shift_left3A_372 = arith.shli %gather3A, %shift_left3A_371 : vector<16xi32>
        %bitcast3A = vector.bitcast %shift_left3A_372 : vector<16xi32> to vector<16xf32>
        %bitcast3A_373 = vector.bitcast %gather3A : vector<16xi32> to vector<16xf32>
        %mul3A_374 = vector.broadcast %scan3A_166 : f32 to vector<16xf32>
        %mul3A_375 = arith.mulf %bitcast3A, %mul3A_374 : vector<16xf32>
        %exp3A = math.exp %mul3A_375 : vector<16xf32>
        %mul3A_376 = arith.constant 16 : i32
        %mul3A_377 = arith.muli %scan3A_360, %mul3A_376 : i32
        %add3A_378 = arith.constant 640 : i32
        %add3A_379 = arith.addi %add3A_378, %mul3A_377 : i32
        %swap3A = arith.index_cast %add3A_379 : i32 to index
        %swap3A_380 = tpu.vector_load %arg11[%swap3A] {strides = array<i32>} : memref<2048xf32, #tpu.memory_space<vmem>>, vector<16xf32>,
        tpu.vector_store %arg11[%swap3A], %exp3A {strides = array<i32>} : memref<2048xf32, #tpu.memory_space<vmem>>, vector<16xf32>,
        %mul3A_381 = vector.broadcast %scan3A_166 : f32 to vector<16xf32>
        %mul3A_382 = arith.mulf %bitcast3A_373, %mul3A_381 : vector<16xf32>
        %exp3A_383 = math.exp %mul3A_382 : vector<16xf32>
        %mul3A_384 = arith.constant 16 : i32
        %mul3A_385 = arith.muli %scan3A_360, %mul3A_384 : i32
        %add3A_386 = arith.constant 640 : i32
        %add3A_387 = arith.addi %add3A_386, %mul3A_385 : i32
        %swap3A_388 = arith.index_cast %add3A_387 : i32 to index
        %swap3A_389 = tpu.vector_load %arg12[%swap3A_388] {strides = array<i32>} : memref<2048xf32, #tpu.memory_space<vmem>>, vector<16xf32>,
        tpu.vector_store %arg12[%swap3A_388], %exp3A_383 {strides = array<i32>} : memref<2048xf32, #tpu.memory_space<vmem>>, vector<16xf32>,
        %scan3A_390 = arith.constant 0 : i32
        scf.yield %scan3A_390 : i32
      }
      %scan3A_173 = arith.constant 8 : i32
      %dma_start3A_174 = arith.constant 896 : i32
      %dma_start3A_175 = tpu.memref_slice %arg7[%dma_start3A_174] : memref<2048xi32, #tpu.memory_space<vmem>> -> memref<128xi32, #tpu.memory_space<vmem>>
      %dma_start3A_176 = arith.constant 0 : i32
      %dma_start3A_177 = arith.constant 0 : i32
      %dma_start3A_178 = tpu.memref_slice %arg3[%dma_start3A_176, %dma_start3A_177] : memref<800000x128xi32, #tpu.memory_space<hbm>> -> memref<800000x128xi32, #tpu.memory_space<hbm>>
      tpu.enqueue_indirect_dma source(%dma_start3A_178 : memref<800000x128xi32, #tpu.memory_space<hbm>>) target(%arg10 : memref<128x128xi32, #tpu.memory_space<vmem>>) offsets(%dma_start3A_175 : memref<128xi32, #tpu.memory_space<vmem>>) semaphore(%arg14 : memref<!tpu.dma_semaphore, #tpu.memory_space<semaphore_mem>>)
      %dma_wait3A_179 = arith.constant 768 : i32
      %dma_wait3A_180 = tpu.memref_slice %arg7[%dma_wait3A_179] : memref<2048xi32, #tpu.memory_space<vmem>> -> memref<128xi32, #tpu.memory_space<vmem>>
      %dma_wait3A_181 = arith.constant 0 : i32
      %dma_wait3A_182 = arith.constant 0 : i32
      %dma_wait3A_183 = tpu.memref_slice %arg3[%dma_wait3A_181, %dma_wait3A_182] : memref<800000x128xi32, #tpu.memory_space<hbm>> -> memref<800000x128xi32, #tpu.memory_space<hbm>>
      tpu.wait_indirect_dma semaphore(%arg13 : memref<!tpu.dma_semaphore, #tpu.memory_space<semaphore_mem>>) src(%dma_wait3A_183 : memref<800000x128xi32, #tpu.memory_space<hbm>>) dst(%arg9 : memref<128x128xi32, #tpu.memory_space<vmem>>)
      %iota3A_184 = tpu.iota {dimensions = array<i32: 0>} : vector<16xi32>
      %scan3A_185 = arith.constant 14.2857141 : f32
      %scan3A_186 = arith.constant 0 : i32
      %scan3A_187 = arith.constant 0 : i32
      %scan3A_188 = arith.constant 8 : i32
      %scan3A_189 = arith.addi %scan3A_187, %scan3A_188 : i32
      %scan3A_190 = arith.constant 1 : i32
      %scan3A_191 = scf.for %scan3A_360 = %scan3A_187 to %scan3A_189 step %scan3A_190 iter_args(%scan3A_361 = %scan3A_186) -> (i32)  : i32 {
        %mul3A_362 = arith.constant 16 : i32
        %mul3A_363 = arith.muli %scan3A_360, %mul3A_362 : i32
        %add3A_364 = vector.broadcast %mul3A_363 : i32 to vector<16xi32>
        %add3A_365 = arith.addi %add3A_364, %iota3A_184 : vector<16xi32>
        %mul3A_366 = arith.constant 16 : i32
        %mul3A_367 = arith.muli %scan3A_360, %mul3A_366 : i32
        %add3A_368 = arith.constant 768 : i32
        %add3A_369 = arith.addi %add3A_368, %mul3A_367 : i32
        %get3A = arith.index_cast %add3A_369 : i32 to index
        %get3A_370 = tpu.vector_load %arg8[%get3A] {strides = array<i32>} : memref<2048xi32, #tpu.memory_space<vmem>>, vector<16xi32>,
        %gather3A = tpu.vector_load_idx %arg9[%add3A_365, %get3A_370] : memref<128x128xi32, #tpu.memory_space<vmem>>[vector<16xi32>, vector<16xi32>], vector<16xi32>,
        %shift_left3A = arith.constant 16 : i32
        %shift_left3A_371 = vector.broadcast %shift_left3A : i32 to vector<16xi32>
        %shift_left3A_372 = arith.shli %gather3A, %shift_left3A_371 : vector<16xi32>
        %bitcast3A = vector.bitcast %shift_left3A_372 : vector<16xi32> to vector<16xf32>
        %bitcast3A_373 = vector.bitcast %gather3A : vector<16xi32> to vector<16xf32>
        %mul3A_374 = vector.broadcast %scan3A_185 : f32 to vector<16xf32>
        %mul3A_375 = arith.mulf %bitcast3A, %mul3A_374 : vector<16xf32>
        %exp3A = math.exp %mul3A_375 : vector<16xf32>
        %mul3A_376 = arith.constant 16 : i32
        %mul3A_377 = arith.muli %scan3A_360, %mul3A_376 : i32
        %add3A_378 = arith.constant 768 : i32
        %add3A_379 = arith.addi %add3A_378, %mul3A_377 : i32
        %swap3A = arith.index_cast %add3A_379 : i32 to index
        %swap3A_380 = tpu.vector_load %arg11[%swap3A] {strides = array<i32>} : memref<2048xf32, #tpu.memory_space<vmem>>, vector<16xf32>,
        tpu.vector_store %arg11[%swap3A], %exp3A {strides = array<i32>} : memref<2048xf32, #tpu.memory_space<vmem>>, vector<16xf32>,
        %mul3A_381 = vector.broadcast %scan3A_185 : f32 to vector<16xf32>
        %mul3A_382 = arith.mulf %bitcast3A_373, %mul3A_381 : vector<16xf32>
        %exp3A_383 = math.exp %mul3A_382 : vector<16xf32>
        %mul3A_384 = arith.constant 16 : i32
        %mul3A_385 = arith.muli %scan3A_360, %mul3A_384 : i32
        %add3A_386 = arith.constant 768 : i32
        %add3A_387 = arith.addi %add3A_386, %mul3A_385 : i32
        %swap3A_388 = arith.index_cast %add3A_387 : i32 to index
        %swap3A_389 = tpu.vector_load %arg12[%swap3A_388] {strides = array<i32>} : memref<2048xf32, #tpu.memory_space<vmem>>, vector<16xf32>,
        tpu.vector_store %arg12[%swap3A_388], %exp3A_383 {strides = array<i32>} : memref<2048xf32, #tpu.memory_space<vmem>>, vector<16xf32>,
        %scan3A_390 = arith.constant 0 : i32
        scf.yield %scan3A_390 : i32
      }
      %scan3A_192 = arith.constant 8 : i32
      %dma_start3A_193 = arith.constant 1024 : i32
      %dma_start3A_194 = tpu.memref_slice %arg7[%dma_start3A_193] : memref<2048xi32, #tpu.memory_space<vmem>> -> memref<128xi32, #tpu.memory_space<vmem>>
      %dma_start3A_195 = arith.constant 0 : i32
      %dma_start3A_196 = arith.constant 0 : i32
      %dma_start3A_197 = tpu.memref_slice %arg3[%dma_start3A_195, %dma_start3A_196] : memref<800000x128xi32, #tpu.memory_space<hbm>> -> memref<800000x128xi32, #tpu.memory_space<hbm>>
      tpu.enqueue_indirect_dma source(%dma_start3A_197 : memref<800000x128xi32, #tpu.memory_space<hbm>>) target(%arg9 : memref<128x128xi32, #tpu.memory_space<vmem>>) offsets(%dma_start3A_194 : memref<128xi32, #tpu.memory_space<vmem>>) semaphore(%arg13 : memref<!tpu.dma_semaphore, #tpu.memory_space<semaphore_mem>>)
      %dma_wait3A_198 = arith.constant 896 : i32
      %dma_wait3A_199 = tpu.memref_slice %arg7[%dma_wait3A_198] : memref<2048xi32, #tpu.memory_space<vmem>> -> memref<128xi32, #tpu.memory_space<vmem>>
      %dma_wait3A_200 = arith.constant 0 : i32
      %dma_wait3A_201 = arith.constant 0 : i32
      %dma_wait3A_202 = tpu.memref_slice %arg3[%dma_wait3A_200, %dma_wait3A_201] : memref<800000x128xi32, #tpu.memory_space<hbm>> -> memref<800000x128xi32, #tpu.memory_space<hbm>>
      tpu.wait_indirect_dma semaphore(%arg14 : memref<!tpu.dma_semaphore, #tpu.memory_space<semaphore_mem>>) src(%dma_wait3A_202 : memref<800000x128xi32, #tpu.memory_space<hbm>>) dst(%arg10 : memref<128x128xi32, #tpu.memory_space<vmem>>)
      %iota3A_203 = tpu.iota {dimensions = array<i32: 0>} : vector<16xi32>
      %scan3A_204 = arith.constant 14.2857141 : f32
      %scan3A_205 = arith.constant 0 : i32
      %scan3A_206 = arith.constant 0 : i32
      %scan3A_207 = arith.constant 8 : i32
      %scan3A_208 = arith.addi %scan3A_206, %scan3A_207 : i32
      %scan3A_209 = arith.constant 1 : i32
      %scan3A_210 = scf.for %scan3A_360 = %scan3A_206 to %scan3A_208 step %scan3A_209 iter_args(%scan3A_361 = %scan3A_205) -> (i32)  : i32 {
        %mul3A_362 = arith.constant 16 : i32
        %mul3A_363 = arith.muli %scan3A_360, %mul3A_362 : i32
        %add3A_364 = vector.broadcast %mul3A_363 : i32 to vector<16xi32>
        %add3A_365 = arith.addi %add3A_364, %iota3A_203 : vector<16xi32>
        %mul3A_366 = arith.constant 16 : i32
        %mul3A_367 = arith.muli %scan3A_360, %mul3A_366 : i32
        %add3A_368 = arith.constant 896 : i32
        %add3A_369 = arith.addi %add3A_368, %mul3A_367 : i32
        %get3A = arith.index_cast %add3A_369 : i32 to index
        %get3A_370 = tpu.vector_load %arg8[%get3A] {strides = array<i32>} : memref<2048xi32, #tpu.memory_space<vmem>>, vector<16xi32>,
        %gather3A = tpu.vector_load_idx %arg10[%add3A_365, %get3A_370] : memref<128x128xi32, #tpu.memory_space<vmem>>[vector<16xi32>, vector<16xi32>], vector<16xi32>,
        %shift_left3A = arith.constant 16 : i32
        %shift_left3A_371 = vector.broadcast %shift_left3A : i32 to vector<16xi32>
        %shift_left3A_372 = arith.shli %gather3A, %shift_left3A_371 : vector<16xi32>
        %bitcast3A = vector.bitcast %shift_left3A_372 : vector<16xi32> to vector<16xf32>
        %bitcast3A_373 = vector.bitcast %gather3A : vector<16xi32> to vector<16xf32>
        %mul3A_374 = vector.broadcast %scan3A_204 : f32 to vector<16xf32>
        %mul3A_375 = arith.mulf %bitcast3A, %mul3A_374 : vector<16xf32>
        %exp3A = math.exp %mul3A_375 : vector<16xf32>
        %mul3A_376 = arith.constant 16 : i32
        %mul3A_377 = arith.muli %scan3A_360, %mul3A_376 : i32
        %add3A_378 = arith.constant 896 : i32
        %add3A_379 = arith.addi %add3A_378, %mul3A_377 : i32
        %swap3A = arith.index_cast %add3A_379 : i32 to index
        %swap3A_380 = tpu.vector_load %arg11[%swap3A] {strides = array<i32>} : memref<2048xf32, #tpu.memory_space<vmem>>, vector<16xf32>,
        tpu.vector_store %arg11[%swap3A], %exp3A {strides = array<i32>} : memref<2048xf32, #tpu.memory_space<vmem>>, vector<16xf32>,
        %mul3A_381 = vector.broadcast %scan3A_204 : f32 to vector<16xf32>
        %mul3A_382 = arith.mulf %bitcast3A_373, %mul3A_381 : vector<16xf32>
        %exp3A_383 = math.exp %mul3A_382 : vector<16xf32>
        %mul3A_384 = arith.constant 16 : i32
        %mul3A_385 = arith.muli %scan3A_360, %mul3A_384 : i32
        %add3A_386 = arith.constant 896 : i32
        %add3A_387 = arith.addi %add3A_386, %mul3A_385 : i32
        %swap3A_388 = arith.index_cast %add3A_387 : i32 to index
        %swap3A_389 = tpu.vector_load %arg12[%swap3A_388] {strides = array<i32>} : memref<2048xf32, #tpu.memory_space<vmem>>, vector<16xf32>,
        tpu.vector_store %arg12[%swap3A_388], %exp3A_383 {strides = array<i32>} : memref<2048xf32, #tpu.memory_space<vmem>>, vector<16xf32>,
        %scan3A_390 = arith.constant 0 : i32
        scf.yield %scan3A_390 : i32
      }
      %scan3A_211 = arith.constant 8 : i32
      %dma_start3A_212 = arith.constant 1152 : i32
      %dma_start3A_213 = tpu.memref_slice %arg7[%dma_start3A_212] : memref<2048xi32, #tpu.memory_space<vmem>> -> memref<128xi32, #tpu.memory_space<vmem>>
      %dma_start3A_214 = arith.constant 0 : i32
      %dma_start3A_215 = arith.constant 0 : i32
      %dma_start3A_216 = tpu.memref_slice %arg3[%dma_start3A_214, %dma_start3A_215] : memref<800000x128xi32, #tpu.memory_space<hbm>> -> memref<800000x128xi32, #tpu.memory_space<hbm>>
      tpu.enqueue_indirect_dma source(%dma_start3A_216 : memref<800000x128xi32, #tpu.memory_space<hbm>>) target(%arg10 : memref<128x128xi32, #tpu.memory_space<vmem>>) offsets(%dma_start3A_213 : memref<128xi32, #tpu.memory_space<vmem>>) semaphore(%arg14 : memref<!tpu.dma_semaphore, #tpu.memory_space<semaphore_mem>>)
      %dma_wait3A_217 = arith.constant 1024 : i32
      %dma_wait3A_218 = tpu.memref_slice %arg7[%dma_wait3A_217] : memref<2048xi32, #tpu.memory_space<vmem>> -> memref<128xi32, #tpu.memory_space<vmem>>
      %dma_wait3A_219 = arith.constant 0 : i32
      %dma_wait3A_220 = arith.constant 0 : i32
      %dma_wait3A_221 = tpu.memref_slice %arg3[%dma_wait3A_219, %dma_wait3A_220] : memref<800000x128xi32, #tpu.memory_space<hbm>> -> memref<800000x128xi32, #tpu.memory_space<hbm>>
      tpu.wait_indirect_dma semaphore(%arg13 : memref<!tpu.dma_semaphore, #tpu.memory_space<semaphore_mem>>) src(%dma_wait3A_221 : memref<800000x128xi32, #tpu.memory_space<hbm>>) dst(%arg9 : memref<128x128xi32, #tpu.memory_space<vmem>>)
      %iota3A_222 = tpu.iota {dimensions = array<i32: 0>} : vector<16xi32>
      %scan3A_223 = arith.constant 14.2857141 : f32
      %scan3A_224 = arith.constant 0 : i32
      %scan3A_225 = arith.constant 0 : i32
      %scan3A_226 = arith.constant 8 : i32
      %scan3A_227 = arith.addi %scan3A_225, %scan3A_226 : i32
      %scan3A_228 = arith.constant 1 : i32
      %scan3A_229 = scf.for %scan3A_360 = %scan3A_225 to %scan3A_227 step %scan3A_228 iter_args(%scan3A_361 = %scan3A_224) -> (i32)  : i32 {
        %mul3A_362 = arith.constant 16 : i32
        %mul3A_363 = arith.muli %scan3A_360, %mul3A_362 : i32
        %add3A_364 = vector.broadcast %mul3A_363 : i32 to vector<16xi32>
        %add3A_365 = arith.addi %add3A_364, %iota3A_222 : vector<16xi32>
        %mul3A_366 = arith.constant 16 : i32
        %mul3A_367 = arith.muli %scan3A_360, %mul3A_366 : i32
        %add3A_368 = arith.constant 1024 : i32
        %add3A_369 = arith.addi %add3A_368, %mul3A_367 : i32
        %get3A = arith.index_cast %add3A_369 : i32 to index
        %get3A_370 = tpu.vector_load %arg8[%get3A] {strides = array<i32>} : memref<2048xi32, #tpu.memory_space<vmem>>, vector<16xi32>,
        %gather3A = tpu.vector_load_idx %arg9[%add3A_365, %get3A_370] : memref<128x128xi32, #tpu.memory_space<vmem>>[vector<16xi32>, vector<16xi32>], vector<16xi32>,
        %shift_left3A = arith.constant 16 : i32
        %shift_left3A_371 = vector.broadcast %shift_left3A : i32 to vector<16xi32>
        %shift_left3A_372 = arith.shli %gather3A, %shift_left3A_371 : vector<16xi32>
        %bitcast3A = vector.bitcast %shift_left3A_372 : vector<16xi32> to vector<16xf32>
        %bitcast3A_373 = vector.bitcast %gather3A : vector<16xi32> to vector<16xf32>
        %mul3A_374 = vector.broadcast %scan3A_223 : f32 to vector<16xf32>
        %mul3A_375 = arith.mulf %bitcast3A, %mul3A_374 : vector<16xf32>
        %exp3A = math.exp %mul3A_375 : vector<16xf32>
        %mul3A_376 = arith.constant 16 : i32
        %mul3A_377 = arith.muli %scan3A_360, %mul3A_376 : i32
        %add3A_378 = arith.constant 1024 : i32
        %add3A_379 = arith.addi %add3A_378, %mul3A_377 : i32
        %swap3A = arith.index_cast %add3A_379 : i32 to index
        %swap3A_380 = tpu.vector_load %arg11[%swap3A] {strides = array<i32>} : memref<2048xf32, #tpu.memory_space<vmem>>, vector<16xf32>,
        tpu.vector_store %arg11[%swap3A], %exp3A {strides = array<i32>} : memref<2048xf32, #tpu.memory_space<vmem>>, vector<16xf32>,
        %mul3A_381 = vector.broadcast %scan3A_223 : f32 to vector<16xf32>
        %mul3A_382 = arith.mulf %bitcast3A_373, %mul3A_381 : vector<16xf32>
        %exp3A_383 = math.exp %mul3A_382 : vector<16xf32>
        %mul3A_384 = arith.constant 16 : i32
        %mul3A_385 = arith.muli %scan3A_360, %mul3A_384 : i32
        %add3A_386 = arith.constant 1024 : i32
        %add3A_387 = arith.addi %add3A_386, %mul3A_385 : i32
        %swap3A_388 = arith.index_cast %add3A_387 : i32 to index
        %swap3A_389 = tpu.vector_load %arg12[%swap3A_388] {strides = array<i32>} : memref<2048xf32, #tpu.memory_space<vmem>>, vector<16xf32>,
        tpu.vector_store %arg12[%swap3A_388], %exp3A_383 {strides = array<i32>} : memref<2048xf32, #tpu.memory_space<vmem>>, vector<16xf32>,
        %scan3A_390 = arith.constant 0 : i32
        scf.yield %scan3A_390 : i32
      }
      %scan3A_230 = arith.constant 8 : i32
      %dma_start3A_231 = arith.constant 1280 : i32
      %dma_start3A_232 = tpu.memref_slice %arg7[%dma_start3A_231] : memref<2048xi32, #tpu.memory_space<vmem>> -> memref<128xi32, #tpu.memory_space<vmem>>
      %dma_start3A_233 = arith.constant 0 : i32
      %dma_start3A_234 = arith.constant 0 : i32
      %dma_start3A_235 = tpu.memref_slice %arg3[%dma_start3A_233, %dma_start3A_234] : memref<800000x128xi32, #tpu.memory_space<hbm>> -> memref<800000x128xi32, #tpu.memory_space<hbm>>
      tpu.enqueue_indirect_dma source(%dma_start3A_235 : memref<800000x128xi32, #tpu.memory_space<hbm>>) target(%arg9 : memref<128x128xi32, #tpu.memory_space<vmem>>) offsets(%dma_start3A_232 : memref<128xi32, #tpu.memory_space<vmem>>) semaphore(%arg13 : memref<!tpu.dma_semaphore, #tpu.memory_space<semaphore_mem>>)
      %dma_wait3A_236 = arith.constant 1152 : i32
      %dma_wait3A_237 = tpu.memref_slice %arg7[%dma_wait3A_236] : memref<2048xi32, #tpu.memory_space<vmem>> -> memref<128xi32, #tpu.memory_space<vmem>>
      %dma_wait3A_238 = arith.constant 0 : i32
      %dma_wait3A_239 = arith.constant 0 : i32
      %dma_wait3A_240 = tpu.memref_slice %arg3[%dma_wait3A_238, %dma_wait3A_239] : memref<800000x128xi32, #tpu.memory_space<hbm>> -> memref<800000x128xi32, #tpu.memory_space<hbm>>
      tpu.wait_indirect_dma semaphore(%arg14 : memref<!tpu.dma_semaphore, #tpu.memory_space<semaphore_mem>>) src(%dma_wait3A_240 : memref<800000x128xi32, #tpu.memory_space<hbm>>) dst(%arg10 : memref<128x128xi32, #tpu.memory_space<vmem>>)
      %iota3A_241 = tpu.iota {dimensions = array<i32: 0>} : vector<16xi32>
      %scan3A_242 = arith.constant 14.2857141 : f32
      %scan3A_243 = arith.constant 0 : i32
      %scan3A_244 = arith.constant 0 : i32
      %scan3A_245 = arith.constant 8 : i32
      %scan3A_246 = arith.addi %scan3A_244, %scan3A_245 : i32
      %scan3A_247 = arith.constant 1 : i32
      %scan3A_248 = scf.for %scan3A_360 = %scan3A_244 to %scan3A_246 step %scan3A_247 iter_args(%scan3A_361 = %scan3A_243) -> (i32)  : i32 {
        %mul3A_362 = arith.constant 16 : i32
        %mul3A_363 = arith.muli %scan3A_360, %mul3A_362 : i32
        %add3A_364 = vector.broadcast %mul3A_363 : i32 to vector<16xi32>
        %add3A_365 = arith.addi %add3A_364, %iota3A_241 : vector<16xi32>
        %mul3A_366 = arith.constant 16 : i32
        %mul3A_367 = arith.muli %scan3A_360, %mul3A_366 : i32
        %add3A_368 = arith.constant 1152 : i32
        %add3A_369 = arith.addi %add3A_368, %mul3A_367 : i32
        %get3A = arith.index_cast %add3A_369 : i32 to index
        %get3A_370 = tpu.vector_load %arg8[%get3A] {strides = array<i32>} : memref<2048xi32, #tpu.memory_space<vmem>>, vector<16xi32>,
        %gather3A = tpu.vector_load_idx %arg10[%add3A_365, %get3A_370] : memref<128x128xi32, #tpu.memory_space<vmem>>[vector<16xi32>, vector<16xi32>], vector<16xi32>,
        %shift_left3A = arith.constant 16 : i32
        %shift_left3A_371 = vector.broadcast %shift_left3A : i32 to vector<16xi32>
        %shift_left3A_372 = arith.shli %gather3A, %shift_left3A_371 : vector<16xi32>
        %bitcast3A = vector.bitcast %shift_left3A_372 : vector<16xi32> to vector<16xf32>
        %bitcast3A_373 = vector.bitcast %gather3A : vector<16xi32> to vector<16xf32>
        %mul3A_374 = vector.broadcast %scan3A_242 : f32 to vector<16xf32>
        %mul3A_375 = arith.mulf %bitcast3A, %mul3A_374 : vector<16xf32>
        %exp3A = math.exp %mul3A_375 : vector<16xf32>
        %mul3A_376 = arith.constant 16 : i32
        %mul3A_377 = arith.muli %scan3A_360, %mul3A_376 : i32
        %add3A_378 = arith.constant 1152 : i32
        %add3A_379 = arith.addi %add3A_378, %mul3A_377 : i32
        %swap3A = arith.index_cast %add3A_379 : i32 to index
        %swap3A_380 = tpu.vector_load %arg11[%swap3A] {strides = array<i32>} : memref<2048xf32, #tpu.memory_space<vmem>>, vector<16xf32>,
        tpu.vector_store %arg11[%swap3A], %exp3A {strides = array<i32>} : memref<2048xf32, #tpu.memory_space<vmem>>, vector<16xf32>,
        %mul3A_381 = vector.broadcast %scan3A_242 : f32 to vector<16xf32>
        %mul3A_382 = arith.mulf %bitcast3A_373, %mul3A_381 : vector<16xf32>
        %exp3A_383 = math.exp %mul3A_382 : vector<16xf32>
        %mul3A_384 = arith.constant 16 : i32
        %mul3A_385 = arith.muli %scan3A_360, %mul3A_384 : i32
        %add3A_386 = arith.constant 1152 : i32
        %add3A_387 = arith.addi %add3A_386, %mul3A_385 : i32
        %swap3A_388 = arith.index_cast %add3A_387 : i32 to index
        %swap3A_389 = tpu.vector_load %arg12[%swap3A_388] {strides = array<i32>} : memref<2048xf32, #tpu.memory_space<vmem>>, vector<16xf32>,
        tpu.vector_store %arg12[%swap3A_388], %exp3A_383 {strides = array<i32>} : memref<2048xf32, #tpu.memory_space<vmem>>, vector<16xf32>,
        %scan3A_390 = arith.constant 0 : i32
        scf.yield %scan3A_390 : i32
      }
      %scan3A_249 = arith.constant 8 : i32
      %dma_start3A_250 = arith.constant 1408 : i32
      %dma_start3A_251 = tpu.memref_slice %arg7[%dma_start3A_250] : memref<2048xi32, #tpu.memory_space<vmem>> -> memref<128xi32, #tpu.memory_space<vmem>>
      %dma_start3A_252 = arith.constant 0 : i32
      %dma_start3A_253 = arith.constant 0 : i32
      %dma_start3A_254 = tpu.memref_slice %arg3[%dma_start3A_252, %dma_start3A_253] : memref<800000x128xi32, #tpu.memory_space<hbm>> -> memref<800000x128xi32, #tpu.memory_space<hbm>>
      tpu.enqueue_indirect_dma source(%dma_start3A_254 : memref<800000x128xi32, #tpu.memory_space<hbm>>) target(%arg10 : memref<128x128xi32, #tpu.memory_space<vmem>>) offsets(%dma_start3A_251 : memref<128xi32, #tpu.memory_space<vmem>>) semaphore(%arg14 : memref<!tpu.dma_semaphore, #tpu.memory_space<semaphore_mem>>)
      %dma_wait3A_255 = arith.constant 1280 : i32
      %dma_wait3A_256 = tpu.memref_slice %arg7[%dma_wait3A_255] : memref<2048xi32, #tpu.memory_space<vmem>> -> memref<128xi32, #tpu.memory_space<vmem>>
      %dma_wait3A_257 = arith.constant 0 : i32
      %dma_wait3A_258 = arith.constant 0 : i32
      %dma_wait3A_259 = tpu.memref_slice %arg3[%dma_wait3A_257, %dma_wait3A_258] : memref<800000x128xi32, #tpu.memory_space<hbm>> -> memref<800000x128xi32, #tpu.memory_space<hbm>>
      tpu.wait_indirect_dma semaphore(%arg13 : memref<!tpu.dma_semaphore, #tpu.memory_space<semaphore_mem>>) src(%dma_wait3A_259 : memref<800000x128xi32, #tpu.memory_space<hbm>>) dst(%arg9 : memref<128x128xi32, #tpu.memory_space<vmem>>)
      %iota3A_260 = tpu.iota {dimensions = array<i32: 0>} : vector<16xi32>
      %scan3A_261 = arith.constant 14.2857141 : f32
      %scan3A_262 = arith.constant 0 : i32
      %scan3A_263 = arith.constant 0 : i32
      %scan3A_264 = arith.constant 8 : i32
      %scan3A_265 = arith.addi %scan3A_263, %scan3A_264 : i32
      %scan3A_266 = arith.constant 1 : i32
      %scan3A_267 = scf.for %scan3A_360 = %scan3A_263 to %scan3A_265 step %scan3A_266 iter_args(%scan3A_361 = %scan3A_262) -> (i32)  : i32 {
        %mul3A_362 = arith.constant 16 : i32
        %mul3A_363 = arith.muli %scan3A_360, %mul3A_362 : i32
        %add3A_364 = vector.broadcast %mul3A_363 : i32 to vector<16xi32>
        %add3A_365 = arith.addi %add3A_364, %iota3A_260 : vector<16xi32>
        %mul3A_366 = arith.constant 16 : i32
        %mul3A_367 = arith.muli %scan3A_360, %mul3A_366 : i32
        %add3A_368 = arith.constant 1280 : i32
        %add3A_369 = arith.addi %add3A_368, %mul3A_367 : i32
        %get3A = arith.index_cast %add3A_369 : i32 to index
        %get3A_370 = tpu.vector_load %arg8[%get3A] {strides = array<i32>} : memref<2048xi32, #tpu.memory_space<vmem>>, vector<16xi32>,
        %gather3A = tpu.vector_load_idx %arg9[%add3A_365, %get3A_370] : memref<128x128xi32, #tpu.memory_space<vmem>>[vector<16xi32>, vector<16xi32>], vector<16xi32>,
        %shift_left3A = arith.constant 16 : i32
        %shift_left3A_371 = vector.broadcast %shift_left3A : i32 to vector<16xi32>
        %shift_left3A_372 = arith.shli %gather3A, %shift_left3A_371 : vector<16xi32>
        %bitcast3A = vector.bitcast %shift_left3A_372 : vector<16xi32> to vector<16xf32>
        %bitcast3A_373 = vector.bitcast %gather3A : vector<16xi32> to vector<16xf32>
        %mul3A_374 = vector.broadcast %scan3A_261 : f32 to vector<16xf32>
        %mul3A_375 = arith.mulf %bitcast3A, %mul3A_374 : vector<16xf32>
        %exp3A = math.exp %mul3A_375 : vector<16xf32>
        %mul3A_376 = arith.constant 16 : i32
        %mul3A_377 = arith.muli %scan3A_360, %mul3A_376 : i32
        %add3A_378 = arith.constant 1280 : i32
        %add3A_379 = arith.addi %add3A_378, %mul3A_377 : i32
        %swap3A = arith.index_cast %add3A_379 : i32 to index
        %swap3A_380 = tpu.vector_load %arg11[%swap3A] {strides = array<i32>} : memref<2048xf32, #tpu.memory_space<vmem>>, vector<16xf32>,
        tpu.vector_store %arg11[%swap3A], %exp3A {strides = array<i32>} : memref<2048xf32, #tpu.memory_space<vmem>>, vector<16xf32>,
        %mul3A_381 = vector.broadcast %scan3A_261 : f32 to vector<16xf32>
        %mul3A_382 = arith.mulf %bitcast3A_373, %mul3A_381 : vector<16xf32>
        %exp3A_383 = math.exp %mul3A_382 : vector<16xf32>
        %mul3A_384 = arith.constant 16 : i32
        %mul3A_385 = arith.muli %scan3A_360, %mul3A_384 : i32
        %add3A_386 = arith.constant 1280 : i32
        %add3A_387 = arith.addi %add3A_386, %mul3A_385 : i32
        %swap3A_388 = arith.index_cast %add3A_387 : i32 to index
        %swap3A_389 = tpu.vector_load %arg12[%swap3A_388] {strides = array<i32>} : memref<2048xf32, #tpu.memory_space<vmem>>, vector<16xf32>,
        tpu.vector_store %arg12[%swap3A_388], %exp3A_383 {strides = array<i32>} : memref<2048xf32, #tpu.memory_space<vmem>>, vector<16xf32>,
        %scan3A_390 = arith.constant 0 : i32
        scf.yield %scan3A_390 : i32
      }
      %scan3A_268 = arith.constant 8 : i32
      %dma_start3A_269 = arith.constant 1536 : i32
      %dma_start3A_270 = tpu.memref_slice %arg7[%dma_start3A_269] : memref<2048xi32, #tpu.memory_space<vmem>> -> memref<128xi32, #tpu.memory_space<vmem>>
      %dma_start3A_271 = arith.constant 0 : i32
      %dma_start3A_272 = arith.constant 0 : i32
      %dma_start3A_273 = tpu.memref_slice %arg3[%dma_start3A_271, %dma_start3A_272] : memref<800000x128xi32, #tpu.memory_space<hbm>> -> memref<800000x128xi32, #tpu.memory_space<hbm>>
      tpu.enqueue_indirect_dma source(%dma_start3A_273 : memref<800000x128xi32, #tpu.memory_space<hbm>>) target(%arg9 : memref<128x128xi32, #tpu.memory_space<vmem>>) offsets(%dma_start3A_270 : memref<128xi32, #tpu.memory_space<vmem>>) semaphore(%arg13 : memref<!tpu.dma_semaphore, #tpu.memory_space<semaphore_mem>>)
      %dma_wait3A_274 = arith.constant 1408 : i32
      %dma_wait3A_275 = tpu.memref_slice %arg7[%dma_wait3A_274] : memref<2048xi32, #tpu.memory_space<vmem>> -> memref<128xi32, #tpu.memory_space<vmem>>
      %dma_wait3A_276 = arith.constant 0 : i32
      %dma_wait3A_277 = arith.constant 0 : i32
      %dma_wait3A_278 = tpu.memref_slice %arg3[%dma_wait3A_276, %dma_wait3A_277] : memref<800000x128xi32, #tpu.memory_space<hbm>> -> memref<800000x128xi32, #tpu.memory_space<hbm>>
      tpu.wait_indirect_dma semaphore(%arg14 : memref<!tpu.dma_semaphore, #tpu.memory_space<semaphore_mem>>) src(%dma_wait3A_278 : memref<800000x128xi32, #tpu.memory_space<hbm>>) dst(%arg10 : memref<128x128xi32, #tpu.memory_space<vmem>>)
      %iota3A_279 = tpu.iota {dimensions = array<i32: 0>} : vector<16xi32>
      %scan3A_280 = arith.constant 14.2857141 : f32
      %scan3A_281 = arith.constant 0 : i32
      %scan3A_282 = arith.constant 0 : i32
      %scan3A_283 = arith.constant 8 : i32
      %scan3A_284 = arith.addi %scan3A_282, %scan3A_283 : i32
      %scan3A_285 = arith.constant 1 : i32
      %scan3A_286 = scf.for %scan3A_360 = %scan3A_282 to %scan3A_284 step %scan3A_285 iter_args(%scan3A_361 = %scan3A_281) -> (i32)  : i32 {
        %mul3A_362 = arith.constant 16 : i32
        %mul3A_363 = arith.muli %scan3A_360, %mul3A_362 : i32
        %add3A_364 = vector.broadcast %mul3A_363 : i32 to vector<16xi32>
        %add3A_365 = arith.addi %add3A_364, %iota3A_279 : vector<16xi32>
        %mul3A_366 = arith.constant 16 : i32
        %mul3A_367 = arith.muli %scan3A_360, %mul3A_366 : i32
        %add3A_368 = arith.constant 1408 : i32
        %add3A_369 = arith.addi %add3A_368, %mul3A_367 : i32
        %get3A = arith.index_cast %add3A_369 : i32 to index
        %get3A_370 = tpu.vector_load %arg8[%get3A] {strides = array<i32>} : memref<2048xi32, #tpu.memory_space<vmem>>, vector<16xi32>,
        %gather3A = tpu.vector_load_idx %arg10[%add3A_365, %get3A_370] : memref<128x128xi32, #tpu.memory_space<vmem>>[vector<16xi32>, vector<16xi32>], vector<16xi32>,
        %shift_left3A = arith.constant 16 : i32
        %shift_left3A_371 = vector.broadcast %shift_left3A : i32 to vector<16xi32>
        %shift_left3A_372 = arith.shli %gather3A, %shift_left3A_371 : vector<16xi32>
        %bitcast3A = vector.bitcast %shift_left3A_372 : vector<16xi32> to vector<16xf32>
        %bitcast3A_373 = vector.bitcast %gather3A : vector<16xi32> to vector<16xf32>
        %mul3A_374 = vector.broadcast %scan3A_280 : f32 to vector<16xf32>
        %mul3A_375 = arith.mulf %bitcast3A, %mul3A_374 : vector<16xf32>
        %exp3A = math.exp %mul3A_375 : vector<16xf32>
        %mul3A_376 = arith.constant 16 : i32
        %mul3A_377 = arith.muli %scan3A_360, %mul3A_376 : i32
        %add3A_378 = arith.constant 1408 : i32
        %add3A_379 = arith.addi %add3A_378, %mul3A_377 : i32
        %swap3A = arith.index_cast %add3A_379 : i32 to index
        %swap3A_380 = tpu.vector_load %arg11[%swap3A] {strides = array<i32>} : memref<2048xf32, #tpu.memory_space<vmem>>, vector<16xf32>,
        tpu.vector_store %arg11[%swap3A], %exp3A {strides = array<i32>} : memref<2048xf32, #tpu.memory_space<vmem>>, vector<16xf32>,
        %mul3A_381 = vector.broadcast %scan3A_280 : f32 to vector<16xf32>
        %mul3A_382 = arith.mulf %bitcast3A_373, %mul3A_381 : vector<16xf32>
        %exp3A_383 = math.exp %mul3A_382 : vector<16xf32>
        %mul3A_384 = arith.constant 16 : i32
        %mul3A_385 = arith.muli %scan3A_360, %mul3A_384 : i32
        %add3A_386 = arith.constant 1408 : i32
        %add3A_387 = arith.addi %add3A_386, %mul3A_385 : i32
        %swap3A_388 = arith.index_cast %add3A_387 : i32 to index
        %swap3A_389 = tpu.vector_load %arg12[%swap3A_388] {strides = array<i32>} : memref<2048xf32, #tpu.memory_space<vmem>>, vector<16xf32>,
        tpu.vector_store %arg12[%swap3A_388], %exp3A_383 {strides = array<i32>} : memref<2048xf32, #tpu.memory_space<vmem>>, vector<16xf32>,
        %scan3A_390 = arith.constant 0 : i32
        scf.yield %scan3A_390 : i32
      }
      %scan3A_287 = arith.constant 8 : i32
      %dma_start3A_288 = arith.constant 1664 : i32
      %dma_start3A_289 = tpu.memref_slice %arg7[%dma_start3A_288] : memref<2048xi32, #tpu.memory_space<vmem>> -> memref<128xi32, #tpu.memory_space<vmem>>
      %dma_start3A_290 = arith.constant 0 : i32
      %dma_start3A_291 = arith.constant 0 : i32
      %dma_start3A_292 = tpu.memref_slice %arg3[%dma_start3A_290, %dma_start3A_291] : memref<800000x128xi32, #tpu.memory_space<hbm>> -> memref<800000x128xi32, #tpu.memory_space<hbm>>
      tpu.enqueue_indirect_dma source(%dma_start3A_292 : memref<800000x128xi32, #tpu.memory_space<hbm>>) target(%arg10 : memref<128x128xi32, #tpu.memory_space<vmem>>) offsets(%dma_start3A_289 : memref<128xi32, #tpu.memory_space<vmem>>) semaphore(%arg14 : memref<!tpu.dma_semaphore, #tpu.memory_space<semaphore_mem>>)
      %dma_wait3A_293 = arith.constant 1536 : i32
      %dma_wait3A_294 = tpu.memref_slice %arg7[%dma_wait3A_293] : memref<2048xi32, #tpu.memory_space<vmem>> -> memref<128xi32, #tpu.memory_space<vmem>>
      %dma_wait3A_295 = arith.constant 0 : i32
      %dma_wait3A_296 = arith.constant 0 : i32
      %dma_wait3A_297 = tpu.memref_slice %arg3[%dma_wait3A_295, %dma_wait3A_296] : memref<800000x128xi32, #tpu.memory_space<hbm>> -> memref<800000x128xi32, #tpu.memory_space<hbm>>
      tpu.wait_indirect_dma semaphore(%arg13 : memref<!tpu.dma_semaphore, #tpu.memory_space<semaphore_mem>>) src(%dma_wait3A_297 : memref<800000x128xi32, #tpu.memory_space<hbm>>) dst(%arg9 : memref<128x128xi32, #tpu.memory_space<vmem>>)
      %iota3A_298 = tpu.iota {dimensions = array<i32: 0>} : vector<16xi32>
      %scan3A_299 = arith.constant 14.2857141 : f32
      %scan3A_300 = arith.constant 0 : i32
      %scan3A_301 = arith.constant 0 : i32
      %scan3A_302 = arith.constant 8 : i32
      %scan3A_303 = arith.addi %scan3A_301, %scan3A_302 : i32
      %scan3A_304 = arith.constant 1 : i32
      %scan3A_305 = scf.for %scan3A_360 = %scan3A_301 to %scan3A_303 step %scan3A_304 iter_args(%scan3A_361 = %scan3A_300) -> (i32)  : i32 {
        %mul3A_362 = arith.constant 16 : i32
        %mul3A_363 = arith.muli %scan3A_360, %mul3A_362 : i32
        %add3A_364 = vector.broadcast %mul3A_363 : i32 to vector<16xi32>
        %add3A_365 = arith.addi %add3A_364, %iota3A_298 : vector<16xi32>
        %mul3A_366 = arith.constant 16 : i32
        %mul3A_367 = arith.muli %scan3A_360, %mul3A_366 : i32
        %add3A_368 = arith.constant 1536 : i32
        %add3A_369 = arith.addi %add3A_368, %mul3A_367 : i32
        %get3A = arith.index_cast %add3A_369 : i32 to index
        %get3A_370 = tpu.vector_load %arg8[%get3A] {strides = array<i32>} : memref<2048xi32, #tpu.memory_space<vmem>>, vector<16xi32>,
        %gather3A = tpu.vector_load_idx %arg9[%add3A_365, %get3A_370] : memref<128x128xi32, #tpu.memory_space<vmem>>[vector<16xi32>, vector<16xi32>], vector<16xi32>,
        %shift_left3A = arith.constant 16 : i32
        %shift_left3A_371 = vector.broadcast %shift_left3A : i32 to vector<16xi32>
        %shift_left3A_372 = arith.shli %gather3A, %shift_left3A_371 : vector<16xi32>
        %bitcast3A = vector.bitcast %shift_left3A_372 : vector<16xi32> to vector<16xf32>
        %bitcast3A_373 = vector.bitcast %gather3A : vector<16xi32> to vector<16xf32>
        %mul3A_374 = vector.broadcast %scan3A_299 : f32 to vector<16xf32>
        %mul3A_375 = arith.mulf %bitcast3A, %mul3A_374 : vector<16xf32>
        %exp3A = math.exp %mul3A_375 : vector<16xf32>
        %mul3A_376 = arith.constant 16 : i32
        %mul3A_377 = arith.muli %scan3A_360, %mul3A_376 : i32
        %add3A_378 = arith.constant 1536 : i32
        %add3A_379 = arith.addi %add3A_378, %mul3A_377 : i32
        %swap3A = arith.index_cast %add3A_379 : i32 to index
        %swap3A_380 = tpu.vector_load %arg11[%swap3A] {strides = array<i32>} : memref<2048xf32, #tpu.memory_space<vmem>>, vector<16xf32>,
        tpu.vector_store %arg11[%swap3A], %exp3A {strides = array<i32>} : memref<2048xf32, #tpu.memory_space<vmem>>, vector<16xf32>,
        %mul3A_381 = vector.broadcast %scan3A_299 : f32 to vector<16xf32>
        %mul3A_382 = arith.mulf %bitcast3A_373, %mul3A_381 : vector<16xf32>
        %exp3A_383 = math.exp %mul3A_382 : vector<16xf32>
        %mul3A_384 = arith.constant 16 : i32
        %mul3A_385 = arith.muli %scan3A_360, %mul3A_384 : i32
        %add3A_386 = arith.constant 1536 : i32
        %add3A_387 = arith.addi %add3A_386, %mul3A_385 : i32
        %swap3A_388 = arith.index_cast %add3A_387 : i32 to index
        %swap3A_389 = tpu.vector_load %arg12[%swap3A_388] {strides = array<i32>} : memref<2048xf32, #tpu.memory_space<vmem>>, vector<16xf32>,
        tpu.vector_store %arg12[%swap3A_388], %exp3A_383 {strides = array<i32>} : memref<2048xf32, #tpu.memory_space<vmem>>, vector<16xf32>,
        %scan3A_390 = arith.constant 0 : i32
        scf.yield %scan3A_390 : i32
      }
      %scan3A_306 = arith.constant 8 : i32
      %dma_start3A_307 = arith.constant 1792 : i32
      %dma_start3A_308 = tpu.memref_slice %arg7[%dma_start3A_307] : memref<2048xi32, #tpu.memory_space<vmem>> -> memref<128xi32, #tpu.memory_space<vmem>>
      %dma_start3A_309 = arith.constant 0 : i32
      %dma_start3A_310 = arith.constant 0 : i32
      %dma_start3A_311 = tpu.memref_slice %arg3[%dma_start3A_309, %dma_start3A_310] : memref<800000x128xi32, #tpu.memory_space<hbm>> -> memref<800000x128xi32, #tpu.memory_space<hbm>>
      tpu.enqueue_indirect_dma source(%dma_start3A_311 : memref<800000x128xi32, #tpu.memory_space<hbm>>) target(%arg9 : memref<128x128xi32, #tpu.memory_space<vmem>>) offsets(%dma_start3A_308 : memref<128xi32, #tpu.memory_space<vmem>>) semaphore(%arg13 : memref<!tpu.dma_semaphore, #tpu.memory_space<semaphore_mem>>)
      %dma_wait3A_312 = arith.constant 1664 : i32
      %dma_wait3A_313 = tpu.memref_slice %arg7[%dma_wait3A_312] : memref<2048xi32, #tpu.memory_space<vmem>> -> memref<128xi32, #tpu.memory_space<vmem>>
      %dma_wait3A_314 = arith.constant 0 : i32
      %dma_wait3A_315 = arith.constant 0 : i32
      %dma_wait3A_316 = tpu.memref_slice %arg3[%dma_wait3A_314, %dma_wait3A_315] : memref<800000x128xi32, #tpu.memory_space<hbm>> -> memref<800000x128xi32, #tpu.memory_space<hbm>>
      tpu.wait_indirect_dma semaphore(%arg14 : memref<!tpu.dma_semaphore, #tpu.memory_space<semaphore_mem>>) src(%dma_wait3A_316 : memref<800000x128xi32, #tpu.memory_space<hbm>>) dst(%arg10 : memref<128x128xi32, #tpu.memory_space<vmem>>)
      %iota3A_317 = tpu.iota {dimensions = array<i32: 0>} : vector<16xi32>
      %scan3A_318 = arith.constant 14.2857141 : f32
      %scan3A_319 = arith.constant 0 : i32
      %scan3A_320 = arith.constant 0 : i32
      %scan3A_321 = arith.constant 8 : i32
      %scan3A_322 = arith.addi %scan3A_320, %scan3A_321 : i32
      %scan3A_323 = arith.constant 1 : i32
      %scan3A_324 = scf.for %scan3A_360 = %scan3A_320 to %scan3A_322 step %scan3A_323 iter_args(%scan3A_361 = %scan3A_319) -> (i32)  : i32 {
        %mul3A_362 = arith.constant 16 : i32
        %mul3A_363 = arith.muli %scan3A_360, %mul3A_362 : i32
        %add3A_364 = vector.broadcast %mul3A_363 : i32 to vector<16xi32>
        %add3A_365 = arith.addi %add3A_364, %iota3A_317 : vector<16xi32>
        %mul3A_366 = arith.constant 16 : i32
        %mul3A_367 = arith.muli %scan3A_360, %mul3A_366 : i32
        %add3A_368 = arith.constant 1664 : i32
        %add3A_369 = arith.addi %add3A_368, %mul3A_367 : i32
        %get3A = arith.index_cast %add3A_369 : i32 to index
        %get3A_370 = tpu.vector_load %arg8[%get3A] {strides = array<i32>} : memref<2048xi32, #tpu.memory_space<vmem>>, vector<16xi32>,
        %gather3A = tpu.vector_load_idx %arg10[%add3A_365, %get3A_370] : memref<128x128xi32, #tpu.memory_space<vmem>>[vector<16xi32>, vector<16xi32>], vector<16xi32>,
        %shift_left3A = arith.constant 16 : i32
        %shift_left3A_371 = vector.broadcast %shift_left3A : i32 to vector<16xi32>
        %shift_left3A_372 = arith.shli %gather3A, %shift_left3A_371 : vector<16xi32>
        %bitcast3A = vector.bitcast %shift_left3A_372 : vector<16xi32> to vector<16xf32>
        %bitcast3A_373 = vector.bitcast %gather3A : vector<16xi32> to vector<16xf32>
        %mul3A_374 = vector.broadcast %scan3A_318 : f32 to vector<16xf32>
        %mul3A_375 = arith.mulf %bitcast3A, %mul3A_374 : vector<16xf32>
        %exp3A = math.exp %mul3A_375 : vector<16xf32>
        %mul3A_376 = arith.constant 16 : i32
        %mul3A_377 = arith.muli %scan3A_360, %mul3A_376 : i32
        %add3A_378 = arith.constant 1664 : i32
        %add3A_379 = arith.addi %add3A_378, %mul3A_377 : i32
        %swap3A = arith.index_cast %add3A_379 : i32 to index
        %swap3A_380 = tpu.vector_load %arg11[%swap3A] {strides = array<i32>} : memref<2048xf32, #tpu.memory_space<vmem>>, vector<16xf32>,
        tpu.vector_store %arg11[%swap3A], %exp3A {strides = array<i32>} : memref<2048xf32, #tpu.memory_space<vmem>>, vector<16xf32>,
        %mul3A_381 = vector.broadcast %scan3A_318 : f32 to vector<16xf32>
        %mul3A_382 = arith.mulf %bitcast3A_373, %mul3A_381 : vector<16xf32>
        %exp3A_383 = math.exp %mul3A_382 : vector<16xf32>
        %mul3A_384 = arith.constant 16 : i32
        %mul3A_385 = arith.muli %scan3A_360, %mul3A_384 : i32
        %add3A_386 = arith.constant 1664 : i32
        %add3A_387 = arith.addi %add3A_386, %mul3A_385 : i32
        %swap3A_388 = arith.index_cast %add3A_387 : i32 to index
        %swap3A_389 = tpu.vector_load %arg12[%swap3A_388] {strides = array<i32>} : memref<2048xf32, #tpu.memory_space<vmem>>, vector<16xf32>,
        tpu.vector_store %arg12[%swap3A_388], %exp3A_383 {strides = array<i32>} : memref<2048xf32, #tpu.memory_space<vmem>>, vector<16xf32>,
        %scan3A_390 = arith.constant 0 : i32
        scf.yield %scan3A_390 : i32
      }
      %scan3A_325 = arith.constant 8 : i32
      %dma_start3A_326 = arith.constant 1920 : i32
      %dma_start3A_327 = tpu.memref_slice %arg7[%dma_start3A_326] : memref<2048xi32, #tpu.memory_space<vmem>> -> memref<128xi32, #tpu.memory_space<vmem>>
      %dma_start3A_328 = arith.constant 0 : i32
      %dma_start3A_329 = arith.constant 0 : i32
      %dma_start3A_330 = tpu.memref_slice %arg3[%dma_start3A_328, %dma_start3A_329] : memref<800000x128xi32, #tpu.memory_space<hbm>> -> memref<800000x128xi32, #tpu.memory_space<hbm>>
      tpu.enqueue_indirect_dma source(%dma_start3A_330 : memref<800000x128xi32, #tpu.memory_space<hbm>>) target(%arg10 : memref<128x128xi32, #tpu.memory_space<vmem>>) offsets(%dma_start3A_327 : memref<128xi32, #tpu.memory_space<vmem>>) semaphore(%arg14 : memref<!tpu.dma_semaphore, #tpu.memory_space<semaphore_mem>>)
      %dma_wait3A_331 = arith.constant 1792 : i32
      %dma_wait3A_332 = tpu.memref_slice %arg7[%dma_wait3A_331] : memref<2048xi32, #tpu.memory_space<vmem>> -> memref<128xi32, #tpu.memory_space<vmem>>
      %dma_wait3A_333 = arith.constant 0 : i32
      %dma_wait3A_334 = arith.constant 0 : i32
      %dma_wait3A_335 = tpu.memref_slice %arg3[%dma_wait3A_333, %dma_wait3A_334] : memref<800000x128xi32, #tpu.memory_space<hbm>> -> memref<800000x128xi32, #tpu.memory_space<hbm>>
      tpu.wait_indirect_dma semaphore(%arg13 : memref<!tpu.dma_semaphore, #tpu.memory_space<semaphore_mem>>) src(%dma_wait3A_335 : memref<800000x128xi32, #tpu.memory_space<hbm>>) dst(%arg9 : memref<128x128xi32, #tpu.memory_space<vmem>>)
      %iota3A_336 = tpu.iota {dimensions = array<i32: 0>} : vector<16xi32>
      %scan3A_337 = arith.constant 14.2857141 : f32
      %scan3A_338 = arith.constant 0 : i32
      %scan3A_339 = arith.constant 0 : i32
      %scan3A_340 = arith.constant 8 : i32
      %scan3A_341 = arith.addi %scan3A_339, %scan3A_340 : i32
      %scan3A_342 = arith.constant 1 : i32
      %scan3A_343 = scf.for %scan3A_360 = %scan3A_339 to %scan3A_341 step %scan3A_342 iter_args(%scan3A_361 = %scan3A_338) -> (i32)  : i32 {
        %mul3A_362 = arith.constant 16 : i32
        %mul3A_363 = arith.muli %scan3A_360, %mul3A_362 : i32
        %add3A_364 = vector.broadcast %mul3A_363 : i32 to vector<16xi32>
        %add3A_365 = arith.addi %add3A_364, %iota3A_336 : vector<16xi32>
        %mul3A_366 = arith.constant 16 : i32
        %mul3A_367 = arith.muli %scan3A_360, %mul3A_366 : i32
        %add3A_368 = arith.constant 1792 : i32
        %add3A_369 = arith.addi %add3A_368, %mul3A_367 : i32
        %get3A = arith.index_cast %add3A_369 : i32 to index
        %get3A_370 = tpu.vector_load %arg8[%get3A] {strides = array<i32>} : memref<2048xi32, #tpu.memory_space<vmem>>, vector<16xi32>,
        %gather3A = tpu.vector_load_idx %arg9[%add3A_365, %get3A_370] : memref<128x128xi32, #tpu.memory_space<vmem>>[vector<16xi32>, vector<16xi32>], vector<16xi32>,
        %shift_left3A = arith.constant 16 : i32
        %shift_left3A_371 = vector.broadcast %shift_left3A : i32 to vector<16xi32>
        %shift_left3A_372 = arith.shli %gather3A, %shift_left3A_371 : vector<16xi32>
        %bitcast3A = vector.bitcast %shift_left3A_372 : vector<16xi32> to vector<16xf32>
        %bitcast3A_373 = vector.bitcast %gather3A : vector<16xi32> to vector<16xf32>
        %mul3A_374 = vector.broadcast %scan3A_337 : f32 to vector<16xf32>
        %mul3A_375 = arith.mulf %bitcast3A, %mul3A_374 : vector<16xf32>
        %exp3A = math.exp %mul3A_375 : vector<16xf32>
        %mul3A_376 = arith.constant 16 : i32
        %mul3A_377 = arith.muli %scan3A_360, %mul3A_376 : i32
        %add3A_378 = arith.constant 1792 : i32
        %add3A_379 = arith.addi %add3A_378, %mul3A_377 : i32
        %swap3A = arith.index_cast %add3A_379 : i32 to index
        %swap3A_380 = tpu.vector_load %arg11[%swap3A] {strides = array<i32>} : memref<2048xf32, #tpu.memory_space<vmem>>, vector<16xf32>,
        tpu.vector_store %arg11[%swap3A], %exp3A {strides = array<i32>} : memref<2048xf32, #tpu.memory_space<vmem>>, vector<16xf32>,
        %mul3A_381 = vector.broadcast %scan3A_337 : f32 to vector<16xf32>
        %mul3A_382 = arith.mulf %bitcast3A_373, %mul3A_381 : vector<16xf32>
        %exp3A_383 = math.exp %mul3A_382 : vector<16xf32>
        %mul3A_384 = arith.constant 16 : i32
        %mul3A_385 = arith.muli %scan3A_360, %mul3A_384 : i32
        %add3A_386 = arith.constant 1792 : i32
        %add3A_387 = arith.addi %add3A_386, %mul3A_385 : i32
        %swap3A_388 = arith.index_cast %add3A_387 : i32 to index
        %swap3A_389 = tpu.vector_load %arg12[%swap3A_388] {strides = array<i32>} : memref<2048xf32, #tpu.memory_space<vmem>>, vector<16xf32>,
        tpu.vector_store %arg12[%swap3A_388], %exp3A_383 {strides = array<i32>} : memref<2048xf32, #tpu.memory_space<vmem>>, vector<16xf32>,
        %scan3A_390 = arith.constant 0 : i32
        scf.yield %scan3A_390 : i32
      }
      %scan3A_344 = arith.constant 8 : i32
      %dma_wait3A_345 = arith.constant 1920 : i32
      %dma_wait3A_346 = tpu.memref_slice %arg7[%dma_wait3A_345] : memref<2048xi32, #tpu.memory_space<vmem>> -> memref<128xi32, #tpu.memory_space<vmem>>
      %dma_wait3A_347 = arith.constant 0 : i32
      %dma_wait3A_348 = arith.constant 0 : i32
      %dma_wait3A_349 = tpu.memref_slice %arg3[%dma_wait3A_347, %dma_wait3A_348] : memref<800000x128xi32, #tpu.memory_space<hbm>> -> memref<800000x128xi32, #tpu.memory_space<hbm>>
      tpu.wait_indirect_dma semaphore(%arg14 : memref<!tpu.dma_semaphore, #tpu.memory_space<semaphore_mem>>) src(%dma_wait3A_349 : memref<800000x128xi32, #tpu.memory_space<hbm>>) dst(%arg10 : memref<128x128xi32, #tpu.memory_space<vmem>>)
      %iota3A_350 = tpu.iota {dimensions = array<i32: 0>} : vector<16xi32>
      %scan3A_351 = arith.constant 14.2857141 : f32
      %scan3A_352 = arith.constant 0 : i32
      %scan3A_353 = arith.constant 0 : i32
      %scan3A_354 = arith.constant 8 : i32
      %scan3A_355 = arith.addi %scan3A_353, %scan3A_354 : i32
      %scan3A_356 = arith.constant 1 : i32
      %scan3A_357 = scf.for %scan3A_360 = %scan3A_353 to %scan3A_355 step %scan3A_356 iter_args(%scan3A_361 = %scan3A_352) -> (i32)  : i32 {
        %mul3A_362 = arith.constant 16 : i32
        %mul3A_363 = arith.muli %scan3A_360, %mul3A_362 : i32
        %add3A_364 = vector.broadcast %mul3A_363 : i32 to vector<16xi32>
        %add3A_365 = arith.addi %add3A_364, %iota3A_350 : vector<16xi32>
        %mul3A_366 = arith.constant 16 : i32
        %mul3A_367 = arith.muli %scan3A_360, %mul3A_366 : i32
        %add3A_368 = arith.constant 1920 : i32
        %add3A_369 = arith.addi %add3A_368, %mul3A_367 : i32
        %get3A = arith.index_cast %add3A_369 : i32 to index
        %get3A_370 = tpu.vector_load %arg8[%get3A] {strides = array<i32>} : memref<2048xi32, #tpu.memory_space<vmem>>, vector<16xi32>,
        %gather3A = tpu.vector_load_idx %arg10[%add3A_365, %get3A_370] : memref<128x128xi32, #tpu.memory_space<vmem>>[vector<16xi32>, vector<16xi32>], vector<16xi32>,
        %shift_left3A = arith.constant 16 : i32
        %shift_left3A_371 = vector.broadcast %shift_left3A : i32 to vector<16xi32>
        %shift_left3A_372 = arith.shli %gather3A, %shift_left3A_371 : vector<16xi32>
        %bitcast3A = vector.bitcast %shift_left3A_372 : vector<16xi32> to vector<16xf32>
        %bitcast3A_373 = vector.bitcast %gather3A : vector<16xi32> to vector<16xf32>
        %mul3A_374 = vector.broadcast %scan3A_351 : f32 to vector<16xf32>
        %mul3A_375 = arith.mulf %bitcast3A, %mul3A_374 : vector<16xf32>
        %exp3A = math.exp %mul3A_375 : vector<16xf32>
        %mul3A_376 = arith.constant 16 : i32
        %mul3A_377 = arith.muli %scan3A_360, %mul3A_376 : i32
        %add3A_378 = arith.constant 1920 : i32
        %add3A_379 = arith.addi %add3A_378, %mul3A_377 : i32
        %swap3A = arith.index_cast %add3A_379 : i32 to index
        %swap3A_380 = tpu.vector_load %arg11[%swap3A] {strides = array<i32>} : memref<2048xf32, #tpu.memory_space<vmem>>, vector<16xf32>,
        tpu.vector_store %arg11[%swap3A], %exp3A {strides = array<i32>} : memref<2048xf32, #tpu.memory_space<vmem>>, vector<16xf32>,
        %mul3A_381 = vector.broadcast %scan3A_351 : f32 to vector<16xf32>
        %mul3A_382 = arith.mulf %bitcast3A_373, %mul3A_381 : vector<16xf32>
        %exp3A_383 = math.exp %mul3A_382 : vector<16xf32>
        %mul3A_384 = arith.constant 16 : i32
        %mul3A_385 = arith.muli %scan3A_360, %mul3A_384 : i32
        %add3A_386 = arith.constant 1920 : i32
        %add3A_387 = arith.addi %add3A_386, %mul3A_385 : i32
        %swap3A_388 = arith.index_cast %add3A_387 : i32 to index
        %swap3A_389 = tpu.vector_load %arg12[%swap3A_388] {strides = array<i32>} : memref<2048xf32, #tpu.memory_space<vmem>>, vector<16xf32>,
        tpu.vector_store %arg12[%swap3A_388], %exp3A_383 {strides = array<i32>} : memref<2048xf32, #tpu.memory_space<vmem>>, vector<16xf32>,
        %scan3A_390 = arith.constant 0 : i32
        scf.yield %scan3A_390 : i32
      }
      %scan3A_358 = arith.constant 8 : i32
      "tpu.region"() ({
        %run_scoped3A = tpu.sem_alloc : memref<!tpu.dma_semaphore, #tpu.memory_space<semaphore_mem>>
        %dma_start3A_360 = tpu.memref_slice %arg4[%multiple_of3A_46] : memref<1049600xf32, #tpu.memory_space<hbm>> -> memref<2048xf32, #tpu.memory_space<hbm>>
        %dma_start3A_361 = tpu.memref_slice %arg4[%multiple_of3A_46] : memref<1049600xf32, #tpu.memory_space<hbm>> -> memref<2048xf32, #tpu.memory_space<hbm>>
        tpu.enqueue_dma source(%arg11 : memref<2048xf32, #tpu.memory_space<vmem>>) target(%dma_start3A_361 : memref<2048xf32, #tpu.memory_space<hbm>>) target_semaphore(%run_scoped3A : memref<!tpu.dma_semaphore, #tpu.memory_space<semaphore_mem>>)
        %dma_wait3A_362 = tpu.memref_slice %arg4[%multiple_of3A_46] : memref<1049600xf32, #tpu.memory_space<hbm>> -> memref<2048xf32, #tpu.memory_space<hbm>>
        %dma_wait3A_363 = tpu.memref_slice %arg4[%multiple_of3A_46] : memref<1049600xf32, #tpu.memory_space<hbm>> -> memref<2048xf32, #tpu.memory_space<hbm>>
        tpu.wait_dma2 semaphore(%run_scoped3A : memref<!tpu.dma_semaphore, #tpu.memory_space<semaphore_mem>>) src(%arg11 : memref<2048xf32, #tpu.memory_space<vmem>>) dst(%dma_wait3A_363 : memref<2048xf32, #tpu.memory_space<hbm>>)
        tpu.yield
      }) : () -> ()
      "tpu.region"() ({
        %run_scoped3A = tpu.sem_alloc : memref<!tpu.dma_semaphore, #tpu.memory_space<semaphore_mem>>
        %dma_start3A_360 = tpu.memref_slice %arg5[%multiple_of3A_46] : memref<1049600xf32, #tpu.memory_space<hbm>> -> memref<2048xf32, #tpu.memory_space<hbm>>
        %dma_start3A_361 = tpu.memref_slice %arg5[%multiple_of3A_46] : memref<1049600xf32, #tpu.memory_space<hbm>> -> memref<2048xf32, #tpu.memory_space<hbm>>
        tpu.enqueue_dma source(%arg12 : memref<2048xf32, #tpu.memory_space<vmem>>) target(%dma_start3A_361 : memref<2048xf32, #tpu.memory_space<hbm>>) target_semaphore(%run_scoped3A : memref<!tpu.dma_semaphore, #tpu.memory_space<semaphore_mem>>)
        %dma_wait3A_362 = tpu.memref_slice %arg5[%multiple_of3A_46] : memref<1049600xf32, #tpu.memory_space<hbm>> -> memref<2048xf32, #tpu.memory_space<hbm>>
        %dma_wait3A_363 = tpu.memref_slice %arg5[%multiple_of3A_46] : memref<1049600xf32, #tpu.memory_space<hbm>> -> memref<2048xf32, #tpu.memory_space<hbm>>
        tpu.wait_dma2 semaphore(%run_scoped3A : memref<!tpu.dma_semaphore, #tpu.memory_space<semaphore_mem>>) src(%arg12 : memref<2048xf32, #tpu.memory_space<vmem>>) dst(%dma_wait3A_363 : memref<2048xf32, #tpu.memory_space<hbm>>)
        tpu.yield
      }) : () -> ()
      %scan3A_359 = arith.constant 0 : i32
      scf.yield %scan3A_359 : i32
    }
    %scan3A_8 = arith.constant 16 : i32
    %add3A_9 = arith.constant 32768 : i32
    %add3A_10 = arith.addi %mul3A_2, %add3A_9 : i32
    %multiple_of3A = tpu.assume_multiple %add3A_10, 8 : i32
    "tpu.region"() ({
      %run_scoped3A = tpu.sem_alloc : memref<!tpu.dma_semaphore, #tpu.memory_space<semaphore_mem>>
      %dma_start3A_41 = arith.constant 0 : i32
      %dma_start3A_42 = tpu.memref_slice %arg6[%dma_start3A_41] : memref<2048xi32, #tpu.memory_space<vmem>> -> memref<32xi32, #tpu.memory_space<vmem>>
      %dma_start3A_43 = tpu.memref_slice %arg2[%multiple_of3A] : memref<1049600xi32, #tpu.memory_space<hbm>> -> memref<32xi32, #tpu.memory_space<hbm>>
      %dma_start3A_44 = arith.constant 0 : i32
      %dma_start3A_45 = tpu.memref_slice %arg6[%dma_start3A_44] : memref<2048xi32, #tpu.memory_space<vmem>> -> memref<32xi32, #tpu.memory_space<vmem>>
      %dma_start3A_46 = tpu.memref_slice %arg2[%multiple_of3A] : memref<1049600xi32, #tpu.memory_space<hbm>> -> memref<32xi32, #tpu.memory_space<hbm>>
      tpu.enqueue_dma source(%dma_start3A_46 : memref<32xi32, #tpu.memory_space<hbm>>) target(%dma_start3A_45 : memref<32xi32, #tpu.memory_space<vmem>>) target_semaphore(%run_scoped3A : memref<!tpu.dma_semaphore, #tpu.memory_space<semaphore_mem>>)
      %dma_wait3A_47 = arith.constant 0 : i32
      %dma_wait3A_48 = tpu.memref_slice %arg6[%dma_wait3A_47] : memref<2048xi32, #tpu.memory_space<vmem>> -> memref<32xi32, #tpu.memory_space<vmem>>
      %dma_wait3A_49 = tpu.memref_slice %arg2[%multiple_of3A] : memref<1049600xi32, #tpu.memory_space<hbm>> -> memref<32xi32, #tpu.memory_space<hbm>>
      %dma_wait3A_50 = arith.constant 0 : i32
      %dma_wait3A_51 = tpu.memref_slice %arg6[%dma_wait3A_50] : memref<2048xi32, #tpu.memory_space<vmem>> -> memref<32xi32, #tpu.memory_space<vmem>>
      %dma_wait3A_52 = tpu.memref_slice %arg2[%multiple_of3A] : memref<1049600xi32, #tpu.memory_space<hbm>> -> memref<32xi32, #tpu.memory_space<hbm>>
      tpu.wait_dma2 semaphore(%run_scoped3A : memref<!tpu.dma_semaphore, #tpu.memory_space<semaphore_mem>>) src(%dma_wait3A_52 : memref<32xi32, #tpu.memory_space<hbm>>) dst(%dma_wait3A_51 : memref<32xi32, #tpu.memory_space<vmem>>)
      tpu.yield
    }) : () -> ()
    %iota3A = tpu.iota {dimensions = array<i32: 0>} : vector<16xi32>
    %scan3A_11 = arith.constant 0 : i32
    %scan3A_12 = arith.constant 0 : i32
    %scan3A_13 = arith.constant 2 : i32
    %scan3A_14 = arith.addi %scan3A_12, %scan3A_13 : i32
    %scan3A_15 = arith.constant 1 : i32
    %scan3A_16 = scf.for %scan3A_41 = %scan3A_12 to %scan3A_14 step %scan3A_15 iter_args(%scan3A_42 = %scan3A_11) -> (i32)  : i32 {
      %mul3A_43 = arith.constant 16 : i32
      %mul3A_44 = arith.muli %scan3A_41, %mul3A_43 : i32
      %add3A_45 = arith.addi %multiple_of3A, %mul3A_44 : i32
      %add3A_46 = vector.broadcast %add3A_45 : i32 to vector<16xi32>
      %add3A_47 = arith.addi %add3A_46, %iota3A : vector<16xi32>
      %mul3A_48 = arith.constant 16 : i32
      %mul3A_49 = arith.muli %scan3A_41, %mul3A_48 : i32
      %get3A = arith.index_cast %mul3A_49 : i32 to index
      %get3A_50 = tpu.vector_load %arg6[%get3A] {strides = array<i32>} : memref<2048xi32, #tpu.memory_space<vmem>>, vector<16xi32>,
      %shift_right_arithmetic3A = arith.constant 10 : i32
      %shift_right_arithmetic3A_51 = vector.broadcast %shift_right_arithmetic3A : i32 to vector<16xi32>
      %shift_right_arithmetic3A_52 = arith.shrsi %add3A_47, %shift_right_arithmetic3A_51 : vector<16xi32>
      %mul3A_53 = arith.constant 1025 : i32
      %mul3A_54 = vector.broadcast %mul3A_53 : i32 to vector<16xi32>
      %mul3A_55 = arith.muli %shift_right_arithmetic3A_52, %mul3A_54 : vector<16xi32>
      %gt3A = arith.cmpi sgt, %mul3A_55, %add3A_47 : vector<16xi32>
      %convert_element_type3A = arith.extui %gt3A : vector<16xi1> to vector<16xi32>
      %sub3A = arith.subi %shift_right_arithmetic3A_52, %convert_element_type3A : vector<16xi32>
      %mul3A_56 = arith.constant 1025 : i32
      %mul3A_57 = vector.broadcast %mul3A_56 : i32 to vector<16xi32>
      %mul3A_58 = arith.muli %sub3A, %mul3A_57 : vector<16xi32>
      %gt3A_59 = arith.cmpi sgt, %mul3A_58, %add3A_47 : vector<16xi32>
      %convert_element_type3A_60 = arith.extui %gt3A_59 : vector<16xi1> to vector<16xi32>
      %sub3A_61 = arith.subi %sub3A, %convert_element_type3A_60 : vector<16xi32>
      %mul3A_62 = arith.constant 8 : i32
      %mul3A_63 = vector.broadcast %mul3A_62 : i32 to vector<16xi32>
      %mul3A_64 = arith.muli %get3A_50, %mul3A_63 : vector<16xi32>
      %shift_right_arithmetic3A_65 = arith.constant 7 : i32
      %shift_right_arithmetic3A_66 = vector.broadcast %shift_right_arithmetic3A_65 : i32 to vector<16xi32>
      %shift_right_arithmetic3A_67 = arith.shrsi %sub3A_61, %shift_right_arithmetic3A_66 : vector<16xi32>
      %add3A_68 = arith.addi %mul3A_64, %shift_right_arithmetic3A_67 : vector<16xi32>
      %mul3A_69 = arith.constant 16 : i32
      %mul3A_70 = arith.muli %scan3A_41, %mul3A_69 : i32
      %swap3A = arith.index_cast %mul3A_70 : i32 to index
      %swap3A_71 = tpu.vector_load %arg7[%swap3A] {strides = array<i32>} : memref<2048xi32, #tpu.memory_space<vmem>>, vector<16xi32>,
      tpu.vector_store %arg7[%swap3A], %add3A_68 {strides = array<i32>} : memref<2048xi32, #tpu.memory_space<vmem>>, vector<16xi32>,
      %and3A = arith.constant 127 : i32
      %and3A_72 = vector.broadcast %and3A : i32 to vector<16xi32>
      %and3A_73 = arith.andi %sub3A_61, %and3A_72 : vector<16xi32>
      %mul3A_74 = arith.constant 16 : i32
      %mul3A_75 = arith.muli %scan3A_41, %mul3A_74 : i32
      %swap3A_76 = arith.index_cast %mul3A_75 : i32 to index
      %swap3A_77 = tpu.vector_load %arg8[%swap3A_76] {strides = array<i32>} : memref<2048xi32, #tpu.memory_space<vmem>>, vector<16xi32>,
      tpu.vector_store %arg8[%swap3A_76], %and3A_73 {strides = array<i32>} : memref<2048xi32, #tpu.memory_space<vmem>>, vector<16xi32>,
      %scan3A_78 = arith.constant 0 : i32
      scf.yield %scan3A_78 : i32
    }
    %scan3A_17 = arith.constant 2 : i32
    %dma_start3A = arith.constant 0 : i32
    %dma_start3A_18 = arith.constant 0 : i32
    %dma_start3A_19 = tpu.memref_slice %arg9[%dma_start3A, %dma_start3A_18] : memref<128x128xi32, #tpu.memory_space<vmem>> -> memref<32x128xi32, #tpu.memory_space<vmem>>
    %dma_start3A_20 = arith.constant 0 : i32
    %dma_start3A_21 = tpu.memref_slice %arg7[%dma_start3A_20] : memref<2048xi32, #tpu.memory_space<vmem>> -> memref<32xi32, #tpu.memory_space<vmem>>
    %dma_start3A_22 = arith.constant 0 : i32
    %dma_start3A_23 = arith.constant 0 : i32
    %dma_start3A_24 = tpu.memref_slice %arg3[%dma_start3A_22, %dma_start3A_23] : memref<800000x128xi32, #tpu.memory_space<hbm>> -> memref<800000x128xi32, #tpu.memory_space<hbm>>
    tpu.enqueue_indirect_dma source(%dma_start3A_24 : memref<800000x128xi32, #tpu.memory_space<hbm>>) target(%dma_start3A_19 : memref<32x128xi32, #tpu.memory_space<vmem>>) offsets(%dma_start3A_21 : memref<32xi32, #tpu.memory_space<vmem>>) semaphore(%arg13 : memref<!tpu.dma_semaphore, #tpu.memory_space<semaphore_mem>>)
    %dma_wait3A = arith.constant 0 : i32
    %dma_wait3A_25 = arith.constant 0 : i32
    %dma_wait3A_26 = tpu.memref_slice %arg9[%dma_wait3A, %dma_wait3A_25] : memref<128x128xi32, #tpu.memory_space<vmem>> -> memref<32x128xi32, #tpu.memory_space<vmem>>
    %dma_wait3A_27 = arith.constant 0 : i32
    %dma_wait3A_28 = tpu.memref_slice %arg7[%dma_wait3A_27] : memref<2048xi32, #tpu.memory_space<vmem>> -> memref<32xi32, #tpu.memory_space<vmem>>
    %dma_wait3A_29 = arith.constant 0 : i32
    %dma_wait3A_30 = arith.constant 0 : i32
    %dma_wait3A_31 = tpu.memref_slice %arg3[%dma_wait3A_29, %dma_wait3A_30] : memref<800000x128xi32, #tpu.memory_space<hbm>> -> memref<800000x128xi32, #tpu.memory_space<hbm>>
    tpu.wait_indirect_dma semaphore(%arg13 : memref<!tpu.dma_semaphore, #tpu.memory_space<semaphore_mem>>) src(%dma_wait3A_31 : memref<800000x128xi32, #tpu.memory_space<hbm>>) dst(%dma_wait3A_26 : memref<32x128xi32, #tpu.memory_space<vmem>>)
    %iota3A_32 = tpu.iota {dimensions = array<i32: 0>} : vector<16xi32>
    %scan3A_33 = arith.constant 14.2857141 : f32
    %scan3A_34 = arith.constant 0 : i32
    %scan3A_35 = arith.constant 0 : i32
    %scan3A_36 = arith.constant 2 : i32
    %scan3A_37 = arith.addi %scan3A_35, %scan3A_36 : i32
    %scan3A_38 = arith.constant 1 : i32
    %scan3A_39 = scf.for %scan3A_41 = %scan3A_35 to %scan3A_37 step %scan3A_38 iter_args(%scan3A_42 = %scan3A_34) -> (i32)  : i32 {
      %mul3A_43 = arith.constant 16 : i32
      %mul3A_44 = arith.muli %scan3A_41, %mul3A_43 : i32
      %add3A_45 = vector.broadcast %mul3A_44 : i32 to vector<16xi32>
      %add3A_46 = arith.addi %add3A_45, %iota3A_32 : vector<16xi32>
      %mul3A_47 = arith.constant 16 : i32
      %mul3A_48 = arith.muli %scan3A_41, %mul3A_47 : i32
      %add3A_49 = arith.constant 0 : i32
      %add3A_50 = arith.addi %add3A_49, %mul3A_48 : i32
      %get3A = arith.index_cast %add3A_50 : i32 to index
      %get3A_51 = tpu.vector_load %arg8[%get3A] {strides = array<i32>} : memref<2048xi32, #tpu.memory_space<vmem>>, vector<16xi32>,
      %gather3A = tpu.vector_load_idx %arg9[%add3A_46, %get3A_51] : memref<128x128xi32, #tpu.memory_space<vmem>>[vector<16xi32>, vector<16xi32>], vector<16xi32>,
      %shift_left3A = arith.constant 16 : i32
      %shift_left3A_52 = vector.broadcast %shift_left3A : i32 to vector<16xi32>
      %shift_left3A_53 = arith.shli %gather3A, %shift_left3A_52 : vector<16xi32>
      %bitcast3A = vector.bitcast %shift_left3A_53 : vector<16xi32> to vector<16xf32>
      %bitcast3A_54 = vector.bitcast %gather3A : vector<16xi32> to vector<16xf32>
      %mul3A_55 = vector.broadcast %scan3A_33 : f32 to vector<16xf32>
      %mul3A_56 = arith.mulf %bitcast3A, %mul3A_55 : vector<16xf32>
      %exp3A = math.exp %mul3A_56 : vector<16xf32>
      %mul3A_57 = arith.constant 16 : i32
      %mul3A_58 = arith.muli %scan3A_41, %mul3A_57 : i32
      %add3A_59 = arith.constant 0 : i32
      %add3A_60 = arith.addi %add3A_59, %mul3A_58 : i32
      %swap3A = arith.index_cast %add3A_60 : i32 to index
      %swap3A_61 = tpu.vector_load %arg11[%swap3A] {strides = array<i32>} : memref<2048xf32, #tpu.memory_space<vmem>>, vector<16xf32>,
      tpu.vector_store %arg11[%swap3A], %exp3A {strides = array<i32>} : memref<2048xf32, #tpu.memory_space<vmem>>, vector<16xf32>,
      %mul3A_62 = vector.broadcast %scan3A_33 : f32 to vector<16xf32>
      %mul3A_63 = arith.mulf %bitcast3A_54, %mul3A_62 : vector<16xf32>
      %exp3A_64 = math.exp %mul3A_63 : vector<16xf32>
      %mul3A_65 = arith.constant 16 : i32
      %mul3A_66 = arith.muli %scan3A_41, %mul3A_65 : i32
      %add3A_67 = arith.constant 0 : i32
      %add3A_68 = arith.addi %add3A_67, %mul3A_66 : i32
      %swap3A_69 = arith.index_cast %add3A_68 : i32 to index
      %swap3A_70 = tpu.vector_load %arg12[%swap3A_69] {strides = array<i32>} : memref<2048xf32, #tpu.memory_space<vmem>>, vector<16xf32>,
      tpu.vector_store %arg12[%swap3A_69], %exp3A_64 {strides = array<i32>} : memref<2048xf32, #tpu.memory_space<vmem>>, vector<16xf32>,
      %scan3A_71 = arith.constant 0 : i32
      scf.yield %scan3A_71 : i32
    }
    %scan3A_40 = arith.constant 2 : i32
    "tpu.region"() ({
      %run_scoped3A = tpu.sem_alloc : memref<!tpu.dma_semaphore, #tpu.memory_space<semaphore_mem>>
      %dma_start3A_41 = arith.constant 0 : i32
      %dma_start3A_42 = tpu.memref_slice %arg11[%dma_start3A_41] : memref<2048xf32, #tpu.memory_space<vmem>> -> memref<32xf32, #tpu.memory_space<vmem>>
      %dma_start3A_43 = tpu.memref_slice %arg4[%multiple_of3A] : memref<1049600xf32, #tpu.memory_space<hbm>> -> memref<32xf32, #tpu.memory_space<hbm>>
      %dma_start3A_44 = tpu.memref_slice %arg4[%multiple_of3A] : memref<1049600xf32, #tpu.memory_space<hbm>> -> memref<32xf32, #tpu.memory_space<hbm>>
      %dma_start3A_45 = arith.constant 0 : i32
      %dma_start3A_46 = tpu.memref_slice %arg11[%dma_start3A_45] : memref<2048xf32, #tpu.memory_space<vmem>> -> memref<32xf32, #tpu.memory_space<vmem>>
      tpu.enqueue_dma source(%dma_start3A_46 : memref<32xf32, #tpu.memory_space<vmem>>) target(%dma_start3A_44 : memref<32xf32, #tpu.memory_space<hbm>>) target_semaphore(%run_scoped3A : memref<!tpu.dma_semaphore, #tpu.memory_space<semaphore_mem>>)
      %dma_wait3A_47 = arith.constant 0 : i32
      %dma_wait3A_48 = tpu.memref_slice %arg11[%dma_wait3A_47] : memref<2048xf32, #tpu.memory_space<vmem>> -> memref<32xf32, #tpu.memory_space<vmem>>
      %dma_wait3A_49 = tpu.memref_slice %arg4[%multiple_of3A] : memref<1049600xf32, #tpu.memory_space<hbm>> -> memref<32xf32, #tpu.memory_space<hbm>>
      %dma_wait3A_50 = tpu.memref_slice %arg4[%multiple_of3A] : memref<1049600xf32, #tpu.memory_space<hbm>> -> memref<32xf32, #tpu.memory_space<hbm>>
      %dma_wait3A_51 = arith.constant 0 : i32
      %dma_wait3A_52 = tpu.memref_slice %arg11[%dma_wait3A_51] : memref<2048xf32, #tpu.memory_space<vmem>> -> memref<32xf32, #tpu.memory_space<vmem>>
      tpu.wait_dma2 semaphore(%run_scoped3A : memref<!tpu.dma_semaphore, #tpu.memory_space<semaphore_mem>>) src(%dma_wait3A_52 : memref<32xf32, #tpu.memory_space<vmem>>) dst(%dma_wait3A_50 : memref<32xf32, #tpu.memory_space<hbm>>)
      tpu.yield
    }) : () -> ()
    "tpu.region"() ({
      %run_scoped3A = tpu.sem_alloc : memref<!tpu.dma_semaphore, #tpu.memory_space<semaphore_mem>>
      %dma_start3A_41 = arith.constant 0 : i32
      %dma_start3A_42 = tpu.memref_slice %arg12[%dma_start3A_41] : memref<2048xf32, #tpu.memory_space<vmem>> -> memref<32xf32, #tpu.memory_space<vmem>>
      %dma_start3A_43 = tpu.memref_slice %arg5[%multiple_of3A] : memref<1049600xf32, #tpu.memory_space<hbm>> -> memref<32xf32, #tpu.memory_space<hbm>>
      %dma_start3A_44 = tpu.memref_slice %arg5[%multiple_of3A] : memref<1049600xf32, #tpu.memory_space<hbm>> -> memref<32xf32, #tpu.memory_space<hbm>>
      %dma_start3A_45 = arith.constant 0 : i32
      %dma_start3A_46 = tpu.memref_slice %arg12[%dma_start3A_45] : memref<2048xf32, #tpu.memory_space<vmem>> -> memref<32xf32, #tpu.memory_space<vmem>>
      tpu.enqueue_dma source(%dma_start3A_46 : memref<32xf32, #tpu.memory_space<vmem>>) target(%dma_start3A_44 : memref<32xf32, #tpu.memory_space<hbm>>) target_semaphore(%run_scoped3A : memref<!tpu.dma_semaphore, #tpu.memory_space<semaphore_mem>>)
      %dma_wait3A_47 = arith.constant 0 : i32
      %dma_wait3A_48 = tpu.memref_slice %arg12[%dma_wait3A_47] : memref<2048xf32, #tpu.memory_space<vmem>> -> memref<32xf32, #tpu.memory_space<vmem>>
      %dma_wait3A_49 = tpu.memref_slice %arg5[%multiple_of3A] : memref<1049600xf32, #tpu.memory_space<hbm>> -> memref<32xf32, #tpu.memory_space<hbm>>
      %dma_wait3A_50 = tpu.memref_slice %arg5[%multiple_of3A] : memref<1049600xf32, #tpu.memory_space<hbm>> -> memref<32xf32, #tpu.memory_space<hbm>>
      %dma_wait3A_51 = arith.constant 0 : i32
      %dma_wait3A_52 = tpu.memref_slice %arg12[%dma_wait3A_51] : memref<2048xf32, #tpu.memory_space<vmem>> -> memref<32xf32, #tpu.memory_space<vmem>>
      tpu.wait_dma2 semaphore(%run_scoped3A : memref<!tpu.dma_semaphore, #tpu.memory_space<semaphore_mem>>) src(%dma_wait3A_52 : memref<32xf32, #tpu.memory_space<vmem>>) dst(%dma_wait3A_50 : memref<32xf32, #tpu.memory_space<hbm>>)
      tpu.yield
    }) : () -> ()
    return
  }
}

#map = affine_map<(d0, d1) -> (0)>
#map1 = affine_map<(d0, d1) -> (0, 0)>
module attributes {stable_mosaic.version = 14 : i64} {
  func.func @new_body(%arg0: i32, %arg1: i32, %arg2: memref<1024xi32, #tpu.memory_space<hbm>>, %arg3: memref<1024xi32, #tpu.memory_space<hbm>>, %arg4: memref<1024x128xf32, #tpu.memory_space<hbm>>, %arg5: memref<1024x128xf32, #tpu.memory_space<hbm>>, %arg6: memref<100000x128xf32, #tpu.memory_space<hbm>>, %arg7: memref<100000x128xf32, #tpu.memory_space<hbm>>, %arg8: memref<100000x128xf32, #tpu.memory_space<hbm>>, %arg9: memref<100000x128xf32, #tpu.memory_space<hbm>>, %arg10: memref<100000x128xf32, #tpu.memory_space<hbm>>, %arg11: memref<100000x128xf32, #tpu.memory_space<hbm>>, %arg12: memref<32xi32, #tpu.memory_space<vmem>>, %arg13: memref<32xi32, #tpu.memory_space<vmem>>, %arg14: memref<32x128xf32, #tpu.memory_space<vmem>>, %arg15: memref<32x128xf32, #tpu.memory_space<vmem>>, %arg16: memref<32x128xf32, #tpu.memory_space<vmem>>, %arg17: memref<!tpu.dma_semaphore, #tpu.memory_space<semaphore_mem>>) attributes {dimension_semantics = [#tpu.dimension_semantics<core_parallel>, #tpu.dimension_semantics<subcore_parallel>], iteration_bounds = array<i64: 2, 16>, scalar_prefetch = 0 : i64, scratch_operands = 6 : i64, tpu.core_type = #tpu.core_type<sc_vector_subcore>, window_params = [{transform_indices = #map}, {transform_indices = #map}, {transform_indices = #map1}, {transform_indices = #map1}, {transform_indices = #map1}, {transform_indices = #map1}, {transform_indices = #map1}, {transform_indices = #map1}, {transform_indices = #map1}, {transform_indices = #map1}]} {
    %mul3A = arith.constant 2 : i32
    %mul3A_0 = arith.muli %arg1, %mul3A : i32
    %add3A = arith.addi %mul3A_0, %arg0 : i32
    %mul3A_1 = arith.constant 32 : i32
    %mul3A_2 = arith.muli %add3A, %mul3A_1 : i32
    "tpu.region"() ({
      %run_scoped3A = tpu.sem_alloc : memref<!tpu.dma_semaphore, #tpu.memory_space<semaphore_mem>>
      %dma_start3A_38 = tpu.memref_slice %arg2[%mul3A_2] : memref<1024xi32, #tpu.memory_space<hbm>> -> memref<32xi32, #tpu.memory_space<hbm>>
      %dma_start3A_39 = tpu.memref_slice %arg2[%mul3A_2] : memref<1024xi32, #tpu.memory_space<hbm>> -> memref<32xi32, #tpu.memory_space<hbm>>
      tpu.enqueue_dma source(%dma_start3A_39 : memref<32xi32, #tpu.memory_space<hbm>>) target(%arg12 : memref<32xi32, #tpu.memory_space<vmem>>) target_semaphore(%run_scoped3A : memref<!tpu.dma_semaphore, #tpu.memory_space<semaphore_mem>>)
      %dma_wait3A_40 = tpu.memref_slice %arg2[%mul3A_2] : memref<1024xi32, #tpu.memory_space<hbm>> -> memref<32xi32, #tpu.memory_space<hbm>>
      %dma_wait3A_41 = tpu.memref_slice %arg2[%mul3A_2] : memref<1024xi32, #tpu.memory_space<hbm>> -> memref<32xi32, #tpu.memory_space<hbm>>
      tpu.wait_dma2 semaphore(%run_scoped3A : memref<!tpu.dma_semaphore, #tpu.memory_space<semaphore_mem>>) src(%dma_wait3A_41 : memref<32xi32, #tpu.memory_space<hbm>>) dst(%arg12 : memref<32xi32, #tpu.memory_space<vmem>>)
      tpu.yield
    }) : () -> ()
    "tpu.region"() ({
      %run_scoped3A = tpu.sem_alloc : memref<!tpu.dma_semaphore, #tpu.memory_space<semaphore_mem>>
      %dma_start3A_38 = tpu.memref_slice %arg3[%mul3A_2] : memref<1024xi32, #tpu.memory_space<hbm>> -> memref<32xi32, #tpu.memory_space<hbm>>
      %dma_start3A_39 = tpu.memref_slice %arg3[%mul3A_2] : memref<1024xi32, #tpu.memory_space<hbm>> -> memref<32xi32, #tpu.memory_space<hbm>>
      tpu.enqueue_dma source(%dma_start3A_39 : memref<32xi32, #tpu.memory_space<hbm>>) target(%arg13 : memref<32xi32, #tpu.memory_space<vmem>>) target_semaphore(%run_scoped3A : memref<!tpu.dma_semaphore, #tpu.memory_space<semaphore_mem>>)
      %dma_wait3A_40 = tpu.memref_slice %arg3[%mul3A_2] : memref<1024xi32, #tpu.memory_space<hbm>> -> memref<32xi32, #tpu.memory_space<hbm>>
      %dma_wait3A_41 = tpu.memref_slice %arg3[%mul3A_2] : memref<1024xi32, #tpu.memory_space<hbm>> -> memref<32xi32, #tpu.memory_space<hbm>>
      tpu.wait_dma2 semaphore(%run_scoped3A : memref<!tpu.dma_semaphore, #tpu.memory_space<semaphore_mem>>) src(%dma_wait3A_41 : memref<32xi32, #tpu.memory_space<hbm>>) dst(%arg13 : memref<32xi32, #tpu.memory_space<vmem>>)
      tpu.yield
    }) : () -> ()
    %dma_start3A = arith.constant 0 : i32
    %dma_start3A_3 = arith.constant 0 : i32
    %dma_start3A_4 = tpu.memref_slice %arg6[%dma_start3A, %dma_start3A_3] : memref<100000x128xf32, #tpu.memory_space<hbm>> -> memref<100000x128xf32, #tpu.memory_space<hbm>>
    tpu.enqueue_indirect_dma source(%dma_start3A_4 : memref<100000x128xf32, #tpu.memory_space<hbm>>) target(%arg14 : memref<32x128xf32, #tpu.memory_space<vmem>>) offsets(%arg12 : memref<32xi32, #tpu.memory_space<vmem>>) semaphore(%arg17 : memref<!tpu.dma_semaphore, #tpu.memory_space<semaphore_mem>>)
    %dma_wait3A = arith.constant 0 : i32
    %dma_wait3A_5 = arith.constant 0 : i32
    %dma_wait3A_6 = tpu.memref_slice %arg6[%dma_wait3A, %dma_wait3A_5] : memref<100000x128xf32, #tpu.memory_space<hbm>> -> memref<100000x128xf32, #tpu.memory_space<hbm>>
    tpu.wait_indirect_dma semaphore(%arg17 : memref<!tpu.dma_semaphore, #tpu.memory_space<semaphore_mem>>) src(%dma_wait3A_6 : memref<100000x128xf32, #tpu.memory_space<hbm>>) dst(%arg14 : memref<32x128xf32, #tpu.memory_space<vmem>>)
    %dma_start3A_7 = arith.constant 0 : i32
    %dma_start3A_8 = arith.constant 0 : i32
    %dma_start3A_9 = tpu.memref_slice %arg4[%dma_start3A_7, %dma_start3A_8] : memref<1024x128xf32, #tpu.memory_space<hbm>> -> memref<1024x128xf32, #tpu.memory_space<hbm>>
    tpu.enqueue_indirect_dma source(%dma_start3A_9 : memref<1024x128xf32, #tpu.memory_space<hbm>>) target(%arg15 : memref<32x128xf32, #tpu.memory_space<vmem>>) offsets(%arg13 : memref<32xi32, #tpu.memory_space<vmem>>) semaphore(%arg17 : memref<!tpu.dma_semaphore, #tpu.memory_space<semaphore_mem>>)
    %dma_wait3A_10 = arith.constant 0 : i32
    %dma_wait3A_11 = arith.constant 0 : i32
    %dma_wait3A_12 = tpu.memref_slice %arg4[%dma_wait3A_10, %dma_wait3A_11] : memref<1024x128xf32, #tpu.memory_space<hbm>> -> memref<1024x128xf32, #tpu.memory_space<hbm>>
    tpu.wait_indirect_dma semaphore(%arg17 : memref<!tpu.dma_semaphore, #tpu.memory_space<semaphore_mem>>) src(%dma_wait3A_12 : memref<1024x128xf32, #tpu.memory_space<hbm>>) dst(%arg15 : memref<32x128xf32, #tpu.memory_space<vmem>>)
    %scan3A = arith.constant 0 : i32
    %scan3A_13 = arith.constant 0 : i32
    %scan3A_14 = arith.constant 32 : i32
    %scan3A_15 = arith.addi %scan3A_13, %scan3A_14 : i32
    %scan3A_16 = arith.constant 1 : i32
    %scan3A_17 = scf.for %scan3A_38 = %scan3A_13 to %scan3A_15 step %scan3A_16 iter_args(%scan3A_39 = %scan3A) -> (i32)  : i32 {
      %broadcast_in_dim3A = arith.constant 0.000000e+00 : f32
      %broadcast_in_dim3A_40 = vector.broadcast %broadcast_in_dim3A : f32 to vector<16xf32>
      %get3A = arith.index_cast %scan3A_38 : i32 to index
      %get3A_41 = arith.constant 0 : index
      %get3A_42 = tpu.vector_load %arg14[%get3A, %get3A_41] {strides = array<i32>} : memref<32x128xf32, #tpu.memory_space<vmem>>, vector<16xf32>,
      %mul3A_43 = arith.constant 5.000000e-01 : f32
      %mul3A_44 = vector.broadcast %mul3A_43 : f32 to vector<16xf32>
      %mul3A_45 = arith.mulf %get3A_42, %mul3A_44 : vector<16xf32>
      %get3A_46 = arith.index_cast %scan3A_38 : i32 to index
      %get3A_47 = arith.constant 0 : index
      %get3A_48 = tpu.vector_load %arg15[%get3A_46, %get3A_47] {strides = array<i32>} : memref<32x128xf32, #tpu.memory_space<vmem>>, vector<16xf32>,
      %mul3A_49 = arith.constant 5.000000e-01 : f32
      %mul3A_50 = vector.broadcast %mul3A_49 : f32 to vector<16xf32>
      %mul3A_51 = arith.mulf %get3A_48, %mul3A_50 : vector<16xf32>
      %add3A_52 = arith.addf %mul3A_45, %mul3A_51 : vector<16xf32>
      %swap3A = arith.index_cast %scan3A_38 : i32 to index
      %swap3A_53 = arith.constant 0 : index
      %swap3A_54 = tpu.vector_load %arg16[%swap3A, %swap3A_53] {strides = array<i32>} : memref<32x128xf32, #tpu.memory_space<vmem>>, vector<16xf32>,
      tpu.vector_store %arg16[%swap3A, %swap3A_53], %add3A_52 {strides = array<i32>} : memref<32x128xf32, #tpu.memory_space<vmem>>, vector<16xf32>,
      %mul3A_55 = arith.mulf %add3A_52, %add3A_52 : vector<16xf32>
      %add3A_56 = arith.addf %broadcast_in_dim3A_40, %mul3A_55 : vector<16xf32>
      %get3A_57 = arith.index_cast %scan3A_38 : i32 to index
      %get3A_58 = arith.constant 16 : index
      %get3A_59 = tpu.vector_load %arg14[%get3A_57, %get3A_58] {strides = array<i32>} : memref<32x128xf32, #tpu.memory_space<vmem>>, vector<16xf32>,
      %mul3A_60 = arith.constant 5.000000e-01 : f32
      %mul3A_61 = vector.broadcast %mul3A_60 : f32 to vector<16xf32>
      %mul3A_62 = arith.mulf %get3A_59, %mul3A_61 : vector<16xf32>
      %get3A_63 = arith.index_cast %scan3A_38 : i32 to index
      %get3A_64 = arith.constant 16 : index
      %get3A_65 = tpu.vector_load %arg15[%get3A_63, %get3A_64] {strides = array<i32>} : memref<32x128xf32, #tpu.memory_space<vmem>>, vector<16xf32>,
      %mul3A_66 = arith.constant 5.000000e-01 : f32
      %mul3A_67 = vector.broadcast %mul3A_66 : f32 to vector<16xf32>
      %mul3A_68 = arith.mulf %get3A_65, %mul3A_67 : vector<16xf32>
      %add3A_69 = arith.addf %mul3A_62, %mul3A_68 : vector<16xf32>
      %swap3A_70 = arith.index_cast %scan3A_38 : i32 to index
      %swap3A_71 = arith.constant 16 : index
      %swap3A_72 = tpu.vector_load %arg16[%swap3A_70, %swap3A_71] {strides = array<i32>} : memref<32x128xf32, #tpu.memory_space<vmem>>, vector<16xf32>,
      tpu.vector_store %arg16[%swap3A_70, %swap3A_71], %add3A_69 {strides = array<i32>} : memref<32x128xf32, #tpu.memory_space<vmem>>, vector<16xf32>,
      %mul3A_73 = arith.mulf %add3A_69, %add3A_69 : vector<16xf32>
      %add3A_74 = arith.addf %add3A_56, %mul3A_73 : vector<16xf32>
      %get3A_75 = arith.index_cast %scan3A_38 : i32 to index
      %get3A_76 = arith.constant 32 : index
      %get3A_77 = tpu.vector_load %arg14[%get3A_75, %get3A_76] {strides = array<i32>} : memref<32x128xf32, #tpu.memory_space<vmem>>, vector<16xf32>,
      %mul3A_78 = arith.constant 5.000000e-01 : f32
      %mul3A_79 = vector.broadcast %mul3A_78 : f32 to vector<16xf32>
      %mul3A_80 = arith.mulf %get3A_77, %mul3A_79 : vector<16xf32>
      %get3A_81 = arith.index_cast %scan3A_38 : i32 to index
      %get3A_82 = arith.constant 32 : index
      %get3A_83 = tpu.vector_load %arg15[%get3A_81, %get3A_82] {strides = array<i32>} : memref<32x128xf32, #tpu.memory_space<vmem>>, vector<16xf32>,
      %mul3A_84 = arith.constant 5.000000e-01 : f32
      %mul3A_85 = vector.broadcast %mul3A_84 : f32 to vector<16xf32>
      %mul3A_86 = arith.mulf %get3A_83, %mul3A_85 : vector<16xf32>
      %add3A_87 = arith.addf %mul3A_80, %mul3A_86 : vector<16xf32>
      %swap3A_88 = arith.index_cast %scan3A_38 : i32 to index
      %swap3A_89 = arith.constant 32 : index
      %swap3A_90 = tpu.vector_load %arg16[%swap3A_88, %swap3A_89] {strides = array<i32>} : memref<32x128xf32, #tpu.memory_space<vmem>>, vector<16xf32>,
      tpu.vector_store %arg16[%swap3A_88, %swap3A_89], %add3A_87 {strides = array<i32>} : memref<32x128xf32, #tpu.memory_space<vmem>>, vector<16xf32>,
      %mul3A_91 = arith.mulf %add3A_87, %add3A_87 : vector<16xf32>
      %add3A_92 = arith.addf %add3A_74, %mul3A_91 : vector<16xf32>
      %get3A_93 = arith.index_cast %scan3A_38 : i32 to index
      %get3A_94 = arith.constant 48 : index
      %get3A_95 = tpu.vector_load %arg14[%get3A_93, %get3A_94] {strides = array<i32>} : memref<32x128xf32, #tpu.memory_space<vmem>>, vector<16xf32>,
      %mul3A_96 = arith.constant 5.000000e-01 : f32
      %mul3A_97 = vector.broadcast %mul3A_96 : f32 to vector<16xf32>
      %mul3A_98 = arith.mulf %get3A_95, %mul3A_97 : vector<16xf32>
      %get3A_99 = arith.index_cast %scan3A_38 : i32 to index
      %get3A_100 = arith.constant 48 : index
      %get3A_101 = tpu.vector_load %arg15[%get3A_99, %get3A_100] {strides = array<i32>} : memref<32x128xf32, #tpu.memory_space<vmem>>, vector<16xf32>,
      %mul3A_102 = arith.constant 5.000000e-01 : f32
      %mul3A_103 = vector.broadcast %mul3A_102 : f32 to vector<16xf32>
      %mul3A_104 = arith.mulf %get3A_101, %mul3A_103 : vector<16xf32>
      %add3A_105 = arith.addf %mul3A_98, %mul3A_104 : vector<16xf32>
      %swap3A_106 = arith.index_cast %scan3A_38 : i32 to index
      %swap3A_107 = arith.constant 48 : index
      %swap3A_108 = tpu.vector_load %arg16[%swap3A_106, %swap3A_107] {strides = array<i32>} : memref<32x128xf32, #tpu.memory_space<vmem>>, vector<16xf32>,
      tpu.vector_store %arg16[%swap3A_106, %swap3A_107], %add3A_105 {strides = array<i32>} : memref<32x128xf32, #tpu.memory_space<vmem>>, vector<16xf32>,
      %mul3A_109 = arith.mulf %add3A_105, %add3A_105 : vector<16xf32>
      %add3A_110 = arith.addf %add3A_92, %mul3A_109 : vector<16xf32>
      %get3A_111 = arith.index_cast %scan3A_38 : i32 to index
      %get3A_112 = arith.constant 64 : index
      %get3A_113 = tpu.vector_load %arg14[%get3A_111, %get3A_112] {strides = array<i32>} : memref<32x128xf32, #tpu.memory_space<vmem>>, vector<16xf32>,
      %mul3A_114 = arith.constant 5.000000e-01 : f32
      %mul3A_115 = vector.broadcast %mul3A_114 : f32 to vector<16xf32>
      %mul3A_116 = arith.mulf %get3A_113, %mul3A_115 : vector<16xf32>
      %get3A_117 = arith.index_cast %scan3A_38 : i32 to index
      %get3A_118 = arith.constant 64 : index
      %get3A_119 = tpu.vector_load %arg15[%get3A_117, %get3A_118] {strides = array<i32>} : memref<32x128xf32, #tpu.memory_space<vmem>>, vector<16xf32>,
      %mul3A_120 = arith.constant 5.000000e-01 : f32
      %mul3A_121 = vector.broadcast %mul3A_120 : f32 to vector<16xf32>
      %mul3A_122 = arith.mulf %get3A_119, %mul3A_121 : vector<16xf32>
      %add3A_123 = arith.addf %mul3A_116, %mul3A_122 : vector<16xf32>
      %swap3A_124 = arith.index_cast %scan3A_38 : i32 to index
      %swap3A_125 = arith.constant 64 : index
      %swap3A_126 = tpu.vector_load %arg16[%swap3A_124, %swap3A_125] {strides = array<i32>} : memref<32x128xf32, #tpu.memory_space<vmem>>, vector<16xf32>,
      tpu.vector_store %arg16[%swap3A_124, %swap3A_125], %add3A_123 {strides = array<i32>} : memref<32x128xf32, #tpu.memory_space<vmem>>, vector<16xf32>,
      %mul3A_127 = arith.mulf %add3A_123, %add3A_123 : vector<16xf32>
      %add3A_128 = arith.addf %add3A_110, %mul3A_127 : vector<16xf32>
      %get3A_129 = arith.index_cast %scan3A_38 : i32 to index
      %get3A_130 = arith.constant 80 : index
      %get3A_131 = tpu.vector_load %arg14[%get3A_129, %get3A_130] {strides = array<i32>} : memref<32x128xf32, #tpu.memory_space<vmem>>, vector<16xf32>,
      %mul3A_132 = arith.constant 5.000000e-01 : f32
      %mul3A_133 = vector.broadcast %mul3A_132 : f32 to vector<16xf32>
      %mul3A_134 = arith.mulf %get3A_131, %mul3A_133 : vector<16xf32>
      %get3A_135 = arith.index_cast %scan3A_38 : i32 to index
      %get3A_136 = arith.constant 80 : index
      %get3A_137 = tpu.vector_load %arg15[%get3A_135, %get3A_136] {strides = array<i32>} : memref<32x128xf32, #tpu.memory_space<vmem>>, vector<16xf32>,
      %mul3A_138 = arith.constant 5.000000e-01 : f32
      %mul3A_139 = vector.broadcast %mul3A_138 : f32 to vector<16xf32>
      %mul3A_140 = arith.mulf %get3A_137, %mul3A_139 : vector<16xf32>
      %add3A_141 = arith.addf %mul3A_134, %mul3A_140 : vector<16xf32>
      %swap3A_142 = arith.index_cast %scan3A_38 : i32 to index
      %swap3A_143 = arith.constant 80 : index
      %swap3A_144 = tpu.vector_load %arg16[%swap3A_142, %swap3A_143] {strides = array<i32>} : memref<32x128xf32, #tpu.memory_space<vmem>>, vector<16xf32>,
      tpu.vector_store %arg16[%swap3A_142, %swap3A_143], %add3A_141 {strides = array<i32>} : memref<32x128xf32, #tpu.memory_space<vmem>>, vector<16xf32>,
      %mul3A_145 = arith.mulf %add3A_141, %add3A_141 : vector<16xf32>
      %add3A_146 = arith.addf %add3A_128, %mul3A_145 : vector<16xf32>
      %get3A_147 = arith.index_cast %scan3A_38 : i32 to index
      %get3A_148 = arith.constant 96 : index
      %get3A_149 = tpu.vector_load %arg14[%get3A_147, %get3A_148] {strides = array<i32>} : memref<32x128xf32, #tpu.memory_space<vmem>>, vector<16xf32>,
      %mul3A_150 = arith.constant 5.000000e-01 : f32
      %mul3A_151 = vector.broadcast %mul3A_150 : f32 to vector<16xf32>
      %mul3A_152 = arith.mulf %get3A_149, %mul3A_151 : vector<16xf32>
      %get3A_153 = arith.index_cast %scan3A_38 : i32 to index
      %get3A_154 = arith.constant 96 : index
      %get3A_155 = tpu.vector_load %arg15[%get3A_153, %get3A_154] {strides = array<i32>} : memref<32x128xf32, #tpu.memory_space<vmem>>, vector<16xf32>,
      %mul3A_156 = arith.constant 5.000000e-01 : f32
      %mul3A_157 = vector.broadcast %mul3A_156 : f32 to vector<16xf32>
      %mul3A_158 = arith.mulf %get3A_155, %mul3A_157 : vector<16xf32>
      %add3A_159 = arith.addf %mul3A_152, %mul3A_158 : vector<16xf32>
      %swap3A_160 = arith.index_cast %scan3A_38 : i32 to index
      %swap3A_161 = arith.constant 96 : index
      %swap3A_162 = tpu.vector_load %arg16[%swap3A_160, %swap3A_161] {strides = array<i32>} : memref<32x128xf32, #tpu.memory_space<vmem>>, vector<16xf32>,
      tpu.vector_store %arg16[%swap3A_160, %swap3A_161], %add3A_159 {strides = array<i32>} : memref<32x128xf32, #tpu.memory_space<vmem>>, vector<16xf32>,
      %mul3A_163 = arith.mulf %add3A_159, %add3A_159 : vector<16xf32>
      %add3A_164 = arith.addf %add3A_146, %mul3A_163 : vector<16xf32>
      %get3A_165 = arith.index_cast %scan3A_38 : i32 to index
      %get3A_166 = arith.constant 112 : index
      %get3A_167 = tpu.vector_load %arg14[%get3A_165, %get3A_166] {strides = array<i32>} : memref<32x128xf32, #tpu.memory_space<vmem>>, vector<16xf32>,
      %mul3A_168 = arith.constant 5.000000e-01 : f32
      %mul3A_169 = vector.broadcast %mul3A_168 : f32 to vector<16xf32>
      %mul3A_170 = arith.mulf %get3A_167, %mul3A_169 : vector<16xf32>
      %get3A_171 = arith.index_cast %scan3A_38 : i32 to index
      %get3A_172 = arith.constant 112 : index
      %get3A_173 = tpu.vector_load %arg15[%get3A_171, %get3A_172] {strides = array<i32>} : memref<32x128xf32, #tpu.memory_space<vmem>>, vector<16xf32>,
      %mul3A_174 = arith.constant 5.000000e-01 : f32
      %mul3A_175 = vector.broadcast %mul3A_174 : f32 to vector<16xf32>
      %mul3A_176 = arith.mulf %get3A_173, %mul3A_175 : vector<16xf32>
      %add3A_177 = arith.addf %mul3A_170, %mul3A_176 : vector<16xf32>
      %swap3A_178 = arith.index_cast %scan3A_38 : i32 to index
      %swap3A_179 = arith.constant 112 : index
      %swap3A_180 = tpu.vector_load %arg16[%swap3A_178, %swap3A_179] {strides = array<i32>} : memref<32x128xf32, #tpu.memory_space<vmem>>, vector<16xf32>,
      tpu.vector_store %arg16[%swap3A_178, %swap3A_179], %add3A_177 {strides = array<i32>} : memref<32x128xf32, #tpu.memory_space<vmem>>, vector<16xf32>,
      %mul3A_181 = arith.mulf %add3A_177, %add3A_177 : vector<16xf32>
      %add3A_182 = arith.addf %add3A_164, %mul3A_181 : vector<16xf32>
      %reduce_sum3A = arith.constant true
      %reduce_sum3A_183 = vector.broadcast %reduce_sum3A : i1 to vector<16xi1>
      %reduce_sum3A_184 = tpu.scan <sum>, %add3A_182 masked %reduce_sum3A_183 : vector<16xf32>, vector<16xi1> -> vector<16xf32>
      %reduce_sum3A_185 = vector.extract %reduce_sum3A_184[15] : f32 from vector<16xf32>
      %broadcast_in_dim3A_186 = vector.broadcast %reduce_sum3A_185 : f32 to vector<16xf32>
      %bitcast3A = vector.bitcast %broadcast_in_dim3A_186 : vector<16xf32> to vector<16xi32>
      %shift_right_arithmetic3A = arith.constant 1 : i32
      %shift_right_arithmetic3A_187 = vector.broadcast %shift_right_arithmetic3A : i32 to vector<16xi32>
      %shift_right_arithmetic3A_188 = arith.shrsi %bitcast3A, %shift_right_arithmetic3A_187 : vector<16xi32>
      %sub3A = arith.constant 1597463007 : i32
      %sub3A_189 = vector.broadcast %sub3A : i32 to vector<16xi32>
      %sub3A_190 = arith.subi %sub3A_189, %shift_right_arithmetic3A_188 : vector<16xi32>
      %bitcast3A_191 = vector.bitcast %sub3A_190 : vector<16xi32> to vector<16xf32>
      %mul3A_192 = arith.constant 5.000000e-01 : f32
      %mul3A_193 = vector.broadcast %mul3A_192 : f32 to vector<16xf32>
      %mul3A_194 = arith.mulf %mul3A_193, %broadcast_in_dim3A_186 : vector<16xf32>
      %mul3A_195 = arith.mulf %mul3A_194, %bitcast3A_191 : vector<16xf32>
      %mul3A_196 = arith.mulf %mul3A_195, %bitcast3A_191 : vector<16xf32>
      %sub3A_197 = arith.constant 1.500000e+00 : f32
      %sub3A_198 = vector.broadcast %sub3A_197 : f32 to vector<16xf32>
      %sub3A_199 = arith.subf %sub3A_198, %mul3A_196 : vector<16xf32>
      %mul3A_200 = arith.mulf %bitcast3A_191, %sub3A_199 : vector<16xf32>
      %mul3A_201 = arith.constant 5.000000e-01 : f32
      %mul3A_202 = vector.broadcast %mul3A_201 : f32 to vector<16xf32>
      %mul3A_203 = arith.mulf %mul3A_202, %broadcast_in_dim3A_186 : vector<16xf32>
      %mul3A_204 = arith.mulf %mul3A_203, %mul3A_200 : vector<16xf32>
      %mul3A_205 = arith.mulf %mul3A_204, %mul3A_200 : vector<16xf32>
      %sub3A_206 = arith.constant 1.500000e+00 : f32
      %sub3A_207 = vector.broadcast %sub3A_206 : f32 to vector<16xf32>
      %sub3A_208 = arith.subf %sub3A_207, %mul3A_205 : vector<16xf32>
      %mul3A_209 = arith.mulf %mul3A_200, %sub3A_208 : vector<16xf32>
      %mul3A_210 = arith.constant 5.000000e-01 : f32
      %mul3A_211 = vector.broadcast %mul3A_210 : f32 to vector<16xf32>
      %mul3A_212 = arith.mulf %mul3A_211, %broadcast_in_dim3A_186 : vector<16xf32>
      %mul3A_213 = arith.mulf %mul3A_212, %mul3A_209 : vector<16xf32>
      %mul3A_214 = arith.mulf %mul3A_213, %mul3A_209 : vector<16xf32>
      %sub3A_215 = arith.constant 1.500000e+00 : f32
      %sub3A_216 = vector.broadcast %sub3A_215 : f32 to vector<16xf32>
      %sub3A_217 = arith.subf %sub3A_216, %mul3A_214 : vector<16xf32>
      %mul3A_218 = arith.mulf %mul3A_209, %sub3A_217 : vector<16xf32>
      %mul3A_219 = arith.constant 5.000000e-01 : f32
      %mul3A_220 = vector.broadcast %mul3A_219 : f32 to vector<16xf32>
      %mul3A_221 = arith.mulf %mul3A_220, %broadcast_in_dim3A_186 : vector<16xf32>
      %mul3A_222 = arith.mulf %mul3A_221, %mul3A_218 : vector<16xf32>
      %mul3A_223 = arith.mulf %mul3A_222, %mul3A_218 : vector<16xf32>
      %sub3A_224 = arith.constant 1.500000e+00 : f32
      %sub3A_225 = vector.broadcast %sub3A_224 : f32 to vector<16xf32>
      %sub3A_226 = arith.subf %sub3A_225, %mul3A_223 : vector<16xf32>
      %mul3A_227 = arith.mulf %mul3A_218, %sub3A_226 : vector<16xf32>
      %get3A_228 = arith.index_cast %scan3A_38 : i32 to index
      %get3A_229 = arith.constant 0 : index
      %get3A_230 = tpu.vector_load %arg16[%get3A_228, %get3A_229] {strides = array<i32>} : memref<32x128xf32, #tpu.memory_space<vmem>>, vector<16xf32>,
      %mul3A_231 = arith.mulf %get3A_230, %mul3A_227 : vector<16xf32>
      %swap3A_232 = arith.index_cast %scan3A_38 : i32 to index
      %swap3A_233 = arith.constant 0 : index
      %swap3A_234 = tpu.vector_load %arg16[%swap3A_232, %swap3A_233] {strides = array<i32>} : memref<32x128xf32, #tpu.memory_space<vmem>>, vector<16xf32>,
      tpu.vector_store %arg16[%swap3A_232, %swap3A_233], %mul3A_231 {strides = array<i32>} : memref<32x128xf32, #tpu.memory_space<vmem>>, vector<16xf32>,
      %get3A_235 = arith.index_cast %scan3A_38 : i32 to index
      %get3A_236 = arith.constant 16 : index
      %get3A_237 = tpu.vector_load %arg16[%get3A_235, %get3A_236] {strides = array<i32>} : memref<32x128xf32, #tpu.memory_space<vmem>>, vector<16xf32>,
      %mul3A_238 = arith.mulf %get3A_237, %mul3A_227 : vector<16xf32>
      %swap3A_239 = arith.index_cast %scan3A_38 : i32 to index
      %swap3A_240 = arith.constant 16 : index
      %swap3A_241 = tpu.vector_load %arg16[%swap3A_239, %swap3A_240] {strides = array<i32>} : memref<32x128xf32, #tpu.memory_space<vmem>>, vector<16xf32>,
      tpu.vector_store %arg16[%swap3A_239, %swap3A_240], %mul3A_238 {strides = array<i32>} : memref<32x128xf32, #tpu.memory_space<vmem>>, vector<16xf32>,
      %get3A_242 = arith.index_cast %scan3A_38 : i32 to index
      %get3A_243 = arith.constant 32 : index
      %get3A_244 = tpu.vector_load %arg16[%get3A_242, %get3A_243] {strides = array<i32>} : memref<32x128xf32, #tpu.memory_space<vmem>>, vector<16xf32>,
      %mul3A_245 = arith.mulf %get3A_244, %mul3A_227 : vector<16xf32>
      %swap3A_246 = arith.index_cast %scan3A_38 : i32 to index
      %swap3A_247 = arith.constant 32 : index
      %swap3A_248 = tpu.vector_load %arg16[%swap3A_246, %swap3A_247] {strides = array<i32>} : memref<32x128xf32, #tpu.memory_space<vmem>>, vector<16xf32>,
      tpu.vector_store %arg16[%swap3A_246, %swap3A_247], %mul3A_245 {strides = array<i32>} : memref<32x128xf32, #tpu.memory_space<vmem>>, vector<16xf32>,
      %get3A_249 = arith.index_cast %scan3A_38 : i32 to index
      %get3A_250 = arith.constant 48 : index
      %get3A_251 = tpu.vector_load %arg16[%get3A_249, %get3A_250] {strides = array<i32>} : memref<32x128xf32, #tpu.memory_space<vmem>>, vector<16xf32>,
      %mul3A_252 = arith.mulf %get3A_251, %mul3A_227 : vector<16xf32>
      %swap3A_253 = arith.index_cast %scan3A_38 : i32 to index
      %swap3A_254 = arith.constant 48 : index
      %swap3A_255 = tpu.vector_load %arg16[%swap3A_253, %swap3A_254] {strides = array<i32>} : memref<32x128xf32, #tpu.memory_space<vmem>>, vector<16xf32>,
      tpu.vector_store %arg16[%swap3A_253, %swap3A_254], %mul3A_252 {strides = array<i32>} : memref<32x128xf32, #tpu.memory_space<vmem>>, vector<16xf32>,
      %get3A_256 = arith.index_cast %scan3A_38 : i32 to index
      %get3A_257 = arith.constant 64 : index
      %get3A_258 = tpu.vector_load %arg16[%get3A_256, %get3A_257] {strides = array<i32>} : memref<32x128xf32, #tpu.memory_space<vmem>>, vector<16xf32>,
      %mul3A_259 = arith.mulf %get3A_258, %mul3A_227 : vector<16xf32>
      %swap3A_260 = arith.index_cast %scan3A_38 : i32 to index
      %swap3A_261 = arith.constant 64 : index
      %swap3A_262 = tpu.vector_load %arg16[%swap3A_260, %swap3A_261] {strides = array<i32>} : memref<32x128xf32, #tpu.memory_space<vmem>>, vector<16xf32>,
      tpu.vector_store %arg16[%swap3A_260, %swap3A_261], %mul3A_259 {strides = array<i32>} : memref<32x128xf32, #tpu.memory_space<vmem>>, vector<16xf32>,
      %get3A_263 = arith.index_cast %scan3A_38 : i32 to index
      %get3A_264 = arith.constant 80 : index
      %get3A_265 = tpu.vector_load %arg16[%get3A_263, %get3A_264] {strides = array<i32>} : memref<32x128xf32, #tpu.memory_space<vmem>>, vector<16xf32>,
      %mul3A_266 = arith.mulf %get3A_265, %mul3A_227 : vector<16xf32>
      %swap3A_267 = arith.index_cast %scan3A_38 : i32 to index
      %swap3A_268 = arith.constant 80 : index
      %swap3A_269 = tpu.vector_load %arg16[%swap3A_267, %swap3A_268] {strides = array<i32>} : memref<32x128xf32, #tpu.memory_space<vmem>>, vector<16xf32>,
      tpu.vector_store %arg16[%swap3A_267, %swap3A_268], %mul3A_266 {strides = array<i32>} : memref<32x128xf32, #tpu.memory_space<vmem>>, vector<16xf32>,
      %get3A_270 = arith.index_cast %scan3A_38 : i32 to index
      %get3A_271 = arith.constant 96 : index
      %get3A_272 = tpu.vector_load %arg16[%get3A_270, %get3A_271] {strides = array<i32>} : memref<32x128xf32, #tpu.memory_space<vmem>>, vector<16xf32>,
      %mul3A_273 = arith.mulf %get3A_272, %mul3A_227 : vector<16xf32>
      %swap3A_274 = arith.index_cast %scan3A_38 : i32 to index
      %swap3A_275 = arith.constant 96 : index
      %swap3A_276 = tpu.vector_load %arg16[%swap3A_274, %swap3A_275] {strides = array<i32>} : memref<32x128xf32, #tpu.memory_space<vmem>>, vector<16xf32>,
      tpu.vector_store %arg16[%swap3A_274, %swap3A_275], %mul3A_273 {strides = array<i32>} : memref<32x128xf32, #tpu.memory_space<vmem>>, vector<16xf32>,
      %get3A_277 = arith.index_cast %scan3A_38 : i32 to index
      %get3A_278 = arith.constant 112 : index
      %get3A_279 = tpu.vector_load %arg16[%get3A_277, %get3A_278] {strides = array<i32>} : memref<32x128xf32, #tpu.memory_space<vmem>>, vector<16xf32>,
      %mul3A_280 = arith.mulf %get3A_279, %mul3A_227 : vector<16xf32>
      %swap3A_281 = arith.index_cast %scan3A_38 : i32 to index
      %swap3A_282 = arith.constant 112 : index
      %swap3A_283 = tpu.vector_load %arg16[%swap3A_281, %swap3A_282] {strides = array<i32>} : memref<32x128xf32, #tpu.memory_space<vmem>>, vector<16xf32>,
      tpu.vector_store %arg16[%swap3A_281, %swap3A_282], %mul3A_280 {strides = array<i32>} : memref<32x128xf32, #tpu.memory_space<vmem>>, vector<16xf32>,
      %scan3A_284 = arith.constant 0 : i32
      scf.yield %scan3A_284 : i32
    }
    %scan3A_18 = arith.constant 32 : i32
    "tpu.region"() ({
      %run_scoped3A = tpu.sem_alloc : memref<!tpu.dma_semaphore, #tpu.memory_space<semaphore_mem>>
      %dma_start3A_38 = arith.constant 0 : i32
      %dma_start3A_39 = arith.constant 0 : i32
      %dma_start3A_40 = tpu.memref_slice %arg8[%dma_start3A_38, %dma_start3A_39] : memref<100000x128xf32, #tpu.memory_space<hbm>> -> memref<100000x128xf32, #tpu.memory_space<hbm>>
      tpu.enqueue_indirect_dma source(%arg16 : memref<32x128xf32, #tpu.memory_space<vmem>>) target(%dma_start3A_40 : memref<100000x128xf32, #tpu.memory_space<hbm>>) offsets(%arg12 : memref<32xi32, #tpu.memory_space<vmem>>) semaphore(%run_scoped3A : memref<!tpu.dma_semaphore, #tpu.memory_space<semaphore_mem>>)
      %dma_wait3A_41 = arith.constant 0 : i32
      %dma_wait3A_42 = arith.constant 0 : i32
      %dma_wait3A_43 = tpu.memref_slice %arg8[%dma_wait3A_41, %dma_wait3A_42] : memref<100000x128xf32, #tpu.memory_space<hbm>> -> memref<100000x128xf32, #tpu.memory_space<hbm>>
      tpu.wait_indirect_dma semaphore(%run_scoped3A : memref<!tpu.dma_semaphore, #tpu.memory_space<semaphore_mem>>) src(%arg16 : memref<32x128xf32, #tpu.memory_space<vmem>>) dst(%dma_wait3A_43 : memref<100000x128xf32, #tpu.memory_space<hbm>>)
      tpu.yield
    }) : () -> ()
    %dma_start3A_19 = arith.constant 0 : i32
    %dma_start3A_20 = arith.constant 0 : i32
    %dma_start3A_21 = tpu.memref_slice %arg7[%dma_start3A_19, %dma_start3A_20] : memref<100000x128xf32, #tpu.memory_space<hbm>> -> memref<100000x128xf32, #tpu.memory_space<hbm>>
    tpu.enqueue_indirect_dma source(%dma_start3A_21 : memref<100000x128xf32, #tpu.memory_space<hbm>>) target(%arg14 : memref<32x128xf32, #tpu.memory_space<vmem>>) offsets(%arg12 : memref<32xi32, #tpu.memory_space<vmem>>) semaphore(%arg17 : memref<!tpu.dma_semaphore, #tpu.memory_space<semaphore_mem>>)
    %dma_wait3A_22 = arith.constant 0 : i32
    %dma_wait3A_23 = arith.constant 0 : i32
    %dma_wait3A_24 = tpu.memref_slice %arg7[%dma_wait3A_22, %dma_wait3A_23] : memref<100000x128xf32, #tpu.memory_space<hbm>> -> memref<100000x128xf32, #tpu.memory_space<hbm>>
    tpu.wait_indirect_dma semaphore(%arg17 : memref<!tpu.dma_semaphore, #tpu.memory_space<semaphore_mem>>) src(%dma_wait3A_24 : memref<100000x128xf32, #tpu.memory_space<hbm>>) dst(%arg14 : memref<32x128xf32, #tpu.memory_space<vmem>>)
    %dma_start3A_25 = arith.constant 0 : i32
    %dma_start3A_26 = arith.constant 0 : i32
    %dma_start3A_27 = tpu.memref_slice %arg5[%dma_start3A_25, %dma_start3A_26] : memref<1024x128xf32, #tpu.memory_space<hbm>> -> memref<1024x128xf32, #tpu.memory_space<hbm>>
    tpu.enqueue_indirect_dma source(%dma_start3A_27 : memref<1024x128xf32, #tpu.memory_space<hbm>>) target(%arg15 : memref<32x128xf32, #tpu.memory_space<vmem>>) offsets(%arg13 : memref<32xi32, #tpu.memory_space<vmem>>) semaphore(%arg17 : memref<!tpu.dma_semaphore, #tpu.memory_space<semaphore_mem>>)
    %dma_wait3A_28 = arith.constant 0 : i32
    %dma_wait3A_29 = arith.constant 0 : i32
    %dma_wait3A_30 = tpu.memref_slice %arg5[%dma_wait3A_28, %dma_wait3A_29] : memref<1024x128xf32, #tpu.memory_space<hbm>> -> memref<1024x128xf32, #tpu.memory_space<hbm>>
    tpu.wait_indirect_dma semaphore(%arg17 : memref<!tpu.dma_semaphore, #tpu.memory_space<semaphore_mem>>) src(%dma_wait3A_30 : memref<1024x128xf32, #tpu.memory_space<hbm>>) dst(%arg15 : memref<32x128xf32, #tpu.memory_space<vmem>>)
    %scan3A_31 = arith.constant 0 : i32
    %scan3A_32 = arith.constant 0 : i32
    %scan3A_33 = arith.constant 32 : i32
    %scan3A_34 = arith.addi %scan3A_32, %scan3A_33 : i32
    %scan3A_35 = arith.constant 1 : i32
    %scan3A_36 = scf.for %scan3A_38 = %scan3A_32 to %scan3A_34 step %scan3A_35 iter_args(%scan3A_39 = %scan3A_31) -> (i32)  : i32 {
      %broadcast_in_dim3A = arith.constant 0.000000e+00 : f32
      %broadcast_in_dim3A_40 = vector.broadcast %broadcast_in_dim3A : f32 to vector<16xf32>
      %get3A = arith.index_cast %scan3A_38 : i32 to index
      %get3A_41 = arith.constant 0 : index
      %get3A_42 = tpu.vector_load %arg14[%get3A, %get3A_41] {strides = array<i32>} : memref<32x128xf32, #tpu.memory_space<vmem>>, vector<16xf32>,
      %mul3A_43 = arith.constant 5.000000e-01 : f32
      %mul3A_44 = vector.broadcast %mul3A_43 : f32 to vector<16xf32>
      %mul3A_45 = arith.mulf %get3A_42, %mul3A_44 : vector<16xf32>
      %get3A_46 = arith.index_cast %scan3A_38 : i32 to index
      %get3A_47 = arith.constant 0 : index
      %get3A_48 = tpu.vector_load %arg15[%get3A_46, %get3A_47] {strides = array<i32>} : memref<32x128xf32, #tpu.memory_space<vmem>>, vector<16xf32>,
      %mul3A_49 = arith.constant 5.000000e-01 : f32
      %mul3A_50 = vector.broadcast %mul3A_49 : f32 to vector<16xf32>
      %mul3A_51 = arith.mulf %get3A_48, %mul3A_50 : vector<16xf32>
      %add3A_52 = arith.addf %mul3A_45, %mul3A_51 : vector<16xf32>
      %swap3A = arith.index_cast %scan3A_38 : i32 to index
      %swap3A_53 = arith.constant 0 : index
      %swap3A_54 = tpu.vector_load %arg16[%swap3A, %swap3A_53] {strides = array<i32>} : memref<32x128xf32, #tpu.memory_space<vmem>>, vector<16xf32>,
      tpu.vector_store %arg16[%swap3A, %swap3A_53], %add3A_52 {strides = array<i32>} : memref<32x128xf32, #tpu.memory_space<vmem>>, vector<16xf32>,
      %mul3A_55 = arith.mulf %add3A_52, %add3A_52 : vector<16xf32>
      %add3A_56 = arith.addf %broadcast_in_dim3A_40, %mul3A_55 : vector<16xf32>
      %get3A_57 = arith.index_cast %scan3A_38 : i32 to index
      %get3A_58 = arith.constant 16 : index
      %get3A_59 = tpu.vector_load %arg14[%get3A_57, %get3A_58] {strides = array<i32>} : memref<32x128xf32, #tpu.memory_space<vmem>>, vector<16xf32>,
      %mul3A_60 = arith.constant 5.000000e-01 : f32
      %mul3A_61 = vector.broadcast %mul3A_60 : f32 to vector<16xf32>
      %mul3A_62 = arith.mulf %get3A_59, %mul3A_61 : vector<16xf32>
      %get3A_63 = arith.index_cast %scan3A_38 : i32 to index
      %get3A_64 = arith.constant 16 : index
      %get3A_65 = tpu.vector_load %arg15[%get3A_63, %get3A_64] {strides = array<i32>} : memref<32x128xf32, #tpu.memory_space<vmem>>, vector<16xf32>,
      %mul3A_66 = arith.constant 5.000000e-01 : f32
      %mul3A_67 = vector.broadcast %mul3A_66 : f32 to vector<16xf32>
      %mul3A_68 = arith.mulf %get3A_65, %mul3A_67 : vector<16xf32>
      %add3A_69 = arith.addf %mul3A_62, %mul3A_68 : vector<16xf32>
      %swap3A_70 = arith.index_cast %scan3A_38 : i32 to index
      %swap3A_71 = arith.constant 16 : index
      %swap3A_72 = tpu.vector_load %arg16[%swap3A_70, %swap3A_71] {strides = array<i32>} : memref<32x128xf32, #tpu.memory_space<vmem>>, vector<16xf32>,
      tpu.vector_store %arg16[%swap3A_70, %swap3A_71], %add3A_69 {strides = array<i32>} : memref<32x128xf32, #tpu.memory_space<vmem>>, vector<16xf32>,
      %mul3A_73 = arith.mulf %add3A_69, %add3A_69 : vector<16xf32>
      %add3A_74 = arith.addf %add3A_56, %mul3A_73 : vector<16xf32>
      %get3A_75 = arith.index_cast %scan3A_38 : i32 to index
      %get3A_76 = arith.constant 32 : index
      %get3A_77 = tpu.vector_load %arg14[%get3A_75, %get3A_76] {strides = array<i32>} : memref<32x128xf32, #tpu.memory_space<vmem>>, vector<16xf32>,
      %mul3A_78 = arith.constant 5.000000e-01 : f32
      %mul3A_79 = vector.broadcast %mul3A_78 : f32 to vector<16xf32>
      %mul3A_80 = arith.mulf %get3A_77, %mul3A_79 : vector<16xf32>
      %get3A_81 = arith.index_cast %scan3A_38 : i32 to index
      %get3A_82 = arith.constant 32 : index
      %get3A_83 = tpu.vector_load %arg15[%get3A_81, %get3A_82] {strides = array<i32>} : memref<32x128xf32, #tpu.memory_space<vmem>>, vector<16xf32>,
      %mul3A_84 = arith.constant 5.000000e-01 : f32
      %mul3A_85 = vector.broadcast %mul3A_84 : f32 to vector<16xf32>
      %mul3A_86 = arith.mulf %get3A_83, %mul3A_85 : vector<16xf32>
      %add3A_87 = arith.addf %mul3A_80, %mul3A_86 : vector<16xf32>
      %swap3A_88 = arith.index_cast %scan3A_38 : i32 to index
      %swap3A_89 = arith.constant 32 : index
      %swap3A_90 = tpu.vector_load %arg16[%swap3A_88, %swap3A_89] {strides = array<i32>} : memref<32x128xf32, #tpu.memory_space<vmem>>, vector<16xf32>,
      tpu.vector_store %arg16[%swap3A_88, %swap3A_89], %add3A_87 {strides = array<i32>} : memref<32x128xf32, #tpu.memory_space<vmem>>, vector<16xf32>,
      %mul3A_91 = arith.mulf %add3A_87, %add3A_87 : vector<16xf32>
      %add3A_92 = arith.addf %add3A_74, %mul3A_91 : vector<16xf32>
      %get3A_93 = arith.index_cast %scan3A_38 : i32 to index
      %get3A_94 = arith.constant 48 : index
      %get3A_95 = tpu.vector_load %arg14[%get3A_93, %get3A_94] {strides = array<i32>} : memref<32x128xf32, #tpu.memory_space<vmem>>, vector<16xf32>,
      %mul3A_96 = arith.constant 5.000000e-01 : f32
      %mul3A_97 = vector.broadcast %mul3A_96 : f32 to vector<16xf32>
      %mul3A_98 = arith.mulf %get3A_95, %mul3A_97 : vector<16xf32>
      %get3A_99 = arith.index_cast %scan3A_38 : i32 to index
      %get3A_100 = arith.constant 48 : index
      %get3A_101 = tpu.vector_load %arg15[%get3A_99, %get3A_100] {strides = array<i32>} : memref<32x128xf32, #tpu.memory_space<vmem>>, vector<16xf32>,
      %mul3A_102 = arith.constant 5.000000e-01 : f32
      %mul3A_103 = vector.broadcast %mul3A_102 : f32 to vector<16xf32>
      %mul3A_104 = arith.mulf %get3A_101, %mul3A_103 : vector<16xf32>
      %add3A_105 = arith.addf %mul3A_98, %mul3A_104 : vector<16xf32>
      %swap3A_106 = arith.index_cast %scan3A_38 : i32 to index
      %swap3A_107 = arith.constant 48 : index
      %swap3A_108 = tpu.vector_load %arg16[%swap3A_106, %swap3A_107] {strides = array<i32>} : memref<32x128xf32, #tpu.memory_space<vmem>>, vector<16xf32>,
      tpu.vector_store %arg16[%swap3A_106, %swap3A_107], %add3A_105 {strides = array<i32>} : memref<32x128xf32, #tpu.memory_space<vmem>>, vector<16xf32>,
      %mul3A_109 = arith.mulf %add3A_105, %add3A_105 : vector<16xf32>
      %add3A_110 = arith.addf %add3A_92, %mul3A_109 : vector<16xf32>
      %get3A_111 = arith.index_cast %scan3A_38 : i32 to index
      %get3A_112 = arith.constant 64 : index
      %get3A_113 = tpu.vector_load %arg14[%get3A_111, %get3A_112] {strides = array<i32>} : memref<32x128xf32, #tpu.memory_space<vmem>>, vector<16xf32>,
      %mul3A_114 = arith.constant 5.000000e-01 : f32
      %mul3A_115 = vector.broadcast %mul3A_114 : f32 to vector<16xf32>
      %mul3A_116 = arith.mulf %get3A_113, %mul3A_115 : vector<16xf32>
      %get3A_117 = arith.index_cast %scan3A_38 : i32 to index
      %get3A_118 = arith.constant 64 : index
      %get3A_119 = tpu.vector_load %arg15[%get3A_117, %get3A_118] {strides = array<i32>} : memref<32x128xf32, #tpu.memory_space<vmem>>, vector<16xf32>,
      %mul3A_120 = arith.constant 5.000000e-01 : f32
      %mul3A_121 = vector.broadcast %mul3A_120 : f32 to vector<16xf32>
      %mul3A_122 = arith.mulf %get3A_119, %mul3A_121 : vector<16xf32>
      %add3A_123 = arith.addf %mul3A_116, %mul3A_122 : vector<16xf32>
      %swap3A_124 = arith.index_cast %scan3A_38 : i32 to index
      %swap3A_125 = arith.constant 64 : index
      %swap3A_126 = tpu.vector_load %arg16[%swap3A_124, %swap3A_125] {strides = array<i32>} : memref<32x128xf32, #tpu.memory_space<vmem>>, vector<16xf32>,
      tpu.vector_store %arg16[%swap3A_124, %swap3A_125], %add3A_123 {strides = array<i32>} : memref<32x128xf32, #tpu.memory_space<vmem>>, vector<16xf32>,
      %mul3A_127 = arith.mulf %add3A_123, %add3A_123 : vector<16xf32>
      %add3A_128 = arith.addf %add3A_110, %mul3A_127 : vector<16xf32>
      %get3A_129 = arith.index_cast %scan3A_38 : i32 to index
      %get3A_130 = arith.constant 80 : index
      %get3A_131 = tpu.vector_load %arg14[%get3A_129, %get3A_130] {strides = array<i32>} : memref<32x128xf32, #tpu.memory_space<vmem>>, vector<16xf32>,
      %mul3A_132 = arith.constant 5.000000e-01 : f32
      %mul3A_133 = vector.broadcast %mul3A_132 : f32 to vector<16xf32>
      %mul3A_134 = arith.mulf %get3A_131, %mul3A_133 : vector<16xf32>
      %get3A_135 = arith.index_cast %scan3A_38 : i32 to index
      %get3A_136 = arith.constant 80 : index
      %get3A_137 = tpu.vector_load %arg15[%get3A_135, %get3A_136] {strides = array<i32>} : memref<32x128xf32, #tpu.memory_space<vmem>>, vector<16xf32>,
      %mul3A_138 = arith.constant 5.000000e-01 : f32
      %mul3A_139 = vector.broadcast %mul3A_138 : f32 to vector<16xf32>
      %mul3A_140 = arith.mulf %get3A_137, %mul3A_139 : vector<16xf32>
      %add3A_141 = arith.addf %mul3A_134, %mul3A_140 : vector<16xf32>
      %swap3A_142 = arith.index_cast %scan3A_38 : i32 to index
      %swap3A_143 = arith.constant 80 : index
      %swap3A_144 = tpu.vector_load %arg16[%swap3A_142, %swap3A_143] {strides = array<i32>} : memref<32x128xf32, #tpu.memory_space<vmem>>, vector<16xf32>,
      tpu.vector_store %arg16[%swap3A_142, %swap3A_143], %add3A_141 {strides = array<i32>} : memref<32x128xf32, #tpu.memory_space<vmem>>, vector<16xf32>,
      %mul3A_145 = arith.mulf %add3A_141, %add3A_141 : vector<16xf32>
      %add3A_146 = arith.addf %add3A_128, %mul3A_145 : vector<16xf32>
      %get3A_147 = arith.index_cast %scan3A_38 : i32 to index
      %get3A_148 = arith.constant 96 : index
      %get3A_149 = tpu.vector_load %arg14[%get3A_147, %get3A_148] {strides = array<i32>} : memref<32x128xf32, #tpu.memory_space<vmem>>, vector<16xf32>,
      %mul3A_150 = arith.constant 5.000000e-01 : f32
      %mul3A_151 = vector.broadcast %mul3A_150 : f32 to vector<16xf32>
      %mul3A_152 = arith.mulf %get3A_149, %mul3A_151 : vector<16xf32>
      %get3A_153 = arith.index_cast %scan3A_38 : i32 to index
      %get3A_154 = arith.constant 96 : index
      %get3A_155 = tpu.vector_load %arg15[%get3A_153, %get3A_154] {strides = array<i32>} : memref<32x128xf32, #tpu.memory_space<vmem>>, vector<16xf32>,
      %mul3A_156 = arith.constant 5.000000e-01 : f32
      %mul3A_157 = vector.broadcast %mul3A_156 : f32 to vector<16xf32>
      %mul3A_158 = arith.mulf %get3A_155, %mul3A_157 : vector<16xf32>
      %add3A_159 = arith.addf %mul3A_152, %mul3A_158 : vector<16xf32>
      %swap3A_160 = arith.index_cast %scan3A_38 : i32 to index
      %swap3A_161 = arith.constant 96 : index
      %swap3A_162 = tpu.vector_load %arg16[%swap3A_160, %swap3A_161] {strides = array<i32>} : memref<32x128xf32, #tpu.memory_space<vmem>>, vector<16xf32>,
      tpu.vector_store %arg16[%swap3A_160, %swap3A_161], %add3A_159 {strides = array<i32>} : memref<32x128xf32, #tpu.memory_space<vmem>>, vector<16xf32>,
      %mul3A_163 = arith.mulf %add3A_159, %add3A_159 : vector<16xf32>
      %add3A_164 = arith.addf %add3A_146, %mul3A_163 : vector<16xf32>
      %get3A_165 = arith.index_cast %scan3A_38 : i32 to index
      %get3A_166 = arith.constant 112 : index
      %get3A_167 = tpu.vector_load %arg14[%get3A_165, %get3A_166] {strides = array<i32>} : memref<32x128xf32, #tpu.memory_space<vmem>>, vector<16xf32>,
      %mul3A_168 = arith.constant 5.000000e-01 : f32
      %mul3A_169 = vector.broadcast %mul3A_168 : f32 to vector<16xf32>
      %mul3A_170 = arith.mulf %get3A_167, %mul3A_169 : vector<16xf32>
      %get3A_171 = arith.index_cast %scan3A_38 : i32 to index
      %get3A_172 = arith.constant 112 : index
      %get3A_173 = tpu.vector_load %arg15[%get3A_171, %get3A_172] {strides = array<i32>} : memref<32x128xf32, #tpu.memory_space<vmem>>, vector<16xf32>,
      %mul3A_174 = arith.constant 5.000000e-01 : f32
      %mul3A_175 = vector.broadcast %mul3A_174 : f32 to vector<16xf32>
      %mul3A_176 = arith.mulf %get3A_173, %mul3A_175 : vector<16xf32>
      %add3A_177 = arith.addf %mul3A_170, %mul3A_176 : vector<16xf32>
      %swap3A_178 = arith.index_cast %scan3A_38 : i32 to index
      %swap3A_179 = arith.constant 112 : index
      %swap3A_180 = tpu.vector_load %arg16[%swap3A_178, %swap3A_179] {strides = array<i32>} : memref<32x128xf32, #tpu.memory_space<vmem>>, vector<16xf32>,
      tpu.vector_store %arg16[%swap3A_178, %swap3A_179], %add3A_177 {strides = array<i32>} : memref<32x128xf32, #tpu.memory_space<vmem>>, vector<16xf32>,
      %mul3A_181 = arith.mulf %add3A_177, %add3A_177 : vector<16xf32>
      %add3A_182 = arith.addf %add3A_164, %mul3A_181 : vector<16xf32>
      %reduce_sum3A = arith.constant true
      %reduce_sum3A_183 = vector.broadcast %reduce_sum3A : i1 to vector<16xi1>
      %reduce_sum3A_184 = tpu.scan <sum>, %add3A_182 masked %reduce_sum3A_183 : vector<16xf32>, vector<16xi1> -> vector<16xf32>
      %reduce_sum3A_185 = vector.extract %reduce_sum3A_184[15] : f32 from vector<16xf32>
      %broadcast_in_dim3A_186 = vector.broadcast %reduce_sum3A_185 : f32 to vector<16xf32>
      %bitcast3A = vector.bitcast %broadcast_in_dim3A_186 : vector<16xf32> to vector<16xi32>
      %shift_right_arithmetic3A = arith.constant 1 : i32
      %shift_right_arithmetic3A_187 = vector.broadcast %shift_right_arithmetic3A : i32 to vector<16xi32>
      %shift_right_arithmetic3A_188 = arith.shrsi %bitcast3A, %shift_right_arithmetic3A_187 : vector<16xi32>
      %sub3A = arith.constant 1597463007 : i32
      %sub3A_189 = vector.broadcast %sub3A : i32 to vector<16xi32>
      %sub3A_190 = arith.subi %sub3A_189, %shift_right_arithmetic3A_188 : vector<16xi32>
      %bitcast3A_191 = vector.bitcast %sub3A_190 : vector<16xi32> to vector<16xf32>
      %mul3A_192 = arith.constant 5.000000e-01 : f32
      %mul3A_193 = vector.broadcast %mul3A_192 : f32 to vector<16xf32>
      %mul3A_194 = arith.mulf %mul3A_193, %broadcast_in_dim3A_186 : vector<16xf32>
      %mul3A_195 = arith.mulf %mul3A_194, %bitcast3A_191 : vector<16xf32>
      %mul3A_196 = arith.mulf %mul3A_195, %bitcast3A_191 : vector<16xf32>
      %sub3A_197 = arith.constant 1.500000e+00 : f32
      %sub3A_198 = vector.broadcast %sub3A_197 : f32 to vector<16xf32>
      %sub3A_199 = arith.subf %sub3A_198, %mul3A_196 : vector<16xf32>
      %mul3A_200 = arith.mulf %bitcast3A_191, %sub3A_199 : vector<16xf32>
      %mul3A_201 = arith.constant 5.000000e-01 : f32
      %mul3A_202 = vector.broadcast %mul3A_201 : f32 to vector<16xf32>
      %mul3A_203 = arith.mulf %mul3A_202, %broadcast_in_dim3A_186 : vector<16xf32>
      %mul3A_204 = arith.mulf %mul3A_203, %mul3A_200 : vector<16xf32>
      %mul3A_205 = arith.mulf %mul3A_204, %mul3A_200 : vector<16xf32>
      %sub3A_206 = arith.constant 1.500000e+00 : f32
      %sub3A_207 = vector.broadcast %sub3A_206 : f32 to vector<16xf32>
      %sub3A_208 = arith.subf %sub3A_207, %mul3A_205 : vector<16xf32>
      %mul3A_209 = arith.mulf %mul3A_200, %sub3A_208 : vector<16xf32>
      %mul3A_210 = arith.constant 5.000000e-01 : f32
      %mul3A_211 = vector.broadcast %mul3A_210 : f32 to vector<16xf32>
      %mul3A_212 = arith.mulf %mul3A_211, %broadcast_in_dim3A_186 : vector<16xf32>
      %mul3A_213 = arith.mulf %mul3A_212, %mul3A_209 : vector<16xf32>
      %mul3A_214 = arith.mulf %mul3A_213, %mul3A_209 : vector<16xf32>
      %sub3A_215 = arith.constant 1.500000e+00 : f32
      %sub3A_216 = vector.broadcast %sub3A_215 : f32 to vector<16xf32>
      %sub3A_217 = arith.subf %sub3A_216, %mul3A_214 : vector<16xf32>
      %mul3A_218 = arith.mulf %mul3A_209, %sub3A_217 : vector<16xf32>
      %mul3A_219 = arith.constant 5.000000e-01 : f32
      %mul3A_220 = vector.broadcast %mul3A_219 : f32 to vector<16xf32>
      %mul3A_221 = arith.mulf %mul3A_220, %broadcast_in_dim3A_186 : vector<16xf32>
      %mul3A_222 = arith.mulf %mul3A_221, %mul3A_218 : vector<16xf32>
      %mul3A_223 = arith.mulf %mul3A_222, %mul3A_218 : vector<16xf32>
      %sub3A_224 = arith.constant 1.500000e+00 : f32
      %sub3A_225 = vector.broadcast %sub3A_224 : f32 to vector<16xf32>
      %sub3A_226 = arith.subf %sub3A_225, %mul3A_223 : vector<16xf32>
      %mul3A_227 = arith.mulf %mul3A_218, %sub3A_226 : vector<16xf32>
      %get3A_228 = arith.index_cast %scan3A_38 : i32 to index
      %get3A_229 = arith.constant 0 : index
      %get3A_230 = tpu.vector_load %arg16[%get3A_228, %get3A_229] {strides = array<i32>} : memref<32x128xf32, #tpu.memory_space<vmem>>, vector<16xf32>,
      %mul3A_231 = arith.mulf %get3A_230, %mul3A_227 : vector<16xf32>
      %swap3A_232 = arith.index_cast %scan3A_38 : i32 to index
      %swap3A_233 = arith.constant 0 : index
      %swap3A_234 = tpu.vector_load %arg16[%swap3A_232, %swap3A_233] {strides = array<i32>} : memref<32x128xf32, #tpu.memory_space<vmem>>, vector<16xf32>,
      tpu.vector_store %arg16[%swap3A_232, %swap3A_233], %mul3A_231 {strides = array<i32>} : memref<32x128xf32, #tpu.memory_space<vmem>>, vector<16xf32>,
      %get3A_235 = arith.index_cast %scan3A_38 : i32 to index
      %get3A_236 = arith.constant 16 : index
      %get3A_237 = tpu.vector_load %arg16[%get3A_235, %get3A_236] {strides = array<i32>} : memref<32x128xf32, #tpu.memory_space<vmem>>, vector<16xf32>,
      %mul3A_238 = arith.mulf %get3A_237, %mul3A_227 : vector<16xf32>
      %swap3A_239 = arith.index_cast %scan3A_38 : i32 to index
      %swap3A_240 = arith.constant 16 : index
      %swap3A_241 = tpu.vector_load %arg16[%swap3A_239, %swap3A_240] {strides = array<i32>} : memref<32x128xf32, #tpu.memory_space<vmem>>, vector<16xf32>,
      tpu.vector_store %arg16[%swap3A_239, %swap3A_240], %mul3A_238 {strides = array<i32>} : memref<32x128xf32, #tpu.memory_space<vmem>>, vector<16xf32>,
      %get3A_242 = arith.index_cast %scan3A_38 : i32 to index
      %get3A_243 = arith.constant 32 : index
      %get3A_244 = tpu.vector_load %arg16[%get3A_242, %get3A_243] {strides = array<i32>} : memref<32x128xf32, #tpu.memory_space<vmem>>, vector<16xf32>,
      %mul3A_245 = arith.mulf %get3A_244, %mul3A_227 : vector<16xf32>
      %swap3A_246 = arith.index_cast %scan3A_38 : i32 to index
      %swap3A_247 = arith.constant 32 : index
      %swap3A_248 = tpu.vector_load %arg16[%swap3A_246, %swap3A_247] {strides = array<i32>} : memref<32x128xf32, #tpu.memory_space<vmem>>, vector<16xf32>,
      tpu.vector_store %arg16[%swap3A_246, %swap3A_247], %mul3A_245 {strides = array<i32>} : memref<32x128xf32, #tpu.memory_space<vmem>>, vector<16xf32>,
      %get3A_249 = arith.index_cast %scan3A_38 : i32 to index
      %get3A_250 = arith.constant 48 : index
      %get3A_251 = tpu.vector_load %arg16[%get3A_249, %get3A_250] {strides = array<i32>} : memref<32x128xf32, #tpu.memory_space<vmem>>, vector<16xf32>,
      %mul3A_252 = arith.mulf %get3A_251, %mul3A_227 : vector<16xf32>
      %swap3A_253 = arith.index_cast %scan3A_38 : i32 to index
      %swap3A_254 = arith.constant 48 : index
      %swap3A_255 = tpu.vector_load %arg16[%swap3A_253, %swap3A_254] {strides = array<i32>} : memref<32x128xf32, #tpu.memory_space<vmem>>, vector<16xf32>,
      tpu.vector_store %arg16[%swap3A_253, %swap3A_254], %mul3A_252 {strides = array<i32>} : memref<32x128xf32, #tpu.memory_space<vmem>>, vector<16xf32>,
      %get3A_256 = arith.index_cast %scan3A_38 : i32 to index
      %get3A_257 = arith.constant 64 : index
      %get3A_258 = tpu.vector_load %arg16[%get3A_256, %get3A_257] {strides = array<i32>} : memref<32x128xf32, #tpu.memory_space<vmem>>, vector<16xf32>,
      %mul3A_259 = arith.mulf %get3A_258, %mul3A_227 : vector<16xf32>
      %swap3A_260 = arith.index_cast %scan3A_38 : i32 to index
      %swap3A_261 = arith.constant 64 : index
      %swap3A_262 = tpu.vector_load %arg16[%swap3A_260, %swap3A_261] {strides = array<i32>} : memref<32x128xf32, #tpu.memory_space<vmem>>, vector<16xf32>,
      tpu.vector_store %arg16[%swap3A_260, %swap3A_261], %mul3A_259 {strides = array<i32>} : memref<32x128xf32, #tpu.memory_space<vmem>>, vector<16xf32>,
      %get3A_263 = arith.index_cast %scan3A_38 : i32 to index
      %get3A_264 = arith.constant 80 : index
      %get3A_265 = tpu.vector_load %arg16[%get3A_263, %get3A_264] {strides = array<i32>} : memref<32x128xf32, #tpu.memory_space<vmem>>, vector<16xf32>,
      %mul3A_266 = arith.mulf %get3A_265, %mul3A_227 : vector<16xf32>
      %swap3A_267 = arith.index_cast %scan3A_38 : i32 to index
      %swap3A_268 = arith.constant 80 : index
      %swap3A_269 = tpu.vector_load %arg16[%swap3A_267, %swap3A_268] {strides = array<i32>} : memref<32x128xf32, #tpu.memory_space<vmem>>, vector<16xf32>,
      tpu.vector_store %arg16[%swap3A_267, %swap3A_268], %mul3A_266 {strides = array<i32>} : memref<32x128xf32, #tpu.memory_space<vmem>>, vector<16xf32>,
      %get3A_270 = arith.index_cast %scan3A_38 : i32 to index
      %get3A_271 = arith.constant 96 : index
      %get3A_272 = tpu.vector_load %arg16[%get3A_270, %get3A_271] {strides = array<i32>} : memref<32x128xf32, #tpu.memory_space<vmem>>, vector<16xf32>,
      %mul3A_273 = arith.mulf %get3A_272, %mul3A_227 : vector<16xf32>
      %swap3A_274 = arith.index_cast %scan3A_38 : i32 to index
      %swap3A_275 = arith.constant 96 : index
      %swap3A_276 = tpu.vector_load %arg16[%swap3A_274, %swap3A_275] {strides = array<i32>} : memref<32x128xf32, #tpu.memory_space<vmem>>, vector<16xf32>,
      tpu.vector_store %arg16[%swap3A_274, %swap3A_275], %mul3A_273 {strides = array<i32>} : memref<32x128xf32, #tpu.memory_space<vmem>>, vector<16xf32>,
      %get3A_277 = arith.index_cast %scan3A_38 : i32 to index
      %get3A_278 = arith.constant 112 : index
      %get3A_279 = tpu.vector_load %arg16[%get3A_277, %get3A_278] {strides = array<i32>} : memref<32x128xf32, #tpu.memory_space<vmem>>, vector<16xf32>,
      %mul3A_280 = arith.mulf %get3A_279, %mul3A_227 : vector<16xf32>
      %swap3A_281 = arith.index_cast %scan3A_38 : i32 to index
      %swap3A_282 = arith.constant 112 : index
      %swap3A_283 = tpu.vector_load %arg16[%swap3A_281, %swap3A_282] {strides = array<i32>} : memref<32x128xf32, #tpu.memory_space<vmem>>, vector<16xf32>,
      tpu.vector_store %arg16[%swap3A_281, %swap3A_282], %mul3A_280 {strides = array<i32>} : memref<32x128xf32, #tpu.memory_space<vmem>>, vector<16xf32>,
      %scan3A_284 = arith.constant 0 : i32
      scf.yield %scan3A_284 : i32
    }
    %scan3A_37 = arith.constant 32 : i32
    "tpu.region"() ({
      %run_scoped3A = tpu.sem_alloc : memref<!tpu.dma_semaphore, #tpu.memory_space<semaphore_mem>>
      %dma_start3A_38 = arith.constant 0 : i32
      %dma_start3A_39 = arith.constant 0 : i32
      %dma_start3A_40 = tpu.memref_slice %arg9[%dma_start3A_38, %dma_start3A_39] : memref<100000x128xf32, #tpu.memory_space<hbm>> -> memref<100000x128xf32, #tpu.memory_space<hbm>>
      tpu.enqueue_indirect_dma source(%arg16 : memref<32x128xf32, #tpu.memory_space<vmem>>) target(%dma_start3A_40 : memref<100000x128xf32, #tpu.memory_space<hbm>>) offsets(%arg12 : memref<32xi32, #tpu.memory_space<vmem>>) semaphore(%run_scoped3A : memref<!tpu.dma_semaphore, #tpu.memory_space<semaphore_mem>>)
      %dma_wait3A_41 = arith.constant 0 : i32
      %dma_wait3A_42 = arith.constant 0 : i32
      %dma_wait3A_43 = tpu.memref_slice %arg9[%dma_wait3A_41, %dma_wait3A_42] : memref<100000x128xf32, #tpu.memory_space<hbm>> -> memref<100000x128xf32, #tpu.memory_space<hbm>>
      tpu.wait_indirect_dma semaphore(%run_scoped3A : memref<!tpu.dma_semaphore, #tpu.memory_space<semaphore_mem>>) src(%arg16 : memref<32x128xf32, #tpu.memory_space<vmem>>) dst(%dma_wait3A_43 : memref<100000x128xf32, #tpu.memory_space<hbm>>)
      tpu.yield
    }) : () -> ()
    return
  }
}

module attributes {stable_mosaic.version = 14 : i64} {
  func.func @_mm_body(%arg0: i32, %arg1: memref<1024x128xf32, #tpu.memory_space<vmem>>, %arg2: memref<1024x128xf32, #tpu.memory_space<vmem>>, %arg3: memref<1024x128xf32, #tpu.memory_space<vmem>>, %arg4: memref<1024x128xf32, #tpu.memory_space<vmem>>, %arg5: memref<1024x8x128xi32, #tpu.memory_space<vmem>>, %arg6: memref<1024x128xf32, #tpu.memory_space<vmem>>, %arg7: memref<1024x128xf32, #tpu.memory_space<vmem>>) attributes {dimension_semantics = [#tpu.dimension_semantics<arbitrary>], iteration_bounds = array<i64: 98>, scalar_prefetch = 0 : i64, scratch_operands = 0 : i64, tpu.core_type = #tpu.core_type<tc>, window_params = [{transform_indices = @transform_0, window_bounds = array<i64: 1024, 128>}, {transform_indices = @transform_1, window_bounds = array<i64: 1024, 128>}, {pipeline_mode = #tpu.pipeline_mode<synchronous>, transform_indices = @transform_2, window_bounds = array<i64: 1024, 128>}, {pipeline_mode = #tpu.pipeline_mode<synchronous>, transform_indices = @transform_3, window_bounds = array<i64: 1024, 128>}, {transform_indices = @transform_4, window_bounds = array<i64: 1024, 8, 128>}, {transform_indices = @transform_5, window_bounds = array<i64: 1024, 128>}, {transform_indices = @transform_6, window_bounds = array<i64: 1024, 128>}]} {
    %get3A = arith.constant 0 : index
    %get3A_0 = arith.constant 0 : index
    %get3A_1 = vector.load %arg1[%get3A, %get3A_0] : memref<1024x128xf32, #tpu.memory_space<vmem>>, vector<1024x128xf32>
    %get3A_2 = arith.constant 0 : index
    %get3A_3 = arith.constant 0 : index
    %get3A_4 = vector.load %arg2[%get3A_2, %get3A_3] : memref<1024x128xf32, #tpu.memory_space<vmem>>, vector<1024x128xf32>
    %convert_element_type3A = arith.truncf %get3A_1 : vector<1024x128xf32> to vector<1024x128xbf16>
    %get3A_5 = arith.constant 0 : index
    %get3A_6 = arith.constant 0 : index
    %get3A_7 = vector.load %arg3[%get3A_5, %get3A_6] : memref<1024x128xf32, #tpu.memory_space<vmem>>, vector<1024x128xf32>
    %convert_element_type3A_8 = arith.truncf %get3A_7 : vector<1024x128xf32> to vector<1024x128xbf16>
    %dot_general3A = arith.constant dense<0.000000e+00> : vector<1024x1024xf32>
    %dot_general3A_9 = tpu.matmul %convert_element_type3A, %convert_element_type3A_8, %dot_general3A {dimension_numbers = #tpu.dot_dimension_numbers<[1], [1], [0], [0], [0, 0, 1, 0], [], []>, transpose_lhs_hint = false} : vector<1024x128xbf16>, vector<1024x128xbf16>, vector<1024x1024xf32> -> vector<1024x1024xf32>
    %convert_element_type3A_10 = arith.truncf %get3A_4 : vector<1024x128xf32> to vector<1024x128xbf16>
    %get3A_11 = arith.constant 0 : index
    %get3A_12 = arith.constant 0 : index
    %get3A_13 = vector.load %arg4[%get3A_11, %get3A_12] : memref<1024x128xf32, #tpu.memory_space<vmem>>, vector<1024x128xf32>
    %convert_element_type3A_14 = arith.truncf %get3A_13 : vector<1024x128xf32> to vector<1024x128xbf16>
    %dot_general3A_15 = arith.constant dense<0.000000e+00> : vector<1024x1024xf32>
    %dot_general3A_16 = tpu.matmul %convert_element_type3A_10, %convert_element_type3A_14, %dot_general3A_15 {dimension_numbers = #tpu.dot_dimension_numbers<[1], [1], [0], [0], [0, 0, 1, 0], [], []>, transpose_lhs_hint = false} : vector<1024x128xbf16>, vector<1024x128xbf16>, vector<1024x1024xf32> -> vector<1024x1024xf32>
    %bitcast_convert_type3A = tpu.bitcast %dot_general3A_9 : vector<1024x1024xf32> -> vector<1024x1024xi32>
    %bitcast_convert_type3A_17 = tpu.bitcast %dot_general3A_16 : vector<1024x1024xf32> -> vector<1024x1024xi32>
    %shift_right_arithmetic3A = arith.constant 16 : i32
    %shift_right_arithmetic3A_18 = vector.broadcast %shift_right_arithmetic3A : i32 to vector<1024x1024xi32>
    %shift_right_arithmetic3A_19 = arith.shrsi %bitcast_convert_type3A, %shift_right_arithmetic3A_18 : vector<1024x1024xi32>
    %and3A = arith.constant 65535 : i32
    %and3A_20 = vector.broadcast %and3A : i32 to vector<1024x1024xi32>
    %and3A_21 = arith.andi %shift_right_arithmetic3A_19, %and3A_20 : vector<1024x1024xi32>
    %and3A_22 = arith.constant -65536 : i32
    %and3A_23 = vector.broadcast %and3A_22 : i32 to vector<1024x1024xi32>
    %and3A_24 = arith.andi %bitcast_convert_type3A_17, %and3A_23 : vector<1024x1024xi32>
    %or3A = arith.ori %and3A_21, %and3A_24 : vector<1024x1024xi32>
    %reshape3A = vector.shape_cast %or3A : vector<1024x1024xi32> to vector<1024x8x128xi32>
    %swap3A = arith.constant 0 : index
    %swap3A_25 = arith.constant 0 : index
    %swap3A_26 = arith.constant 0 : index
    %swap3A_27 = vector.load %arg5[%swap3A, %swap3A_25, %swap3A_26] : memref<1024x8x128xi32, #tpu.memory_space<vmem>>, vector<1024x8x128xi32>
    tpu.vector_store %arg5[%swap3A, %swap3A_25, %swap3A_26], %reshape3A {strides = array<i32>} : memref<1024x8x128xi32, #tpu.memory_space<vmem>>, vector<1024x8x128xi32>,
    %swap3A_28 = arith.constant 0 : index
    %swap3A_29 = arith.constant 0 : index
    %swap3A_30 = vector.load %arg6[%swap3A_28, %swap3A_29] : memref<1024x128xf32, #tpu.memory_space<vmem>>, vector<1024x128xf32>
    tpu.vector_store %arg6[%swap3A_28, %swap3A_29], %get3A_1 {strides = array<i32>} : memref<1024x128xf32, #tpu.memory_space<vmem>>, vector<1024x128xf32>,
    %swap3A_31 = arith.constant 0 : index
    %swap3A_32 = arith.constant 0 : index
    %swap3A_33 = vector.load %arg7[%swap3A_31, %swap3A_32] : memref<1024x128xf32, #tpu.memory_space<vmem>>, vector<1024x128xf32>
    tpu.vector_store %arg7[%swap3A_31, %swap3A_32], %get3A_4 {strides = array<i32>} : memref<1024x128xf32, #tpu.memory_space<vmem>>, vector<1024x128xf32>,
    return
  }
  func.func @transform_0(%arg0: i32) -> (i32, i32) {
    %c0_i32 = arith.constant 0 : i32
    %c0_i32_0 = arith.constant 0 : i32
    return %arg0, %c0_i32 : i32, i32
  }
  func.func @transform_1(%arg0: i32) -> (i32, i32) {
    %c0_i32 = arith.constant 0 : i32
    %c0_i32_0 = arith.constant 0 : i32
    return %arg0, %c0_i32 : i32, i32
  }
  func.func @transform_2(%arg0: i32) -> (i32, i32) {
    %c0_i32 = arith.constant 0 : i32
    %c0_i32_0 = arith.constant 0 : i32
    %c0_i32_1 = arith.constant 0 : i32
    return %c0_i32, %c0_i32_0 : i32, i32
  }
  func.func @transform_3(%arg0: i32) -> (i32, i32) {
    %c0_i32 = arith.constant 0 : i32
    %c0_i32_0 = arith.constant 0 : i32
    %c0_i32_1 = arith.constant 0 : i32
    return %c0_i32, %c0_i32_0 : i32, i32
  }
  func.func @transform_4(%arg0: i32) -> (i32, i32, i32) {
    %c0_i32 = arith.constant 0 : i32
    %c0_i32_0 = arith.constant 0 : i32
    %c0_i32_1 = arith.constant 0 : i32
    return %arg0, %c0_i32, %c0_i32_0 : i32, i32, i32
  }
  func.func @transform_5(%arg0: i32) -> (i32, i32) {
    %c0_i32 = arith.constant 0 : i32
    %c0_i32_0 = arith.constant 0 : i32
    return %arg0, %c0_i32 : i32, i32
  }
  func.func @transform_6(%arg0: i32) -> (i32, i32) {
    %c0_i32 = arith.constant 0 : i32
    %c0_i32_0 = arith.constant 0 : i32
    return %arg0, %c0_i32 : i32, i32
  }
}

module attributes {stable_mosaic.version = 14 : i64} {
  func.func @_loss_body(%arg0: i32, %arg1: i32, %arg2: memref<128x1025xf32, #tpu.memory_space<vmem>>, %arg3: memref<128x1025xf32, #tpu.memory_space<vmem>>, %arg4: memref<1x1xf32, #tpu.memory_space<vmem>>, %arg5: memref<4xf32, #tpu.memory_space<smem>>) attributes {dimension_semantics = [#tpu.dimension_semantics<arbitrary>, #tpu.dimension_semantics<arbitrary>], iteration_bounds = array<i64: 2, 8>, scalar_prefetch = 0 : i64, scratch_operands = 1 : i64, tpu.core_type = #tpu.core_type<tc>, window_params = [{transform_indices = @transform_0, window_bounds = array<i64: 128, 1025>}, {transform_indices = @transform_1, window_bounds = array<i64: 128, 1025>}, {pipeline_mode = #tpu.pipeline_mode<synchronous>, transform_indices = @transform_2, window_bounds = array<i64: 1, 1>}]} {
    %eq3A = arith.constant 0 : i32
    %eq3A_0 = arith.cmpi eq, %arg0, %eq3A : i32
    %eq3A_1 = arith.constant 0 : i32
    %eq3A_2 = arith.cmpi eq, %arg1, %eq3A_1 : i32
    %and3A = arith.andi %eq3A_0, %eq3A_2 : i1
    %convert_element_type3A = arith.extui %and3A : i1 to i32
    %cond3A = arith.constant 0 : i32
    %cond3A_3 = arith.cmpi ne, %convert_element_type3A, %cond3A : i32
    scf.if %cond3A_3 {
      %swap3A = arith.constant 0.000000e+00 : f32
      %swap3A_14 = arith.constant 0 : index
      %swap3A_15 = memref.load %arg5[%swap3A_14] : memref<4xf32, #tpu.memory_space<smem>>
      memref.store %swap3A, %arg5[%swap3A_14] : memref<4xf32, #tpu.memory_space<smem>>
      %swap3A_16 = arith.constant 0.000000e+00 : f32
      %swap3A_17 = arith.constant 1 : index
      %swap3A_18 = memref.load %arg5[%swap3A_17] : memref<4xf32, #tpu.memory_space<smem>>
      memref.store %swap3A_16, %arg5[%swap3A_17] : memref<4xf32, #tpu.memory_space<smem>>
      %swap3A_19 = arith.constant 0.000000e+00 : f32
      %swap3A_20 = arith.constant 2 : index
      %swap3A_21 = memref.load %arg5[%swap3A_20] : memref<4xf32, #tpu.memory_space<smem>>
      memref.store %swap3A_19, %arg5[%swap3A_20] : memref<4xf32, #tpu.memory_space<smem>>
      %swap3A_22 = arith.constant 0.000000e+00 : f32
      %swap3A_23 = arith.constant 3 : index
      %swap3A_24 = memref.load %arg5[%swap3A_23] : memref<4xf32, #tpu.memory_space<smem>>
      memref.store %swap3A_22, %arg5[%swap3A_23] : memref<4xf32, #tpu.memory_space<smem>>
    } else {
    }
    %eq3A_4 = arith.constant 0 : i32
    %eq3A_5 = arith.cmpi eq, %arg0, %eq3A_4 : i32
    %convert_element_type3A_6 = arith.extui %eq3A_5 : i1 to i32
    %cond3A_7 = arith.constant 0 : i32
    %cond3A_8 = arith.cmpi ne, %convert_element_type3A_6, %cond3A_7 : i32
    scf.if %cond3A_8 {
      %get3A = arith.constant 0 : index
      %get3A_14 = memref.load %arg5[%get3A] : memref<4xf32, #tpu.memory_space<smem>>
      %get3A_15 = arith.constant 0 : index
      %get3A_16 = arith.constant 0 : index
      %get3A_17 = vector.load %arg2[%get3A_15, %get3A_16] : memref<128x1025xf32, #tpu.memory_space<vmem>>, vector<128x1025xf32>
      %reduce_sum3A = vector.shape_cast %get3A_17 : vector<128x1025xf32> to vector<1x128x1025xf32>
      %reduce_sum3A_18 = arith.constant dense<0.000000e+00> : vector<1xf32>
      %reduce_sum3A_19 = vector.multi_reduction <add>, %reduce_sum3A, %reduce_sum3A_18 [1, 2] : vector<1x128x1025xf32> to vector<1xf32>
      %reduce_sum3A_20 = vector.shape_cast %reduce_sum3A_19 : vector<1xf32> to vector<1x1x1xf32>
      %reduce_sum3A_21 = vector.extract %reduce_sum3A_20[0, 0, 0] : f32 from vector<1x1x1xf32>
      %add3A = arith.addf %get3A_14, %reduce_sum3A_21 : f32
      %swap3A = arith.constant 0 : index
      %swap3A_22 = memref.load %arg5[%swap3A] : memref<4xf32, #tpu.memory_space<smem>>
      memref.store %add3A, %arg5[%swap3A] : memref<4xf32, #tpu.memory_space<smem>>
      %get3A_23 = arith.constant 1 : index
      %get3A_24 = memref.load %arg5[%get3A_23] : memref<4xf32, #tpu.memory_space<smem>>
      %get3A_25 = arith.constant 0 : index
      %get3A_26 = arith.constant 0 : index
      %get3A_27 = vector.load %arg3[%get3A_25, %get3A_26] : memref<128x1025xf32, #tpu.memory_space<vmem>>, vector<128x1025xf32>
      %reduce_sum3A_28 = vector.shape_cast %get3A_27 : vector<128x1025xf32> to vector<1x128x1025xf32>
      %reduce_sum3A_29 = arith.constant dense<0.000000e+00> : vector<1xf32>
      %reduce_sum3A_30 = vector.multi_reduction <add>, %reduce_sum3A_28, %reduce_sum3A_29 [1, 2] : vector<1x128x1025xf32> to vector<1xf32>
      %reduce_sum3A_31 = vector.shape_cast %reduce_sum3A_30 : vector<1xf32> to vector<1x1x1xf32>
      %reduce_sum3A_32 = vector.extract %reduce_sum3A_31[0, 0, 0] : f32 from vector<1x1x1xf32>
      %add3A_33 = arith.addf %get3A_24, %reduce_sum3A_32 : f32
      %swap3A_34 = arith.constant 1 : index
      %swap3A_35 = memref.load %arg5[%swap3A_34] : memref<4xf32, #tpu.memory_space<smem>>
      memref.store %add3A_33, %arg5[%swap3A_34] : memref<4xf32, #tpu.memory_space<smem>>
    } else {
    }
    %eq3A_9 = arith.constant 1 : i32
    %eq3A_10 = arith.cmpi eq, %arg0, %eq3A_9 : i32
    %convert_element_type3A_11 = arith.extui %eq3A_10 : i1 to i32
    %cond3A_12 = arith.constant 0 : i32
    %cond3A_13 = arith.cmpi ne, %convert_element_type3A_11, %cond3A_12 : i32
    scf.if %cond3A_13 {
      %get3A = arith.constant 0 : index
      %get3A_14 = memref.load %arg5[%get3A] : memref<4xf32, #tpu.memory_space<smem>>
      %div3A = arith.constant 1.049600e+06 : f32
      %div3A_15 = arith.divf %get3A_14, %div3A : f32
      %mul3A = arith.constant 1.000000e+05 : f32
      %mul3A_16 = arith.mulf %div3A_15, %mul3A : f32
      %get3A_17 = arith.constant 1 : index
      %get3A_18 = memref.load %arg5[%get3A_17] : memref<4xf32, #tpu.memory_space<smem>>
      %div3A_19 = arith.constant 1.049600e+06 : f32
      %div3A_20 = arith.divf %get3A_18, %div3A_19 : f32
      %mul3A_21 = arith.constant 1.000000e+05 : f32
      %mul3A_22 = arith.mulf %div3A_20, %mul3A_21 : f32
      %iota3A = tpu.iota {dimensions = array<i32: 1>} : vector<128x1025xi32>
      %get3A_23 = arith.constant 0 : index
      %get3A_24 = arith.constant 0 : index
      %get3A_25 = vector.load %arg3[%get3A_23, %get3A_24] : memref<128x1025xf32, #tpu.memory_space<vmem>>, vector<128x1025xf32>
      %div3A_26 = vector.broadcast %mul3A_22 : f32 to vector<128x1025xf32>
      %div3A_27 = arith.divf %get3A_25, %div3A_26 : vector<128x1025xf32>
      %add3A = arith.constant 1.024000e-02 : f32
      %add3A_28 = vector.broadcast %add3A : f32 to vector<128x1025xf32>
      %add3A_29 = arith.addf %div3A_27, %add3A_28 : vector<128x1025xf32>
      %add3A_30 = arith.constant 1.000000e-07 : f32
      %add3A_31 = vector.broadcast %add3A_30 : f32 to vector<128x1025xf32>
      %add3A_32 = arith.addf %add3A_29, %add3A_31 : vector<128x1025xf32>
      %div3A_33 = arith.divf %div3A_27, %add3A_32 : vector<128x1025xf32>
      %log3A = math.log %div3A_33 : vector<128x1025xf32>
      %div3A_34 = arith.constant 1.024000e-02 : f32
      %div3A_35 = vector.broadcast %div3A_34 : f32 to vector<128x1025xf32>
      %div3A_36 = arith.divf %div3A_35, %add3A_32 : vector<128x1025xf32>
      %log3A_37 = math.log %div3A_36 : vector<128x1025xf32>
      %eq3A_38 = arith.constant 0 : i32
      %eq3A_39 = vector.broadcast %eq3A_38 : i32 to vector<128x1025xi32>
      %eq3A_40 = arith.cmpi eq, %iota3A, %eq3A_39 : vector<128x1025xi32>
      %select_n3A = arith.select %eq3A_40, %log3A, %log3A_37 : vector<128x1025xi1>, vector<128x1025xf32>
      %get3A_41 = arith.constant 2 : index
      %get3A_42 = memref.load %arg5[%get3A_41] : memref<4xf32, #tpu.memory_space<smem>>
      %reduce_sum3A = vector.shape_cast %select_n3A : vector<128x1025xf32> to vector<1x128x1025xf32>
      %reduce_sum3A_43 = arith.constant dense<0.000000e+00> : vector<1xf32>
      %reduce_sum3A_44 = vector.multi_reduction <add>, %reduce_sum3A, %reduce_sum3A_43 [1, 2] : vector<1x128x1025xf32> to vector<1xf32>
      %reduce_sum3A_45 = vector.shape_cast %reduce_sum3A_44 : vector<1xf32> to vector<1x1x1xf32>
      %reduce_sum3A_46 = vector.extract %reduce_sum3A_45[0, 0, 0] : f32 from vector<1x1x1xf32>
      %add3A_47 = arith.addf %get3A_42, %reduce_sum3A_46 : f32
      %swap3A = arith.constant 2 : index
      %swap3A_48 = memref.load %arg5[%swap3A] : memref<4xf32, #tpu.memory_space<smem>>
      memref.store %add3A_47, %arg5[%swap3A] : memref<4xf32, #tpu.memory_space<smem>>
      %get3A_49 = arith.constant 0 : index
      %get3A_50 = arith.constant 0 : index
      %get3A_51 = vector.load %arg2[%get3A_49, %get3A_50] : memref<128x1025xf32, #tpu.memory_space<vmem>>, vector<128x1025xf32>
      %div3A_52 = vector.broadcast %mul3A_16 : f32 to vector<128x1025xf32>
      %div3A_53 = arith.divf %get3A_51, %div3A_52 : vector<128x1025xf32>
      %add3A_54 = arith.constant 1.024000e-02 : f32
      %add3A_55 = vector.broadcast %add3A_54 : f32 to vector<128x1025xf32>
      %add3A_56 = arith.addf %div3A_53, %add3A_55 : vector<128x1025xf32>
      %add3A_57 = arith.constant 1.000000e-07 : f32
      %add3A_58 = vector.broadcast %add3A_57 : f32 to vector<128x1025xf32>
      %add3A_59 = arith.addf %add3A_56, %add3A_58 : vector<128x1025xf32>
      %div3A_60 = arith.divf %div3A_53, %add3A_59 : vector<128x1025xf32>
      %log3A_61 = math.log %div3A_60 : vector<128x1025xf32>
      %div3A_62 = arith.constant 1.024000e-02 : f32
      %div3A_63 = vector.broadcast %div3A_62 : f32 to vector<128x1025xf32>
      %div3A_64 = arith.divf %div3A_63, %add3A_59 : vector<128x1025xf32>
      %log3A_65 = math.log %div3A_64 : vector<128x1025xf32>
      %eq3A_66 = arith.constant 0 : i32
      %eq3A_67 = vector.broadcast %eq3A_66 : i32 to vector<128x1025xi32>
      %eq3A_68 = arith.cmpi eq, %iota3A, %eq3A_67 : vector<128x1025xi32>
      %select_n3A_69 = arith.select %eq3A_68, %log3A_61, %log3A_65 : vector<128x1025xi1>, vector<128x1025xf32>
      %get3A_70 = arith.constant 3 : index
      %get3A_71 = memref.load %arg5[%get3A_70] : memref<4xf32, #tpu.memory_space<smem>>
      %reduce_sum3A_72 = vector.shape_cast %select_n3A_69 : vector<128x1025xf32> to vector<1x128x1025xf32>
      %reduce_sum3A_73 = arith.constant dense<0.000000e+00> : vector<1xf32>
      %reduce_sum3A_74 = vector.multi_reduction <add>, %reduce_sum3A_72, %reduce_sum3A_73 [1, 2] : vector<1x128x1025xf32> to vector<1xf32>
      %reduce_sum3A_75 = vector.shape_cast %reduce_sum3A_74 : vector<1xf32> to vector<1x1x1xf32>
      %reduce_sum3A_76 = vector.extract %reduce_sum3A_75[0, 0, 0] : f32 from vector<1x1x1xf32>
      %add3A_77 = arith.addf %get3A_71, %reduce_sum3A_76 : f32
      %swap3A_78 = arith.constant 3 : index
      %swap3A_79 = memref.load %arg5[%swap3A_78] : memref<4xf32, #tpu.memory_space<smem>>
      memref.store %add3A_77, %arg5[%swap3A_78] : memref<4xf32, #tpu.memory_space<smem>>
      %eq3A_80 = arith.constant 7 : i32
      %eq3A_81 = arith.cmpi eq, %arg1, %eq3A_80 : i32
      %convert_element_type3A_82 = arith.extui %eq3A_81 : i1 to i32
      %cond3A_83 = arith.constant 0 : i32
      %cond3A_84 = arith.cmpi ne, %convert_element_type3A_82, %cond3A_83 : i32
      scf.if %cond3A_84 {
        %get3A_85 = arith.constant 2 : index
        %get3A_86 = memref.load %arg5[%get3A_85] : memref<4xf32, #tpu.memory_space<smem>>
        %get3A_87 = arith.constant 3 : index
        %get3A_88 = memref.load %arg5[%get3A_87] : memref<4xf32, #tpu.memory_space<smem>>
        %add3A_89 = arith.addf %get3A_86, %get3A_88 : f32
        %neg3A = arith.constant 0.000000e+00 : f32
        %neg3A_90 = arith.subf %neg3A, %add3A_89 : f32
        %div3A_91 = arith.constant 1.024000e+03 : f32
        %div3A_92 = arith.divf %neg3A_90, %div3A_91 : f32
        %broadcast_in_dim3A = vector.broadcast %div3A_92 : f32 to vector<1x1xf32>
        %swap3A_93 = arith.constant 0 : index
        %swap3A_94 = arith.constant 0 : index
        %swap3A_95 = vector.load %arg4[%swap3A_93, %swap3A_94] : memref<1x1xf32, #tpu.memory_space<vmem>>, vector<1x1xf32>
        tpu.vector_store %arg4[%swap3A_93, %swap3A_94], %broadcast_in_dim3A {strides = array<i32>} : memref<1x1xf32, #tpu.memory_space<vmem>>, vector<1x1xf32>,
      } else {
      }
    } else {
    }
    return
  }
  func.func @transform_0(%arg0: i32, %arg1: i32) -> (i32, i32) {
    %c0_i32 = arith.constant 0 : i32
    %c0_i32_0 = arith.constant 0 : i32
    return %arg1, %c0_i32 : i32, i32
  }
  func.func @transform_1(%arg0: i32, %arg1: i32) -> (i32, i32) {
    %c0_i32 = arith.constant 0 : i32
    %c0_i32_0 = arith.constant 0 : i32
    return %arg1, %c0_i32 : i32, i32
  }
  func.func @transform_2(%arg0: i32, %arg1: i32) -> (i32, i32) {
    %c0_i32 = arith.constant 0 : i32
    %c0_i32_0 = arith.constant 0 : i32
    %c0_i32_1 = arith.constant 0 : i32
    return %c0_i32, %c0_i32_0 : i32, i32
  }
}

</mosaic_0001>

<sc_bundles>
// kernel: kernel.6.cloned.1.call-start
scs
__scs_entry_jumppad:
0x0: {  	(pc) =	sbr.rel $0x88, $3  }
0x1: {  	(tag) =	ssettag $0x0;
	lr =	simm.s32 $0x1  }
0x2: {  	[smem:$0x3F9B] =	sst lr;
	_ =	strace $0xD0000000  }
0x3: {  	_ = 	snop  }
0x4: {  	_ = 	snop  }
0x5: {  	_ = 	snop  }
0x6: {  	_ = 	snop  }
0x7: {  	_ = 	snop  }
__scs_overlays_trampoline_lowered:
0x8: {  	[smem:$0x3FAA] =	sst s0  }
0x9: {  	[smem:$0x3FAB] =	sst s1  }
0xa: {  	[smem:$0x3FAC] =	sst s2  }
0xb: {  	[smem:$0x3FAD] =	sst s3  }
0xc: {  	[smem:$0x3FAE] =	sst s4  }
0xd: {  	[smem:$0x3FAF] =	sst s5  }
0xe: {  	[smem:$0x3FB0] =	sst s6  }
0xf: {  	[smem:$0x3FB1] =	sst s7  }
0x10: {  	[smem:$0x3FB2] =	sst s8  }
0x11: {  	[smem:$0x3FB3] =	sst s9;
	s0 =	simm.s32 @!p0 $0x0  }
0x12: {  	s1 =	sld [smem:$0x3F99];
	s0 =	simm.s32 @p0 $0x1  }
0x13: {  	[smem:$0x3FB4] =	sst s0;
	s0 =	simm.s32 @!p1 $0x0  }
0x14: {  	s2 =	sld [smem:$0x3F98];
	s0 =	simm.s32 @p1 $0x1  }
0x15: {  	[smem:$0x3FB5] =	sst s0;
	s0 =	simm.s32 @!p2 $0x0  }
0x16: {  	s3 =	sld [smem:$0x3FDB];
	s0 =	simm.s32 @p2 $0x1  }
0x17: {  	s4 =	simm.s32 $0x1BF5;
	[smem:$0x3FB7] =	sst s0  }
0x18: {  	s0 =	sld [smem:$0x3F9A];
	_ =	swait.ge [sflag:s4], $0x0  }
0x19: {  	s7 =	sld [smem:$0x3F9B]  }
0x1a: {  	s8 =	sadd.s32 $0xFFFFE003, lr  }
0x1b: {  	s9 =	sadd.s32 $0xFFFFFEF7, lr;
	s5 =	simm.s32 $0xFFFFFFFF;
	p2 =	slt.u32 s8, $0xFFFFF086  }
0x1c: {  	p1 =	slt.u32 s9, $0xF7A;
	s5 =	simm.s32 @!p2 $0x0  }
0x1d: {  	s5 =	simm.s32 @p1 $0x1;
	p0 =	seq.s32 s7, s2  }
0x1e: {  	s7 =	smul.u32 @!p0 $0xF7A, s2;
	p2 =	seq.s32 @!p0 s5, $0x0  }
0x1f: {  	s9 =	smul.u32 $0xF7A, s1;
	s8 =	simm.s32 @!p0 $0x1BF5;
	p2 =	por !p2, p0  }
0x20: {  	[sflag:s8] =	ssyncset.s32 @!p0 $0xFFFFF086;
	s6 =	sadd.s32 @!p0 s3, s7;
	s7 =	simm.s32 @!p0 $0x108  }
0x21: {  	s3 =	sadd.s32 s3, s9;
	s6 =	sadd.s32 @!p0 $0x88, s6;
	s7 =	simm.s32 @p2 $0x1082  }
0x22: {  	[simem:s7], [sflag:s8] =	dma.local @!p0 [hbm:s6], $0xF7A  }
0x23: {  	s9 =	sor.u32 $0xD0000000, s2;
	s6 =	simm.s32 $0x108;
	_ =	swait.ge @!p0 [sflag:s8], $0x0  }
0x24: {  	s3 =	sadd.s32 $0x88, s3;
	s6 =	simm.s32 @!p1 $0x1082;
	[sflag:s4] =	ssyncset.s32 $0xFFFFF086  }
0x25: {  	[simem:s6], [sflag:s4] =	dma.local [hbm:s3], $0xF7A  }
0x26: {  	[smem:$0x3F9B] =	sst s1;
	(tag) =	ssettag s2;
	_ =	strace s9  }
0x27: {  	s1 =	sld [smem:$0x3FAB]  }
0x28: {  	s2 =	sld [smem:$0x3FAC]  }
0x29: {  	s4 =	sld [smem:$0x3FAE]  }
0x2a: {  	p0 =	seq.s32 s5, $0x0;
	s5 =	sld [smem:$0x3FAF]  }
0x2b: {  	s6 =	sld [smem:$0x3FB0]  }
0x2c: {  	s7 =	sld [smem:$0x3FB1]  }
0x2d: {  	s3 =	simm.s32 $0x108;
	s8 =	sld [smem:$0x3FB2]  }
0x2e: {  	s3 =	simm.s32 @!p0 $0x1082;
	s9 =	sld [smem:$0x3FB3]  }
0x2f: {  	lr =	sadd.s32 s0, s3;
	s0 =	sld [smem:$0x3FAA]  }
0x30: {  	s3 =	sld [smem:$0x3FAD]  }
0x31: {  	[smem:$0x3FB6] =	sst s10  }
0x32: {  	s10 =	sld [smem:$0x3FB4];
	_ =	sdelay $0x3  }
0x33: {  	p0 =	seq.s32 s10, $0x1;
	s10 =	sld [smem:$0x3FB6];
	_ =	sdelay $0x3  }
0x34: {  	[smem:$0x3FB6] =	sst s10  }
0x35: {  	s10 =	sld [smem:$0x3FB5];
	_ =	sdelay $0x3  }
0x36: {  	p1 =	seq.s32 s10, $0x1;
	s10 =	sld [smem:$0x3FB6];
	_ =	sdelay $0x3  }
0x37: {  	[smem:$0x3FB6] =	sst s10  }
0x38: {  	s10 =	sld [smem:$0x3FB7]  }
0x39: {  	_ = 	snop;
	(pc) =	sbr.ind lr, $3  }
0x3a: {  	_ = 	snop  }
0x3b: {  	_ = 	snop  }
0x3c: {  	p2 =	seq.s32 s10, $0x1;
	s10 =	sld [smem:$0x3FB6]  }
0x3d: {  	_ =	shalt  }
0x3e: {  	_ =	shalt  }
0x3f: {  	_ =	shalt  }
0x40: {  	_ =	shalt  }
0x41: {  	_ =	shalt  }
0x42: {  	_ =	shalt  }
0x43: {  	_ =	shalt  }
0x44: {  	_ =	shalt  }
0x45: {  	_ =	shalt  }
0x46: {  	_ =	shalt  }
0x47: {  	_ =	shalt  }
0x48: {  	_ =	shalt  }
0x49: {  	_ =	shalt  }
0x4a: {  	_ =	shalt  }
0x4b: {  	_ =	shalt  }
0x4c: {  	_ =	shalt  }
0x4d: {  	_ =	shalt  }
0x4e: {  	_ =	shalt  }
0x4f: {  	_ =	shalt  }
0x50: {  	_ =	shalt  }
0x51: {  	_ =	shalt  }
0x52: {  	_ =	shalt  }
0x53: {  	_ =	shalt  }
0x54: {  	_ =	shalt  }
0x55: {  	_ =	shalt  }
0x56: {  	_ =	shalt  }
0x57: {  	_ =	shalt  }
0x58: {  	_ =	shalt  }
0x59: {  	_ =	shalt  }
0x5a: {  	_ =	shalt  }
0x5b: {  	_ =	shalt  }
0x5c: {  	_ =	shalt  }
0x5d: {  	_ =	shalt  }
0x5e: {  	_ =	shalt  }
0x5f: {  	_ =	shalt  }
0x60: {  	_ =	shalt  }
0x61: {  	_ =	shalt  }
0x62: {  	_ =	shalt  }
0x63: {  	_ =	shalt  }
0x64: {  	_ =	shalt  }
0x65: {  	_ =	shalt  }
0x66: {  	_ =	shalt  }
0x67: {  	_ =	shalt  }
0x68: {  	_ =	shalt  }
0x69: {  	_ =	shalt  }
0x6a: {  	_ =	shalt  }
0x6b: {  	_ =	shalt  }
0x6c: {  	_ =	shalt  }
0x6d: {  	_ =	shalt  }
0x6e: {  	_ =	shalt  }
0x6f: {  	_ =	shalt  }
0x70: {  	_ =	shalt  }
0x71: {  	_ =	shalt  }
0x72: {  	_ =	shalt  }
0x73: {  	_ =	shalt  }
0x74: {  	_ =	shalt  }
0x75: {  	_ =	shalt  }
0x76: {  	_ =	shalt  }
0x77: {  	_ =	shalt  }
0x78: {  	_ =	shalt  }
0x79: {  	_ =	shalt  }
0x7a: {  	_ =	shalt  }
0x7b: {  	_ =	shalt  }
0x7c: {  	_ =	shalt  }
0x7d: {  	_ =	shalt  }
0x7e: {  	_ =	shalt  }
0x7f: {  	_ =	shalt  }
0x80: {  	_ =	shalt  }
0x81: {  	_ =	shalt  }
0x82: {  	_ =	shalt  }
0x83: {  	_ =	shalt  }
0x84: {  	_ =	shalt  }
0x85: {  	_ =	shalt  }
0x86: {  	_ =	shalt  }
0x87: {  	_ =	shalt  }
.Lfunc_end0:
.L_simem_size_0:
called_computation_lowered:
.L_overlay_start_0:
0x88: {  	s2 =	sld [smem:$0x3FD9]  }
0x89: {  	s3 =	sld [smem:$0x3FFE];
	_ =	sdelay $0x1  }
0x8a: {  	s1 =	srdreg.scid  }
0x8b: {  	s0 =	sand.u32 $0x1, s1  }
0x8c: {  	s16 =	sshll.u32 s0, $0xA;
	s2 =	sadd.s32 s3, s2  }
0x8d: {  	s2 =	sadd.s32 s2, s16  }
0x8e: {  	[smem:$0x3FC2] =	sst s2  }
0x8f: {  	_ = 	snop  }
0x90: {  	(tm) =	ssettm $0x1  }
0x91: {  	s17 =	sld [smem:$0x3FFB];
	_ =	sdelay $0x3  }
0x92: {  	_ =	strace s17  }
0x93: {  	s2 =	sld [smem:$0x3FFC];
	_ =	sdelay $0x3  }
0x94: {  	_ =	strace s2  }
0x95: {  	s2 =	sld [smem:$0x3FFD];
	_ =	sdelay $0x3  }
0x96: {  	_ =	strace s2  }
0x97: {  	_ =	strace $0x8FFFFFFF  }
0x98: {  	s18 =	sld [smem:$0x3FDB];
	_ =	sdelay $0x1  }
0x99: {  	s19 =	simm.s32 $_scs_section_size  }
0x9a: {  	s4 =	simm.s32 $_size__tile_overlayer_lowered;
	s5 =	simm.s32 $_tile_overlayer_lowered  }
0x9b: {  	s22 =	simm.s32 $0x1BFF;
	s21 =	sshll.u32 s5, $0x1;
	s2 =	sadd.s32 s19, s18  }
0x9c: {  	s6 =	simm.s32 $0x0;
	s20 =	sshll.u32 s4, $0x1;
	s4 =	sadd.s32 s21, s2  }
0x9d: {  	[timem:s6], [sflag:s22] =	dma.local [hbm:s4], s20  }
0x9e: {  	_ =	swait.ge [sflag:s22], s20  }
0x9f: {  	s3 =	ssub.s32 $0x0, s20;
	[sflag:s22] =	ssyncset.done $0x0  }
0xa0: {  	[sflag:s22] =	ssyncadd.s32 s3;
	_ =	sdelay $0x1  }
0xa1: {  	s23 =	simm.s32 $0x1B8B  }
0xa2: {  	_ =	swait.ge [sflag:s23], $0x1  }
0xa3: {  	[sflag:s23] =	ssyncset.done $0x0  }
0xa4: {  	s25 =	simm.s32 $0x1B8E;
	s24 =	sld [smem:$0x3FFE];
	[sflag:s23] =	ssyncadd.s32 $0xFFFFFFFF  }
0xa5: {  	s26 =	simm.s32 $execute0_lowered;
	[smem:$0x3FD2] =	sst s25  }
0xa6: {  	s4 =	sshll.u32 s26, $0x1;
	_ =	strace $0x80000046;
	[dreg:$0x1] =	wrdreg $0xFFFFFFFF  }
0xa7: {  	s28 =	simm.s32 $_size_execute0_lowered;
	s2 =	sadd.s32 s2, s4;
	[dreg:$0x0] =	wrdreg $0x0  }
0xa8: {  	s4 =	sshll.u32 s28, $0x1;
	[dreg:$0x2] =	wrdreg s2  }
0xa9: {  	[dreg:$0x3] =	wrdreg s4  }
0xaa: {  	[dreg:$0x4] =	wrdreg $0xC0  }
0xab: {  	_ =	task [dreg:s6], $0x5FFFF  }
0xac: {  	[dreg:$0x1] =	wrdreg $0xFFFFFFFF  }
0xad: {  	[dreg:$0x0] =	wrdreg $0x60  }
0xae: {  	[dreg:$0x2] =	wrdreg s24  }
0xaf: {  	[dreg:$0x3] =	wrdreg $0x9  }
0xb0: {  	_ =	task.clear_ibuf [dreg:s6], $0x4FFFF;
	_ =	strace $0x90000046  }
0xb1: {  	s29 =	simm.s32 $0x9;
	_ =	strace $0x80000048  }
0xb2: {  	_ =	swait.ge [sflag:s29], $0x1  }
0xb3: {  	[sflag:s29] =	ssyncadd.s32 $0xFFFFFFFF  }
0xb4: {  	_ =	strace $0x90000048  }
0xb5: {  	_ =	sfence  }
0xb6: {  	s30 =	sld [smem:$0x0];
	_ =	sdelay $0x2  }
0xb7: {  	s31 =	sshll.u32 s1, $0xD;
	s1 =	sshrl.u32 s1, $0x2  }
0xb8: {  	s3 =	sand.u32 $0x4000, s31;
	s1 =	sadd.s32 s1, s30  }
0xb9: {  	s0 =	sor.u32 s3, s0;
	s1 =	sshll.u32 s1, $0x11  }
0xba: {  	s0 =	sor.u32 s1, s0  }
0xbb: {  	s0 =	sadd.s32 $0x8F2B, s0  }
0xbc: {  	[sflag:s0] =	ssyncadd.remote.s32 $0x1  }
0xbd: {  	_ =	sfence.sel $0xFFFF  }
0xbe: {  	[dreg:$0x0] =	wrdreg $0xFFFFFFFF;
	(pc) =	sbr.abs _section_cstart, $3  }
0xbf: {  	[dreg:$0x1] =	wrdreg $0xFFFFFFFF  }
0xc0: {  	_ =	task.clear_ibuf [dreg:s6], $0x2FFFF;
	_ =	strace $0x9FFFFFFF  }
0xc1: {  	(tm) =	ssettm $0x7FFFFFFF  }
tec
execute0_lowered:
.L_overlay_start_1:
0x0: {  	(tag) =	ssettag $0x1  }
0x1: {  	s0 =	srdreg.scid;
	s12 =	stileid.u32  }
0x2: {  	s0 =	sand.u32 $0x1, s0;
	s1 =	sshll.u32 s12, $0x1  }
0x3: {  	s1 =	sor.u32 s0, s1  }
0x4: {  	s3 =	smul.u32 $0x8020, s1;
	_ =	sdelay $0x1  }
0x5: {  	s1 =	sadd.s32 $0x8000, s3  }
0x6: {  	s7 =	rddreg [dreg:$0x0];
	s2 =	simm.s32 $0x0;
	s8 =	sadd.s32 $0x8010, s3;
	v0 =	vmov s1  }
0x7: {  	s13 =	simm.s32 $0x3;
	s14 =	simm.s32 $0x80;
	s15 =	simm.s32 $0x800;
	v1 =	vmov s8;
	v2 =	vshrl.u32 v0, $0xA  }
0x8: {  	s16 =	simm.s32 $0x1800;
	s18 =	simm.s32 $0x5800;
	s19 =	simm.s32 $0x1;
	v0 =	vlaneseq.u32;
	v4 =	vshrl.u32 v1, $0xA;
	v3 =	vmul.u32 $0x401, v2  }
0x9: {  	s21 =	simm.s32 $0x2;
	s29 =	simm.s32 $0xC80;
	s30 =	simm.s32 $0xD00;
	v5 =	vor.u32 s1, v0;
	v6 =	vmul.u32 $0x401, v4  }
0xa: {  	s31 =	simm.s32 $0xD80;
	s17 =	simm.s32 $0x0;
	[smem:$0x7FF] =	sst s2;
	v1 =	vimm.s32 $0x0;
	vm0 =	vgt.s32 v3, v5;
	v3 =	vor.u32 s8, v0  }
0xb: {  	s4 =	sadd.s32 $0x1C00, s7;
	s5 =	sadd.s32 $0x21E00, s7;
	s12 =	smul.u32 $0x10040, s12;
	v7 =	vsel vm0, $0xFFFFFFFF, v1;
	vm13 =	vgt.s32 v6, v3  }
0xc: {  	s6 =	sadd.s32 $0xC56E00, s7;
	s9 =	ssub.s32 $0x2, s0;
	s0 =	smul.u32 $0x8020, s0;
	v2 =	vadd.s32 v7, v2;
	v6 =	vsel vm13, $0xFFFFFFFF, v1  }
0xd: {  	s7 =	sadd.s32 $0xC77000, s7;
	_ =	strace $0x80000047;
	s10 =	sshrl.u32 s9, $0x1;
	v7 =	vmul.u32 $0x401, v2;
	v6 =	vadd.s32 v6, v4  }
0xe: {  	s9 =	ssub.s32 s9, s10;
	s0 =	sadd.s32 s0, s12;
	s10 =	simm.s32 $0x9800;
	v4 =	vmul.u32 $0x401, v6  }
0xf: {  	s28 =	smax.u32 s9, $0x1;
	[dreg:$0x6] =	wrdreg s0;
	s11 =	sshrl.u32 s1, $0x3;
	vm14 =	vgt.s32 v7, v5  }
0x10: {  	s0 =	simm.s32 $0xE80;
	[dreg:$0x5] =	wrdreg s28;
	s24 =	sadd.s32 s4, s11;
	v5 =	vsel vm14, $0xFFFFFFFF, v1;
	vm15 =	vgt.s32 v4, v3  }
0x11: {  	s9 =	simm.s32 $0xF80;
	s25 =	sadd.s32 s6, s11;
	[dreg:$0x2] =	wrdreg s24;
	v4 =	vadd.s32 v5, v2;
	v5 =	vsel vm15, $0xFFFFFFFF, v1;
	v2 =	vmul.u32 $0x80, v0  }
0x12: {  	s26 =	sadd.s32 s7, s11;
	s11 =	simm.s32 $0xA000;
	[dreg:$0x3] =	wrdreg s25;
	v3 =	vshra.s32 v4, $0x7;
	v4 =	vand.u32 $0x7F, v4;
	v6 =	vadd.s32 v5, v6  }
0x13: {  	[dreg:$0x4] =	wrdreg s26;
	s1 =	simm.s32 $0xE00;
	s8 =	simm.s32 $0xF00;
	v5 =	vshra.s32 v6, $0x7;
	v6 =	vand.u32 $0x7F, v6;
	v7 =	vor.u32 $0x800, v2  }
.LBB2_1:
0x14: {  	[dreg:$0x7] =	wrdreg s17  }
0x15: {  	s12 =	rddreg [dreg:$0x6];
	s17 =	simm.s32 $0x0  }
.LBB2_2:
0x16: {  	v8 =	vmov s12  }
0x17: {  	s20 =	sshll.u32 s17, $0xB;
	v8 =	vshrl.u32 v8, $0xA  }
0x18: {  	s20 =	sadd.s32 s3, s20;
	v9 =	vmul.u32 $0x401, v8  }
0x19: {  	v11 =	vor.u32 s12, v0;
	s20 =	sshrl.u32 s20, $0x3  }
0x1a: {  	s23 =	simm.s32 $0x0;
	s22 =	sadd.s32 s4, s20;
	vm0 =	vgt.s32 v9, v11  }
0x1b: {  	[tilespmem:s23], [sflag:$0x3] =	stream.linear.gather [hbm4b:s22+s23], $0x800, $0x38;
	v9 =	vsel vm0, $0xFFFFFFFF, v1;
	[tilespmem:$0xA800] =	vst v63  }
0x1c: {  	_ =	swait.ge [sflag:s13], $0x800;
	v8 =	vadd.s32 v9, v8  }
0x1d: {  	s24 =	sadd.s32 $0x10, s12;
	[sflag:s13] =	ssyncset.done $0x0;
	v12 =	vmul.u32 $0x401, v8  }
0x1e: {  	v10 =	vmov s24;
	s22 =	simm.s32 $0x0;
	[sflag:s13] =	ssyncadd.s32 $0xFFFFF800  }
0x1f: {  	v10 =	vshrl.u32 v10, $0xA;
	vm1 =	vgt.s32 v12, v11;
	v11 =	vld [tilespmem:s22+$0x0]  }
0x20: {  	v13 =	vmul.u32 $0x401, v10  }
0x21: {  	v9 =	vor.u32 s24, v0  }
0x22: {  	s25 =	simm.s32 $0x40;
	s23 =	simm.s32 $0x80;
	s24 =	sadd.s32 $0x10, s24;
	vm0 =	vgt.s32 v13, v9;
	v12 =	vsel vm1, $0xFFFFFFFF, v1  }
.LBB2_3:
0x23: {  	v13 =	vmov s24;
	v14 =	vsel vm0, $0xFFFFFFFF, v1;
	v12 =	vadd.s32 v12, v8;
	s26 =	smov.u32 s23;
	p0 =	sne.s32 s23, $0x1FC0  }
.Ltmp0:
0x24: {  	s23 =	sadd.s32 $0x40, s23;
	s28 =	sshra.s32 s25, $0x2;
	v8 =	vadd.s32 v14, v10;
	v14 =	vshll.u32 v11, $0x3;
	v15 =	vshra.s32 v12, $0x7;
	(pc) =	sbr.rel @p0 .LBB2_3-.Ltmp0, $4  }
0x25: {  	v10 =	vshrl.u32 v13, $0xA;
	s25 =	smov.u32 s26;
	v11 =	vld [tilespmem:s28+$0x0];
	v13 =	vmul.u32 $0x401, v8;
	v14 =	vadd.s32 v15, v14  }
0x26: {  	v12 =	vand.u32 $0x7F, v12;
	v15 =	vmul.u32 $0x401, v10;
	[tilespmem:s22+$0x800] =	vst v14  }
0x27: {  	vm1 =	vgt.s32 v13, v9;
	v9 =	vor.u32 s24, v0;
	[tilespmem:s22+$0x1000] =	vst v12;
	s22 =	smov.u32 s28  }
0x28: {  	s24 =	sadd.s32 $0x10, s24;
	vm0 =	vgt.s32 v15, v9;
	v12 =	vsel vm1, $0xFFFFFFFF, v1  }
0x29: {  	v13 =	vsel vm0, $0xFFFFFFFF, v1  }
0x2a: {  	s23 =	sshra.s32 s25, $0x2;
	v10 =	vadd.s32 v13, v10  }
0x2b: {  	v62 =	vld [tilespmem:s23+$0x0];
	v14 =	vmul.u32 $0x401, v10;
	_ =	sdelay $0x1  }
0x2c: {  	v8 =	vadd.s32 v12, v8;
	vm15 =	vgt.s32 v14, v9  }
0x2d: {  	v9 =	vshll.u32 v11, $0x3;
	v11 =	vshra.s32 v8, $0x7;
	v63 =	vsel vm15, $0xFFFFFFFF, v1  }
0x2e: {  	v9 =	vadd.s32 v11, v9;
	v10 =	vadd.s32 v63, v10  }
0x2f: {  	v8 =	vand.u32 $0x7F, v8;
	[tilespmem:s22+$0x800] =	vst v9;
	v9 =	vshll.u32 v62, $0x3;
	v11 =	vshra.s32 v10, $0x7  }
0x30: {  	[tilespmem:s22+$0x1000] =	vst v8;
	v8 =	vadd.s32 v11, v9  }
0x31: {  	[tilespmem:s23+$0x800] =	vst v8;
	v8 =	vand.u32 $0x7F, v10  }
0x32: {  	[tilespmem:s23+$0x1000] =	vst v8  }
0x33: {  	[tilespmem:s16], [sflag:$0x1] =	stream.indirect.gather [hbm4b:s5+s14], $0x80, s15, s14, $0xb8;
	[tilespmem:$0xA800] =	vst v63  }
0x34: {  	s25 =	simm.s32 $0x880  }
0x35: {  	[tilespmem:s18], [sflag:$0x2] =	stream.indirect.gather [hbm4b:s5+s14], $0x80, s25, s14, $0xb8;
	[tilespmem:$0xA800] =	vst v63  }
0x36: {  	_ =	swait.ge [sflag:s19], $0x4000  }
0x37: {  	[sflag:s19] =	ssyncset.done $0x0  }
0x38: {  	s26 =	simm.s32 $0x1000;
	[sflag:s19] =	ssyncadd.s32 $0xFFFFC000  }
0x39: {  	v8 =	vld [tilespmem:s26+$0x0];
	_ =	sdelay $0x1  }
0x3a: {  	s28 =	simm.s32 $0x0  }
0x3b: {  	v9 =	vmov s28  }
0x3c: {  	v9 =	vshll.u32 v9, $0x7  }
0x3d: {  	v9 =	vor.u32 v2, v9;
	v10 =	vand.u32 $0xFFFFFF80, v8  }
0x3e: {  	v8 =	vand.u32 $0x7F, v8;
	v9 =	vadd.s32 v9, v10  }
0x3f: {  	v8 =	vor.u32 v8, v9;
	_ =	sdelay $0x4  }
0x40: {  	v8 =	vld.idx.msk [tilespmem:v8+s16+$0x0], $0xffff;
	_ =	sdelay $0x4  }
0x41: {  	v9 =	vshll.u32 v8, $0x10  }
0x42: {  	v9 =	vmul.f32 $1.428571410e+01, v9  }
0x43: {  	v8 =	vmul.f32 $1.428571410e+01, v8  }
0x44: {  	v9 =	vmul.f32 $1.442695020e+00, v9  }
0x45: {  	v8 =	vmul.f32 $1.442695020e+00, v8  }
0x46: {  	(erf) = vpow2.f32 v9  }
0x47: {  	(erf) = vpow2.f32 v8;
	_ =	sdelay $0x7  }
0x48: {  	s23 =	simm.s32 $0x9800;
	v8 =	vpop (erf)  }
0x49: {  	s22 =	simm.s32 $0xA000;
	[tilespmem:s23+$0x0] =	vst v8;
	v8 =	vpop (erf)  }
0x4a: {  	s24 =	simm.s32 $0x1010;
	[tilespmem:s22+$0x0] =	vst v8  }
0x4b: {  	v8 =	vld [tilespmem:s24+$0x0]  }
0x4c: {  	s25 =	simm.s32 $0x10;
	s26 =	simm.s32 $0x20  }
.LBB2_5:
0x4d: {  	p0 =	sne.s32 s26, $0x70  }
0x4e: {  	v9 =	vmov s25;
	s25 =	smov.u32 s26  }
0x4f: {  	v9 =	vshll.u32 v9, $0x7  }
0x50: {  	v9 =	vor.u32 v2, v9;
	v10 =	vand.u32 $0xFFFFFF80, v8  }
0x51: {  	v8 =	vand.u32 $0x7F, v8;
	v9 =	vadd.s32 v9, v10  }
0x52: {  	v8 =	vor.u32 v8, v9;
	_ =	sdelay $0x4  }
0x53: {  	v8 =	vld.idx.msk [tilespmem:v8+s16+$0x0], $0xffff;
	_ =	sdelay $0x5  }
0x54: {  	v9 =	vshll.u32 v8, $0x10  }
0x55: {  	v9 =	vmul.f32 $1.428571410e+01, v9  }
0x56: {  	v8 =	vmul.f32 $1.428571410e+01, v8  }
0x57: {  	v9 =	vmul.f32 $1.442695020e+00, v9  }
0x58: {  	v8 =	vmul.f32 $1.442695020e+00, v8  }
0x59: {  	(erf) = vpow2.f32 v9  }
0x5a: {  	(erf) = vpow2.f32 v8;
	_ =	sdelay $0x7  }
.Ltmp1:
0x5b: {  	s23 =	sadd.s32 $0x10, s23;
	v8 =	vpop (erf);
	(pc) =	sbr.rel @p0 .LBB2_5-.Ltmp1, $4  }
0x5c: {  	s22 =	sadd.s32 $0x10, s22;
	[tilespmem:s23+$0x0] =	vst v8;
	v8 =	vpop (erf)  }
0x5d: {  	s24 =	sadd.s32 $0x10, s24;
	[tilespmem:s22+$0x0] =	vst v8  }
0x5e: {  	v8 =	vld [tilespmem:s24+$0x0]  }
0x5f: {  	s26 =	sadd.s32 $0x10, s26  }
0x60: {  	_ = 	snop  }
0x61: {  	v9 =	vmov s25  }
0x62: {  	v9 =	vshll.u32 v9, $0x7  }
0x63: {  	v9 =	vor.u32 v2, v9;
	v10 =	vand.u32 $0xFFFFFF80, v8  }
0x64: {  	v8 =	vand.u32 $0x7F, v8;
	v9 =	vadd.s32 v9, v10  }
0x65: {  	v8 =	vor.u32 v8, v9;
	_ =	sdelay $0x4  }
0x66: {  	v8 =	vld.idx.msk [tilespmem:v8+s16+$0x0], $0xffff;
	_ =	sdelay $0x4  }
0x67: {  	v9 =	vshll.u32 v8, $0x10  }
0x68: {  	v9 =	vmul.f32 $1.428571410e+01, v9  }
0x69: {  	v8 =	vmul.f32 $1.428571410e+01, v8  }
0x6a: {  	v9 =	vmul.f32 $1.442695020e+00, v9  }
0x6b: {  	v8 =	vmul.f32 $1.442695020e+00, v8  }
0x6c: {  	(erf) = vpow2.f32 v9  }
0x6d: {  	(erf) = vpow2.f32 v8;
	_ =	sdelay $0x7  }
0x6e: {  	s23 =	sadd.s32 $0x10, s23;
	v8 =	vpop (erf)  }
0x6f: {  	s22 =	sadd.s32 $0x10, s22;
	[tilespmem:s23+$0x0] =	vst v8;
	v8 =	vpop (erf)  }
0x70: {  	s25 =	simm.s32 $0x900;
	[tilespmem:s22+$0x0] =	vst v8  }
0x71: {  	[tilespmem:s16], [sflag:$0x1] =	stream.indirect.gather [hbm4b:s5+s14], $0x80, s25, s14, $0xb8;
	[tilespmem:$0xA800] =	vst v63  }
0x72: {  	_ =	swait.ge [sflag:s21], $0x4000  }
0x73: {  	[sflag:s21] =	ssyncset.done $0x0  }
0x74: {  	s26 =	simm.s32 $0x1080;
	[sflag:s21] =	ssyncadd.s32 $0xFFFFC000  }
0x75: {  	v8 =	vld [tilespmem:s26+$0x0];
	_ =	sdelay $0x1  }
0x76: {  	s28 =	simm.s32 $0x0  }
0x77: {  	v9 =	vmov s28  }
0x78: {  	v9 =	vshll.u32 v9, $0x7  }
0x79: {  	v9 =	vor.u32 v2, v9;
	v10 =	vand.u32 $0xFFFFFF80, v8  }
0x7a: {  	v8 =	vand.u32 $0x7F, v8;
	v9 =	vadd.s32 v9, v10  }
0x7b: {  	v8 =	vor.u32 v8, v9;
	_ =	sdelay $0x4  }
0x7c: {  	v8 =	vld.idx.msk [tilespmem:v8+s18+$0x0], $0xffff;
	_ =	sdelay $0x4  }
0x7d: {  	v9 =	vshll.u32 v8, $0x10  }
0x7e: {  	v9 =	vmul.f32 $1.428571410e+01, v9  }
0x7f: {  	v8 =	vmul.f32 $1.428571410e+01, v8  }
0x80: {  	v9 =	vmul.f32 $1.442695020e+00, v9  }
0x81: {  	v8 =	vmul.f32 $1.442695020e+00, v8  }
0x82: {  	(erf) = vpow2.f32 v9  }
0x83: {  	(erf) = vpow2.f32 v8;
	_ =	sdelay $0x7  }
0x84: {  	s23 =	simm.s32 $0x9880;
	v8 =	vpop (erf)  }
0x85: {  	s22 =	simm.s32 $0xA080;
	[tilespmem:s23+$0x0] =	vst v8;
	v8 =	vpop (erf)  }
0x86: {  	s24 =	simm.s32 $0x1090;
	[tilespmem:s22+$0x0] =	vst v8  }
0x87: {  	v8 =	vld [tilespmem:s24+$0x0]  }
0x88: {  	s25 =	simm.s32 $0x10;
	s26 =	simm.s32 $0x20  }
.LBB2_7:
0x89: {  	p0 =	sne.s32 s26, $0x70  }
0x8a: {  	v9 =	vmov s25;
	s25 =	smov.u32 s26  }
0x8b: {  	v9 =	vshll.u32 v9, $0x7  }
0x8c: {  	v9 =	vor.u32 v2, v9;
	v10 =	vand.u32 $0xFFFFFF80, v8  }
0x8d: {  	v8 =	vand.u32 $0x7F, v8;
	v9 =	vadd.s32 v9, v10  }
0x8e: {  	v8 =	vor.u32 v8, v9;
	_ =	sdelay $0x4  }
0x8f: {  	v8 =	vld.idx.msk [tilespmem:v8+s18+$0x0], $0xffff;
	_ =	sdelay $0x5  }
0x90: {  	v9 =	vshll.u32 v8, $0x10  }
0x91: {  	v9 =	vmul.f32 $1.428571410e+01, v9  }
0x92: {  	v8 =	vmul.f32 $1.428571410e+01, v8  }
0x93: {  	v9 =	vmul.f32 $1.442695020e+00, v9  }
0x94: {  	v8 =	vmul.f32 $1.442695020e+00, v8  }
0x95: {  	(erf) = vpow2.f32 v9  }
0x96: {  	(erf) = vpow2.f32 v8;
	_ =	sdelay $0x7  }
.Ltmp2:
0x97: {  	s23 =	sadd.s32 $0x10, s23;
	v8 =	vpop (erf);
	(pc) =	sbr.rel @p0 .LBB2_7-.Ltmp2, $4  }
0x98: {  	s22 =	sadd.s32 $0x10, s22;
	[tilespmem:s23+$0x0] =	vst v8;
	v8 =	vpop (erf)  }
0x99: {  	s24 =	sadd.s32 $0x10, s24;
	[tilespmem:s22+$0x0] =	vst v8  }
0x9a: {  	v8 =	vld [tilespmem:s24+$0x0]  }
0x9b: {  	s26 =	sadd.s32 $0x10, s26  }
0x9c: {  	_ = 	snop  }
0x9d: {  	v9 =	vmov s25  }
0x9e: {  	v9 =	vshll.u32 v9, $0x7  }
0x9f: {  	v9 =	vor.u32 v2, v9;
	v10 =	vand.u32 $0xFFFFFF80, v8  }
0xa0: {  	v8 =	vand.u32 $0x7F, v8;
	v9 =	vadd.s32 v9, v10  }
0xa1: {  	v8 =	vor.u32 v8, v9;
	_ =	sdelay $0x4  }
0xa2: {  	v8 =	vld.idx.msk [tilespmem:v8+s18+$0x0], $0xffff;
	_ =	sdelay $0x4  }
0xa3: {  	v9 =	vshll.u32 v8, $0x10  }
0xa4: {  	v9 =	vmul.f32 $1.428571410e+01, v9  }
0xa5: {  	v8 =	vmul.f32 $1.428571410e+01, v8  }
0xa6: {  	v9 =	vmul.f32 $1.442695020e+00, v9  }
0xa7: {  	v8 =	vmul.f32 $1.442695020e+00, v8  }
0xa8: {  	(erf) = vpow2.f32 v9  }
0xa9: {  	(erf) = vpow2.f32 v8;
	_ =	sdelay $0x7  }
0xaa: {  	s23 =	sadd.s32 $0x10, s23;
	v8 =	vpop (erf)  }
0xab: {  	s22 =	sadd.s32 $0x10, s22;
	[tilespmem:s23+$0x0] =	vst v8;
	v8 =	vpop (erf)  }
0xac: {  	s25 =	simm.s32 $0x980;
	[tilespmem:s22+$0x0] =	vst v8  }
0xad: {  	[tilespmem:s18], [sflag:$0x2] =	stream.indirect.gather [hbm4b:s5+s14], $0x80, s25, s14, $0xb8;
	[tilespmem:$0xA800] =	vst v63  }
0xae: {  	_ =	swait.ge [sflag:s19], $0x4000  }
0xaf: {  	[sflag:s19] =	ssyncset.done $0x0  }
0xb0: {  	s26 =	simm.s32 $0x1100;
	[sflag:s19] =	ssyncadd.s32 $0xFFFFC000  }
0xb1: {  	v8 =	vld [tilespmem:s26+$0x0];
	_ =	sdelay $0x1  }
0xb2: {  	s28 =	simm.s32 $0x0  }
0xb3: {  	v9 =	vmov s28  }
0xb4: {  	v9 =	vshll.u32 v9, $0x7  }
0xb5: {  	v9 =	vor.u32 v2, v9;
	v10 =	vand.u32 $0xFFFFFF80, v8  }
0xb6: {  	v8 =	vand.u32 $0x7F, v8;
	v9 =	vadd.s32 v9, v10  }
0xb7: {  	v8 =	vor.u32 v8, v9;
	_ =	sdelay $0x4  }
0xb8: {  	v8 =	vld.idx.msk [tilespmem:v8+s16+$0x0], $0xffff;
	_ =	sdelay $0x4  }
0xb9: {  	v9 =	vshll.u32 v8, $0x10  }
0xba: {  	v9 =	vmul.f32 $1.428571410e+01, v9  }
0xbb: {  	v8 =	vmul.f32 $1.428571410e+01, v8  }
0xbc: {  	v9 =	vmul.f32 $1.442695020e+00, v9  }
0xbd: {  	v8 =	vmul.f32 $1.442695020e+00, v8  }
0xbe: {  	(erf) = vpow2.f32 v9  }
0xbf: {  	(erf) = vpow2.f32 v8;
	_ =	sdelay $0x7  }
0xc0: {  	s23 =	simm.s32 $0x9900;
	v8 =	vpop (erf)  }
0xc1: {  	s22 =	simm.s32 $0xA100;
	[tilespmem:s23+$0x0] =	vst v8;
	v8 =	vpop (erf)  }
0xc2: {  	s24 =	simm.s32 $0x1110;
	[tilespmem:s22+$0x0] =	vst v8  }
0xc3: {  	v8 =	vld [tilespmem:s24+$0x0]  }
0xc4: {  	s25 =	simm.s32 $0x10;
	s26 =	simm.s32 $0x20  }
.LBB2_9:
0xc5: {  	p0 =	sne.s32 s26, $0x70  }
0xc6: {  	v9 =	vmov s25;
	s25 =	smov.u32 s26  }
0xc7: {  	v9 =	vshll.u32 v9, $0x7  }
0xc8: {  	v9 =	vor.u32 v2, v9;
	v10 =	vand.u32 $0xFFFFFF80, v8  }
0xc9: {  	v8 =	vand.u32 $0x7F, v8;
	v9 =	vadd.s32 v9, v10  }
0xca: {  	v8 =	vor.u32 v8, v9;
	_ =	sdelay $0x4  }
0xcb: {  	v8 =	vld.idx.msk [tilespmem:v8+s16+$0x0], $0xffff;
	_ =	sdelay $0x5  }
0xcc: {  	v9 =	vshll.u32 v8, $0x10  }
0xcd: {  	v9 =	vmul.f32 $1.428571410e+01, v9  }
0xce: {  	v8 =	vmul.f32 $1.428571410e+01, v8  }
0xcf: {  	v9 =	vmul.f32 $1.442695020e+00, v9  }
0xd0: {  	v8 =	vmul.f32 $1.442695020e+00, v8  }
0xd1: {  	(erf) = vpow2.f32 v9  }
0xd2: {  	(erf) = vpow2.f32 v8;
	_ =	sdelay $0x7  }
.Ltmp3:
0xd3: {  	s23 =	sadd.s32 $0x10, s23;
	v8 =	vpop (erf);
	(pc) =	sbr.rel @p0 .LBB2_9-.Ltmp3, $4  }
0xd4: {  	s22 =	sadd.s32 $0x10, s22;
	[tilespmem:s23+$0x0] =	vst v8;
	v8 =	vpop (erf)  }
0xd5: {  	s24 =	sadd.s32 $0x10, s24;
	[tilespmem:s22+$0x0] =	vst v8  }
0xd6: {  	v8 =	vld [tilespmem:s24+$0x0]  }
0xd7: {  	s26 =	sadd.s32 $0x10, s26  }
0xd8: {  	_ = 	snop  }
0xd9: {  	v9 =	vmov s25  }
0xda: {  	v9 =	vshll.u32 v9, $0x7  }
0xdb: {  	v9 =	vor.u32 v2, v9;
	v10 =	vand.u32 $0xFFFFFF80, v8  }
0xdc: {  	v8 =	vand.u32 $0x7F, v8;
	v9 =	vadd.s32 v9, v10  }
0xdd: {  	v8 =	vor.u32 v8, v9;
	_ =	sdelay $0x4  }
0xde: {  	v8 =	vld.idx.msk [tilespmem:v8+s16+$0x0], $0xffff;
	_ =	sdelay $0x4  }
0xdf: {  	v9 =	vshll.u32 v8, $0x10  }
0xe0: {  	v9 =	vmul.f32 $1.428571410e+01, v9  }
0xe1: {  	v8 =	vmul.f32 $1.428571410e+01, v8  }
0xe2: {  	v9 =	vmul.f32 $1.442695020e+00, v9  }
0xe3: {  	v8 =	vmul.f32 $1.442695020e+00, v8  }
0xe4: {  	(erf) = vpow2.f32 v9  }
0xe5: {  	(erf) = vpow2.f32 v8;
	_ =	sdelay $0x7  }
0xe6: {  	s23 =	sadd.s32 $0x10, s23;
	v8 =	vpop (erf)  }
0xe7: {  	s22 =	sadd.s32 $0x10, s22;
	[tilespmem:s23+$0x0] =	vst v8;
	v8 =	vpop (erf)  }
0xe8: {  	s25 =	simm.s32 $0xA00;
	[tilespmem:s22+$0x0] =	vst v8  }
0xe9: {  	[tilespmem:s16], [sflag:$0x1] =	stream.indirect.gather [hbm4b:s5+s14], $0x80, s25, s14, $0xb8;
	[tilespmem:$0xA800] =	vst v63  }
0xea: {  	_ =	swait.ge [sflag:s21], $0x4000  }
0xeb: {  	[sflag:s21] =	ssyncset.done $0x0  }
0xec: {  	s26 =	simm.s32 $0x1180;
	[sflag:s21] =	ssyncadd.s32 $0xFFFFC000  }
0xed: {  	v8 =	vld [tilespmem:s26+$0x0];
	_ =	sdelay $0x1  }
0xee: {  	s28 =	simm.s32 $0x0  }
0xef: {  	v9 =	vmov s28  }
0xf0: {  	v9 =	vshll.u32 v9, $0x7  }
0xf1: {  	v9 =	vor.u32 v2, v9;
	v10 =	vand.u32 $0xFFFFFF80, v8  }
0xf2: {  	v8 =	vand.u32 $0x7F, v8;
	v9 =	vadd.s32 v9, v10  }
0xf3: {  	v8 =	vor.u32 v8, v9;
	_ =	sdelay $0x4  }
0xf4: {  	v8 =	vld.idx.msk [tilespmem:v8+s18+$0x0], $0xffff;
	_ =	sdelay $0x4  }
0xf5: {  	v9 =	vshll.u32 v8, $0x10  }
0xf6: {  	v9 =	vmul.f32 $1.428571410e+01, v9  }
0xf7: {  	v8 =	vmul.f32 $1.428571410e+01, v8  }
0xf8: {  	v9 =	vmul.f32 $1.442695020e+00, v9  }
0xf9: {  	v8 =	vmul.f32 $1.442695020e+00, v8  }
0xfa: {  	(erf) = vpow2.f32 v9  }
0xfb: {  	(erf) = vpow2.f32 v8;
	_ =	sdelay $0x7  }
0xfc: {  	s23 =	simm.s32 $0x9980;
	v8 =	vpop (erf)  }
0xfd: {  	s22 =	simm.s32 $0xA180;
	[tilespmem:s23+$0x0] =	vst v8;
	v8 =	vpop (erf)  }
0xfe: {  	s24 =	simm.s32 $0x1190;
	[tilespmem:s22+$0x0] =	vst v8  }
0xff: {  	v8 =	vld [tilespmem:s24+$0x0]  }
0x100: {  	s25 =	simm.s32 $0x10;
	s26 =	simm.s32 $0x20  }
.LBB2_11:
0x101: {  	p0 =	sne.s32 s26, $0x70  }
0x102: {  	v9 =	vmov s25;
	s25 =	smov.u32 s26  }
0x103: {  	v9 =	vshll.u32 v9, $0x7  }
0x104: {  	v9 =	vor.u32 v2, v9;
	v10 =	vand.u32 $0xFFFFFF80, v8  }
0x105: {  	v8 =	vand.u32 $0x7F, v8;
	v9 =	vadd.s32 v9, v10  }
0x106: {  	v8 =	vor.u32 v8, v9;
	_ =	sdelay $0x4  }
0x107: {  	v8 =	vld.idx.msk [tilespmem:v8+s18+$0x0], $0xffff;
	_ =	sdelay $0x5  }
0x108: {  	v9 =	vshll.u32 v8, $0x10  }
0x109: {  	v9 =	vmul.f32 $1.428571410e+01, v9  }
0x10a: {  	v8 =	vmul.f32 $1.428571410e+01, v8  }
0x10b: {  	v9 =	vmul.f32 $1.442695020e+00, v9  }
0x10c: {  	v8 =	vmul.f32 $1.442695020e+00, v8  }
0x10d: {  	(erf) = vpow2.f32 v9  }
0x10e: {  	(erf) = vpow2.f32 v8;
	_ =	sdelay $0x7  }
.Ltmp4:
0x10f: {  	s23 =	sadd.s32 $0x10, s23;
	v8 =	vpop (erf);
	(pc) =	sbr.rel @p0 .LBB2_11-.Ltmp4, $4  }
0x110: {  	s22 =	sadd.s32 $0x10, s22;
	[tilespmem:s23+$0x0] =	vst v8;
	v8 =	vpop (erf)  }
0x111: {  	s24 =	sadd.s32 $0x10, s24;
	[tilespmem:s22+$0x0] =	vst v8  }
0x112: {  	v8 =	vld [tilespmem:s24+$0x0]  }
0x113: {  	s26 =	sadd.s32 $0x10, s26  }
0x114: {  	_ = 	snop  }
0x115: {  	v9 =	vmov s25  }
0x116: {  	v9 =	vshll.u32 v9, $0x7  }
0x117: {  	v9 =	vor.u32 v2, v9;
	v10 =	vand.u32 $0xFFFFFF80, v8  }
0x118: {  	v8 =	vand.u32 $0x7F, v8;
	v9 =	vadd.s32 v9, v10  }
0x119: {  	v8 =	vor.u32 v8, v9;
	_ =	sdelay $0x4  }
0x11a: {  	v8 =	vld.idx.msk [tilespmem:v8+s18+$0x0], $0xffff;
	_ =	sdelay $0x4  }
0x11b: {  	v9 =	vshll.u32 v8, $0x10  }
0x11c: {  	v9 =	vmul.f32 $1.428571410e+01, v9  }
0x11d: {  	v8 =	vmul.f32 $1.428571410e+01, v8  }
0x11e: {  	v9 =	vmul.f32 $1.442695020e+00, v9  }
0x11f: {  	v8 =	vmul.f32 $1.442695020e+00, v8  }
0x120: {  	(erf) = vpow2.f32 v9  }
0x121: {  	(erf) = vpow2.f32 v8;
	_ =	sdelay $0x7  }
0x122: {  	s23 =	sadd.s32 $0x10, s23;
	v8 =	vpop (erf)  }
0x123: {  	s22 =	sadd.s32 $0x10, s22;
	[tilespmem:s23+$0x0] =	vst v8;
	v8 =	vpop (erf)  }
0x124: {  	s25 =	simm.s32 $0xA80;
	[tilespmem:s22+$0x0] =	vst v8  }
0x125: {  	[tilespmem:s18], [sflag:$0x2] =	stream.indirect.gather [hbm4b:s5+s14], $0x80, s25, s14, $0xb8;
	[tilespmem:$0xA800] =	vst v63  }
0x126: {  	_ =	swait.ge [sflag:s19], $0x4000  }
0x127: {  	[sflag:s19] =	ssyncset.done $0x0  }
0x128: {  	s26 =	simm.s32 $0x1200;
	[sflag:s19] =	ssyncadd.s32 $0xFFFFC000  }
0x129: {  	v8 =	vld [tilespmem:s26+$0x0];
	_ =	sdelay $0x1  }
0x12a: {  	s28 =	simm.s32 $0x0  }
0x12b: {  	v9 =	vmov s28  }
0x12c: {  	v9 =	vshll.u32 v9, $0x7  }
0x12d: {  	v9 =	vor.u32 v2, v9;
	v10 =	vand.u32 $0xFFFFFF80, v8  }
0x12e: {  	v8 =	vand.u32 $0x7F, v8;
	v9 =	vadd.s32 v9, v10  }
0x12f: {  	v8 =	vor.u32 v8, v9;
	_ =	sdelay $0x4  }
0x130: {  	v8 =	vld.idx.msk [tilespmem:v8+s16+$0x0], $0xffff;
	_ =	sdelay $0x4  }
0x131: {  	v9 =	vshll.u32 v8, $0x10  }
0x132: {  	v9 =	vmul.f32 $1.428571410e+01, v9  }
0x133: {  	v8 =	vmul.f32 $1.428571410e+01, v8  }
0x134: {  	v9 =	vmul.f32 $1.442695020e+00, v9  }
0x135: {  	v8 =	vmul.f32 $1.442695020e+00, v8  }
0x136: {  	(erf) = vpow2.f32 v9  }
0x137: {  	(erf) = vpow2.f32 v8;
	_ =	sdelay $0x7  }
0x138: {  	s23 =	simm.s32 $0x9A00;
	v8 =	vpop (erf)  }
0x139: {  	s22 =	simm.s32 $0xA200;
	[tilespmem:s23+$0x0] =	vst v8;
	v8 =	vpop (erf)  }
0x13a: {  	s24 =	simm.s32 $0x1210;
	[tilespmem:s22+$0x0] =	vst v8  }
0x13b: {  	v8 =	vld [tilespmem:s24+$0x0]  }
0x13c: {  	s25 =	simm.s32 $0x10;
	s26 =	simm.s32 $0x20  }
.LBB2_13:
0x13d: {  	p0 =	sne.s32 s26, $0x70  }
0x13e: {  	v9 =	vmov s25;
	s25 =	smov.u32 s26  }
0x13f: {  	v9 =	vshll.u32 v9, $0x7  }
0x140: {  	v9 =	vor.u32 v2, v9;
	v10 =	vand.u32 $0xFFFFFF80, v8  }
0x141: {  	v8 =	vand.u32 $0x7F, v8;
	v9 =	vadd.s32 v9, v10  }
0x142: {  	v8 =	vor.u32 v8, v9;
	_ =	sdelay $0x4  }
0x143: {  	v8 =	vld.idx.msk [tilespmem:v8+s16+$0x0], $0xffff;
	_ =	sdelay $0x5  }
0x144: {  	v9 =	vshll.u32 v8, $0x10  }
0x145: {  	v9 =	vmul.f32 $1.428571410e+01, v9  }
0x146: {  	v8 =	vmul.f32 $1.428571410e+01, v8  }
0x147: {  	v9 =	vmul.f32 $1.442695020e+00, v9  }
0x148: {  	v8 =	vmul.f32 $1.442695020e+00, v8  }
0x149: {  	(erf) = vpow2.f32 v9  }
0x14a: {  	(erf) = vpow2.f32 v8;
	_ =	sdelay $0x7  }
.Ltmp5:
0x14b: {  	s23 =	sadd.s32 $0x10, s23;
	v8 =	vpop (erf);
	(pc) =	sbr.rel @p0 .LBB2_13-.Ltmp5, $4  }
0x14c: {  	s22 =	sadd.s32 $0x10, s22;
	[tilespmem:s23+$0x0] =	vst v8;
	v8 =	vpop (erf)  }
0x14d: {  	s24 =	sadd.s32 $0x10, s24;
	[tilespmem:s22+$0x0] =	vst v8  }
0x14e: {  	v8 =	vld [tilespmem:s24+$0x0]  }
0x14f: {  	s26 =	sadd.s32 $0x10, s26  }
0x150: {  	_ = 	snop  }
0x151: {  	v9 =	vmov s25  }
0x152: {  	v9 =	vshll.u32 v9, $0x7  }
0x153: {  	v9 =	vor.u32 v2, v9;
	v10 =	vand.u32 $0xFFFFFF80, v8  }
0x154: {  	v8 =	vand.u32 $0x7F, v8;
	v9 =	vadd.s32 v9, v10  }
0x155: {  	v8 =	vor.u32 v8, v9;
	_ =	sdelay $0x4  }
0x156: {  	v8 =	vld.idx.msk [tilespmem:v8+s16+$0x0], $0xffff;
	_ =	sdelay $0x4  }
0x157: {  	v9 =	vshll.u32 v8, $0x10  }
0x158: {  	v9 =	vmul.f32 $1.428571410e+01, v9  }
0x159: {  	v8 =	vmul.f32 $1.428571410e+01, v8  }
0x15a: {  	v9 =	vmul.f32 $1.442695020e+00, v9  }
0x15b: {  	v8 =	vmul.f32 $1.442695020e+00, v8  }
0x15c: {  	(erf) = vpow2.f32 v9  }
0x15d: {  	(erf) = vpow2.f32 v8;
	_ =	sdelay $0x7  }
0x15e: {  	s23 =	sadd.s32 $0x10, s23;
	v8 =	vpop (erf)  }
0x15f: {  	s22 =	sadd.s32 $0x10, s22;
	[tilespmem:s23+$0x0] =	vst v8;
	v8 =	vpop (erf)  }
0x160: {  	s25 =	simm.s32 $0xB00;
	[tilespmem:s22+$0x0] =	vst v8  }
0x161: {  	[tilespmem:s16], [sflag:$0x1] =	stream.indirect.gather [hbm4b:s5+s14], $0x80, s25, s14, $0xb8;
	[tilespmem:$0xA800] =	vst v63  }
0x162: {  	_ =	swait.ge [sflag:s21], $0x4000  }
0x163: {  	[sflag:s21] =	ssyncset.done $0x0  }
0x164: {  	s26 =	simm.s32 $0x1280;
	[sflag:s21] =	ssyncadd.s32 $0xFFFFC000  }
0x165: {  	v8 =	vld [tilespmem:s26+$0x0];
	_ =	sdelay $0x1  }
0x166: {  	s28 =	simm.s32 $0x0  }
0x167: {  	v9 =	vmov s28  }
0x168: {  	v9 =	vshll.u32 v9, $0x7  }
0x169: {  	v9 =	vor.u32 v2, v9;
	v10 =	vand.u32 $0xFFFFFF80, v8  }
0x16a: {  	v8 =	vand.u32 $0x7F, v8;
	v9 =	vadd.s32 v9, v10  }
0x16b: {  	v8 =	vor.u32 v8, v9;
	_ =	sdelay $0x4  }
0x16c: {  	v8 =	vld.idx.msk [tilespmem:v8+s18+$0x0], $0xffff;
	_ =	sdelay $0x4  }
0x16d: {  	v9 =	vshll.u32 v8, $0x10  }
0x16e: {  	v9 =	vmul.f32 $1.428571410e+01, v9  }
0x16f: {  	v8 =	vmul.f32 $1.428571410e+01, v8  }
0x170: {  	v9 =	vmul.f32 $1.442695020e+00, v9  }
0x171: {  	v8 =	vmul.f32 $1.442695020e+00, v8  }
0x172: {  	(erf) = vpow2.f32 v9  }
0x173: {  	(erf) = vpow2.f32 v8;
	_ =	sdelay $0x7  }
0x174: {  	s23 =	simm.s32 $0x9A80;
	v8 =	vpop (erf)  }
0x175: {  	s22 =	simm.s32 $0xA280;
	[tilespmem:s23+$0x0] =	vst v8;
	v8 =	vpop (erf)  }
0x176: {  	s24 =	simm.s32 $0x1290;
	[tilespmem:s22+$0x0] =	vst v8  }
0x177: {  	v8 =	vld [tilespmem:s24+$0x0]  }
0x178: {  	s25 =	simm.s32 $0x10;
	s26 =	simm.s32 $0x20  }
.LBB2_15:
0x179: {  	p0 =	sne.s32 s26, $0x70  }
0x17a: {  	v9 =	vmov s25;
	s25 =	smov.u32 s26  }
0x17b: {  	v9 =	vshll.u32 v9, $0x7  }
0x17c: {  	v9 =	vor.u32 v2, v9;
	v10 =	vand.u32 $0xFFFFFF80, v8  }
0x17d: {  	v8 =	vand.u32 $0x7F, v8;
	v9 =	vadd.s32 v9, v10  }
0x17e: {  	v8 =	vor.u32 v8, v9;
	_ =	sdelay $0x4  }
0x17f: {  	v8 =	vld.idx.msk [tilespmem:v8+s18+$0x0], $0xffff;
	_ =	sdelay $0x5  }
0x180: {  	v9 =	vshll.u32 v8, $0x10  }
0x181: {  	v9 =	vmul.f32 $1.428571410e+01, v9  }
0x182: {  	v8 =	vmul.f32 $1.428571410e+01, v8  }
0x183: {  	v9 =	vmul.f32 $1.442695020e+00, v9  }
0x184: {  	v8 =	vmul.f32 $1.442695020e+00, v8  }
0x185: {  	(erf) = vpow2.f32 v9  }
0x186: {  	(erf) = vpow2.f32 v8;
	_ =	sdelay $0x7  }
.Ltmp6:
0x187: {  	s23 =	sadd.s32 $0x10, s23;
	v8 =	vpop (erf);
	(pc) =	sbr.rel @p0 .LBB2_15-.Ltmp6, $4  }
0x188: {  	s22 =	sadd.s32 $0x10, s22;
	[tilespmem:s23+$0x0] =	vst v8;
	v8 =	vpop (erf)  }
0x189: {  	s24 =	sadd.s32 $0x10, s24;
	[tilespmem:s22+$0x0] =	vst v8  }
0x18a: {  	v8 =	vld [tilespmem:s24+$0x0]  }
0x18b: {  	s26 =	sadd.s32 $0x10, s26  }
0x18c: {  	_ = 	snop  }
0x18d: {  	v9 =	vmov s25  }
0x18e: {  	v9 =	vshll.u32 v9, $0x7  }
0x18f: {  	v9 =	vor.u32 v2, v9;
	v10 =	vand.u32 $0xFFFFFF80, v8  }
0x190: {  	v8 =	vand.u32 $0x7F, v8;
	v9 =	vadd.s32 v9, v10  }
0x191: {  	v8 =	vor.u32 v8, v9;
	_ =	sdelay $0x4  }
0x192: {  	v8 =	vld.idx.msk [tilespmem:v8+s18+$0x0], $0xffff;
	_ =	sdelay $0x4  }
0x193: {  	v9 =	vshll.u32 v8, $0x10  }
0x194: {  	v9 =	vmul.f32 $1.428571410e+01, v9  }
0x195: {  	v8 =	vmul.f32 $1.428571410e+01, v8  }
0x196: {  	v9 =	vmul.f32 $1.442695020e+00, v9  }
0x197: {  	v8 =	vmul.f32 $1.442695020e+00, v8  }
0x198: {  	(erf) = vpow2.f32 v9  }
0x199: {  	(erf) = vpow2.f32 v8;
	_ =	sdelay $0x7  }
0x19a: {  	s23 =	sadd.s32 $0x10, s23;
	v8 =	vpop (erf)  }
0x19b: {  	s22 =	sadd.s32 $0x10, s22;
	[tilespmem:s23+$0x0] =	vst v8;
	v8 =	vpop (erf)  }
0x19c: {  	s25 =	simm.s32 $0xB80;
	[tilespmem:s22+$0x0] =	vst v8  }
0x19d: {  	[tilespmem:s18], [sflag:$0x2] =	stream.indirect.gather [hbm4b:s5+s14], $0x80, s25, s14, $0xb8;
	[tilespmem:$0xA800] =	vst v63  }
0x19e: {  	_ =	swait.ge [sflag:s19], $0x4000  }
0x19f: {  	[sflag:s19] =	ssyncset.done $0x0  }
0x1a0: {  	s26 =	simm.s32 $0x1300;
	[sflag:s19] =	ssyncadd.s32 $0xFFFFC000  }
0x1a1: {  	v8 =	vld [tilespmem:s26+$0x0];
	_ =	sdelay $0x1  }
0x1a2: {  	s28 =	simm.s32 $0x0  }
0x1a3: {  	v9 =	vmov s28  }
0x1a4: {  	v9 =	vshll.u32 v9, $0x7  }
0x1a5: {  	v9 =	vor.u32 v2, v9;
	v10 =	vand.u32 $0xFFFFFF80, v8  }
0x1a6: {  	v8 =	vand.u32 $0x7F, v8;
	v9 =	vadd.s32 v9, v10  }
0x1a7: {  	v8 =	vor.u32 v8, v9;
	_ =	sdelay $0x4  }
0x1a8: {  	v8 =	vld.idx.msk [tilespmem:v8+s16+$0x0], $0xffff;
	_ =	sdelay $0x4  }
0x1a9: {  	v9 =	vshll.u32 v8, $0x10  }
0x1aa: {  	v9 =	vmul.f32 $1.428571410e+01, v9  }
0x1ab: {  	v8 =	vmul.f32 $1.428571410e+01, v8  }
0x1ac: {  	v9 =	vmul.f32 $1.442695020e+00, v9  }
0x1ad: {  	v8 =	vmul.f32 $1.442695020e+00, v8  }
0x1ae: {  	(erf) = vpow2.f32 v9  }
0x1af: {  	(erf) = vpow2.f32 v8;
	_ =	sdelay $0x7  }
0x1b0: {  	s23 =	simm.s32 $0x9B00;
	v8 =	vpop (erf)  }
0x1b1: {  	s22 =	simm.s32 $0xA300;
	[tilespmem:s23+$0x0] =	vst v8;
	v8 =	vpop (erf)  }
0x1b2: {  	s24 =	simm.s32 $0x1310;
	[tilespmem:s22+$0x0] =	vst v8  }
0x1b3: {  	v8 =	vld [tilespmem:s24+$0x0]  }
0x1b4: {  	s25 =	simm.s32 $0x10;
	s26 =	simm.s32 $0x20  }
.LBB2_17:
0x1b5: {  	p0 =	sne.s32 s26, $0x70  }
0x1b6: {  	v9 =	vmov s25;
	s25 =	smov.u32 s26  }
0x1b7: {  	v9 =	vshll.u32 v9, $0x7  }
0x1b8: {  	v9 =	vor.u32 v2, v9;
	v10 =	vand.u32 $0xFFFFFF80, v8  }
0x1b9: {  	v8 =	vand.u32 $0x7F, v8;
	v9 =	vadd.s32 v9, v10  }
0x1ba: {  	v8 =	vor.u32 v8, v9;
	_ =	sdelay $0x4  }
0x1bb: {  	v8 =	vld.idx.msk [tilespmem:v8+s16+$0x0], $0xffff;
	_ =	sdelay $0x5  }
0x1bc: {  	v9 =	vshll.u32 v8, $0x10  }
0x1bd: {  	v9 =	vmul.f32 $1.428571410e+01, v9  }
0x1be: {  	v8 =	vmul.f32 $1.428571410e+01, v8  }
0x1bf: {  	v9 =	vmul.f32 $1.442695020e+00, v9  }
0x1c0: {  	v8 =	vmul.f32 $1.442695020e+00, v8  }
0x1c1: {  	(erf) = vpow2.f32 v9  }
0x1c2: {  	(erf) = vpow2.f32 v8;
	_ =	sdelay $0x7  }
.Ltmp7:
0x1c3: {  	s23 =	sadd.s32 $0x10, s23;
	v8 =	vpop (erf);
	(pc) =	sbr.rel @p0 .LBB2_17-.Ltmp7, $4  }
0x1c4: {  	s22 =	sadd.s32 $0x10, s22;
	[tilespmem:s23+$0x0] =	vst v8;
	v8 =	vpop (erf)  }
0x1c5: {  	s24 =	sadd.s32 $0x10, s24;
	[tilespmem:s22+$0x0] =	vst v8  }
0x1c6: {  	v8 =	vld [tilespmem:s24+$0x0]  }
0x1c7: {  	s26 =	sadd.s32 $0x10, s26  }
0x1c8: {  	_ = 	snop  }
0x1c9: {  	v9 =	vmov s25  }
0x1ca: {  	v9 =	vshll.u32 v9, $0x7  }
0x1cb: {  	v9 =	vor.u32 v2, v9;
	v10 =	vand.u32 $0xFFFFFF80, v8  }
0x1cc: {  	v8 =	vand.u32 $0x7F, v8;
	v9 =	vadd.s32 v9, v10  }
0x1cd: {  	v8 =	vor.u32 v8, v9;
	_ =	sdelay $0x4  }
0x1ce: {  	v8 =	vld.idx.msk [tilespmem:v8+s16+$0x0], $0xffff;
	_ =	sdelay $0x4  }
0x1cf: {  	v9 =	vshll.u32 v8, $0x10  }
0x1d0: {  	v9 =	vmul.f32 $1.428571410e+01, v9  }
0x1d1: {  	v8 =	vmul.f32 $1.428571410e+01, v8  }
0x1d2: {  	v9 =	vmul.f32 $1.442695020e+00, v9  }
0x1d3: {  	v8 =	vmul.f32 $1.442695020e+00, v8  }
0x1d4: {  	(erf) = vpow2.f32 v9  }
0x1d5: {  	(erf) = vpow2.f32 v8;
	_ =	sdelay $0x7  }
0x1d6: {  	s23 =	sadd.s32 $0x10, s23;
	v8 =	vpop (erf)  }
0x1d7: {  	s22 =	sadd.s32 $0x10, s22;
	[tilespmem:s23+$0x0] =	vst v8;
	v8 =	vpop (erf)  }
0x1d8: {  	s25 =	simm.s32 $0xC00;
	[tilespmem:s22+$0x0] =	vst v8  }
0x1d9: {  	[tilespmem:s16], [sflag:$0x1] =	stream.indirect.gather [hbm4b:s5+s14], $0x80, s25, s14, $0xb8;
	[tilespmem:$0xA800] =	vst v63  }
0x1da: {  	_ =	swait.ge [sflag:s21], $0x4000  }
0x1db: {  	[sflag:s21] =	ssyncset.done $0x0  }
0x1dc: {  	s26 =	simm.s32 $0x1380;
	[sflag:s21] =	ssyncadd.s32 $0xFFFFC000  }
0x1dd: {  	v8 =	vld [tilespmem:s26+$0x0];
	_ =	sdelay $0x1  }
0x1de: {  	s28 =	simm.s32 $0x0  }
0x1df: {  	v9 =	vmov s28  }
0x1e0: {  	v9 =	vshll.u32 v9, $0x7  }
0x1e1: {  	v9 =	vor.u32 v2, v9;
	v10 =	vand.u32 $0xFFFFFF80, v8  }
0x1e2: {  	v8 =	vand.u32 $0x7F, v8;
	v9 =	vadd.s32 v9, v10  }
0x1e3: {  	v8 =	vor.u32 v8, v9;
	_ =	sdelay $0x4  }
0x1e4: {  	v8 =	vld.idx.msk [tilespmem:v8+s18+$0x0], $0xffff;
	_ =	sdelay $0x4  }
0x1e5: {  	v9 =	vshll.u32 v8, $0x10  }
0x1e6: {  	v9 =	vmul.f32 $1.428571410e+01, v9  }
0x1e7: {  	v8 =	vmul.f32 $1.428571410e+01, v8  }
0x1e8: {  	v9 =	vmul.f32 $1.442695020e+00, v9  }
0x1e9: {  	v8 =	vmul.f32 $1.442695020e+00, v8  }
0x1ea: {  	(erf) = vpow2.f32 v9  }
0x1eb: {  	(erf) = vpow2.f32 v8;
	_ =	sdelay $0x7  }
0x1ec: {  	s23 =	simm.s32 $0x9B80;
	v8 =	vpop (erf)  }
0x1ed: {  	s22 =	simm.s32 $0xA380;
	[tilespmem:s23+$0x0] =	vst v8;
	v8 =	vpop (erf)  }
0x1ee: {  	s24 =	simm.s32 $0x1390;
	[tilespmem:s22+$0x0] =	vst v8  }
0x1ef: {  	v8 =	vld [tilespmem:s24+$0x0]  }
0x1f0: {  	s25 =	simm.s32 $0x10;
	s26 =	simm.s32 $0x20  }
.LBB2_19:
0x1f1: {  	p0 =	sne.s32 s26, $0x70  }
0x1f2: {  	v9 =	vmov s25;
	s25 =	smov.u32 s26  }
0x1f3: {  	v9 =	vshll.u32 v9, $0x7  }
0x1f4: {  	v9 =	vor.u32 v2, v9;
	v10 =	vand.u32 $0xFFFFFF80, v8  }
0x1f5: {  	v8 =	vand.u32 $0x7F, v8;
	v9 =	vadd.s32 v9, v10  }
0x1f6: {  	v8 =	vor.u32 v8, v9;
	_ =	sdelay $0x4  }
0x1f7: {  	v8 =	vld.idx.msk [tilespmem:v8+s18+$0x0], $0xffff;
	_ =	sdelay $0x5  }
0x1f8: {  	v9 =	vshll.u32 v8, $0x10  }
0x1f9: {  	v9 =	vmul.f32 $1.428571410e+01, v9  }
0x1fa: {  	v8 =	vmul.f32 $1.428571410e+01, v8  }
0x1fb: {  	v9 =	vmul.f32 $1.442695020e+00, v9  }
0x1fc: {  	v8 =	vmul.f32 $1.442695020e+00, v8  }
0x1fd: {  	(erf) = vpow2.f32 v9  }
0x1fe: {  	(erf) = vpow2.f32 v8;
	_ =	sdelay $0x7  }
.Ltmp8:
0x1ff: {  	s23 =	sadd.s32 $0x10, s23;
	v8 =	vpop (erf);
	(pc) =	sbr.rel @p0 .LBB2_19-.Ltmp8, $4  }
0x200: {  	s22 =	sadd.s32 $0x10, s22;
	[tilespmem:s23+$0x0] =	vst v8;
	v8 =	vpop (erf)  }
0x201: {  	s24 =	sadd.s32 $0x10, s24;
	[tilespmem:s22+$0x0] =	vst v8  }
0x202: {  	v8 =	vld [tilespmem:s24+$0x0]  }
0x203: {  	s26 =	sadd.s32 $0x10, s26  }
0x204: {  	_ = 	snop  }
0x205: {  	v9 =	vmov s25  }
0x206: {  	v9 =	vshll.u32 v9, $0x7  }
0x207: {  	v9 =	vor.u32 v2, v9;
	v10 =	vand.u32 $0xFFFFFF80, v8  }
0x208: {  	v8 =	vand.u32 $0x7F, v8;
	v9 =	vadd.s32 v9, v10  }
0x209: {  	v8 =	vor.u32 v8, v9;
	_ =	sdelay $0x4  }
0x20a: {  	v8 =	vld.idx.msk [tilespmem:v8+s18+$0x0], $0xffff;
	_ =	sdelay $0x4  }
0x20b: {  	v9 =	vshll.u32 v8, $0x10  }
0x20c: {  	v9 =	vmul.f32 $1.428571410e+01, v9  }
0x20d: {  	v8 =	vmul.f32 $1.428571410e+01, v8  }
0x20e: {  	v9 =	vmul.f32 $1.442695020e+00, v9  }
0x20f: {  	v8 =	vmul.f32 $1.442695020e+00, v8  }
0x210: {  	(erf) = vpow2.f32 v9  }
0x211: {  	(erf) = vpow2.f32 v8;
	_ =	sdelay $0x7  }
0x212: {  	s23 =	sadd.s32 $0x10, s23;
	v8 =	vpop (erf)  }
0x213: {  	s22 =	sadd.s32 $0x10, s22;
	[tilespmem:s23+$0x0] =	vst v8;
	v8 =	vpop (erf)  }
0x214: {  	[tilespmem:s22+$0x0] =	vst v8  }
0x215: {  	[tilespmem:s18], [sflag:$0x2] =	stream.indirect.gather [hbm4b:s5+s14], $0x80, s29, s14, $0xb8;
	[tilespmem:$0xA800] =	vst v63  }
0x216: {  	_ =	swait.ge [sflag:s19], $0x4000  }
0x217: {  	[sflag:s19] =	ssyncset.done $0x0  }
0x218: {  	s26 =	simm.s32 $0x1400;
	[sflag:s19] =	ssyncadd.s32 $0xFFFFC000  }
0x219: {  	v8 =	vld [tilespmem:s26+$0x0];
	_ =	sdelay $0x1  }
0x21a: {  	s28 =	simm.s32 $0x0  }
0x21b: {  	v9 =	vmov s28  }
0x21c: {  	v9 =	vshll.u32 v9, $0x7  }
0x21d: {  	v9 =	vor.u32 v2, v9;
	v10 =	vand.u32 $0xFFFFFF80, v8  }
0x21e: {  	v8 =	vand.u32 $0x7F, v8;
	v9 =	vadd.s32 v9, v10  }
0x21f: {  	v8 =	vor.u32 v8, v9;
	_ =	sdelay $0x4  }
0x220: {  	v8 =	vld.idx.msk [tilespmem:v8+s16+$0x0], $0xffff;
	_ =	sdelay $0x4  }
0x221: {  	v9 =	vshll.u32 v8, $0x10  }
0x222: {  	v9 =	vmul.f32 $1.428571410e+01, v9  }
0x223: {  	v8 =	vmul.f32 $1.428571410e+01, v8  }
0x224: {  	v9 =	vmul.f32 $1.442695020e+00, v9  }
0x225: {  	v8 =	vmul.f32 $1.442695020e+00, v8  }
0x226: {  	(erf) = vpow2.f32 v9  }
0x227: {  	(erf) = vpow2.f32 v8;
	_ =	sdelay $0x7  }
0x228: {  	s23 =	simm.s32 $0x9C00;
	v8 =	vpop (erf)  }
0x229: {  	s22 =	simm.s32 $0xA400;
	[tilespmem:s23+$0x0] =	vst v8;
	v8 =	vpop (erf)  }
0x22a: {  	s24 =	simm.s32 $0x1410;
	[tilespmem:s22+$0x0] =	vst v8  }
0x22b: {  	v8 =	vld [tilespmem:s24+$0x0]  }
0x22c: {  	s25 =	simm.s32 $0x10;
	s26 =	simm.s32 $0x20  }
.LBB2_21:
0x22d: {  	p0 =	sne.s32 s26, $0x70  }
0x22e: {  	v9 =	vmov s25;
	s25 =	smov.u32 s26  }
0x22f: {  	v9 =	vshll.u32 v9, $0x7  }
0x230: {  	v9 =	vor.u32 v2, v9;
	v10 =	vand.u32 $0xFFFFFF80, v8  }
0x231: {  	v8 =	vand.u32 $0x7F, v8;
	v9 =	vadd.s32 v9, v10  }
0x232: {  	v8 =	vor.u32 v8, v9;
	_ =	sdelay $0x4  }
0x233: {  	v8 =	vld.idx.msk [tilespmem:v8+s16+$0x0], $0xffff;
	_ =	sdelay $0x5  }
0x234: {  	v9 =	vshll.u32 v8, $0x10  }
0x235: {  	v9 =	vmul.f32 $1.428571410e+01, v9  }
0x236: {  	v8 =	vmul.f32 $1.428571410e+01, v8  }
0x237: {  	v9 =	vmul.f32 $1.442695020e+00, v9  }
0x238: {  	v8 =	vmul.f32 $1.442695020e+00, v8  }
0x239: {  	(erf) = vpow2.f32 v9  }
0x23a: {  	(erf) = vpow2.f32 v8;
	_ =	sdelay $0x7  }
.Ltmp9:
0x23b: {  	s23 =	sadd.s32 $0x10, s23;
	v8 =	vpop (erf);
	(pc) =	sbr.rel @p0 .LBB2_21-.Ltmp9, $4  }
0x23c: {  	s22 =	sadd.s32 $0x10, s22;
	[tilespmem:s23+$0x0] =	vst v8;
	v8 =	vpop (erf)  }
0x23d: {  	s24 =	sadd.s32 $0x10, s24;
	[tilespmem:s22+$0x0] =	vst v8  }
0x23e: {  	v8 =	vld [tilespmem:s24+$0x0]  }
0x23f: {  	s26 =	sadd.s32 $0x10, s26  }
0x240: {  	_ = 	snop  }
0x241: {  	v9 =	vmov s25  }
0x242: {  	v9 =	vshll.u32 v9, $0x7  }
0x243: {  	v9 =	vor.u32 v2, v9;
	v10 =	vand.u32 $0xFFFFFF80, v8  }
0x244: {  	v8 =	vand.u32 $0x7F, v8;
	v9 =	vadd.s32 v9, v10  }
0x245: {  	v8 =	vor.u32 v8, v9;
	_ =	sdelay $0x4  }
0x246: {  	v8 =	vld.idx.msk [tilespmem:v8+s16+$0x0], $0xffff;
	_ =	sdelay $0x4  }
0x247: {  	v9 =	vshll.u32 v8, $0x10  }
0x248: {  	v9 =	vmul.f32 $1.428571410e+01, v9  }
0x249: {  	v8 =	vmul.f32 $1.428571410e+01, v8  }
0x24a: {  	v9 =	vmul.f32 $1.442695020e+00, v9  }
0x24b: {  	v8 =	vmul.f32 $1.442695020e+00, v8  }
0x24c: {  	(erf) = vpow2.f32 v9  }
0x24d: {  	(erf) = vpow2.f32 v8;
	_ =	sdelay $0x7  }
0x24e: {  	s23 =	sadd.s32 $0x10, s23;
	v8 =	vpop (erf)  }
0x24f: {  	s22 =	sadd.s32 $0x10, s22;
	[tilespmem:s23+$0x0] =	vst v8;
	v8 =	vpop (erf)  }
0x250: {  	[tilespmem:s22+$0x0] =	vst v8  }
0x251: {  	[tilespmem:s16], [sflag:$0x1] =	stream.indirect.gather [hbm4b:s5+s14], $0x80, s30, s14, $0xb8;
	[tilespmem:$0xA800] =	vst v63  }
0x252: {  	_ =	swait.ge [sflag:s21], $0x4000  }
0x253: {  	[sflag:s21] =	ssyncset.done $0x0  }
0x254: {  	s26 =	simm.s32 $0x1480;
	[sflag:s21] =	ssyncadd.s32 $0xFFFFC000  }
0x255: {  	v8 =	vld [tilespmem:s26+$0x0];
	_ =	sdelay $0x1  }
0x256: {  	s28 =	simm.s32 $0x0  }
0x257: {  	v9 =	vmov s28  }
0x258: {  	v9 =	vshll.u32 v9, $0x7  }
0x259: {  	v9 =	vor.u32 v2, v9;
	v10 =	vand.u32 $0xFFFFFF80, v8  }
0x25a: {  	v8 =	vand.u32 $0x7F, v8;
	v9 =	vadd.s32 v9, v10  }
0x25b: {  	v8 =	vor.u32 v8, v9;
	_ =	sdelay $0x4  }
0x25c: {  	v8 =	vld.idx.msk [tilespmem:v8+s18+$0x0], $0xffff;
	_ =	sdelay $0x4  }
0x25d: {  	v9 =	vshll.u32 v8, $0x10  }
0x25e: {  	v9 =	vmul.f32 $1.428571410e+01, v9  }
0x25f: {  	v8 =	vmul.f32 $1.428571410e+01, v8  }
0x260: {  	v9 =	vmul.f32 $1.442695020e+00, v9  }
0x261: {  	v8 =	vmul.f32 $1.442695020e+00, v8  }
0x262: {  	(erf) = vpow2.f32 v9  }
0x263: {  	(erf) = vpow2.f32 v8;
	_ =	sdelay $0x7  }
0x264: {  	s23 =	simm.s32 $0x9C80;
	v8 =	vpop (erf)  }
0x265: {  	s22 =	simm.s32 $0xA480;
	[tilespmem:s23+$0x0] =	vst v8;
	v8 =	vpop (erf)  }
0x266: {  	s24 =	simm.s32 $0x1490;
	[tilespmem:s22+$0x0] =	vst v8  }
0x267: {  	v8 =	vld [tilespmem:s24+$0x0]  }
0x268: {  	s25 =	simm.s32 $0x10;
	s26 =	simm.s32 $0x20  }
.LBB2_23:
0x269: {  	p0 =	sne.s32 s26, $0x70  }
0x26a: {  	v9 =	vmov s25;
	s25 =	smov.u32 s26  }
0x26b: {  	v9 =	vshll.u32 v9, $0x7  }
0x26c: {  	v9 =	vor.u32 v2, v9;
	v10 =	vand.u32 $0xFFFFFF80, v8  }
0x26d: {  	v8 =	vand.u32 $0x7F, v8;
	v9 =	vadd.s32 v9, v10  }
0x26e: {  	v8 =	vor.u32 v8, v9;
	_ =	sdelay $0x4  }
0x26f: {  	v8 =	vld.idx.msk [tilespmem:v8+s18+$0x0], $0xffff;
	_ =	sdelay $0x5  }
0x270: {  	v9 =	vshll.u32 v8, $0x10  }
0x271: {  	v9 =	vmul.f32 $1.428571410e+01, v9  }
0x272: {  	v8 =	vmul.f32 $1.428571410e+01, v8  }
0x273: {  	v9 =	vmul.f32 $1.442695020e+00, v9  }
0x274: {  	v8 =	vmul.f32 $1.442695020e+00, v8  }
0x275: {  	(erf) = vpow2.f32 v9  }
0x276: {  	(erf) = vpow2.f32 v8;
	_ =	sdelay $0x7  }
.Ltmp10:
0x277: {  	s23 =	sadd.s32 $0x10, s23;
	v8 =	vpop (erf);
	(pc) =	sbr.rel @p0 .LBB2_23-.Ltmp10, $4  }
0x278: {  	s22 =	sadd.s32 $0x10, s22;
	[tilespmem:s23+$0x0] =	vst v8;
	v8 =	vpop (erf)  }
0x279: {  	s24 =	sadd.s32 $0x10, s24;
	[tilespmem:s22+$0x0] =	vst v8  }
0x27a: {  	v8 =	vld [tilespmem:s24+$0x0]  }
0x27b: {  	s26 =	sadd.s32 $0x10, s26  }
0x27c: {  	_ = 	snop  }
0x27d: {  	v9 =	vmov s25  }
0x27e: {  	v9 =	vshll.u32 v9, $0x7  }
0x27f: {  	v9 =	vor.u32 v2, v9;
	v10 =	vand.u32 $0xFFFFFF80, v8  }
0x280: {  	v8 =	vand.u32 $0x7F, v8;
	v9 =	vadd.s32 v9, v10  }
0x281: {  	v8 =	vor.u32 v8, v9;
	_ =	sdelay $0x4  }
0x282: {  	v8 =	vld.idx.msk [tilespmem:v8+s18+$0x0], $0xffff;
	_ =	sdelay $0x4  }
0x283: {  	v9 =	vshll.u32 v8, $0x10  }
0x284: {  	v9 =	vmul.f32 $1.428571410e+01, v9  }
0x285: {  	v8 =	vmul.f32 $1.428571410e+01, v8  }
0x286: {  	v9 =	vmul.f32 $1.442695020e+00, v9  }
0x287: {  	v8 =	vmul.f32 $1.442695020e+00, v8  }
0x288: {  	(erf) = vpow2.f32 v9  }
0x289: {  	(erf) = vpow2.f32 v8;
	_ =	sdelay $0x7  }
0x28a: {  	s23 =	sadd.s32 $0x10, s23;
	v8 =	vpop (erf)  }
0x28b: {  	s22 =	sadd.s32 $0x10, s22;
	[tilespmem:s23+$0x0] =	vst v8;
	v8 =	vpop (erf)  }
0x28c: {  	[tilespmem:s22+$0x0] =	vst v8  }
0x28d: {  	[tilespmem:s18], [sflag:$0x2] =	stream.indirect.gather [hbm4b:s5+s14], $0x80, s31, s14, $0xb8;
	[tilespmem:$0xA800] =	vst v63  }
0x28e: {  	_ =	swait.ge [sflag:s19], $0x4000  }
0x28f: {  	[sflag:s19] =	ssyncset.done $0x0  }
0x290: {  	s26 =	simm.s32 $0x1500;
	[sflag:s19] =	ssyncadd.s32 $0xFFFFC000  }
0x291: {  	v8 =	vld [tilespmem:s26+$0x0];
	_ =	sdelay $0x1  }
0x292: {  	s28 =	simm.s32 $0x0  }
0x293: {  	v9 =	vmov s28  }
0x294: {  	v9 =	vshll.u32 v9, $0x7  }
0x295: {  	v9 =	vor.u32 v2, v9;
	v10 =	vand.u32 $0xFFFFFF80, v8  }
0x296: {  	v8 =	vand.u32 $0x7F, v8;
	v9 =	vadd.s32 v9, v10  }
0x297: {  	v8 =	vor.u32 v8, v9;
	_ =	sdelay $0x4  }
0x298: {  	v8 =	vld.idx.msk [tilespmem:v8+s16+$0x0], $0xffff;
	_ =	sdelay $0x4  }
0x299: {  	v9 =	vshll.u32 v8, $0x10  }
0x29a: {  	v9 =	vmul.f32 $1.428571410e+01, v9  }
0x29b: {  	v8 =	vmul.f32 $1.428571410e+01, v8  }
0x29c: {  	v9 =	vmul.f32 $1.442695020e+00, v9  }
0x29d: {  	v8 =	vmul.f32 $1.442695020e+00, v8  }
0x29e: {  	(erf) = vpow2.f32 v9  }
0x29f: {  	(erf) = vpow2.f32 v8;
	_ =	sdelay $0x7  }
0x2a0: {  	s23 =	simm.s32 $0x9D00;
	v8 =	vpop (erf)  }
0x2a1: {  	s22 =	simm.s32 $0xA500;
	[tilespmem:s23+$0x0] =	vst v8;
	v8 =	vpop (erf)  }
0x2a2: {  	s24 =	simm.s32 $0x1510;
	[tilespmem:s22+$0x0] =	vst v8  }
0x2a3: {  	v8 =	vld [tilespmem:s24+$0x0]  }
0x2a4: {  	s25 =	simm.s32 $0x10;
	s26 =	simm.s32 $0x20  }
.LBB2_25:
0x2a5: {  	p0 =	sne.s32 s26, $0x70  }
0x2a6: {  	v9 =	vmov s25;
	s25 =	smov.u32 s26  }
0x2a7: {  	v9 =	vshll.u32 v9, $0x7  }
0x2a8: {  	v9 =	vor.u32 v2, v9;
	v10 =	vand.u32 $0xFFFFFF80, v8  }
0x2a9: {  	v8 =	vand.u32 $0x7F, v8;
	v9 =	vadd.s32 v9, v10  }
0x2aa: {  	v8 =	vor.u32 v8, v9;
	_ =	sdelay $0x4  }
0x2ab: {  	v8 =	vld.idx.msk [tilespmem:v8+s16+$0x0], $0xffff;
	_ =	sdelay $0x5  }
0x2ac: {  	v9 =	vshll.u32 v8, $0x10  }
0x2ad: {  	v9 =	vmul.f32 $1.428571410e+01, v9  }
0x2ae: {  	v8 =	vmul.f32 $1.428571410e+01, v8  }
0x2af: {  	v9 =	vmul.f32 $1.442695020e+00, v9  }
0x2b0: {  	v8 =	vmul.f32 $1.442695020e+00, v8  }
0x2b1: {  	(erf) = vpow2.f32 v9  }
0x2b2: {  	(erf) = vpow2.f32 v8;
	_ =	sdelay $0x7  }
.Ltmp11:
0x2b3: {  	s23 =	sadd.s32 $0x10, s23;
	v8 =	vpop (erf);
	(pc) =	sbr.rel @p0 .LBB2_25-.Ltmp11, $4  }
0x2b4: {  	s22 =	sadd.s32 $0x10, s22;
	[tilespmem:s23+$0x0] =	vst v8;
	v8 =	vpop (erf)  }
0x2b5: {  	s24 =	sadd.s32 $0x10, s24;
	[tilespmem:s22+$0x0] =	vst v8  }
0x2b6: {  	v8 =	vld [tilespmem:s24+$0x0]  }
0x2b7: {  	s26 =	sadd.s32 $0x10, s26  }
0x2b8: {  	_ = 	snop  }
0x2b9: {  	v9 =	vmov s25  }
0x2ba: {  	v9 =	vshll.u32 v9, $0x7  }
0x2bb: {  	v9 =	vor.u32 v2, v9;
	v10 =	vand.u32 $0xFFFFFF80, v8  }
0x2bc: {  	v8 =	vand.u32 $0x7F, v8;
	v9 =	vadd.s32 v9, v10  }
0x2bd: {  	v8 =	vor.u32 v8, v9;
	_ =	sdelay $0x4  }
0x2be: {  	v8 =	vld.idx.msk [tilespmem:v8+s16+$0x0], $0xffff;
	_ =	sdelay $0x4  }
0x2bf: {  	v9 =	vshll.u32 v8, $0x10  }
0x2c0: {  	v9 =	vmul.f32 $1.428571410e+01, v9  }
0x2c1: {  	v8 =	vmul.f32 $1.428571410e+01, v8  }
0x2c2: {  	v9 =	vmul.f32 $1.442695020e+00, v9  }
0x2c3: {  	v8 =	vmul.f32 $1.442695020e+00, v8  }
0x2c4: {  	(erf) = vpow2.f32 v9  }
0x2c5: {  	(erf) = vpow2.f32 v8;
	_ =	sdelay $0x7  }
0x2c6: {  	s23 =	sadd.s32 $0x10, s23;
	v8 =	vpop (erf)  }
0x2c7: {  	s22 =	sadd.s32 $0x10, s22;
	[tilespmem:s23+$0x0] =	vst v8;
	v8 =	vpop (erf)  }
0x2c8: {  	[tilespmem:s22+$0x0] =	vst v8  }
0x2c9: {  	[tilespmem:s16], [sflag:$0x1] =	stream.indirect.gather [hbm4b:s5+s14], $0x80, s1, s14, $0xb8;
	[tilespmem:$0xA800] =	vst v63  }
0x2ca: {  	_ =	swait.ge [sflag:s21], $0x4000  }
0x2cb: {  	[sflag:s21] =	ssyncset.done $0x0  }
0x2cc: {  	s26 =	simm.s32 $0x1580;
	[sflag:s21] =	ssyncadd.s32 $0xFFFFC000  }
0x2cd: {  	v8 =	vld [tilespmem:s26+$0x0];
	_ =	sdelay $0x1  }
0x2ce: {  	s28 =	simm.s32 $0x0  }
0x2cf: {  	v9 =	vmov s28  }
0x2d0: {  	v9 =	vshll.u32 v9, $0x7  }
0x2d1: {  	v9 =	vor.u32 v2, v9;
	v10 =	vand.u32 $0xFFFFFF80, v8  }
0x2d2: {  	v8 =	vand.u32 $0x7F, v8;
	v9 =	vadd.s32 v9, v10  }
0x2d3: {  	v8 =	vor.u32 v8, v9;
	_ =	sdelay $0x4  }
0x2d4: {  	v8 =	vld.idx.msk [tilespmem:v8+s18+$0x0], $0xffff;
	_ =	sdelay $0x4  }
0x2d5: {  	v9 =	vshll.u32 v8, $0x10  }
0x2d6: {  	v9 =	vmul.f32 $1.428571410e+01, v9  }
0x2d7: {  	v8 =	vmul.f32 $1.428571410e+01, v8  }
0x2d8: {  	v9 =	vmul.f32 $1.442695020e+00, v9  }
0x2d9: {  	v8 =	vmul.f32 $1.442695020e+00, v8  }
0x2da: {  	(erf) = vpow2.f32 v9  }
0x2db: {  	(erf) = vpow2.f32 v8;
	_ =	sdelay $0x7  }
0x2dc: {  	s23 =	simm.s32 $0x9D80;
	v8 =	vpop (erf)  }
0x2dd: {  	s22 =	simm.s32 $0xA580;
	[tilespmem:s23+$0x0] =	vst v8;
	v8 =	vpop (erf)  }
0x2de: {  	s24 =	simm.s32 $0x1590;
	[tilespmem:s22+$0x0] =	vst v8  }
0x2df: {  	v8 =	vld [tilespmem:s24+$0x0]  }
0x2e0: {  	s25 =	simm.s32 $0x10;
	s26 =	simm.s32 $0x20  }
.LBB2_27:
0x2e1: {  	p0 =	sne.s32 s26, $0x70  }
0x2e2: {  	v9 =	vmov s25;
	s25 =	smov.u32 s26  }
0x2e3: {  	v9 =	vshll.u32 v9, $0x7  }
0x2e4: {  	v9 =	vor.u32 v2, v9;
	v10 =	vand.u32 $0xFFFFFF80, v8  }
0x2e5: {  	v8 =	vand.u32 $0x7F, v8;
	v9 =	vadd.s32 v9, v10  }
0x2e6: {  	v8 =	vor.u32 v8, v9;
	_ =	sdelay $0x4  }
0x2e7: {  	v8 =	vld.idx.msk [tilespmem:v8+s18+$0x0], $0xffff;
	_ =	sdelay $0x5  }
0x2e8: {  	v9 =	vshll.u32 v8, $0x10  }
0x2e9: {  	v9 =	vmul.f32 $1.428571410e+01, v9  }
0x2ea: {  	v8 =	vmul.f32 $1.428571410e+01, v8  }
0x2eb: {  	v9 =	vmul.f32 $1.442695020e+00, v9  }
0x2ec: {  	v8 =	vmul.f32 $1.442695020e+00, v8  }
0x2ed: {  	(erf) = vpow2.f32 v9  }
0x2ee: {  	(erf) = vpow2.f32 v8;
	_ =	sdelay $0x7  }
.Ltmp12:
0x2ef: {  	s23 =	sadd.s32 $0x10, s23;
	v8 =	vpop (erf);
	(pc) =	sbr.rel @p0 .LBB2_27-.Ltmp12, $4  }
0x2f0: {  	s22 =	sadd.s32 $0x10, s22;
	[tilespmem:s23+$0x0] =	vst v8;
	v8 =	vpop (erf)  }
0x2f1: {  	s24 =	sadd.s32 $0x10, s24;
	[tilespmem:s22+$0x0] =	vst v8  }
0x2f2: {  	v8 =	vld [tilespmem:s24+$0x0]  }
0x2f3: {  	s26 =	sadd.s32 $0x10, s26  }
0x2f4: {  	_ = 	snop  }
0x2f5: {  	v9 =	vmov s25  }
0x2f6: {  	v9 =	vshll.u32 v9, $0x7  }
0x2f7: {  	v9 =	vor.u32 v2, v9;
	v10 =	vand.u32 $0xFFFFFF80, v8  }
0x2f8: {  	v8 =	vand.u32 $0x7F, v8;
	v9 =	vadd.s32 v9, v10  }
0x2f9: {  	v8 =	vor.u32 v8, v9;
	_ =	sdelay $0x4  }
0x2fa: {  	v8 =	vld.idx.msk [tilespmem:v8+s18+$0x0], $0xffff;
	_ =	sdelay $0x4  }
0x2fb: {  	v9 =	vshll.u32 v8, $0x10  }
0x2fc: {  	v9 =	vmul.f32 $1.428571410e+01, v9  }
0x2fd: {  	v8 =	vmul.f32 $1.428571410e+01, v8  }
0x2fe: {  	v9 =	vmul.f32 $1.442695020e+00, v9  }
0x2ff: {  	v8 =	vmul.f32 $1.442695020e+00, v8  }
0x300: {  	(erf) = vpow2.f32 v9  }
0x301: {  	(erf) = vpow2.f32 v8;
	_ =	sdelay $0x7  }
0x302: {  	s23 =	sadd.s32 $0x10, s23;
	v8 =	vpop (erf)  }
0x303: {  	s22 =	sadd.s32 $0x10, s22;
	[tilespmem:s23+$0x0] =	vst v8;
	v8 =	vpop (erf)  }
0x304: {  	[tilespmem:s22+$0x0] =	vst v8  }
0x305: {  	[tilespmem:s18], [sflag:$0x2] =	stream.indirect.gather [hbm4b:s5+s14], $0x80, s0, s14, $0xb8;
	[tilespmem:$0xA800] =	vst v63  }
0x306: {  	_ =	swait.ge [sflag:s19], $0x4000  }
0x307: {  	[sflag:s19] =	ssyncset.done $0x0  }
0x308: {  	s26 =	simm.s32 $0x1600;
	[sflag:s19] =	ssyncadd.s32 $0xFFFFC000  }
0x309: {  	v8 =	vld [tilespmem:s26+$0x0];
	_ =	sdelay $0x1  }
0x30a: {  	s28 =	simm.s32 $0x0  }
0x30b: {  	v9 =	vmov s28  }
0x30c: {  	v9 =	vshll.u32 v9, $0x7  }
0x30d: {  	v9 =	vor.u32 v2, v9;
	v10 =	vand.u32 $0xFFFFFF80, v8  }
0x30e: {  	v8 =	vand.u32 $0x7F, v8;
	v9 =	vadd.s32 v9, v10  }
0x30f: {  	v8 =	vor.u32 v8, v9;
	_ =	sdelay $0x4  }
0x310: {  	v8 =	vld.idx.msk [tilespmem:v8+s16+$0x0], $0xffff;
	_ =	sdelay $0x4  }
0x311: {  	v9 =	vshll.u32 v8, $0x10  }
0x312: {  	v9 =	vmul.f32 $1.428571410e+01, v9  }
0x313: {  	v8 =	vmul.f32 $1.428571410e+01, v8  }
0x314: {  	v9 =	vmul.f32 $1.442695020e+00, v9  }
0x315: {  	v8 =	vmul.f32 $1.442695020e+00, v8  }
0x316: {  	(erf) = vpow2.f32 v9  }
0x317: {  	(erf) = vpow2.f32 v8;
	_ =	sdelay $0x7  }
0x318: {  	s23 =	simm.s32 $0x9E00;
	v8 =	vpop (erf)  }
0x319: {  	s22 =	simm.s32 $0xA600;
	[tilespmem:s23+$0x0] =	vst v8;
	v8 =	vpop (erf)  }
0x31a: {  	s24 =	simm.s32 $0x1610;
	[tilespmem:s22+$0x0] =	vst v8  }
0x31b: {  	v8 =	vld [tilespmem:s24+$0x0]  }
0x31c: {  	s25 =	simm.s32 $0x10;
	s26 =	simm.s32 $0x20  }
.LBB2_29:
0x31d: {  	p0 =	sne.s32 s26, $0x70  }
0x31e: {  	v9 =	vmov s25;
	s25 =	smov.u32 s26  }
0x31f: {  	v9 =	vshll.u32 v9, $0x7  }
0x320: {  	v9 =	vor.u32 v2, v9;
	v10 =	vand.u32 $0xFFFFFF80, v8  }
0x321: {  	v8 =	vand.u32 $0x7F, v8;
	v9 =	vadd.s32 v9, v10  }
0x322: {  	v8 =	vor.u32 v8, v9;
	_ =	sdelay $0x4  }
0x323: {  	v8 =	vld.idx.msk [tilespmem:v8+s16+$0x0], $0xffff;
	_ =	sdelay $0x5  }
0x324: {  	v9 =	vshll.u32 v8, $0x10  }
0x325: {  	v9 =	vmul.f32 $1.428571410e+01, v9  }
0x326: {  	v8 =	vmul.f32 $1.428571410e+01, v8  }
0x327: {  	v9 =	vmul.f32 $1.442695020e+00, v9  }
0x328: {  	v8 =	vmul.f32 $1.442695020e+00, v8  }
0x329: {  	(erf) = vpow2.f32 v9  }
0x32a: {  	(erf) = vpow2.f32 v8;
	_ =	sdelay $0x7  }
.Ltmp13:
0x32b: {  	s23 =	sadd.s32 $0x10, s23;
	v8 =	vpop (erf);
	(pc) =	sbr.rel @p0 .LBB2_29-.Ltmp13, $4  }
0x32c: {  	s22 =	sadd.s32 $0x10, s22;
	[tilespmem:s23+$0x0] =	vst v8;
	v8 =	vpop (erf)  }
0x32d: {  	s24 =	sadd.s32 $0x10, s24;
	[tilespmem:s22+$0x0] =	vst v8  }
0x32e: {  	v8 =	vld [tilespmem:s24+$0x0]  }
0x32f: {  	s26 =	sadd.s32 $0x10, s26  }
0x330: {  	_ = 	snop  }
0x331: {  	v9 =	vmov s25  }
0x332: {  	v9 =	vshll.u32 v9, $0x7  }
0x333: {  	v9 =	vor.u32 v2, v9;
	v10 =	vand.u32 $0xFFFFFF80, v8  }
0x334: {  	v8 =	vand.u32 $0x7F, v8;
	v9 =	vadd.s32 v9, v10  }
0x335: {  	v8 =	vor.u32 v8, v9;
	_ =	sdelay $0x4  }
0x336: {  	v8 =	vld.idx.msk [tilespmem:v8+s16+$0x0], $0xffff;
	_ =	sdelay $0x4  }
0x337: {  	v9 =	vshll.u32 v8, $0x10  }
0x338: {  	v9 =	vmul.f32 $1.428571410e+01, v9  }
0x339: {  	v8 =	vmul.f32 $1.428571410e+01, v8  }
0x33a: {  	v9 =	vmul.f32 $1.442695020e+00, v9  }
0x33b: {  	v8 =	vmul.f32 $1.442695020e+00, v8  }
0x33c: {  	(erf) = vpow2.f32 v9  }
0x33d: {  	(erf) = vpow2.f32 v8;
	_ =	sdelay $0x7  }
0x33e: {  	s23 =	sadd.s32 $0x10, s23;
	v8 =	vpop (erf)  }
0x33f: {  	s22 =	sadd.s32 $0x10, s22;
	[tilespmem:s23+$0x0] =	vst v8;
	v8 =	vpop (erf)  }
0x340: {  	[tilespmem:s22+$0x0] =	vst v8  }
0x341: {  	[tilespmem:s16], [sflag:$0x1] =	stream.indirect.gather [hbm4b:s5+s14], $0x80, s8, s14, $0xb8;
	[tilespmem:$0xA800] =	vst v63  }
0x342: {  	_ =	swait.ge [sflag:s21], $0x4000  }
0x343: {  	[sflag:s21] =	ssyncset.done $0x0  }
0x344: {  	s26 =	simm.s32 $0x1680;
	[sflag:s21] =	ssyncadd.s32 $0xFFFFC000  }
0x345: {  	v8 =	vld [tilespmem:s26+$0x0];
	_ =	sdelay $0x1  }
0x346: {  	s28 =	simm.s32 $0x0  }
0x347: {  	v9 =	vmov s28  }
0x348: {  	v9 =	vshll.u32 v9, $0x7  }
0x349: {  	v9 =	vor.u32 v2, v9;
	v10 =	vand.u32 $0xFFFFFF80, v8  }
0x34a: {  	v8 =	vand.u32 $0x7F, v8;
	v9 =	vadd.s32 v9, v10  }
0x34b: {  	v8 =	vor.u32 v8, v9;
	_ =	sdelay $0x4  }
0x34c: {  	v8 =	vld.idx.msk [tilespmem:v8+s18+$0x0], $0xffff;
	_ =	sdelay $0x4  }
0x34d: {  	v9 =	vshll.u32 v8, $0x10  }
0x34e: {  	v9 =	vmul.f32 $1.428571410e+01, v9  }
0x34f: {  	v8 =	vmul.f32 $1.428571410e+01, v8  }
0x350: {  	v9 =	vmul.f32 $1.442695020e+00, v9  }
0x351: {  	v8 =	vmul.f32 $1.442695020e+00, v8  }
0x352: {  	(erf) = vpow2.f32 v9  }
0x353: {  	(erf) = vpow2.f32 v8;
	_ =	sdelay $0x7  }
0x354: {  	s23 =	simm.s32 $0x9E80;
	v8 =	vpop (erf)  }
0x355: {  	s22 =	simm.s32 $0xA680;
	[tilespmem:s23+$0x0] =	vst v8;
	v8 =	vpop (erf)  }
0x356: {  	s24 =	simm.s32 $0x1690;
	[tilespmem:s22+$0x0] =	vst v8  }
0x357: {  	v8 =	vld [tilespmem:s24+$0x0]  }
0x358: {  	s25 =	simm.s32 $0x10;
	s26 =	simm.s32 $0x20  }
.LBB2_31:
0x359: {  	p0 =	sne.s32 s26, $0x70  }
0x35a: {  	v9 =	vmov s25;
	s25 =	smov.u32 s26  }
0x35b: {  	v9 =	vshll.u32 v9, $0x7  }
0x35c: {  	v9 =	vor.u32 v2, v9;
	v10 =	vand.u32 $0xFFFFFF80, v8  }
0x35d: {  	v8 =	vand.u32 $0x7F, v8;
	v9 =	vadd.s32 v9, v10  }
0x35e: {  	v8 =	vor.u32 v8, v9;
	_ =	sdelay $0x4  }
0x35f: {  	v8 =	vld.idx.msk [tilespmem:v8+s18+$0x0], $0xffff;
	_ =	sdelay $0x5  }
0x360: {  	v9 =	vshll.u32 v8, $0x10  }
0x361: {  	v9 =	vmul.f32 $1.428571410e+01, v9  }
0x362: {  	v8 =	vmul.f32 $1.428571410e+01, v8  }
0x363: {  	v9 =	vmul.f32 $1.442695020e+00, v9  }
0x364: {  	v8 =	vmul.f32 $1.442695020e+00, v8  }
0x365: {  	(erf) = vpow2.f32 v9  }
0x366: {  	(erf) = vpow2.f32 v8;
	_ =	sdelay $0x7  }
.Ltmp14:
0x367: {  	s23 =	sadd.s32 $0x10, s23;
	v8 =	vpop (erf);
	(pc) =	sbr.rel @p0 .LBB2_31-.Ltmp14, $4  }
0x368: {  	s22 =	sadd.s32 $0x10, s22;
	[tilespmem:s23+$0x0] =	vst v8;
	v8 =	vpop (erf)  }
0x369: {  	s24 =	sadd.s32 $0x10, s24;
	[tilespmem:s22+$0x0] =	vst v8  }
0x36a: {  	v8 =	vld [tilespmem:s24+$0x0]  }
0x36b: {  	s26 =	sadd.s32 $0x10, s26  }
0x36c: {  	_ = 	snop  }
0x36d: {  	v9 =	vmov s25  }
0x36e: {  	v9 =	vshll.u32 v9, $0x7  }
0x36f: {  	v9 =	vor.u32 v2, v9;
	v10 =	vand.u32 $0xFFFFFF80, v8  }
0x370: {  	v8 =	vand.u32 $0x7F, v8;
	v9 =	vadd.s32 v9, v10  }
0x371: {  	v8 =	vor.u32 v8, v9;
	_ =	sdelay $0x4  }
0x372: {  	v8 =	vld.idx.msk [tilespmem:v8+s18+$0x0], $0xffff;
	_ =	sdelay $0x4  }
0x373: {  	v9 =	vshll.u32 v8, $0x10  }
0x374: {  	v9 =	vmul.f32 $1.428571410e+01, v9  }
0x375: {  	v8 =	vmul.f32 $1.428571410e+01, v8  }
0x376: {  	v9 =	vmul.f32 $1.442695020e+00, v9  }
0x377: {  	v8 =	vmul.f32 $1.442695020e+00, v8  }
0x378: {  	(erf) = vpow2.f32 v9  }
0x379: {  	(erf) = vpow2.f32 v8;
	_ =	sdelay $0x7  }
0x37a: {  	s23 =	sadd.s32 $0x10, s23;
	v8 =	vpop (erf)  }
0x37b: {  	s22 =	sadd.s32 $0x10, s22;
	[tilespmem:s23+$0x0] =	vst v8;
	v8 =	vpop (erf)  }
0x37c: {  	[tilespmem:s22+$0x0] =	vst v8  }
0x37d: {  	[tilespmem:s18], [sflag:$0x2] =	stream.indirect.gather [hbm4b:s5+s14], $0x80, s9, s14, $0xb8;
	[tilespmem:$0xA800] =	vst v63  }
0x37e: {  	_ =	swait.ge [sflag:s19], $0x4000  }
0x37f: {  	[sflag:s19] =	ssyncset.done $0x0  }
0x380: {  	s26 =	simm.s32 $0x1700;
	[sflag:s19] =	ssyncadd.s32 $0xFFFFC000  }
0x381: {  	v8 =	vld [tilespmem:s26+$0x0];
	_ =	sdelay $0x1  }
0x382: {  	s28 =	simm.s32 $0x0  }
0x383: {  	v9 =	vmov s28  }
0x384: {  	v9 =	vshll.u32 v9, $0x7  }
0x385: {  	v9 =	vor.u32 v2, v9;
	v10 =	vand.u32 $0xFFFFFF80, v8  }
0x386: {  	v8 =	vand.u32 $0x7F, v8;
	v9 =	vadd.s32 v9, v10  }
0x387: {  	v8 =	vor.u32 v8, v9;
	_ =	sdelay $0x4  }
0x388: {  	v8 =	vld.idx.msk [tilespmem:v8+s16+$0x0], $0xffff;
	_ =	sdelay $0x4  }
0x389: {  	v9 =	vshll.u32 v8, $0x10  }
0x38a: {  	v9 =	vmul.f32 $1.428571410e+01, v9  }
0x38b: {  	v8 =	vmul.f32 $1.428571410e+01, v8  }
0x38c: {  	v9 =	vmul.f32 $1.442695020e+00, v9  }
0x38d: {  	v8 =	vmul.f32 $1.442695020e+00, v8  }
0x38e: {  	(erf) = vpow2.f32 v9  }
0x38f: {  	(erf) = vpow2.f32 v8;
	_ =	sdelay $0x7  }
0x390: {  	s23 =	simm.s32 $0x9F00;
	v8 =	vpop (erf)  }
0x391: {  	s22 =	simm.s32 $0xA700;
	[tilespmem:s23+$0x0] =	vst v8;
	v8 =	vpop (erf)  }
0x392: {  	s24 =	simm.s32 $0x1710;
	[tilespmem:s22+$0x0] =	vst v8  }
0x393: {  	v8 =	vld [tilespmem:s24+$0x0]  }
0x394: {  	s25 =	simm.s32 $0x10;
	s26 =	simm.s32 $0x20  }
.LBB2_33:
0x395: {  	p0 =	sne.s32 s26, $0x70  }
0x396: {  	v9 =	vmov s25;
	s25 =	smov.u32 s26  }
0x397: {  	v9 =	vshll.u32 v9, $0x7  }
0x398: {  	v9 =	vor.u32 v2, v9;
	v10 =	vand.u32 $0xFFFFFF80, v8  }
0x399: {  	v8 =	vand.u32 $0x7F, v8;
	v9 =	vadd.s32 v9, v10  }
0x39a: {  	v8 =	vor.u32 v8, v9;
	_ =	sdelay $0x4  }
0x39b: {  	v8 =	vld.idx.msk [tilespmem:v8+s16+$0x0], $0xffff;
	_ =	sdelay $0x5  }
0x39c: {  	v9 =	vshll.u32 v8, $0x10  }
0x39d: {  	v9 =	vmul.f32 $1.428571410e+01, v9  }
0x39e: {  	v8 =	vmul.f32 $1.428571410e+01, v8  }
0x39f: {  	v9 =	vmul.f32 $1.442695020e+00, v9  }
0x3a0: {  	v8 =	vmul.f32 $1.442695020e+00, v8  }
0x3a1: {  	(erf) = vpow2.f32 v9  }
0x3a2: {  	(erf) = vpow2.f32 v8;
	_ =	sdelay $0x7  }
.Ltmp15:
0x3a3: {  	s23 =	sadd.s32 $0x10, s23;
	v8 =	vpop (erf);
	(pc) =	sbr.rel @p0 .LBB2_33-.Ltmp15, $4  }
0x3a4: {  	s22 =	sadd.s32 $0x10, s22;
	[tilespmem:s23+$0x0] =	vst v8;
	v8 =	vpop (erf)  }
0x3a5: {  	s24 =	sadd.s32 $0x10, s24;
	[tilespmem:s22+$0x0] =	vst v8  }
0x3a6: {  	v8 =	vld [tilespmem:s24+$0x0]  }
0x3a7: {  	s26 =	sadd.s32 $0x10, s26  }
0x3a8: {  	_ = 	snop  }
0x3a9: {  	v9 =	vmov s25  }
0x3aa: {  	v9 =	vshll.u32 v9, $0x7  }
0x3ab: {  	v9 =	vor.u32 v2, v9;
	v10 =	vand.u32 $0xFFFFFF80, v8  }
0x3ac: {  	v8 =	vand.u32 $0x7F, v8;
	v9 =	vadd.s32 v9, v10  }
0x3ad: {  	v8 =	vor.u32 v8, v9;
	_ =	sdelay $0x4  }
0x3ae: {  	v8 =	vld.idx.msk [tilespmem:v8+s16+$0x0], $0xffff;
	_ =	sdelay $0x4  }
0x3af: {  	v9 =	vshll.u32 v8, $0x10  }
0x3b0: {  	v9 =	vmul.f32 $1.428571410e+01, v9  }
0x3b1: {  	v8 =	vmul.f32 $1.428571410e+01, v8  }
0x3b2: {  	v9 =	vmul.f32 $1.442695020e+00, v9  }
0x3b3: {  	v8 =	vmul.f32 $1.442695020e+00, v8  }
0x3b4: {  	(erf) = vpow2.f32 v9  }
0x3b5: {  	(erf) = vpow2.f32 v8;
	_ =	sdelay $0x7  }
0x3b6: {  	s23 =	sadd.s32 $0x10, s23;
	v8 =	vpop (erf)  }
0x3b7: {  	s22 =	sadd.s32 $0x10, s22;
	[tilespmem:s23+$0x0] =	vst v8;
	v8 =	vpop (erf)  }
0x3b8: {  	[tilespmem:s22+$0x0] =	vst v8  }
0x3b9: {  	_ =	swait.ge [sflag:s21], $0x4000  }
0x3ba: {  	[sflag:s21] =	ssyncset.done $0x0  }
0x3bb: {  	s26 =	simm.s32 $0x1780;
	[sflag:s21] =	ssyncadd.s32 $0xFFFFC000  }
0x3bc: {  	v8 =	vld [tilespmem:s26+$0x0];
	_ =	sdelay $0x1  }
0x3bd: {  	s28 =	simm.s32 $0x0  }
0x3be: {  	v9 =	vmov s28  }
0x3bf: {  	v9 =	vshll.u32 v9, $0x7  }
0x3c0: {  	v9 =	vor.u32 v2, v9;
	v10 =	vand.u32 $0xFFFFFF80, v8  }
0x3c1: {  	v8 =	vand.u32 $0x7F, v8;
	v9 =	vadd.s32 v9, v10  }
0x3c2: {  	v8 =	vor.u32 v8, v9;
	_ =	sdelay $0x4  }
0x3c3: {  	v8 =	vld.idx.msk [tilespmem:v8+s18+$0x0], $0xffff;
	_ =	sdelay $0x4  }
0x3c4: {  	v9 =	vshll.u32 v8, $0x10  }
0x3c5: {  	v9 =	vmul.f32 $1.428571410e+01, v9  }
0x3c6: {  	v8 =	vmul.f32 $1.428571410e+01, v8  }
0x3c7: {  	v9 =	vmul.f32 $1.442695020e+00, v9  }
0x3c8: {  	v8 =	vmul.f32 $1.442695020e+00, v8  }
0x3c9: {  	(erf) = vpow2.f32 v9  }
0x3ca: {  	(erf) = vpow2.f32 v8;
	_ =	sdelay $0x7  }
0x3cb: {  	s23 =	simm.s32 $0x9F80;
	v8 =	vpop (erf)  }
0x3cc: {  	s22 =	simm.s32 $0xA780;
	[tilespmem:s23+$0x0] =	vst v8;
	v8 =	vpop (erf)  }
0x3cd: {  	s24 =	simm.s32 $0x1790;
	[tilespmem:s22+$0x0] =	vst v8  }
0x3ce: {  	v8 =	vld [tilespmem:s24+$0x0]  }
0x3cf: {  	s25 =	simm.s32 $0x10;
	s26 =	simm.s32 $0x20  }
.LBB2_35:
0x3d0: {  	p0 =	sne.s32 s26, $0x70  }
0x3d1: {  	v9 =	vmov s25;
	s25 =	smov.u32 s26  }
0x3d2: {  	v9 =	vshll.u32 v9, $0x7  }
0x3d3: {  	v9 =	vor.u32 v2, v9;
	v10 =	vand.u32 $0xFFFFFF80, v8  }
0x3d4: {  	v8 =	vand.u32 $0x7F, v8;
	v9 =	vadd.s32 v9, v10  }
0x3d5: {  	v8 =	vor.u32 v8, v9;
	_ =	sdelay $0x4  }
0x3d6: {  	v8 =	vld.idx.msk [tilespmem:v8+s18+$0x0], $0xffff;
	_ =	sdelay $0x5  }
0x3d7: {  	v9 =	vshll.u32 v8, $0x10  }
0x3d8: {  	v9 =	vmul.f32 $1.428571410e+01, v9  }
0x3d9: {  	v8 =	vmul.f32 $1.428571410e+01, v8  }
0x3da: {  	v9 =	vmul.f32 $1.442695020e+00, v9  }
0x3db: {  	v8 =	vmul.f32 $1.442695020e+00, v8  }
0x3dc: {  	(erf) = vpow2.f32 v9  }
0x3dd: {  	(erf) = vpow2.f32 v8;
	_ =	sdelay $0x7  }
.Ltmp16:
0x3de: {  	s23 =	sadd.s32 $0x10, s23;
	v8 =	vpop (erf);
	(pc) =	sbr.rel @p0 .LBB2_35-.Ltmp16, $4  }
0x3df: {  	s22 =	sadd.s32 $0x10, s22;
	[tilespmem:s23+$0x0] =	vst v8;
	v8 =	vpop (erf)  }
0x3e0: {  	s24 =	sadd.s32 $0x10, s24;
	[tilespmem:s22+$0x0] =	vst v8  }
0x3e1: {  	v8 =	vld [tilespmem:s24+$0x0]  }
0x3e2: {  	s26 =	sadd.s32 $0x10, s26  }
0x3e3: {  	_ = 	snop  }
0x3e4: {  	v9 =	vmov s25  }
0x3e5: {  	v9 =	vshll.u32 v9, $0x7  }
0x3e6: {  	v9 =	vor.u32 v2, v9;
	v10 =	vand.u32 $0xFFFFFF80, v8  }
0x3e7: {  	v8 =	vand.u32 $0x7F, v8;
	v9 =	vadd.s32 v9, v10  }
0x3e8: {  	v8 =	vor.u32 v8, v9;
	_ =	sdelay $0x4  }
0x3e9: {  	v8 =	vld.idx.msk [tilespmem:v8+s18+$0x0], $0xffff;
	_ =	sdelay $0x4  }
0x3ea: {  	v63 =	vshll.u32 v8, $0x10  }
0x3eb: {  	v9 =	vmul.f32 $1.428571410e+01, v63  }
0x3ec: {  	v8 =	vmul.f32 $1.428571410e+01, v8  }
0x3ed: {  	v9 =	vmul.f32 $1.442695020e+00, v9  }
0x3ee: {  	v8 =	vmul.f32 $1.442695020e+00, v8  }
0x3ef: {  	(erf) = vpow2.f32 v9  }
0x3f0: {  	(erf) = vpow2.f32 v8;
	_ =	sdelay $0x7  }
0x3f1: {  	s23 =	sadd.s32 $0x10, s23;
	v8 =	vpop (erf)  }
0x3f2: {  	s22 =	sadd.s32 $0x10, s22;
	[tilespmem:s23+$0x0] =	vst v8;
	v8 =	vpop (erf)  }
0x3f3: {  	s26 =	sadd.s32 s6, s20;
	[tilespmem:s22+$0x0] =	vst v8  }
0x3f4: {  	[hbm4b:s26+s2] =	stream.linear.scatter [tilespmem:s10], [sflag:$0x3], $0x800, $0x38;
	[tilespmem:$0xA800] =	vst v63  }
0x3f5: {  	s17 =	sadd.s32 $0x1, s17;
	_ =	swait.ge [sflag:s13], $0x800  }
0x3f6: {  	p0 =	sne.s32 s17, $0x10;
	[sflag:s13] =	ssyncset.done $0x0  }
.Ltmp17:
0x3f7: {  	s28 =	sadd.s32 s7, s20;
	[sflag:s13] =	ssyncadd.s32 $0xFFFFF800;
	(pc) =	sbr.rel @p0 .LBB2_2-.Ltmp17, $4  }
0x3f8: {  	[hbm4b:s28+s2] =	stream.linear.scatter [tilespmem:s11], [sflag:$0x3], $0x800, $0x38;
	[tilespmem:$0xA800] =	vst v63  }
0x3f9: {  	_ =	swait.ge [sflag:s13], $0x800  }
0x3fa: {  	[sflag:s13] =	ssyncset.done $0x0  }
0x3fb: {  	s12 =	sadd.s32 $0x800, s12;
	[sflag:s13] =	ssyncadd.s32 $0xFFFFF800  }
0x3fc: {  	s12 =	rddreg [dreg:$0x2]  }
0x3fd: {  	[tilespmem:s2], [sflag:$0x3] =	stream.linear.gather [hbm4b:s12+s2], $0x20, $0x38;
	[tilespmem:$0xA800] =	vst v63  }
0x3fe: {  	_ =	swait.ge [sflag:s13], $0x20  }
0x3ff: {  	[sflag:s13] =	ssyncset.done $0x0  }
0x400: {  	[sflag:s13] =	ssyncadd.s32 $0xFFFFFFE0  }
0x401: {  	v8 =	vld [tilespmem:$0x0];
	_ =	sdelay $0x1  }
0x402: {  	v9 =	vld [tilespmem:$0x10];
	_ =	sdelay $0x2  }
0x403: {  	v8 =	vshll.u32 v8, $0x3  }
0x404: {  	[tilespmem:$0x1000] =	vst v4;
	v8 =	vadd.s32 v3, v8  }
0x405: {  	[tilespmem:$0x800] =	vst v8;
	v8 =	vshll.u32 v9, $0x3  }
0x406: {  	[tilespmem:$0x1010] =	vst v6;
	v8 =	vadd.s32 v5, v8  }
0x407: {  	s24 =	simm.s32 $0x20;
	[tilespmem:$0x810] =	vst v8  }
0x408: {  	[tilespmem:s16], [sflag:$0x1] =	stream.indirect.gather [hbm4b:s5+s24], $0x80, s15, s24, $0xb8;
	[tilespmem:$0xA800] =	vst v63  }
0x409: {  	_ =	swait.ge [sflag:s19], $0x1000  }
0x40a: {  	[sflag:s19] =	ssyncset.done $0x0  }
0x40b: {  	[sflag:s19] =	ssyncadd.s32 $0xFFFFF000  }
0x40c: {  	v8 =	vld [tilespmem:$0x1000];
	_ =	sdelay $0x4  }
0x40d: {  	v8 =	vadd.s32 v2, v8;
	_ =	sdelay $0x4  }
0x40e: {  	v8 =	vld.idx.msk [tilespmem:v8+s16+$0x0], $0xffff;
	_ =	sdelay $0x4  }
0x40f: {  	v61 =	vshll.u32 v8, $0x10  }
0x410: {  	v9 =	vmul.f32 $1.428571410e+01, v61  }
0x411: {  	v8 =	vmul.f32 $1.428571410e+01, v8  }
0x412: {  	v9 =	vmul.f32 $1.442695020e+00, v9  }
0x413: {  	v8 =	vmul.f32 $1.442695020e+00, v8  }
0x414: {  	(erf) = vpow2.f32 v9  }
0x415: {  	(erf) = vpow2.f32 v8  }
0x416: {  	v8 =	vld [tilespmem:$0x1010];
	_ =	sdelay $0x4  }
0x417: {  	v8 =	vadd.s32 v7, v8;
	_ =	sdelay $0x1  }
0x418: {  	v9 =	vpop (erf)  }
0x419: {  	[tilespmem:$0x9800] =	vst v9;
	v62 =	vpop (erf)  }
0x41a: {  	[tilespmem:$0xA000] =	vst v62  }
0x41b: {  	v8 =	vld.idx.msk [tilespmem:v8+s16+$0x0], $0xffff;
	_ =	sdelay $0x4  }
0x41c: {  	v63 =	vshll.u32 v8, $0x10  }
0x41d: {  	v9 =	vmul.f32 $1.428571410e+01, v63  }
0x41e: {  	v8 =	vmul.f32 $1.428571410e+01, v8  }
0x41f: {  	v9 =	vmul.f32 $1.442695020e+00, v9  }
0x420: {  	v8 =	vmul.f32 $1.442695020e+00, v8  }
0x421: {  	(erf) = vpow2.f32 v9  }
0x422: {  	(erf) = vpow2.f32 v8;
	_ =	sdelay $0x7  }
0x423: {  	v8 =	vpop (erf)  }
0x424: {  	[tilespmem:$0x9810] =	vst v8;
	v8 =	vpop (erf)  }
0x425: {  	s25 =	rddreg [dreg:$0x3];
	[tilespmem:$0xA010] =	vst v8  }
0x426: {  	[hbm4b:s25+s2] =	stream.linear.scatter [tilespmem:s10], [sflag:$0x3], $0x20, $0x38;
	[tilespmem:$0xA800] =	vst v63  }
0x427: {  	_ =	swait.ge [sflag:s13], $0x20  }
0x428: {  	[sflag:s13] =	ssyncset.done $0x0  }
0x429: {  	s26 =	rddreg [dreg:$0x4];
	[sflag:s13] =	ssyncadd.s32 $0xFFFFFFE0  }
0x42a: {  	[hbm4b:s26+s2] =	stream.linear.scatter [tilespmem:s11], [sflag:$0x3], $0x20, $0x38;
	[tilespmem:$0xA800] =	vst v63  }
0x42b: {  	_ =	swait.ge [sflag:s13], $0x20  }
0x42c: {  	s17 =	rddreg [dreg:$0x7]  }
0x42d: {  	s28 =	rddreg [dreg:$0x5];
	s17 =	sadd.s32 $0x1, s17  }
0x42e: {  	p0 =	sne.s32 s17, s28  }
.Ltmp18:
0x42f: {  	_ = 	snop;
	(pc) =	sbr.rel @p0 .LBB2_1-.Ltmp18, $3  }
0x430: {  	_ =	sdelay $0x1  }
0x431: {  	[sflag:s13] =	ssyncset.done $0x0  }
0x432: {  	[sflag:s13] =	ssyncadd.s32 $0xFFFFFFE0  }
0x433: {  	_ =	sfence.sel $0x180000  }
0x434: {  	[bflag:$0x0] =	sbarrier.arrive $0xFFFF  }
0x435: {  	_ =	strace $0x90000047  }
0x436: {  	s0 =	stileid.u32;
	[bflag:$0x2] =	sbarrier.arrive $0xFFFF  }
0x437: {  	p0 =	sne.s32 s0, $0x0;
	s0 =	rddreg [dreg:$0x1]  }
0x438: {  	s0 =	sadd.s32 @!p0 $0x100000, s0  }
0x439: {  	[sflag:s0] =	ssyncadd.tile.s32 @!p0 $0x1;
	_ =	shalt  }
.Lfunc_end2:
_tile_overlayer_lowered:
.L_overlay_start_2:
0x43a: {  	(tag) =	ssettag $0x2  }
0x43b: {  	s0 =	rddreg [dreg:$0x0];
	s2 =	stileid.u32  }
0x43c: {  	s1 =	rddreg [dreg:$0x1];
	p0 =	sne.s32 s2, $0x0  }
0x43d: {  	s3 =	rddreg [dreg:$0x2];
	[bflag:$0x3] =	sbarrier.arrive $0xFFFF;
	s2 =	simm.s32 @!p0 $0x1C03  }
0x43e: {  	[timem:s3], [sflag:s2] =	dma.local @!p0 [hbm:s0], s1  }
0x43f: {  	s0 =	simm.s32 @!p0 $0x3  }
0x440: {  	_ =	swait.ge @!p0 [sflag:s0], s1  }
0x441: {  	s1 =	ssub.s32 @!p0 $0x0, s1;
	[sflag:s0] =	ssyncset.done @!p0 $0x0  }
0x442: {  	[sflag:s0] =	ssyncadd.s32 @!p0 s1  }
0x443: {  	[bflag:$0x3] =	sbarrier.arrive $0xFFFF  }
0x444: {  	_ =	shalt  }

// kernel: kernel.9.cloned.1.call-start
scs
__scs_entry_jumppad:
0x0: {  	(pc) =	sbr.rel $0x88, $3  }
0x1: {  	(tag) =	ssettag $0x0;
	lr =	simm.s32 $0x1  }
0x2: {  	[smem:$0x3F9B] =	sst lr;
	_ =	strace $0xD0000000  }
0x3: {  	_ = 	snop  }
0x4: {  	_ = 	snop  }
0x5: {  	_ = 	snop  }
0x6: {  	_ = 	snop  }
0x7: {  	_ = 	snop  }
__scs_overlays_trampoline_lowered:
0x8: {  	[smem:$0x3FAA] =	sst s0  }
0x9: {  	[smem:$0x3FAB] =	sst s1  }
0xa: {  	[smem:$0x3FAC] =	sst s2  }
0xb: {  	[smem:$0x3FAD] =	sst s3  }
0xc: {  	[smem:$0x3FAE] =	sst s4  }
0xd: {  	[smem:$0x3FAF] =	sst s5  }
0xe: {  	[smem:$0x3FB0] =	sst s6  }
0xf: {  	[smem:$0x3FB1] =	sst s7  }
0x10: {  	[smem:$0x3FB2] =	sst s8  }
0x11: {  	[smem:$0x3FB3] =	sst s9;
	s0 =	simm.s32 @!p0 $0x0  }
0x12: {  	s1 =	sld [smem:$0x3F99];
	s0 =	simm.s32 @p0 $0x1  }
0x13: {  	[smem:$0x3FB4] =	sst s0;
	s0 =	simm.s32 @!p1 $0x0  }
0x14: {  	s2 =	sld [smem:$0x3F98];
	s0 =	simm.s32 @p1 $0x1  }
0x15: {  	[smem:$0x3FB5] =	sst s0;
	s0 =	simm.s32 @!p2 $0x0  }
0x16: {  	s3 =	sld [smem:$0x3FDB];
	s0 =	simm.s32 @p2 $0x1  }
0x17: {  	s4 =	simm.s32 $0x1BF5;
	[smem:$0x3FB7] =	sst s0  }
0x18: {  	s0 =	sld [smem:$0x3F9A];
	_ =	swait.ge [sflag:s4], $0x0  }
0x19: {  	s7 =	sld [smem:$0x3F9B]  }
0x1a: {  	s8 =	sadd.s32 $0xFFFFE003, lr  }
0x1b: {  	s9 =	sadd.s32 $0xFFFFFEF7, lr;
	s5 =	simm.s32 $0xFFFFFFFF;
	p2 =	slt.u32 s8, $0xFFFFF086  }
0x1c: {  	p1 =	slt.u32 s9, $0xF7A;
	s5 =	simm.s32 @!p2 $0x0  }
0x1d: {  	s5 =	simm.s32 @p1 $0x1;
	p0 =	seq.s32 s7, s2  }
0x1e: {  	s7 =	smul.u32 @!p0 $0xF7A, s2;
	p2 =	seq.s32 @!p0 s5, $0x0  }
0x1f: {  	s9 =	smul.u32 $0xF7A, s1;
	s8 =	simm.s32 @!p0 $0x1BF5;
	p2 =	por !p2, p0  }
0x20: {  	[sflag:s8] =	ssyncset.s32 @!p0 $0xFFFFF086;
	s6 =	sadd.s32 @!p0 s3, s7;
	s7 =	simm.s32 @!p0 $0x108  }
0x21: {  	s3 =	sadd.s32 s3, s9;
	s6 =	sadd.s32 @!p0 $0x88, s6;
	s7 =	simm.s32 @p2 $0x1082  }
0x22: {  	[simem:s7], [sflag:s8] =	dma.local @!p0 [hbm:s6], $0xF7A  }
0x23: {  	s9 =	sor.u32 $0xD0000000, s2;
	s6 =	simm.s32 $0x108;
	_ =	swait.ge @!p0 [sflag:s8], $0x0  }
0x24: {  	s3 =	sadd.s32 $0x88, s3;
	s6 =	simm.s32 @!p1 $0x1082;
	[sflag:s4] =	ssyncset.s32 $0xFFFFF086  }
0x25: {  	[simem:s6], [sflag:s4] =	dma.local [hbm:s3], $0xF7A  }
0x26: {  	[smem:$0x3F9B] =	sst s1;
	(tag) =	ssettag s2;
	_ =	strace s9  }
0x27: {  	s1 =	sld [smem:$0x3FAB]  }
0x28: {  	s2 =	sld [smem:$0x3FAC]  }
0x29: {  	s4 =	sld [smem:$0x3FAE]  }
0x2a: {  	p0 =	seq.s32 s5, $0x0;
	s5 =	sld [smem:$0x3FAF]  }
0x2b: {  	s6 =	sld [smem:$0x3FB0]  }
0x2c: {  	s7 =	sld [smem:$0x3FB1]  }
0x2d: {  	s3 =	simm.s32 $0x108;
	s8 =	sld [smem:$0x3FB2]  }
0x2e: {  	s3 =	simm.s32 @!p0 $0x1082;
	s9 =	sld [smem:$0x3FB3]  }
0x2f: {  	lr =	sadd.s32 s0, s3;
	s0 =	sld [smem:$0x3FAA]  }
0x30: {  	s3 =	sld [smem:$0x3FAD]  }
0x31: {  	[smem:$0x3FB6] =	sst s10  }
0x32: {  	s10 =	sld [smem:$0x3FB4];
	_ =	sdelay $0x3  }
0x33: {  	p0 =	seq.s32 s10, $0x1;
	s10 =	sld [smem:$0x3FB6];
	_ =	sdelay $0x3  }
0x34: {  	[smem:$0x3FB6] =	sst s10  }
0x35: {  	s10 =	sld [smem:$0x3FB5];
	_ =	sdelay $0x3  }
0x36: {  	p1 =	seq.s32 s10, $0x1;
	s10 =	sld [smem:$0x3FB6];
	_ =	sdelay $0x3  }
0x37: {  	[smem:$0x3FB6] =	sst s10  }
0x38: {  	s10 =	sld [smem:$0x3FB7]  }
0x39: {  	_ = 	snop;
	(pc) =	sbr.ind lr, $3  }
0x3a: {  	_ = 	snop  }
0x3b: {  	_ = 	snop  }
0x3c: {  	p2 =	seq.s32 s10, $0x1;
	s10 =	sld [smem:$0x3FB6]  }
0x3d: {  	_ =	shalt  }
0x3e: {  	_ =	shalt  }
0x3f: {  	_ =	shalt  }
0x40: {  	_ =	shalt  }
0x41: {  	_ =	shalt  }
0x42: {  	_ =	shalt  }
0x43: {  	_ =	shalt  }
0x44: {  	_ =	shalt  }
0x45: {  	_ =	shalt  }
0x46: {  	_ =	shalt  }
0x47: {  	_ =	shalt  }
0x48: {  	_ =	shalt  }
0x49: {  	_ =	shalt  }
0x4a: {  	_ =	shalt  }
0x4b: {  	_ =	shalt  }
0x4c: {  	_ =	shalt  }
0x4d: {  	_ =	shalt  }
0x4e: {  	_ =	shalt  }
0x4f: {  	_ =	shalt  }
0x50: {  	_ =	shalt  }
0x51: {  	_ =	shalt  }
0x52: {  	_ =	shalt  }
0x53: {  	_ =	shalt  }
0x54: {  	_ =	shalt  }
0x55: {  	_ =	shalt  }
0x56: {  	_ =	shalt  }
0x57: {  	_ =	shalt  }
0x58: {  	_ =	shalt  }
0x59: {  	_ =	shalt  }
0x5a: {  	_ =	shalt  }
0x5b: {  	_ =	shalt  }
0x5c: {  	_ =	shalt  }
0x5d: {  	_ =	shalt  }
0x5e: {  	_ =	shalt  }
0x5f: {  	_ =	shalt  }
0x60: {  	_ =	shalt  }
0x61: {  	_ =	shalt  }
0x62: {  	_ =	shalt  }
0x63: {  	_ =	shalt  }
0x64: {  	_ =	shalt  }
0x65: {  	_ =	shalt  }
0x66: {  	_ =	shalt  }
0x67: {  	_ =	shalt  }
0x68: {  	_ =	shalt  }
0x69: {  	_ =	shalt  }
0x6a: {  	_ =	shalt  }
0x6b: {  	_ =	shalt  }
0x6c: {  	_ =	shalt  }
0x6d: {  	_ =	shalt  }
0x6e: {  	_ =	shalt  }
0x6f: {  	_ =	shalt  }
0x70: {  	_ =	shalt  }
0x71: {  	_ =	shalt  }
0x72: {  	_ =	shalt  }
0x73: {  	_ =	shalt  }
0x74: {  	_ =	shalt  }
0x75: {  	_ =	shalt  }
0x76: {  	_ =	shalt  }
0x77: {  	_ =	shalt  }
0x78: {  	_ =	shalt  }
0x79: {  	_ =	shalt  }
0x7a: {  	_ =	shalt  }
0x7b: {  	_ =	shalt  }
0x7c: {  	_ =	shalt  }
0x7d: {  	_ =	shalt  }
0x7e: {  	_ =	shalt  }
0x7f: {  	_ =	shalt  }
0x80: {  	_ =	shalt  }
0x81: {  	_ =	shalt  }
0x82: {  	_ =	shalt  }
0x83: {  	_ =	shalt  }
0x84: {  	_ =	shalt  }
0x85: {  	_ =	shalt  }
0x86: {  	_ =	shalt  }
0x87: {  	_ =	shalt  }
.Lfunc_end0:
.L_simem_size_0:
called_computation.1_lowered:
.L_overlay_start_0:
0x88: {  	s2 =	sld [smem:$0x3FD9]  }
0x89: {  	s3 =	sld [smem:$0x3FFE];
	_ =	sdelay $0x1  }
0x8a: {  	s1 =	srdreg.scid  }
0x8b: {  	s0 =	sand.u32 $0x1, s1  }
0x8c: {  	s15 =	sshll.u32 s0, $0xA;
	s2 =	sadd.s32 s3, s2  }
0x8d: {  	s2 =	sadd.s32 s2, s15  }
0x8e: {  	[smem:$0x3FC2] =	sst s2  }
0x8f: {  	_ = 	snop  }
0x90: {  	s2 =	sld [smem:$0x3FC9]  }
0x91: {  	s16 =	sld [smem:$0x3FC8]  }
0x92: {  	s6 =	sld [smem:$0x3FD0]  }
0x93: {  	s7 =	sld [smem:$0x3FC7]  }
0x94: {  	s4 =	sld [smem:$0x3FC5]  }
0x95: {  	s9 =	simm.s32 $0xB;
	s8 =	simm.s32 $0x10;
	s5 =	sld [smem:$0x3FC4]  }
0x96: {  	[smem:s8], [sflag:s9] =	dma.local [hbm:s6], $0x1  }
0x97: {  	_ =	swait.eq [sflag:s9], $0x1  }
0x98: {  	[sflag:s9] =	ssyncset.done $0x0  }
0x99: {  	s17 =	sld [smem:$0x11];
	[sflag:s9] =	ssyncadd.s32 $0xFFFFFFFF  }
0x9a: {  	s18 =	sld [smem:$0x12];
	(tm) =	ssettm $0x1  }
0x9b: {  	s19 =	sld [smem:$0x3FFB];
	_ =	sdelay $0x3  }
0x9c: {  	_ =	strace s19  }
0x9d: {  	s6 =	sld [smem:$0x3FFC];
	_ =	sdelay $0x3  }
0x9e: {  	_ =	strace s6  }
0x9f: {  	s6 =	sld [smem:$0x3FFD];
	_ =	sdelay $0x3  }
0xa0: {  	_ =	strace s6  }
0xa1: {  	_ =	strace $0x8FFFFFFF  }
0xa2: {  	s20 =	sld [smem:$0x3FDB];
	_ =	sdelay $0x1  }
0xa3: {  	s10 =	simm.s32 $_scs_section_size  }
0xa4: {  	s11 =	simm.s32 $_size__tile_overlayer_lowered;
	s12 =	simm.s32 $_tile_overlayer_lowered  }
0xa5: {  	s13 =	simm.s32 $0x1BFF;
	s21 =	sshll.u32 s12, $0x1;
	s10 =	sadd.s32 s10, s20  }
0xa6: {  	s22 =	simm.s32 $0x0;
	s11 =	sshll.u32 s11, $0x1;
	s12 =	sadd.s32 s21, s10  }
0xa7: {  	[timem:s22], [sflag:s13] =	dma.local [hbm:s12], s11  }
0xa8: {  	_ =	swait.ge [sflag:s13], s11  }
0xa9: {  	s11 =	ssub.s32 $0x0, s11;
	[sflag:s13] =	ssyncset.done $0x0  }
0xaa: {  	[sflag:s13] =	ssyncadd.s32 s11;
	_ =	sdelay $0x1  }
0xab: {  	s23 =	simm.s32 $0x1B8B  }
0xac: {  	_ =	swait.ge [sflag:s23], $0x1  }
0xad: {  	[sflag:s23] =	ssyncset.done $0x0  }
0xae: {  	[sflag:s23] =	ssyncadd.s32 $0xFFFFFFFF  }
0xaf: {  	s11 =	sld [smem:$0x0]  }
0xb0: {  	s12 =	sand.u32 $0xFFFFFFFE, s1  }
0xb1: {  	p0 =	sne.s32 s1, s12  }
0xb2: {  	s12 =	sshll.u32 @p0 s12, $0xE  }
0xb3: {  	s12 =	sadd.s32 @p0 $0x11B8D, s12;
	s13 =	sshll.u32 @p0 s11, $0x11  }
0xb4: {  	s12 =	sor.u32 @p0 s13, s12  }
0xb5: {  	[sflag:s12] =	ssyncadd.remote.s32 @p0 $0x1;
	_ =	sdelay $0x1  }
0xb6: {  	s12 =	simm.s32 @p0 $0x1B8D  }
0xb7: {  	_ =	swait.eq @p0 [sflag:s12], $0x1  }
0xb8: {  	[sflag:s12] =	ssyncadd.s32 @p0 $0xFFFFFFFF  }
0xb9: {  	s13 =	sshll.u32 @!p0 s1, $0xE  }
0xba: {  	s13 =	sor.u32 @!p0 $0x4000, s13;
	s12 =	simm.s32 @!p0 $0x1B8D  }
0xbb: {  	s11 =	sshll.u32 @!p0 s11, $0x11;
	s13 =	sadd.s32 @!p0 $0x11B8D, s13;
	_ =	swait.eq @!p0 [sflag:s12], $0x1  }
0xbc: {  	s11 =	sor.u32 @!p0 s11, s13;
	[sflag:s12] =	ssyncadd.s32 @!p0 $0xFFFFFFFF  }
0xbd: {  	s25 =	simm.s32 $0x1B8E;
	s24 =	sld [smem:$0x3FFE];
	[sflag:s11] =	ssyncadd.remote.s32 @!p0 $0x1  }
0xbe: {  	s26 =	simm.s32 $execute0_lowered;
	[smem:$0x3FD2] =	sst s25  }
0xbf: {  	s12 =	sshll.u32 s26, $0x1;
	_ =	strace $0x80000049;
	[dreg:$0x1] =	wrdreg $0xFFFFFFFF  }
0xc0: {  	s28 =	simm.s32 $_size_execute0_lowered;
	s10 =	sadd.s32 s10, s12;
	[dreg:$0x0] =	wrdreg $0x0  }
0xc1: {  	s12 =	sshll.u32 s28, $0x1;
	[dreg:$0x2] =	wrdreg s10  }
0xc2: {  	[dreg:$0x3] =	wrdreg s12  }
0xc3: {  	[dreg:$0x4] =	wrdreg $0xC0  }
0xc4: {  	_ =	task [dreg:s22], $0x5FFFF  }
0xc5: {  	[dreg:$0x1] =	wrdreg $0xFFFFFFFF  }
0xc6: {  	[dreg:$0x0] =	wrdreg $0x60  }
0xc7: {  	[dreg:$0x2] =	wrdreg s7  }
0xc8: {  	[dreg:$0x3] =	wrdreg s24  }
0xc9: {  	[dreg:$0x4] =	wrdreg s2  }
0xca: {  	[dreg:$0x5] =	wrdreg s16  }
0xcb: {  	[dreg:$0x6] =	wrdreg s4  }
0xcc: {  	[dreg:$0x7] =	wrdreg s5  }
0xcd: {  	[dreg:$0x8] =	wrdreg s17  }
0xce: {  	[dreg:$0x9] =	wrdreg s18  }
0xcf: {  	[dreg:$0xa] =	wrdreg $0xA  }
0xd0: {  	_ =	task.clear_ibuf [dreg:s22], $0xBFFFF;
	_ =	strace $0x90000049  }
0xd1: {  	s29 =	simm.s32 $0xA;
	_ =	strace $0x8000004B  }
0xd2: {  	_ =	swait.ge [sflag:s29], $0x1  }
0xd3: {  	[sflag:s29] =	ssyncadd.s32 $0xFFFFFFFF  }
0xd4: {  	_ =	strace $0x9000004B  }
0xd5: {  	_ =	sfence  }
0xd6: {  	s30 =	sld [smem:$0x0];
	_ =	sdelay $0x2  }
0xd7: {  	s31 =	sshll.u32 s1, $0xD;
	s1 =	sshrl.u32 s1, $0x2  }
0xd8: {  	s3 =	sand.u32 $0x4000, s31;
	s1 =	sadd.s32 s1, s30  }
0xd9: {  	s0 =	sor.u32 s3, s0;
	s1 =	sshll.u32 s1, $0x11  }
0xda: {  	s0 =	sor.u32 s1, s0  }
0xdb: {  	s0 =	sadd.s32 $0x8F2B, s0  }
0xdc: {  	[sflag:s0] =	ssyncadd.remote.s32 $0x1  }
0xdd: {  	_ =	sfence.sel $0xFFFF  }
0xde: {  	[dreg:$0x0] =	wrdreg $0xFFFFFFFF;
	(pc) =	sbr.abs _section_cstart, $3  }
0xdf: {  	[dreg:$0x1] =	wrdreg $0xFFFFFFFF  }
0xe0: {  	_ =	task.clear_ibuf [dreg:s22], $0x2FFFF;
	_ =	strace $0x9FFFFFFF  }
0xe1: {  	(tm) =	ssettm $0x7FFFFFFF  }
tec
execute0_lowered:
.L_overlay_start_1:
0x0: {  	(tag) =	ssettag $0x1  }
0x1: {  	s9 =	rddreg [dreg:$0x0]  }
0x2: {  	s10 =	rddreg [dreg:$0x1]  }
0x3: {  	s0 =	rddreg [dreg:$0x2]  }
0x4: {  	s2 =	rddreg [dreg:$0x3]  }
0x5: {  	s3 =	rddreg [dreg:$0x4]  }
0x6: {  	s4 =	rddreg [dreg:$0x5]  }
0x7: {  	s6 =	rddreg [dreg:$0x6]  }
0x8: {  	s7 =	rddreg [dreg:$0x7];
	s8 =	srdreg.scid  }
0x9: {  	s1 =	rddreg [dreg:$0x8];
	s5 =	stileid.u32;
	s14 =	simm.s32 $0x20  }
0xa: {  	s15 =	simm.s32 $0x100;
	s16 =	simm.s32 $0x1;
	s17 =	simm.s32 $0x1100  }
0xb: {  	s18 =	simm.s32 $0x2100;
	s19 =	simm.s32 $0x0;
	s11 =	sand.u32 $0x1, s8  }
0xc: {  	s8 =	simm.s32 $0x0;
	s12 =	sshll.u32 s5, $0x3;
	s13 =	sshll.u32 s11, $0x2  }
0xd: {  	[smem:$0x7FF] =	sst s8;
	s11 =	ssub.s32 $0x2, s11;
	s12 =	sor.u32 s13, s12  }
0xe: {  	_ =	strace $0x8000004A;
	s31 =	sshrl.u32 s11, $0x1;
	s13 =	simm.s32 $0x80  }
0xf: {  	s10 =	sadd.s32 s12, s10;
	s11 =	ssub.s32 s11, s31;
	s9 =	sadd.s32 s9, s12  }
0x10: {  	s12 =	simm.s32 $0x2;
	s10 =	sadd.s32 $0xC97200, s10;
	s11 =	smax.u32 s11, $0x1  }
.LBB2_1:
0x11: {  	[tilespmem:s8], [sflag:$0x2] =	stream.linear.gather [hbm4b:s9+s8], $0x20, $0x38;
	[tilespmem:$0x3100] =	vst v63  }
0x12: {  	_ =	swait.ge [sflag:s12], $0x20  }
0x13: {  	[sflag:s12] =	ssyncset.done $0x0  }
0x14: {  	[sflag:s12] =	ssyncadd.s32 $0xFFFFFFE0  }
0x15: {  	[tilespmem:s13], [sflag:$0x2] =	stream.linear.gather [hbm4b:s10+s8], $0x20, $0x38;
	[tilespmem:$0x3100] =	vst v63  }
0x16: {  	_ =	swait.ge [sflag:s12], $0x20  }
0x17: {  	[sflag:s12] =	ssyncset.done $0x0  }
0x18: {  	[sflag:s12] =	ssyncadd.s32 $0xFFFFFFE0  }
0x19: {  	[tilespmem:s15], [sflag:$0x1] =	stream.indirect.gather [hbm4b:s3+s14], $0x80, s8, s14, $0xb8;
	[tilespmem:$0x3100] =	vst v63  }
0x1a: {  	_ =	swait.ge [sflag:s16], $0x1000  }
0x1b: {  	[sflag:s16] =	ssyncset.done $0x0  }
0x1c: {  	[sflag:s16] =	ssyncadd.s32 $0xFFFFF000  }
0x1d: {  	[tilespmem:s17], [sflag:$0x1] =	stream.indirect.gather [hbm4b:s0+s14], $0x80, s13, s14, $0xb8;
	[tilespmem:$0x3100] =	vst v63  }
0x1e: {  	_ =	swait.ge [sflag:s16], $0x1000  }
0x1f: {  	[sflag:s16] =	ssyncset.done $0x0  }
0x20: {  	s22 =	simm.s32 $0x0;
	[sflag:s16] =	ssyncadd.s32 $0xFFFFF000  }
0x21: {  	v0 =	vld [tilespmem:s22+$0x1170]  }
0x22: {  	v1 =	vld [tilespmem:s22+$0x160]  }
0x23: {  	v2 =	vld [tilespmem:s22+$0x1150]  }
0x24: {  	v3 =	vld [tilespmem:s22+$0x140]  }
0x25: {  	v4 =	vld [tilespmem:s22+$0x130]  }
0x26: {  	v5 =	vld [tilespmem:s22+$0x150]  }
0x27: {  	v6 =	vld [tilespmem:s22+$0x1140]  }
0x28: {  	v7 =	vld [tilespmem:s22+$0x170]  }
0x29: {  	v8 =	vld [tilespmem:s22+$0x120]  }
0x2a: {  	v10 =	vld [tilespmem:s22+$0x1100]  }
0x2b: {  	v11 =	vld [tilespmem:s22+$0x100]  }
0x2c: {  	v12 =	vld [tilespmem:s22+$0x1110]  }
0x2d: {  	v13 =	vld [tilespmem:s22+$0x110]  }
0x2e: {  	v9 =	vld [tilespmem:s22+$0x1120]  }
0x2f: {  	v14 =	vld [tilespmem:s22+$0x1130]  }
0x30: {  	s20 =	simm.s32 $0x80;
	v15 =	vld [tilespmem:s22+$0x1160]  }
0x31: {  	v16 =	vld [tilespmem:s20+$0x1170];
	v10 =	vmul.f32 $5.000000000e-01, v10;
	v12 =	vmul.f32 $5.000000000e-01, v12  }
0x32: {  	v17 =	vld [tilespmem:s20+$0x160];
	v13 =	vmul.f32 $5.000000000e-01, v13;
	v11 =	vmul.f32 $5.000000000e-01, v11  }
0x33: {  	v18 =	vld [tilespmem:s20+$0x1150];
	v1 =	vmul.f32 $5.000000000e-01, v1;
	v9 =	vmul.f32 $5.000000000e-01, v9  }
0x34: {  	v19 =	vld [tilespmem:s20+$0x140];
	v8 =	vmul.f32 $5.000000000e-01, v8;
	v13 =	vadd.f32 v12, v13;
	v34 =	vadd.f32 v10, v11  }
0x35: {  	v20 =	vld [tilespmem:s20+$0x130];
	v4 =	vmul.f32 $5.000000000e-01, v4;
	v10 =	vmul.f32 $5.000000000e-01, v14  }
0x36: {  	v21 =	vld [tilespmem:s20+$0x100];
	v35 =	vadd.f32 v9, v8;
	[tilespmem:$0x1FFF0] =	vst v13;
	v13 =	vmul.f32 v13, v13;
	v8 =	vmul.f32 v34, v34  }
0x37: {  	v22 =	vld [tilespmem:s20+$0x1110];
	v6 =	vmul.f32 $5.000000000e-01, v6;
	v3 =	vmul.f32 $5.000000000e-01, v3;
	v28 =	vadd.f32 v10, v4  }
0x38: {  	s21 =	simm.s32 $0x100;
	v26 =	vld [tilespmem:s20+$0x110];
	v4 =	vmul.f32 $5.000000000e-01, v15;
	v10 =	vmul.f32 v35, v35;
	v8 =	vadd.f32 v13, v8  }
0x39: {  	v27 =	vld [tilespmem:s21+$0x160];
	v2 =	vmul.f32 $5.000000000e-01, v2;
	v5 =	vmul.f32 $5.000000000e-01, v5;
	v6 =	vadd.f32 v6, v3  }
0x3a: {  	v29 =	vld [tilespmem:s21+$0x1140];
	v13 =	vmul.f32 v28, v28;
	v25 =	vadd.f32 v4, v1;
	v1 =	vadd.f32 v10, v8  }
0x3b: {  	v11 =	vld [tilespmem:s20+$0x1140];
	v4 =	vmul.f32 $5.000000000e-01, v7  }
0x3c: {  	v12 =	vld [tilespmem:s20+$0x150];
	v7 =	vmul.f32 v6, v6;
	v10 =	vadd.f32 v2, v5;
	v1 =	vadd.f32 v13, v1  }
0x3d: {  	v0 =	vmul.f32 $5.000000000e-01, v0;
	v14 =	vld [tilespmem:s20+$0x170]  }
0x3e: {  	v9 =	vld [tilespmem:s20+$0x120];
	v5 =	vmul.f32 $5.000000000e-01, v18;
	v18 =	vmul.f32 v10, v10;
	v1 =	vadd.f32 v7, v1  }
0x3f: {  	v3 =	vld [tilespmem:s20+$0x1100];
	v23 =	vmul.f32 v25, v25;
	v2 =	vmul.f32 $5.000000000e-01, v17  }
0x40: {  	v17 =	vld [tilespmem:s20+$0x1160];
	v8 =	vadd.f32 v0, v4;
	v0 =	vmul.f32 $5.000000000e-01, v11;
	v1 =	vadd.f32 v18, v1  }
0x41: {  	v4 =	vmul.f32 $5.000000000e-01, v19;
	v11 =	vmul.f32 $5.000000000e-01, v22;
	v13 =	vld [tilespmem:s20+$0x1130]  }
0x42: {  	v15 =	vld [tilespmem:s20+$0x1120];
	v19 =	vmul.f32 $5.000000000e-01, v26;
	v26 =	vmul.f32 v8, v8;
	v23 =	vadd.f32 v23, v1  }
0x43: {  	v16 =	vmul.f32 $5.000000000e-01, v16;
	v7 =	vmul.f32 $5.000000000e-01, v20;
	v20 =	vld [tilespmem:s21+$0x1170];
	v1 =	vadd.f32 v0, v4  }
0x44: {  	v27 =	vmul.f32 $5.000000000e-01, v27;
	v22 =	vld [tilespmem:s21+$0x140];
	v0 =	vadd.f32 v11, v19;
	v19 =	vadd.f32 v26, v23  }
0x45: {  	v3 =	vmul.f32 $5.000000000e-01, v3;
	v9 =	vmul.f32 $5.000000000e-01, v9;
	v18 =	vld [tilespmem:s21+$0x1150]  }
0x46: {  	v4 =	vmul.f32 $5.000000000e-01, v13;
	v13 =	vld [tilespmem:s21+$0x130];
	v11 =	vmul.f32 $5.000000000e-01, v17;
	(xrf2) =	vadd.scan.msk.f32 $0xffff, v19  }
0x47: {  	v17 =	vld [tilespmem:s21+$0x150];
	v23 =	vmul.f32 $5.000000000e-01, v14;
	v14 =	vmul.f32 $5.000000000e-01, v21  }
0x48: {  	v15 =	vmul.f32 $5.000000000e-01, v15;
	v36 =	vmul.f32 $5.000000000e-01, v20;
	v20 =	vld [tilespmem:s21+$0x1130];
	v4 =	vadd.f32 v4, v7  }
0x49: {  	v12 =	vmul.f32 $5.000000000e-01, v12;
	v7 =	vadd.f32 v11, v2;
	v11 =	vadd.f32 v3, v14;
	v3 =	vld [tilespmem:s21+$0x110]  }
0x4a: {  	v22 =	vmul.f32 $5.000000000e-01, v22;
	v30 =	vmul.f32 v0, v0;
	v14 =	vadd.f32 v15, v9;
	v15 =	vld [tilespmem:s21+$0x1100]  }
0x4b: {  	v32 =	vmul.f32 $5.000000000e-01, v18;
	v18 =	vld [tilespmem:s21+$0x170];
	v33 =	vmul.f32 v11, v11  }
0x4c: {  	v19 =	vmul.f32 v4, v4;
	v9 =	vadd.f32 v16, v23;
	v16 =	vmul.f32 $5.000000000e-01, v29  }
0x4d: {  	v29 =	vld [tilespmem:s21+$0x1160];
	v38 =	vmul.f32 $5.000000000e-01, v17;
	v17 =	vmul.f32 v14, v14;
	v30 =	vadd.f32 v30, v33  }
0x4e: {  	v37 =	vld [tilespmem:s21+$0x120];
	v13 =	vmul.f32 $5.000000000e-01, v13;
	v23 =	vmul.f32 $5.000000000e-01, v3  }
0x4f: {  	s23 =	simm.s32 $0x180;
	v56 =	vld [tilespmem:s21+$0x100];
	v40 =	vmul.f32 $5.000000000e-01, v15;
	v3 =	vadd.f32 v16, v22;
	v17 =	vadd.f32 v17, v30  }
0x50: {  	v44 =	vld [tilespmem:s23+$0x1140];
	v22 =	vmul.f32 $5.000000000e-01, v18;
	v18 =	vmul.f32 $5.000000000e-01, v20;
	v15 =	vadd.f32 v5, v12;
	v20, _, _ =	vpop (xrf2)  }
0x51: {  	v26 =	vmul.f32 v1, v1;
	v21 =	vld [tilespmem:s21+$0x1110];
	v17 =	vadd.f32 v19, v17;
	v20 =	vbroadcast v20, $0xF  }
0x52: {  	v50 =	vld [tilespmem:s23+$0x120];
	v5 =	vadd.f32 v18, v13;
	v13 =	vmul.f32 $5.000000000e-01, v29;
	v19 =	vmul.f32 v15, v15  }
0x53: {  	v2 =	vld [tilespmem:s21+$0x1120];
	v17 =	vadd.f32 v26, v17;
	v30 =	vshra.s32 v20, $0x1;
	v26 =	vmul.f32 $5.000000000e-01, v20  }
0x54: {  	v60 =	vld [tilespmem:s23+$0x100];
	v13 =	vadd.f32 v13, v27;
	v27 =	vsub.s32 $0x5F3759DF, v30  }
0x55: {  	v41 =	vmul.f32 $5.000000000e-01, v56;
	v16 =	vld [tilespmem:s23+$0x1170];
	v17 =	vadd.f32 v19, v17;
	v19 =	vmul.f32 v27, v26  }
0x56: {  	v31 =	vmul.f32 v7, v7;
	v21 =	vmul.f32 $5.000000000e-01, v21;
	v12 =	vld [tilespmem:s23+$0x1150]  }
0x57: {  	v46 =	vmul.f32 v9, v9;
	v20 =	vld [tilespmem:s23+$0x150];
	v19 =	vmul.f32 v27, v19  }
0x58: {  	v39 =	vmul.f32 $5.000000000e-01, v2;
	v2 =	vadd.f32 v21, v23;
	v21 =	vld [tilespmem:s23+$0x160];
	v31 =	vadd.f32 v31, v17  }
0x59: {  	v57 =	vmul.f32 $5.000000000e-01, v37;
	v44 =	vmul.f32 $5.000000000e-01, v44;
	v18 =	vld [tilespmem:s23+$0x140];
	v19 =	vsub.f32 $1.500000000e+00, v19  }
0x5a: {  	v56 =	vmul.f32 $5.000000000e-01, v60;
	v52 =	vmul.f32 $5.000000000e-01, v16;
	v16 =	vld [tilespmem:s23+$0x1110];
	v31 =	vadd.f32 v46, v31  }
0x5b: {  	v30 =	vmul.f32 $5.000000000e-01, v12;
	v12 =	vld [tilespmem:s23+$0x1100];
	v27 =	vmul.f32 v27, v19  }
0x5c: {  	v50 =	vmul.f32 $5.000000000e-01, v50;
	v33 =	vmul.f32 $5.000000000e-01, v20;
	v20 =	vld [tilespmem:s23+$0x110];
	(xrf2) =	vadd.scan.msk.f32 $0xffff, v31  }
0x5d: {  	v23 =	vmul.f32 v3, v3;
	v31 =	vld [tilespmem:s23+$0x1130];
	v59 =	vmul.f32 v27, v26  }
0x5e: {  	v29 =	vld [tilespmem:s23+$0x130];
	v42 =	vmul.f32 v2, v2;
	v21 =	vmul.f32 $5.000000000e-01, v21  }
0x5f: {  	v18 =	vmul.f32 $5.000000000e-01, v18;
	v61 =	vmul.f32 v59, v27  }
0x60: {  	v48 =	vld [tilespmem:s23+$0x1160];
	v17 =	vadd.f32 v39, v57;
	v54 =	vmul.f32 $5.000000000e-01, v12;
	v19 =	vadd.f32 v40, v41  }
0x61: {  	v12 =	vmul.f32 $5.000000000e-01, v16;
	v16 =	vmul.f32 $5.000000000e-01, v20;
	v62 =	vsub.f32 $1.500000000e+00, v61  }
0x62: {  	v20 =	vadd.f32 v44, v18;
	v18 =	vmul.f32 $5.000000000e-01, v31;
	v31 =	vmul.f32 v19, v19  }
0x63: {  	v47 =	vld [tilespmem:s23+$0x1120];
	v29 =	vmul.f32 $5.000000000e-01, v29;
	v27 =	vmul.f32 v62, v27  }
0x64: {  	s24 =	simm.s32 $0x200;
	v58 =	vld [tilespmem:s23+$0x170];
	v39 =	vmul.f32 v17, v17;
	v12 =	vadd.f32 v12, v16;
	v31 =	vadd.f32 v42, v31  }
0x65: {  	v51 =	vld [tilespmem:s24+$0x160];
	v16 =	vadd.f32 v18, v29;
	v18 =	vmul.f32 $5.000000000e-01, v48;
	v48 =	vmul.f32 v27, v26  }
0x66: {  	v55 =	vld [tilespmem:s24+$0x140];
	v43 =	vmul.f32 v5, v5;
	v45 =	vmul.f32 v13, v13;
	v31 =	vadd.f32 v39, v31;
	v63, _, _ =	vpop (xrf2)  }
0x67: {  	v29 =	vld [tilespmem:s24+$0x1150];
	v18 =	vadd.f32 v18, v21;
	v60 =	vbroadcast v63, $0xF;
	v39 =	vmul.f32 v48, v27  }
0x68: {  	v53 =	vld [tilespmem:s24+$0x150];
	v46 =	vmul.f32 $5.000000000e-01, v47;
	v21 =	vadd.f32 v32, v38;
	v43 =	vadd.f32 v43, v31  }
0x69: {  	v42 =	vld [tilespmem:s24+$0x130];
	v61 =	vshra.s32 v60, $0x1;
	v31 =	vmul.f32 $5.000000000e-01, v60;
	v32 =	vsub.f32 $1.500000000e+00, v39  }
0x6a: {  	v47 =	vmul.f32 $5.000000000e-01, v58;
	v40 =	vmul.f32 $5.000000000e-01, v51;
	v44 =	vld [tilespmem:s24+$0x1170];
	v51 =	vsub.s32 $0x5F3759DF, v61  }
0x6b: {  	v60 =	vld [tilespmem:s24+$0x1120];
	v43 =	vadd.f32 v23, v43;
	v63 =	vmul.f32 v51, v31;
	v23 =	vmul.f32 v32, v27  }
0x6c: {  	v22 =	vadd.f32 v36, v22;
	v58 =	vmul.f32 v21, v21;
	v62 =	vld [tilespmem:s24+$0x1100];
	v39 =	vmul.f32 $5.000000000e-01, v29  }
0x6d: {  	v29 =	vadd.f32 v46, v50;
	v46 =	vld [tilespmem:s24+$0x1110];
	v27 =	vmul.f32 v51, v63;
	v26 =	vmul.f32 v23, v26  }
0x6e: {  	v61 =	vmul.f32 v22, v22;
	v43 =	vadd.f32 v58, v43;
	v58 =	vmul.f32 $5.000000000e-01, v42;
	v63 =	vld [tilespmem:s24+$0x110]  }
0x6f: {  	v57 =	vld [tilespmem:s24+$0x1140];
	v42 =	vmul.f32 $5.000000000e-01, v53;
	v27 =	vsub.f32 $1.500000000e+00, v27;
	v26 =	vmul.f32 v26, v23  }
0x70: {  	v59 =	vld [tilespmem:s24+$0x170];
	v45 =	vadd.f32 v45, v43;
	v32 =	vmul.f32 $5.000000000e-01, v44;
	v44 =	vmul.f32 $5.000000000e-01, v60  }
0x71: {  	v38 =	vld [tilespmem:s24+$0x120];
	v53 =	vmul.f32 v51, v27;
	v27 =	vmul.f32 $5.000000000e-01, v55;
	v55 =	vsub.f32 $1.500000000e+00, v26  }
0x72: {  	v48 =	vld [tilespmem:s24+$0x100];
	[tilespmem:s22+$0x2130] =	vst v28;
	v51 =	vmul.f32 $5.000000000e-01, v62;
	v62 =	vmul.f32 $5.000000000e-01, v46  }
0x73: {  	[tilespmem:s22+$0x2140] =	vst v6;
	v60 =	vmul.f32 $5.000000000e-01, v63;
	v46 =	vmul.f32 v55, v23;
	v55 =	vadd.f32 v61, v45  }
0x74: {  	v24 =	vld [tilespmem:s24+$0x1130]  }
0x75: {  	v23 =	vadd.f32 v62, v60;
	v60 =	vld [tilespmem:$0x1FFF0];
	(xrf2) =	vadd.scan.msk.f32 $0xffff, v55  }
0x76: {  	v57 =	vmul.f32 $5.000000000e-01, v57  }
0x77: {  	v41 =	vmul.f32 v20, v20;
	v49 =	vmul.f32 v12, v12;
	[tilespmem:s22+$0x2100] =	vst v34  }
0x78: {  	v37 =	vmul.f32 v16, v16;
	v36 =	vmul.f32 v18, v18;
	[tilespmem:s22+$0x2160] =	vst v25  }
0x79: {  	v43 =	vmul.f32 $5.000000000e-01, v59;
	v50 =	vmul.f32 v29, v29;
	[tilespmem:s22+$0x2120] =	vst v35;
	v27 =	vadd.f32 v57, v27  }
0x7a: {  	v26 =	vadd.f32 v54, v56;
	v56 =	vmul.f32 v53, v31;
	v24 =	vmul.f32 $5.000000000e-01, v24;
	[tilespmem:s22+$0x2110] =	vst v60  }
0x7b: {  	v45 =	vmul.f32 v27, v27;
	v61 =	vmul.f32 v46, v25;
	v54 =	vld [tilespmem:s24+$0x1160]  }
0x7c: {  	v62 =	vmul.f32 v56, v53;
	v24 =	vadd.f32 v24, v58;
	v63 =	vmul.f32 v46, v34  }
0x7d: {  	v56 =	vmul.f32 v26, v26;
	v25 =	vadd.f32 v52, v47;
	v47 =	vmul.f32 v23, v23;
	[tilespmem:s22+$0x2160] =	vst v61  }
0x7e: {  	s25 =	simm.s32 $0xA00;
	v55 =	vsub.f32 $1.500000000e+00, v62;
	v52 =	vmul.f32 v46, v35;
	v34 =	vmul.f32 v46, v60;
	[tilespmem:s22+$0x2100] =	vst v63  }
.LBB2_2:
0x7f: {  	s26 =	sshra.s32 s25, $0x2;
	p0 =	sne.s32 s25, $0x3E00;
	s25 =	sadd.s32 $0x200, s25;
	v57 =	vmul.f32 v24, v24;
	v58, _, _ =	vpop (xrf2);
	v28 =	vmul.f32 v46, v28;
	v35 =	vmov v14  }
0x80: {  	v14 =	vmovc v17;
	v59 =	vld [tilespmem:s26+$0x1170];
	v54 =	vmul.f32 $5.000000000e-01, v54;
	v49 =	vadd.f32 v49, v56;
	v53 =	vmul.f32 v55, v53;
	[tilespmem:s22+$0x2120] =	vst v52  }
0x81: {  	v48 =	vmul.f32 $5.000000000e-01, v48;
	v55 =	vld [tilespmem:s26+$0x160];
	[tilespmem:s22+$0x2130] =	vst v28;
	v28 =	vmul.f32 v46, v6  }
0x82: {  	v17 =	vmovc v29;
	v6 =	vmovc v1;
	v1 =	vmov v3;
	v52 =	vadd.f32 v54, v40;
	v40 =	vadd.f32 v50, v49  }
0x83: {  	v62 =	vmul.f32 v25, v25;
	v3 =	vmovc v20;
	v20 =	vadd.f32 v30, v33;
	v29 =	vld [tilespmem:s26+$0x1150];
	v49 =	vmul.f32 v53, v31  }
0x84: {  	v30 =	vmovc v39;
	v50 =	vbroadcast v58, $0xF;
	v54 =	vld [tilespmem:s26+$0x140];
	[tilespmem:s22+$0x2140] =	vst v28;
	v28 =	vmul.f32 v46, v10;
	v33 =	vadd.f32 v37, v40  }
0x85: {  	v60 =	vadd.f32 v51, v48;
	v56 =	vld [tilespmem:s26+$0x130];
	v58 =	vmul.f32 v52, v52;
	v39 =	vmul.f32 v49, v53;
	[tilespmem:s22+$0x2150] =	vst v10  }
0x86: {  	v48 =	vmul.f32 v20, v20;
	v51 =	vshra.s32 v50, $0x1;
	v37 =	vmovc v57;
	v49 =	vld [tilespmem:s26+$0x150];
	[tilespmem:s22+$0x2150] =	vst v28;
	v41 =	vadd.f32 v41, v33  }
0x87: {  	v57 =	vmul.f32 $5.000000000e-01, v38;
	v10 =	vmovc v15;
	v15 =	vmovc v21;
	v63 =	vsub.s32 $0x5F3759DF, v51;
	v28 =	vld [tilespmem:s26+$0x1140];
	v61 =	vsub.f32 $1.500000000e+00, v39  }
0x88: {  	v21 =	vmovc v20;
	v51 =	vmul.f32 $5.000000000e-01, v59;
	v40 =	vmul.f32 $5.000000000e-01, v55;
	v55 =	vld [tilespmem:s26+$0x170];
	v33 =	vmovc v42;
	v41 =	vadd.f32 v48, v41  }
0x89: {  	v39 =	vmul.f32 $5.000000000e-01, v29;
	v42 =	vmul.f32 v46, v8;
	v8 =	vmovc v9;
	v9 =	vmov v22;
	v38 =	vld [tilespmem:s26+$0x120]  }
0x8a: {  	v20 =	vmovc v27;
	v29 =	vadd.f32 v44, v57;
	v44 =	vmul.f32 $5.000000000e-01, v50;
	v22 =	vmovc v25;
	v46 =	vld [tilespmem:s26+$0x1120];
	v57 =	vadd.f32 v36, v41  }
0x8b: {  	v59 =	vmul.f32 v61, v53;
	v56 =	vmul.f32 $5.000000000e-01, v56;
	v36 =	vmov v58;
	v27 =	vld [tilespmem:s26+$0x1100];
	[tilespmem:s22+$0x2170] =	vst v42  }
0x8c: {  	v25 =	vadd.f32 v32, v43;
	v32 =	vmovc v51;
	v43 =	vmul.f32 v63, v44;
	v42 =	vmul.f32 $5.000000000e-01, v49;
	v48 =	vld [tilespmem:s26+$0x100];
	v41 =	vmovc v45  }
0x8d: {  	v50 =	vmul.f32 v29, v29;
	v51 =	vmul.f32 v59, v31;
	v62 =	vadd.f32 v62, v57;
	v45 =	vld [tilespmem:s26+$0x1110];
	[tilespmem:s22+$0x2110] =	vst v34;
	s22 =	smov.u32 s20;
	s20 =	smov.u32 s21;
	s21 =	smov.u32 s23  }
0x8e: {  	v31 =	vmovc v44;
	v53 =	vmul.f32 $5.000000000e-01, v28;
	v43 =	vmul.f32 v63, v43;
	s23 =	smov.u32 s24;
	s24 =	smov.u32 s26;
	v34 =	vld [tilespmem:s26+$0x110];
	[tilespmem:s22+$0x2130] =	vst v4;
	v57 =	vmovc v0;
	v0 =	vmov v2  }
0x8f: {  	v2 =	vmovc v12;
	v44 =	vmul.f32 $5.000000000e-01, v46;
	(xrf2) =	vadd.scan.msk.f32 $0xffff, v62;
	[tilespmem:s22+$0x2140] =	vst v6;
	v46 =	vmul.f32 v51, v59  }
0x90: {  	v54 =	vmul.f32 $5.000000000e-01, v54;
	v49 =	vmovc v47;
	v28 =	vmovc v4;
	v61 =	vsub.f32 $1.500000000e+00, v43;
	v12 =	vmov v23;
	v58 =	vld [tilespmem:s24+$0x1130];
	[tilespmem:s22+$0x2100] =	vst v11  }
0x91: {  	v43 =	vmul.f32 $5.000000000e-01, v55;
	v4 =	vmovc v5;
	v5 =	vmovc v16;
	v51 =	vmul.f32 $5.000000000e-01, v27;
	[tilespmem:s22+$0x2160] =	vst v7;
	v23 =	vsub.f32 $1.500000000e+00, v46  }
0x92: {  	v16 =	vmovc v24;
	v27 =	vadd.f32 v53, v54;
	v53 =	vmul.f32 v63, v61;
	v47 =	vmul.f32 $5.000000000e-01, v45;
	[tilespmem:s22+$0x2120] =	vst v35  }
0x93: {  	v24 =	vmul.f32 $5.000000000e-01, v34;
	[tilespmem:s22+$0x2110] =	vst v57;
	v46 =	vmul.f32 v23, v59  }
.Ltmp0:
0x94: {  	v45 =	vmul.f32 v27, v27;
	v34 =	vmul.f32 v53, v31;
	(pc) =	sbr.rel @p0 .LBB2_2-.Ltmp0, $4  }
0x95: {  	v23 =	vadd.f32 v47, v24;
	v24 =	vmul.f32 $5.000000000e-01, v58;
	v54 =	vld [tilespmem:s24+$0x1160];
	v55 =	vmul.f32 v46, v7;
	v7 =	vmovc v13;
	v13 =	vmovc v18  }
0x96: {  	v58 =	vmul.f32 v34, v53;
	v59 =	vmul.f32 v46, v11;
	v18 =	vmovc v52;
	v11 =	vmovc v19;
	v19 =	vmov v26  }
0x97: {  	v34 =	vmul.f32 v46, v57;
	v47 =	vmul.f32 v23, v23;
	v24 =	vadd.f32 v24, v56;
	[tilespmem:s22+$0x2160] =	vst v55  }
0x98: {  	v52 =	vmul.f32 v46, v35;
	v26 =	vmovc v60;
	v56 =	vmul.f32 v60, v60;
	v55 =	vsub.f32 $1.500000000e+00, v58;
	[tilespmem:s22+$0x2100] =	vst v59  }
0x99: {  	_ = 	snop  }
0x9a: {  	v35 =	vadd.f32 v49, v56;
	_ =	sdelay $0x1  }
0x9b: {  	v49 =	vadd.f32 v50, v35;
	_ =	sdelay $0x1  }
0x9c: {  	v35 =	vadd.f32 v30, v33;
	v30 =	vadd.f32 v37, v49;
	_ =	sdelay $0x1  }
0x9d: {  	v33 =	vmul.f32 v35, v35;
	v30 =	vadd.f32 v41, v30;
	_ =	sdelay $0x1  }
0x9e: {  	v30 =	vadd.f32 v33, v30;
	_ =	sdelay $0x1  }
0x9f: {  	v57 =	vmul.f32 v25, v25;
	v56 =	vmul.f32 $5.000000000e-01, v48;
	v50, _, _ =	vpop (xrf2);
	v36 =	vadd.f32 v36, v30  }
0xa0: {  	v49 =	vmul.f32 v55, v53;
	v33 =	vbroadcast v50, $0xF  }
0xa1: {  	v38 =	vmul.f32 $5.000000000e-01, v38;
	v30 =	vadd.f32 v51, v56;
	v36 =	vadd.f32 v57, v36  }
0xa2: {  	v60 =	vmul.f32 v49, v31;
	v58 =	vshra.s32 v33, $0x1;
	v50 =	vmul.f32 $5.000000000e-01, v33  }
0xa3: {  	v33 =	vadd.f32 v44, v38;
	v41 =	vsub.s32 $0x5F3759DF, v58;
	v59 =	vmul.f32 v30, v30;
	(xrf2) =	vadd.scan.msk.f32 $0xffff, v36  }
0xa4: {  	v61 =	vmul.f32 v41, v50  }
0xa5: {  	v44 =	vmul.f32 v60, v49;
	v63 =	vmul.f32 v33, v33;
	v38 =	vadd.f32 v47, v59  }
0xa6: {  	v62 =	vmul.f32 $5.000000000e-01, v54;
	v54 =	vmul.f32 v41, v61  }
0xa7: {  	v37 =	vmul.f32 v24, v24;
	v58 =	vsub.f32 $1.500000000e+00, v44;
	v56 =	vadd.f32 v63, v38  }
0xa8: {  	v55 =	vmul.f32 v46, v28;
	v57 =	vmul.f32 v46, v6;
	v59 =	vsub.f32 $1.500000000e+00, v54  }
0xa9: {  	v6 =	vadd.f32 v39, v42;
	v61 =	vmul.f32 v58, v49;
	v36 =	vadd.f32 v37, v56  }
0xaa: {  	[tilespmem:s22+$0x2150] =	vst v10;
	v28 =	vadd.f32 v62, v40;
	v60 =	vmul.f32 v46, v10;
	v62 =	vmul.f32 v41, v59  }
0xab: {  	[tilespmem:s22+$0x2110] =	vst v34;
	v44 =	vmul.f32 v6, v6;
	v31 =	vmul.f32 v61, v31;
	v36 =	vadd.f32 v45, v36  }
0xac: {  	[tilespmem:s22+$0x2120] =	vst v52;
	v10 =	vmul.f32 v46, v8;
	v8 =	vadd.f32 v32, v43;
	v45 =	vmul.f32 v62, v50  }
0xad: {  	[tilespmem:s22+$0x2130] =	vst v55;
	v63 =	vmul.f32 v28, v28;
	v31 =	vmul.f32 v31, v61;
	v46 =	vadd.f32 v44, v36;
	v48, _, _ =	vpop (xrf2)  }
0xae: {  	[tilespmem:s22+$0x2170] =	vst v10;
	v47 =	vmul.f32 v45, v62;
	v10 =	vbroadcast v48, $0xF  }
0xaf: {  	[tilespmem:s22+$0x2150] =	vst v60;
	v49 =	vmul.f32 v8, v8;
	v31 =	vsub.f32 $1.500000000e+00, v31;
	v32 =	vadd.f32 v63, v46  }
0xb0: {  	[tilespmem:s22+$0x2140] =	vst v57;
	v51 =	vsub.f32 $1.500000000e+00, v47;
	v52 =	vshra.s32 v10, $0x1;
	v10 =	vmul.f32 $5.000000000e-01, v10  }
0xb1: {  	[tilespmem:s20+$0x2130] =	vst v4;
	v31 =	vmul.f32 v31, v61;
	v36 =	vsub.s32 $0x5F3759DF, v52  }
0xb2: {  	[tilespmem:s20+$0x2140] =	vst v1;
	v32 =	vadd.f32 v49, v32;
	v34 =	vmul.f32 v51, v62;
	v53 =	vmul.f32 v36, v10  }
0xb3: {  	[tilespmem:s20+$0x2160] =	vst v7;
	v7 =	vmul.f32 v31, v7  }
0xb4: {  	[tilespmem:s20+$0x2100] =	vst v11;
	(xrf2) =	vadd.scan.msk.f32 $0xffff, v32;
	v54 =	vmul.f32 v34, v50;
	v37 =	vmul.f32 v36, v53  }
0xb5: {  	[tilespmem:s20+$0x2120] =	vst v14;
	v11 =	vmul.f32 v31, v11  }
0xb6: {  	[tilespmem:s20+$0x2160] =	vst v7;
	v7 =	vmul.f32 v31, v14;
	v32 =	vmul.f32 v54, v34;
	v14 =	vsub.f32 $1.500000000e+00, v37  }
0xb7: {  	[tilespmem:s20+$0x2100] =	vst v11  }
0xb8: {  	v4 =	vmul.f32 v31, v4;
	[tilespmem:s20+$0x2120] =	vst v7;
	v11 =	vsub.f32 $1.500000000e+00, v32;
	v7 =	vmul.f32 v36, v14  }
0xb9: {  	[tilespmem:s20+$0x2110] =	vst v0;
	v1 =	vmul.f32 v31, v1  }
0xba: {  	[tilespmem:s20+$0x2130] =	vst v4;
	v4 =	vmul.f32 v11, v34;
	v11 =	vmul.f32 v7, v10  }
0xbb: {  	[tilespmem:s20+$0x2150] =	vst v15;
	v9 =	vmul.f32 v31, v9  }
0xbc: {  	[tilespmem:s20+$0x2140] =	vst v1;
	v1 =	vmul.f32 v31, v15  }
0xbd: {  	v0 =	vmul.f32 v31, v0;
	[tilespmem:s20+$0x2170] =	vst v9;
	v14 =	vmul.f32 v4, v50  }
0xbe: {  	[tilespmem:s20+$0x2150] =	vst v1;
	v1 =	vmul.f32 v11, v7;
	v11, _, _ =	vpop (xrf2)  }
0xbf: {  	[tilespmem:s20+$0x2110] =	vst v0;
	v9 =	vmul.f32 v14, v4;
	v11 =	vbroadcast v11, $0xF  }
0xc0: {  	[tilespmem:s21+$0x2130] =	vst v5;
	v0 =	vsub.f32 $1.500000000e+00, v1  }
0xc1: {  	[tilespmem:s21+$0x2140] =	vst v3;
	v1 =	vsub.f32 $1.500000000e+00, v9;
	v9 =	vshra.s32 v11, $0x1;
	v11 =	vmul.f32 $5.000000000e-01, v11  }
0xc2: {  	[tilespmem:s21+$0x2100] =	vst v19;
	v0 =	vmul.f32 v0, v7;
	v7 =	vsub.s32 $0x5F3759DF, v9  }
0xc3: {  	[tilespmem:s21+$0x2160] =	vst v13;
	v1 =	vmul.f32 v1, v4;
	v4 =	vmul.f32 v7, v11  }
0xc4: {  	[tilespmem:s21+$0x2120] =	vst v17;
	v9 =	vmul.f32 v0, v10  }
0xc5: {  	[tilespmem:s21+$0x2110] =	vst v2;
	v13 =	vmul.f32 v1, v13;
	v4 =	vmul.f32 v7, v4  }
0xc6: {  	[tilespmem:s21+$0x2150] =	vst v21;
	v14 =	vmul.f32 v1, v19;
	v9 =	vmul.f32 v9, v0  }
0xc7: {  	v5 =	vmul.f32 v1, v5;
	[tilespmem:s21+$0x2160] =	vst v13;
	v4 =	vsub.f32 $1.500000000e+00, v4  }
0xc8: {  	v3 =	vmul.f32 v1, v3;
	[tilespmem:s21+$0x2100] =	vst v14;
	v9 =	vsub.f32 $1.500000000e+00, v9  }
0xc9: {  	v13 =	vmul.f32 v1, v17;
	[tilespmem:s21+$0x2130] =	vst v5;
	v4 =	vmul.f32 v7, v4  }
0xca: {  	[tilespmem:s21+$0x2140] =	vst v3;
	v3 =	vmul.f32 v1, v21;
	v0 =	vmul.f32 v9, v0  }
0xcb: {  	[tilespmem:s21+$0x2120] =	vst v13;
	v7 =	vmul.f32 v1, v22;
	v5 =	vmul.f32 v4, v11  }
0xcc: {  	[tilespmem:s21+$0x2150] =	vst v3;
	v1 =	vmul.f32 v1, v2;
	v9 =	vmul.f32 v0, v10  }
0xcd: {  	[tilespmem:s21+$0x2170] =	vst v7;
	v2 =	vmul.f32 v5, v4  }
0xce: {  	[tilespmem:s21+$0x2110] =	vst v1;
	v3 =	vmul.f32 v9, v0  }
0xcf: {  	[tilespmem:s23+$0x2130] =	vst v16;
	v1 =	vsub.f32 $1.500000000e+00, v2  }
0xd0: {  	[tilespmem:s23+$0x2140] =	vst v20;
	v2 =	vsub.f32 $1.500000000e+00, v3  }
0xd1: {  	[tilespmem:s23+$0x2100] =	vst v26;
	v1 =	vmul.f32 v1, v4  }
0xd2: {  	[tilespmem:s23+$0x2160] =	vst v18;
	v0 =	vmul.f32 v2, v0  }
0xd3: {  	[tilespmem:s23+$0x2120] =	vst v29;
	v2 =	vmul.f32 v1, v11  }
0xd4: {  	[tilespmem:s23+$0x2110] =	vst v12;
	v3 =	vmul.f32 v0, v18  }
0xd5: {  	[tilespmem:s23+$0x2150] =	vst v35;
	v4 =	vmul.f32 v0, v26;
	v2 =	vmul.f32 v2, v1  }
0xd6: {  	[tilespmem:s23+$0x2160] =	vst v3;
	v3 =	vmul.f32 v0, v29  }
0xd7: {  	[tilespmem:s23+$0x2100] =	vst v4;
	v4 =	vmul.f32 v0, v16;
	v2 =	vsub.f32 $1.500000000e+00, v2  }
0xd8: {  	[tilespmem:s23+$0x2120] =	vst v3;
	v3 =	vmul.f32 v0, v20  }
0xd9: {  	[tilespmem:s23+$0x2130] =	vst v4;
	v1 =	vmul.f32 v2, v1;
	v2 =	vmul.f32 v0, v35  }
0xda: {  	[tilespmem:s23+$0x2140] =	vst v3;
	v3 =	vmul.f32 v0, v25  }
0xdb: {  	v0 =	vmul.f32 v0, v12;
	v4 =	vmul.f32 v1, v11;
	[tilespmem:s23+$0x2150] =	vst v2  }
0xdc: {  	[tilespmem:s23+$0x2170] =	vst v3  }
0xdd: {  	[tilespmem:s23+$0x2110] =	vst v0;
	v2 =	vmul.f32 v4, v1  }
0xde: {  	[tilespmem:s24+$0x2130] =	vst v24  }
0xdf: {  	[tilespmem:s24+$0x2140] =	vst v27;
	v0 =	vsub.f32 $1.500000000e+00, v2  }
0xe0: {  	[tilespmem:s24+$0x2100] =	vst v30  }
0xe1: {  	[tilespmem:s24+$0x2160] =	vst v28;
	v0 =	vmul.f32 v0, v1  }
0xe2: {  	[tilespmem:s24+$0x2120] =	vst v33  }
0xe3: {  	[tilespmem:s24+$0x2110] =	vst v23;
	v1 =	vmul.f32 v0, v28  }
0xe4: {  	[tilespmem:s24+$0x2150] =	vst v6;
	v2 =	vmul.f32 v0, v30  }
0xe5: {  	[tilespmem:s24+$0x2160] =	vst v1;
	v1 =	vmul.f32 v0, v33  }
0xe6: {  	[tilespmem:s24+$0x2100] =	vst v2;
	v2 =	vmul.f32 v0, v24  }
0xe7: {  	[tilespmem:s24+$0x2120] =	vst v1;
	v1 =	vmul.f32 v0, v27  }
0xe8: {  	[tilespmem:s24+$0x2130] =	vst v2;
	v2 =	vmul.f32 v0, v8  }
0xe9: {  	[tilespmem:s24+$0x2140] =	vst v1;
	v1 =	vmul.f32 v0, v6  }
0xea: {  	v0 =	vmul.f32 v0, v23;
	[tilespmem:s24+$0x2170] =	vst v2  }
0xeb: {  	[tilespmem:s24+$0x2150] =	vst v1  }
0xec: {  	s31 =	simm.s32 $0x0;
	[tilespmem:s24+$0x2110] =	vst v0  }
0xed: {  	[hbm4b:s6+s14] =	stream.indirect.scatter [tilespmem:s18], [sflag:$0x2], $0x80, s31, s14, $0xb8;
	[tilespmem:$0x3100] =	vst v63  }
0xee: {  	_ =	swait.ge [sflag:s12], $0x1000  }
0xef: {  	[sflag:s12] =	ssyncset.done $0x0  }
0xf0: {  	[sflag:s12] =	ssyncadd.s32 $0xFFFFF000  }
0xf1: {  	[tilespmem:s15], [sflag:$0x1] =	stream.indirect.gather [hbm4b:s4+s14], $0x80, s31, s14, $0xb8;
	[tilespmem:$0x3100] =	vst v63  }
0xf2: {  	_ =	swait.ge [sflag:s16], $0x1000  }
0xf3: {  	[sflag:s16] =	ssyncset.done $0x0  }
0xf4: {  	[sflag:s16] =	ssyncadd.s32 $0xFFFFF000  }
0xf5: {  	[tilespmem:s17], [sflag:$0x1] =	stream.indirect.gather [hbm4b:s2+s14], $0x80, s13, s14, $0xb8;
	[tilespmem:$0x3100] =	vst v63  }
0xf6: {  	_ =	swait.ge [sflag:s16], $0x1000  }
0xf7: {  	[sflag:s16] =	ssyncset.done $0x0  }
0xf8: {  	s22 =	simm.s32 $0x0;
	[sflag:s16] =	ssyncadd.s32 $0xFFFFF000  }
0xf9: {  	v0 =	vld [tilespmem:s22+$0x1170]  }
0xfa: {  	v1 =	vld [tilespmem:s22+$0x160]  }
0xfb: {  	v2 =	vld [tilespmem:s22+$0x1150]  }
0xfc: {  	v3 =	vld [tilespmem:s22+$0x140]  }
0xfd: {  	v4 =	vld [tilespmem:s22+$0x130]  }
0xfe: {  	v5 =	vld [tilespmem:s22+$0x150]  }
0xff: {  	v6 =	vld [tilespmem:s22+$0x1140]  }
0x100: {  	v7 =	vld [tilespmem:s22+$0x170]  }
0x101: {  	v8 =	vld [tilespmem:s22+$0x120]  }
0x102: {  	v10 =	vld [tilespmem:s22+$0x1100]  }
0x103: {  	v11 =	vld [tilespmem:s22+$0x100]  }
0x104: {  	v12 =	vld [tilespmem:s22+$0x1110]  }
0x105: {  	v13 =	vld [tilespmem:s22+$0x110]  }
0x106: {  	v9 =	vld [tilespmem:s22+$0x1120]  }
0x107: {  	v14 =	vld [tilespmem:s22+$0x1130]  }
0x108: {  	s20 =	simm.s32 $0x80;
	v15 =	vld [tilespmem:s22+$0x1160]  }
0x109: {  	v16 =	vld [tilespmem:s20+$0x1170];
	v10 =	vmul.f32 $5.000000000e-01, v10;
	v12 =	vmul.f32 $5.000000000e-01, v12  }
0x10a: {  	v17 =	vld [tilespmem:s20+$0x160];
	v13 =	vmul.f32 $5.000000000e-01, v13;
	v11 =	vmul.f32 $5.000000000e-01, v11  }
0x10b: {  	v18 =	vld [tilespmem:s20+$0x1150];
	v1 =	vmul.f32 $5.000000000e-01, v1;
	v9 =	vmul.f32 $5.000000000e-01, v9  }
0x10c: {  	v19 =	vld [tilespmem:s20+$0x140];
	v8 =	vmul.f32 $5.000000000e-01, v8;
	v13 =	vadd.f32 v12, v13;
	v34 =	vadd.f32 v10, v11  }
0x10d: {  	v20 =	vld [tilespmem:s20+$0x130];
	v4 =	vmul.f32 $5.000000000e-01, v4;
	v10 =	vmul.f32 $5.000000000e-01, v14  }
0x10e: {  	v21 =	vld [tilespmem:s20+$0x100];
	v35 =	vadd.f32 v9, v8;
	[tilespmem:$0x1FFE0] =	vst v13;
	v13 =	vmul.f32 v13, v13;
	v8 =	vmul.f32 v34, v34  }
0x10f: {  	v22 =	vld [tilespmem:s20+$0x1110];
	v6 =	vmul.f32 $5.000000000e-01, v6;
	v3 =	vmul.f32 $5.000000000e-01, v3;
	v28 =	vadd.f32 v10, v4  }
0x110: {  	s21 =	simm.s32 $0x100;
	v26 =	vld [tilespmem:s20+$0x110];
	v4 =	vmul.f32 $5.000000000e-01, v15;
	v10 =	vmul.f32 v35, v35;
	v8 =	vadd.f32 v13, v8  }
0x111: {  	v27 =	vld [tilespmem:s21+$0x160];
	v2 =	vmul.f32 $5.000000000e-01, v2;
	v5 =	vmul.f32 $5.000000000e-01, v5;
	v6 =	vadd.f32 v6, v3  }
0x112: {  	v29 =	vld [tilespmem:s21+$0x1140];
	v13 =	vmul.f32 v28, v28;
	v25 =	vadd.f32 v4, v1;
	v1 =	vadd.f32 v10, v8  }
0x113: {  	v11 =	vld [tilespmem:s20+$0x1140];
	v4 =	vmul.f32 $5.000000000e-01, v7  }
0x114: {  	v12 =	vld [tilespmem:s20+$0x150];
	v7 =	vmul.f32 v6, v6;
	v10 =	vadd.f32 v2, v5;
	v1 =	vadd.f32 v13, v1  }
0x115: {  	v0 =	vmul.f32 $5.000000000e-01, v0;
	v14 =	vld [tilespmem:s20+$0x170]  }
0x116: {  	v9 =	vld [tilespmem:s20+$0x120];
	v5 =	vmul.f32 $5.000000000e-01, v18;
	v18 =	vmul.f32 v10, v10;
	v1 =	vadd.f32 v7, v1  }
0x117: {  	v3 =	vld [tilespmem:s20+$0x1100];
	v23 =	vmul.f32 v25, v25;
	v2 =	vmul.f32 $5.000000000e-01, v17  }
0x118: {  	v17 =	vld [tilespmem:s20+$0x1160];
	v8 =	vadd.f32 v0, v4;
	v0 =	vmul.f32 $5.000000000e-01, v11;
	v1 =	vadd.f32 v18, v1  }
0x119: {  	v4 =	vmul.f32 $5.000000000e-01, v19;
	v11 =	vmul.f32 $5.000000000e-01, v22;
	v13 =	vld [tilespmem:s20+$0x1130]  }
0x11a: {  	v15 =	vld [tilespmem:s20+$0x1120];
	v19 =	vmul.f32 $5.000000000e-01, v26;
	v26 =	vmul.f32 v8, v8;
	v23 =	vadd.f32 v23, v1  }
0x11b: {  	v16 =	vmul.f32 $5.000000000e-01, v16;
	v7 =	vmul.f32 $5.000000000e-01, v20;
	v20 =	vld [tilespmem:s21+$0x1170];
	v1 =	vadd.f32 v0, v4  }
0x11c: {  	v27 =	vmul.f32 $5.000000000e-01, v27;
	v22 =	vld [tilespmem:s21+$0x140];
	v0 =	vadd.f32 v11, v19;
	v19 =	vadd.f32 v26, v23  }
0x11d: {  	v3 =	vmul.f32 $5.000000000e-01, v3;
	v9 =	vmul.f32 $5.000000000e-01, v9;
	v18 =	vld [tilespmem:s21+$0x1150]  }
0x11e: {  	v4 =	vmul.f32 $5.000000000e-01, v13;
	v13 =	vld [tilespmem:s21+$0x130];
	v11 =	vmul.f32 $5.000000000e-01, v17;
	(xrf2) =	vadd.scan.msk.f32 $0xffff, v19  }
0x11f: {  	v17 =	vld [tilespmem:s21+$0x150];
	v23 =	vmul.f32 $5.000000000e-01, v14;
	v14 =	vmul.f32 $5.000000000e-01, v21  }
0x120: {  	v15 =	vmul.f32 $5.000000000e-01, v15;
	v36 =	vmul.f32 $5.000000000e-01, v20;
	v20 =	vld [tilespmem:s21+$0x1130];
	v4 =	vadd.f32 v4, v7  }
0x121: {  	v12 =	vmul.f32 $5.000000000e-01, v12;
	v7 =	vadd.f32 v11, v2;
	v11 =	vadd.f32 v3, v14;
	v3 =	vld [tilespmem:s21+$0x110]  }
0x122: {  	v22 =	vmul.f32 $5.000000000e-01, v22;
	v30 =	vmul.f32 v0, v0;
	v14 =	vadd.f32 v15, v9;
	v15 =	vld [tilespmem:s21+$0x1100]  }
0x123: {  	v32 =	vmul.f32 $5.000000000e-01, v18;
	v18 =	vld [tilespmem:s21+$0x170];
	v55 =	vmul.f32 v11, v11  }
0x124: {  	v19 =	vmul.f32 v4, v4;
	v9 =	vadd.f32 v16, v23;
	v16 =	vmul.f32 $5.000000000e-01, v29  }
0x125: {  	v29 =	vld [tilespmem:s21+$0x1160];
	v38 =	vmul.f32 $5.000000000e-01, v17;
	v17 =	vmul.f32 v14, v14;
	v30 =	vadd.f32 v30, v55  }
0x126: {  	v56 =	vld [tilespmem:s21+$0x120];
	v13 =	vmul.f32 $5.000000000e-01, v13;
	v23 =	vmul.f32 $5.000000000e-01, v3  }
0x127: {  	s23 =	simm.s32 $0x180;
	v57 =	vld [tilespmem:s21+$0x100];
	v59 =	vmul.f32 $5.000000000e-01, v15;
	v3 =	vadd.f32 v16, v22;
	v17 =	vadd.f32 v17, v30  }
0x128: {  	v61 =	vld [tilespmem:s23+$0x1140];
	v22 =	vmul.f32 $5.000000000e-01, v18;
	v18 =	vmul.f32 $5.000000000e-01, v20;
	v15 =	vadd.f32 v5, v12;
	v20, _, _ =	vpop (xrf2)  }
0x129: {  	v26 =	vmul.f32 v1, v1;
	v21 =	vld [tilespmem:s21+$0x1110];
	v17 =	vadd.f32 v19, v17;
	v20 =	vbroadcast v20, $0xF  }
0x12a: {  	v63 =	vld [tilespmem:s23+$0x170];
	v5 =	vadd.f32 v18, v13;
	v13 =	vmul.f32 $5.000000000e-01, v29;
	v19 =	vmul.f32 v15, v15  }
0x12b: {  	v2 =	vld [tilespmem:s21+$0x1120];
	v17 =	vadd.f32 v26, v17;
	v30 =	vshra.s32 v20, $0x1;
	v26 =	vmul.f32 $5.000000000e-01, v20  }
0x12c: {  	v62 =	vmul.f32 $5.000000000e-01, v56;
	v56 =	vld [tilespmem:s23+$0x1120];
	v13 =	vadd.f32 v13, v27;
	v27 =	vsub.s32 $0x5F3759DF, v30  }
0x12d: {  	v16 =	vld [tilespmem:s23+$0x1170];
	v17 =	vadd.f32 v19, v17;
	v19 =	vmul.f32 v27, v26  }
0x12e: {  	v31 =	vmul.f32 v7, v7;
	v21 =	vmul.f32 $5.000000000e-01, v21;
	v12 =	vld [tilespmem:s23+$0x1150]  }
0x12f: {  	v50 =	vmul.f32 v9, v9;
	v20 =	vld [tilespmem:s23+$0x150];
	v19 =	vmul.f32 v27, v19  }
0x130: {  	v58 =	vmul.f32 $5.000000000e-01, v2;
	v2 =	vadd.f32 v21, v23;
	v21 =	vld [tilespmem:s23+$0x160];
	v31 =	vadd.f32 v31, v17  }
0x131: {  	v60 =	vmul.f32 $5.000000000e-01, v57;
	v18 =	vld [tilespmem:s23+$0x140];
	v19 =	vsub.f32 $1.500000000e+00, v19  }
0x132: {  	v44 =	vmul.f32 $5.000000000e-01, v61;
	v52 =	vmul.f32 $5.000000000e-01, v16;
	v16 =	vld [tilespmem:s23+$0x1110];
	v31 =	vadd.f32 v50, v31  }
0x133: {  	v30 =	vmul.f32 $5.000000000e-01, v12;
	v12 =	vld [tilespmem:s23+$0x1100];
	v27 =	vmul.f32 v27, v19  }
0x134: {  	v47 =	vmul.f32 $5.000000000e-01, v63;
	v33 =	vmul.f32 $5.000000000e-01, v20;
	v20 =	vld [tilespmem:s23+$0x110];
	(xrf2) =	vadd.scan.msk.f32 $0xffff, v31  }
0x135: {  	v46 =	vmul.f32 $5.000000000e-01, v56;
	v31 =	vld [tilespmem:s23+$0x1130];
	v57 =	vmul.f32 v27, v26  }
0x136: {  	v23 =	vmul.f32 v3, v3;
	v29 =	vld [tilespmem:s23+$0x130];
	v42 =	vmul.f32 v2, v2  }
0x137: {  	v21 =	vmul.f32 $5.000000000e-01, v21;
	v19 =	vadd.f32 v59, v60;
	v60 =	vmul.f32 v57, v27  }
0x138: {  	v18 =	vmul.f32 $5.000000000e-01, v18;
	v17 =	vadd.f32 v58, v62;
	v58 =	vld [tilespmem:s23+$0x1160];
	v54 =	vmul.f32 $5.000000000e-01, v12  }
0x139: {  	v12 =	vmul.f32 $5.000000000e-01, v16;
	v16 =	vmul.f32 $5.000000000e-01, v20;
	v61 =	vsub.f32 $1.500000000e+00, v60  }
0x13a: {  	s24 =	simm.s32 $0x200;
	v20 =	vadd.f32 v44, v18;
	v18 =	vmul.f32 $5.000000000e-01, v31;
	v31 =	vmul.f32 v19, v19  }
0x13b: {  	v29 =	vmul.f32 $5.000000000e-01, v29;
	v62 =	vld [tilespmem:s24+$0x160];
	v27 =	vmul.f32 v61, v27  }
0x13c: {  	v39 =	vmul.f32 v17, v17;
	v50 =	vld [tilespmem:s23+$0x120];
	v12 =	vadd.f32 v12, v16;
	v31 =	vadd.f32 v42, v31  }
0x13d: {  	v59 =	vld [tilespmem:s23+$0x100];
	v16 =	vadd.f32 v18, v29;
	v18 =	vmul.f32 $5.000000000e-01, v58;
	v48 =	vmul.f32 v27, v26  }
0x13e: {  	v53 =	vld [tilespmem:s24+$0x150];
	v43 =	vmul.f32 v5, v5;
	v45 =	vmul.f32 v13, v13;
	v31 =	vadd.f32 v39, v31;
	v63, _, _ =	vpop (xrf2)  }
0x13f: {  	v29 =	vld [tilespmem:s24+$0x1150];
	v18 =	vadd.f32 v18, v21;
	v60 =	vbroadcast v63, $0xF;
	v39 =	vmul.f32 v48, v27  }
0x140: {  	v55 =	vld [tilespmem:s24+$0x140];
	v40 =	vmul.f32 $5.000000000e-01, v62;
	v21 =	vadd.f32 v32, v38;
	v43 =	vadd.f32 v43, v31  }
0x141: {  	v42 =	vld [tilespmem:s24+$0x130];
	v61 =	vshra.s32 v60, $0x1;
	v31 =	vmul.f32 $5.000000000e-01, v60;
	v32 =	vsub.f32 $1.500000000e+00, v39  }
0x142: {  	v50 =	vmul.f32 $5.000000000e-01, v50;
	v44 =	vld [tilespmem:s24+$0x1170];
	v56 =	vmul.f32 $5.000000000e-01, v59;
	v51 =	vsub.s32 $0x5F3759DF, v61  }
0x143: {  	v60 =	vld [tilespmem:s24+$0x1120];
	v43 =	vadd.f32 v23, v43;
	v63 =	vmul.f32 v51, v31;
	v23 =	vmul.f32 v32, v27  }
0x144: {  	v22 =	vadd.f32 v36, v22;
	v62 =	vld [tilespmem:s24+$0x1100];
	v58 =	vmul.f32 v21, v21;
	v39 =	vmul.f32 $5.000000000e-01, v29  }
0x145: {  	v29 =	vadd.f32 v46, v50;
	v46 =	vld [tilespmem:s24+$0x1110];
	v27 =	vmul.f32 v51, v63;
	v26 =	vmul.f32 v23, v26  }
0x146: {  	v61 =	vmul.f32 v22, v22;
	v43 =	vadd.f32 v58, v43;
	v58 =	vmul.f32 $5.000000000e-01, v42;
	v63 =	vld [tilespmem:s24+$0x110]  }
0x147: {  	v57 =	vld [tilespmem:s24+$0x1140];
	v42 =	vmul.f32 $5.000000000e-01, v53;
	v27 =	vsub.f32 $1.500000000e+00, v27;
	v26 =	vmul.f32 v26, v23  }
0x148: {  	v59 =	vld [tilespmem:s24+$0x170];
	v45 =	vadd.f32 v45, v43;
	v32 =	vmul.f32 $5.000000000e-01, v44;
	v44 =	vmul.f32 $5.000000000e-01, v60  }
0x149: {  	v38 =	vld [tilespmem:s24+$0x120];
	v53 =	vmul.f32 v51, v27;
	v27 =	vmul.f32 $5.000000000e-01, v55;
	v55 =	vsub.f32 $1.500000000e+00, v26  }
0x14a: {  	v48 =	vld [tilespmem:s24+$0x100];
	[tilespmem:s22+$0x2130] =	vst v28;
	v51 =	vmul.f32 $5.000000000e-01, v62;
	v62 =	vmul.f32 $5.000000000e-01, v46  }
0x14b: {  	[tilespmem:s22+$0x2140] =	vst v6;
	v60 =	vmul.f32 $5.000000000e-01, v63;
	v46 =	vmul.f32 v55, v23;
	v55 =	vadd.f32 v61, v45  }
0x14c: {  	v24 =	vld [tilespmem:s24+$0x1130]  }
0x14d: {  	v23 =	vadd.f32 v62, v60;
	v60 =	vld [tilespmem:$0x1FFE0];
	(xrf2) =	vadd.scan.msk.f32 $0xffff, v55  }
0x14e: {  	v41 =	vmul.f32 v20, v20  }
0x14f: {  	v49 =	vmul.f32 v12, v12;
	v57 =	vmul.f32 $5.000000000e-01, v57;
	[tilespmem:s22+$0x2100] =	vst v34  }
0x150: {  	v37 =	vmul.f32 v16, v16;
	v36 =	vmul.f32 v18, v18;
	[tilespmem:s22+$0x2160] =	vst v25  }
0x151: {  	v43 =	vmul.f32 $5.000000000e-01, v59;
	v50 =	vmul.f32 v29, v29;
	[tilespmem:s22+$0x2120] =	vst v35;
	v27 =	vadd.f32 v57, v27  }
0x152: {  	v26 =	vadd.f32 v54, v56;
	v56 =	vmul.f32 v53, v31;
	v24 =	vmul.f32 $5.000000000e-01, v24;
	[tilespmem:s22+$0x2110] =	vst v60  }
0x153: {  	v45 =	vmul.f32 v27, v27;
	v61 =	vmul.f32 v46, v25;
	v54 =	vld [tilespmem:s24+$0x1160]  }
0x154: {  	v62 =	vmul.f32 v56, v53;
	v24 =	vadd.f32 v24, v58;
	v63 =	vmul.f32 v46, v34  }
0x155: {  	v56 =	vmul.f32 v26, v26;
	v25 =	vadd.f32 v52, v47;
	v47 =	vmul.f32 v23, v23;
	[tilespmem:s22+$0x2160] =	vst v61  }
0x156: {  	s25 =	simm.s32 $0xA00;
	v55 =	vsub.f32 $1.500000000e+00, v62;
	v52 =	vmul.f32 v46, v35;
	v34 =	vmul.f32 v46, v60;
	[tilespmem:s22+$0x2100] =	vst v63  }
.LBB2_4:
0x157: {  	s26 =	sshra.s32 s25, $0x2;
	p0 =	sne.s32 s25, $0x3E00;
	s25 =	sadd.s32 $0x200, s25;
	v57 =	vmul.f32 v24, v24;
	v58, _, _ =	vpop (xrf2);
	v28 =	vmul.f32 v46, v28;
	v35 =	vmov v14  }
0x158: {  	v14 =	vmovc v17;
	v59 =	vld [tilespmem:s26+$0x1170];
	v54 =	vmul.f32 $5.000000000e-01, v54;
	v49 =	vadd.f32 v49, v56;
	v53 =	vmul.f32 v55, v53;
	[tilespmem:s22+$0x2120] =	vst v52  }
0x159: {  	v48 =	vmul.f32 $5.000000000e-01, v48;
	v55 =	vld [tilespmem:s26+$0x160];
	[tilespmem:s22+$0x2130] =	vst v28;
	v28 =	vmul.f32 v46, v6  }
0x15a: {  	v17 =	vmovc v29;
	v6 =	vmovc v1;
	v1 =	vmov v3;
	v52 =	vadd.f32 v54, v40;
	v40 =	vadd.f32 v50, v49  }
0x15b: {  	v62 =	vmul.f32 v25, v25;
	v3 =	vmovc v20;
	v20 =	vadd.f32 v30, v33;
	v29 =	vld [tilespmem:s26+$0x1150];
	v49 =	vmul.f32 v53, v31  }
0x15c: {  	v30 =	vmovc v39;
	v50 =	vbroadcast v58, $0xF;
	v54 =	vld [tilespmem:s26+$0x140];
	[tilespmem:s22+$0x2140] =	vst v28;
	v28 =	vmul.f32 v46, v10;
	v33 =	vadd.f32 v37, v40  }
0x15d: {  	v60 =	vadd.f32 v51, v48;
	v56 =	vld [tilespmem:s26+$0x130];
	v58 =	vmul.f32 v52, v52;
	v39 =	vmul.f32 v49, v53;
	[tilespmem:s22+$0x2150] =	vst v10  }
0x15e: {  	v48 =	vmul.f32 v20, v20;
	v51 =	vshra.s32 v50, $0x1;
	v37 =	vmovc v57;
	v49 =	vld [tilespmem:s26+$0x150];
	[tilespmem:s22+$0x2150] =	vst v28;
	v41 =	vadd.f32 v41, v33  }
0x15f: {  	v57 =	vmul.f32 $5.000000000e-01, v38;
	v10 =	vmovc v15;
	v15 =	vmovc v21;
	v63 =	vsub.s32 $0x5F3759DF, v51;
	v28 =	vld [tilespmem:s26+$0x1140];
	v61 =	vsub.f32 $1.500000000e+00, v39  }
0x160: {  	v21 =	vmovc v20;
	v51 =	vmul.f32 $5.000000000e-01, v59;
	v40 =	vmul.f32 $5.000000000e-01, v55;
	v55 =	vld [tilespmem:s26+$0x170];
	v33 =	vmovc v42;
	v41 =	vadd.f32 v48, v41  }
0x161: {  	v39 =	vmul.f32 $5.000000000e-01, v29;
	v42 =	vmul.f32 v46, v8;
	v8 =	vmovc v9;
	v9 =	vmov v22;
	v38 =	vld [tilespmem:s26+$0x120]  }
0x162: {  	v20 =	vmovc v27;
	v29 =	vadd.f32 v44, v57;
	v44 =	vmul.f32 $5.000000000e-01, v50;
	v22 =	vmovc v25;
	v46 =	vld [tilespmem:s26+$0x1120];
	v57 =	vadd.f32 v36, v41  }
0x163: {  	v59 =	vmul.f32 v61, v53;
	v56 =	vmul.f32 $5.000000000e-01, v56;
	v36 =	vmov v58;
	v27 =	vld [tilespmem:s26+$0x1100];
	[tilespmem:s22+$0x2170] =	vst v42  }
0x164: {  	v25 =	vadd.f32 v32, v43;
	v32 =	vmovc v51;
	v43 =	vmul.f32 v63, v44;
	v42 =	vmul.f32 $5.000000000e-01, v49;
	v48 =	vld [tilespmem:s26+$0x100];
	v41 =	vmovc v45  }
0x165: {  	v50 =	vmul.f32 v29, v29;
	v51 =	vmul.f32 v59, v31;
	v62 =	vadd.f32 v62, v57;
	v45 =	vld [tilespmem:s26+$0x1110];
	[tilespmem:s22+$0x2110] =	vst v34;
	s22 =	smov.u32 s20;
	s20 =	smov.u32 s21;
	s21 =	smov.u32 s23  }
0x166: {  	v31 =	vmovc v44;
	v53 =	vmul.f32 $5.000000000e-01, v28;
	v43 =	vmul.f32 v63, v43;
	s23 =	smov.u32 s24;
	s24 =	smov.u32 s26;
	v34 =	vld [tilespmem:s26+$0x110];
	[tilespmem:s22+$0x2130] =	vst v4;
	v57 =	vmovc v0;
	v0 =	vmov v2  }
0x167: {  	v2 =	vmovc v12;
	v44 =	vmul.f32 $5.000000000e-01, v46;
	(xrf2) =	vadd.scan.msk.f32 $0xffff, v62;
	[tilespmem:s22+$0x2140] =	vst v6;
	v46 =	vmul.f32 v51, v59  }
0x168: {  	v54 =	vmul.f32 $5.000000000e-01, v54;
	v49 =	vmovc v47;
	v28 =	vmovc v4;
	v61 =	vsub.f32 $1.500000000e+00, v43;
	v12 =	vmov v23;
	v58 =	vld [tilespmem:s24+$0x1130];
	[tilespmem:s22+$0x2100] =	vst v11  }
0x169: {  	v43 =	vmul.f32 $5.000000000e-01, v55;
	v4 =	vmovc v5;
	v5 =	vmovc v16;
	v51 =	vmul.f32 $5.000000000e-01, v27;
	[tilespmem:s22+$0x2160] =	vst v7;
	v23 =	vsub.f32 $1.500000000e+00, v46  }
0x16a: {  	v16 =	vmovc v24;
	v27 =	vadd.f32 v53, v54;
	v53 =	vmul.f32 v63, v61;
	v47 =	vmul.f32 $5.000000000e-01, v45;
	[tilespmem:s22+$0x2120] =	vst v35  }
0x16b: {  	v24 =	vmul.f32 $5.000000000e-01, v34;
	[tilespmem:s22+$0x2110] =	vst v57;
	v46 =	vmul.f32 v23, v59  }
.Ltmp1:
0x16c: {  	v45 =	vmul.f32 v27, v27;
	v34 =	vmul.f32 v53, v31;
	(pc) =	sbr.rel @p0 .LBB2_4-.Ltmp1, $4  }
0x16d: {  	v23 =	vadd.f32 v47, v24;
	v24 =	vmul.f32 $5.000000000e-01, v58;
	v54 =	vld [tilespmem:s24+$0x1160];
	v55 =	vmul.f32 v46, v7;
	v7 =	vmovc v13;
	v13 =	vmovc v18  }
0x16e: {  	v58 =	vmul.f32 v34, v53;
	v59 =	vmul.f32 v46, v11;
	v18 =	vmovc v52;
	v11 =	vmovc v19;
	v19 =	vmov v26  }
0x16f: {  	v34 =	vmul.f32 v46, v57;
	v47 =	vmul.f32 v23, v23;
	v24 =	vadd.f32 v24, v56;
	[tilespmem:s22+$0x2160] =	vst v55  }
0x170: {  	v52 =	vmul.f32 v46, v35;
	v26 =	vmovc v60;
	v56 =	vmul.f32 v60, v60;
	v55 =	vsub.f32 $1.500000000e+00, v58;
	[tilespmem:s22+$0x2100] =	vst v59  }
0x171: {  	_ = 	snop  }
0x172: {  	v35 =	vadd.f32 v49, v56;
	_ =	sdelay $0x1  }
0x173: {  	v49 =	vadd.f32 v50, v35;
	_ =	sdelay $0x1  }
0x174: {  	v35 =	vadd.f32 v30, v33;
	v56 =	vadd.f32 v37, v49;
	_ =	sdelay $0x1  }
0x175: {  	v33 =	vmul.f32 v35, v35;
	v30 =	vadd.f32 v41, v56;
	_ =	sdelay $0x1  }
0x176: {  	v30 =	vadd.f32 v33, v30  }
0x177: {  	v57, _, _ =	vpop (xrf2);
	v58 =	vmul.f32 $5.000000000e-01, v48;
	v59 =	vmul.f32 v25, v25  }
0x178: {  	v38 =	vmul.f32 $5.000000000e-01, v38;
	v33 =	vbroadcast v57, $0xF;
	v36 =	vadd.f32 v36, v30  }
0x179: {  	v37 =	vmul.f32 v24, v24;
	v49 =	vmul.f32 v55, v53;
	v30 =	vadd.f32 v51, v58  }
0x17a: {  	v60 =	vshra.s32 v33, $0x1;
	v50 =	vmul.f32 $5.000000000e-01, v33;
	v36 =	vadd.f32 v59, v36  }
0x17b: {  	v33 =	vadd.f32 v44, v38;
	v41 =	vsub.s32 $0x5F3759DF, v60;
	v61 =	vmul.f32 v30, v30  }
0x17c: {  	v62 =	vmul.f32 v49, v31;
	v63 =	vmul.f32 v41, v50;
	(xrf2) =	vadd.scan.msk.f32 $0xffff, v36  }
0x17d: {  	v55 =	vmul.f32 $5.000000000e-01, v54;
	v56 =	vmul.f32 v33, v33;
	v38 =	vadd.f32 v47, v61  }
0x17e: {  	v44 =	vmul.f32 v62, v49;
	v57 =	vmul.f32 v41, v63  }
0x17f: {  	v58 =	vmul.f32 v46, v28;
	v28 =	vadd.f32 v55, v40;
	v59 =	vadd.f32 v56, v38  }
0x180: {  	v60 =	vmul.f32 v46, v6;
	v61 =	vsub.f32 $1.500000000e+00, v44;
	v62 =	vsub.f32 $1.500000000e+00, v57  }
0x181: {  	[tilespmem:s22+$0x2150] =	vst v10;
	v6 =	vadd.f32 v39, v42;
	v53 =	vmul.f32 v28, v28;
	v36 =	vadd.f32 v37, v59  }
0x182: {  	[tilespmem:s22+$0x2120] =	vst v52;
	v51 =	vmul.f32 v61, v49;
	v52 =	vmul.f32 v41, v62  }
0x183: {  	[tilespmem:s22+$0x2110] =	vst v34;
	v54 =	vmul.f32 v6, v6;
	v63 =	vmul.f32 v46, v10;
	v36 =	vadd.f32 v45, v36  }
0x184: {  	[tilespmem:s22+$0x2130] =	vst v58;
	v55 =	vmul.f32 v51, v31;
	v56 =	vmul.f32 v52, v50  }
0x185: {  	[tilespmem:s22+$0x2140] =	vst v60;
	v57 =	vmul.f32 v46, v8;
	v8 =	vadd.f32 v32, v43;
	v58 =	vadd.f32 v54, v36  }
0x186: {  	[tilespmem:s22+$0x2150] =	vst v63;
	v31 =	vmul.f32 v55, v51;
	v59 =	vmul.f32 v56, v52;
	v60, _, _ =	vpop (xrf2)  }
0x187: {  	[tilespmem:s22+$0x2170] =	vst v57;
	v62 =	vmul.f32 v8, v8;
	v32 =	vadd.f32 v53, v58;
	v61 =	vbroadcast v60, $0xF  }
0x188: {  	[tilespmem:s20+$0x2130] =	vst v4;
	v31 =	vsub.f32 $1.500000000e+00, v31;
	v63 =	vsub.f32 $1.500000000e+00, v59  }
0x189: {  	[tilespmem:s20+$0x2140] =	vst v1;
	v32 =	vadd.f32 v62, v32;
	v40 =	vshra.s32 v61, $0x1;
	v10 =	vmul.f32 $5.000000000e-01, v61  }
0x18a: {  	[tilespmem:s20+$0x2100] =	vst v11;
	v34 =	vmul.f32 v63, v52;
	v36 =	vsub.s32 $0x5F3759DF, v40  }
0x18b: {  	[tilespmem:s20+$0x2160] =	vst v7;
	v31 =	vmul.f32 v31, v51;
	(xrf2) =	vadd.scan.msk.f32 $0xffff, v32;
	v41 =	vmul.f32 v36, v10  }
0x18c: {  	[tilespmem:s20+$0x2120] =	vst v14;
	v42 =	vmul.f32 v34, v50  }
0x18d: {  	[tilespmem:s20+$0x2110] =	vst v0;
	v43 =	vmul.f32 v31, v7;
	v37 =	vmul.f32 v36, v41  }
0x18e: {  	[tilespmem:s20+$0x2150] =	vst v15;
	v44 =	vmul.f32 v31, v11;
	v32 =	vmul.f32 v42, v34  }
0x18f: {  	v45 =	vmul.f32 v31, v14;
	[tilespmem:s20+$0x2160] =	vst v43;
	v46 =	vsub.f32 $1.500000000e+00, v37  }
0x190: {  	v47 =	vmul.f32 v31, v4;
	[tilespmem:s20+$0x2100] =	vst v44;
	v48 =	vsub.f32 $1.500000000e+00, v32  }
0x191: {  	v49 =	vmul.f32 v31, v1;
	[tilespmem:s20+$0x2120] =	vst v45;
	v51 =	vmul.f32 v36, v46  }
0x192: {  	v53 =	vmul.f32 v31, v15;
	[tilespmem:s20+$0x2130] =	vst v47;
	v52 =	vmul.f32 v48, v34  }
0x193: {  	v9 =	vmul.f32 v31, v9;
	[tilespmem:s20+$0x2140] =	vst v49;
	v54 =	vmul.f32 v51, v10  }
0x194: {  	v56 =	vmul.f32 v31, v0;
	[tilespmem:s20+$0x2150] =	vst v53;
	v55 =	vmul.f32 v52, v50  }
0x195: {  	[tilespmem:s20+$0x2170] =	vst v9;
	v58, _, _ =	vpop (xrf2);
	v57 =	vmul.f32 v54, v51  }
0x196: {  	[tilespmem:s20+$0x2110] =	vst v56;
	v59 =	vmul.f32 v55, v52;
	v11 =	vbroadcast v58, $0xF  }
0x197: {  	[tilespmem:s21+$0x2130] =	vst v5;
	v60 =	vsub.f32 $1.500000000e+00, v57  }
0x198: {  	[tilespmem:s21+$0x2140] =	vst v3;
	v61 =	vsub.f32 $1.500000000e+00, v59;
	v62 =	vshra.s32 v11, $0x1;
	v11 =	vmul.f32 $5.000000000e-01, v11  }
0x199: {  	[tilespmem:s21+$0x2100] =	vst v19;
	v63 =	vsub.s32 $0x5F3759DF, v62;
	v0 =	vmul.f32 v60, v51  }
0x19a: {  	[tilespmem:s21+$0x2160] =	vst v13;
	v1 =	vmul.f32 v61, v52;
	v31 =	vmul.f32 v63, v11  }
0x19b: {  	[tilespmem:s21+$0x2120] =	vst v17;
	v32 =	vmul.f32 v0, v10  }
0x19c: {  	[tilespmem:s21+$0x2110] =	vst v2;
	v34 =	vmul.f32 v1, v13;
	v4 =	vmul.f32 v63, v31  }
0x19d: {  	[tilespmem:s21+$0x2150] =	vst v21;
	v36 =	vmul.f32 v1, v19;
	v9 =	vmul.f32 v32, v0  }
0x19e: {  	v37 =	vmul.f32 v1, v17;
	[tilespmem:s21+$0x2160] =	vst v34;
	v4 =	vsub.f32 $1.500000000e+00, v4  }
0x19f: {  	v38 =	vmul.f32 v1, v5;
	[tilespmem:s21+$0x2100] =	vst v36;
	v9 =	vsub.f32 $1.500000000e+00, v9  }
0x1a0: {  	v39 =	vmul.f32 v1, v3;
	[tilespmem:s21+$0x2120] =	vst v37;
	v4 =	vmul.f32 v63, v4  }
0x1a1: {  	v40 =	vmul.f32 v1, v21;
	[tilespmem:s21+$0x2130] =	vst v38;
	v0 =	vmul.f32 v9, v0  }
0x1a2: {  	v42 =	vmul.f32 v1, v22;
	[tilespmem:s21+$0x2140] =	vst v39;
	v41 =	vmul.f32 v4, v11  }
0x1a3: {  	v1 =	vmul.f32 v1, v2;
	[tilespmem:s21+$0x2150] =	vst v40;
	v9 =	vmul.f32 v0, v10  }
0x1a4: {  	[tilespmem:s21+$0x2170] =	vst v42;
	v43 =	vmul.f32 v41, v4  }
0x1a5: {  	[tilespmem:s21+$0x2110] =	vst v1;
	v44 =	vmul.f32 v9, v0  }
0x1a6: {  	[tilespmem:s23+$0x2130] =	vst v16;
	v45 =	vsub.f32 $1.500000000e+00, v43  }
0x1a7: {  	[tilespmem:s23+$0x2140] =	vst v20;
	v46 =	vsub.f32 $1.500000000e+00, v44  }
0x1a8: {  	[tilespmem:s23+$0x2100] =	vst v26;
	v1 =	vmul.f32 v45, v4  }
0x1a9: {  	[tilespmem:s23+$0x2160] =	vst v18;
	v0 =	vmul.f32 v46, v0  }
0x1aa: {  	[tilespmem:s23+$0x2120] =	vst v29;
	v47 =	vmul.f32 v1, v11  }
0x1ab: {  	[tilespmem:s23+$0x2110] =	vst v12;
	v48 =	vmul.f32 v0, v18  }
0x1ac: {  	[tilespmem:s23+$0x2150] =	vst v35;
	v49 =	vmul.f32 v0, v26;
	v2 =	vmul.f32 v47, v1  }
0x1ad: {  	v50 =	vmul.f32 v0, v29;
	[tilespmem:s23+$0x2160] =	vst v48  }
0x1ae: {  	v51 =	vmul.f32 v0, v16;
	[tilespmem:s23+$0x2100] =	vst v49;
	v2 =	vsub.f32 $1.500000000e+00, v2  }
0x1af: {  	v52 =	vmul.f32 v0, v20;
	[tilespmem:s23+$0x2120] =	vst v50  }
0x1b0: {  	v53 =	vmul.f32 v0, v35;
	[tilespmem:s23+$0x2130] =	vst v51;
	v1 =	vmul.f32 v2, v1  }
0x1b1: {  	v54 =	vmul.f32 v0, v25;
	[tilespmem:s23+$0x2140] =	vst v52  }
0x1b2: {  	v0 =	vmul.f32 v0, v12;
	[tilespmem:s23+$0x2150] =	vst v53;
	v55 =	vmul.f32 v1, v11  }
0x1b3: {  	[tilespmem:s23+$0x2170] =	vst v54  }
0x1b4: {  	[tilespmem:s23+$0x2110] =	vst v0;
	v56 =	vmul.f32 v55, v1  }
0x1b5: {  	[tilespmem:s24+$0x2130] =	vst v24  }
0x1b6: {  	[tilespmem:s24+$0x2140] =	vst v27;
	v57 =	vsub.f32 $1.500000000e+00, v56  }
0x1b7: {  	[tilespmem:s24+$0x2100] =	vst v30  }
0x1b8: {  	[tilespmem:s24+$0x2160] =	vst v28;
	v0 =	vmul.f32 v57, v1  }
0x1b9: {  	[tilespmem:s24+$0x2120] =	vst v33  }
0x1ba: {  	[tilespmem:s24+$0x2110] =	vst v23;
	v1 =	vmul.f32 v0, v28  }
0x1bb: {  	[tilespmem:s24+$0x2150] =	vst v6;
	v58 =	vmul.f32 v0, v30  }
0x1bc: {  	v59 =	vmul.f32 v0, v33;
	[tilespmem:s24+$0x2160] =	vst v1  }
0x1bd: {  	v60 =	vmul.f32 v0, v24;
	[tilespmem:s24+$0x2100] =	vst v58  }
0x1be: {  	v61 =	vmul.f32 v0, v27;
	[tilespmem:s24+$0x2120] =	vst v59  }
0x1bf: {  	v62 =	vmul.f32 v0, v6;
	[tilespmem:s24+$0x2130] =	vst v60  }
0x1c0: {  	v63 =	vmul.f32 v0, v8;
	[tilespmem:s24+$0x2140] =	vst v61  }
0x1c1: {  	s19 =	sadd.s32 $0x1, s19;
	v0 =	vmul.f32 v0, v23;
	[tilespmem:s24+$0x2150] =	vst v62  }
0x1c2: {  	p0 =	sne.s32 s19, s11;
	[tilespmem:s24+$0x2170] =	vst v63  }
.Ltmp2:
0x1c3: {  	[tilespmem:s24+$0x2110] =	vst v0;
	(pc) =	sbr.rel @p0 .LBB2_1-.Ltmp2, $4  }
0x1c4: {  	[hbm4b:s7+s14] =	stream.indirect.scatter [tilespmem:s18], [sflag:$0x2], $0x80, s8, s14, $0xb8;
	[tilespmem:$0x3100] =	vst v63  }
0x1c5: {  	_ =	swait.ge [sflag:s12], $0x1000  }
0x1c6: {  	[sflag:s12] =	ssyncset.done $0x0  }
0x1c7: {  	[sflag:s12] =	ssyncadd.s32 $0xFFFFF000  }
0x1c8: {  	_ =	sfence.sel $0x180000  }
0x1c9: {  	[bflag:$0x0] =	sbarrier.arrive $0xFFFF  }
0x1ca: {  	p0 =	sne.s32 s5, $0x0;
	_ =	strace $0x9000004A  }
0x1cb: {  	s0 =	sadd.s32 @!p0 $0x100000, s1;
	[bflag:$0x2] =	sbarrier.arrive $0xFFFF  }
0x1cc: {  	[sflag:s0] =	ssyncadd.tile.s32 @!p0 $0x1;
	_ =	shalt  }
.Lfunc_end2:
_tile_overlayer_lowered:
.L_overlay_start_2:
0x1cd: {  	(tag) =	ssettag $0x2  }
0x1ce: {  	s0 =	rddreg [dreg:$0x0];
	s2 =	stileid.u32  }
0x1cf: {  	s1 =	rddreg [dreg:$0x1];
	p0 =	sne.s32 s2, $0x0  }
0x1d0: {  	s3 =	rddreg [dreg:$0x2];
	[bflag:$0x3] =	sbarrier.arrive $0xFFFF;
	s2 =	simm.s32 @!p0 $0x1C02  }
0x1d1: {  	[timem:s3], [sflag:s2] =	dma.local @!p0 [hbm:s0], s1  }
0x1d2: {  	s0 =	simm.s32 @!p0 $0x2  }
0x1d3: {  	_ =	swait.ge @!p0 [sflag:s0], s1  }
0x1d4: {  	s1 =	ssub.s32 @!p0 $0x0, s1;
	[sflag:s0] =	ssyncset.done @!p0 $0x0  }
0x1d5: {  	[sflag:s0] =	ssyncadd.s32 @!p0 s1  }
0x1d6: {  	[bflag:$0x3] =	sbarrier.arrive $0xFFFF  }
0x1d7: {  	_ =	shalt  }

</sc_bundles>
